<compile_context>
chip_gen: v7x
topology: tpu7x:2x2x1
jax: 0.10.2.dev20260603
libtpu: 0.0.44.dev20260713+nightly
codegen_flags: <defaults>
</compile_context>

<pallas_src>
import functools
import jax
import jax.numpy as jnp
from jax import lax
from jax.experimental import pallas as pl
from jax.experimental.pallas import tpu as pltpu
from jax.experimental.pallas import tpu_sc as plsc

NC = 2
NS = 16
NW = NC * NS
CHUNK = 128
LANE = 16

_GDN = lax.GatherDimensionNumbers(
    offset_dims=(), collapsed_slice_dims=(0,), start_index_map=(0,))


def _proj_body(x_ref, w_ref, b_ref, o_ref):
    o_ref[...] = lax.dot_general(
        x_ref[...], w_ref[...], (((1,), (1,)), ((), ())),
        preferred_element_type=jnp.float32) + b_ref[...]


def _combine_body(p_ref, a_ref, o_ref):
    s = p_ref[0] + p_ref[1]
    alpha = a_ref[0, 0]
    o_ref[...] = jnp.maximum(s, 0.0) + alpha * jnp.minimum(s, 0.0)


def _spmm_body(d, cpt, ncp, rows_per_tile,
               proj_hbm, packed_hbm, val_hbm, zeros_hbm, out_hbm,
               acc, pbuf, valbuf, rowsbuf, gsem0, gsem1):
    c = lax.axis_index("c")
    s = lax.axis_index("s")
    w = c * NS + s
    base = w * cpt

    pltpu.sync_copy(zeros_hbm, acc.at[pl.ds(s * rows_per_tile, rows_per_tile)])
    plsc.subcore_barrier()

    def scale(b):
        def group(g, cc):
            vv = valbuf[b, pl.ds(g * LANE, LANE)]
            for l in range(LANE):
                ve = lax.gather(
                    vv, jnp.full((LANE, 1), l, jnp.int32), _GDN, (1,),
                    mode=lax.GatherScatterMode.PROMISE_IN_BOUNDS)
                e = g * LANE + l
                for q in range(d // LANE):
                    sl = rowsbuf[b, e, pl.ds(q * LANE, LANE)]
                    rowsbuf[b, e, pl.ds(q * LANE, LANE)] = sl * ve
            return cc
        lax.fori_loop(0, CHUNK // LANE, group, 0)

    def consume(b, gsem):
        pltpu.make_async_copy(
            proj_hbm.at[pbuf.at[b, 0]], rowsbuf.at[b], gsem).wait()
        scale(b)
        pltpu.sync_copy(rowsbuf.at[b], acc.at[pbuf.at[b, 1]], add=True)

    def prep(k, b, gsem):
        pltpu.sync_copy(packed_hbm.at[k], pbuf.at[b])
        pltpu.sync_copy(val_hbm.at[k], valbuf.at[b])
        pltpu.async_copy(proj_hbm.at[pbuf.at[b, 0]], rowsbuf.at[b], gsem)

    prep(base, 0, gsem0)

    def pair(i0, carry):
        k0 = base + i0 * 2
        prep(k0 + 1, 1, gsem1)
        consume(0, gsem0)
        prep(lax.rem(k0 + 2, ncp), 0, gsem0)
        consume(1, gsem1)
        return carry

    lax.fori_loop(0, cpt // 2, pair, 0)
    pltpu.make_async_copy(
        proj_hbm.at[pbuf.at[0, 0]], rowsbuf.at[0], gsem0).wait()
    plsc.subcore_barrier()

    for t in range(rows_per_tile // CHUNK):
        r = s * rows_per_tile + t * CHUNK
        pltpu.sync_copy(acc.at[pl.ds(r, CHUNK)], rowsbuf.at[0])
        pltpu.sync_copy(rowsbuf.at[0], out_hbm.at[c, pl.ds(r, CHUNK)])


def kernel(x, adj_indices, adj_values, W, b, prelu_alpha):
    n, d_in = x.shape
    d_out = W.shape[0]
    e = adj_values.shape[0]

    blk = 2000
    nblk = n // blk
    proj = pl.pallas_call(
        _proj_body,
        grid=(nblk,),
        in_specs=[
            pl.BlockSpec((blk, d_in), lambda i: (i, 0)),
            pl.BlockSpec((d_out, d_in), lambda i: (0, 0)),
            pl.BlockSpec((1, d_out), lambda i: (0, 0)),
        ],
        out_specs=pl.BlockSpec((blk, d_out), lambda i: (i, 0)),
        out_shape=jax.ShapeDtypeStruct((n, d_out), jnp.float32),
    )(x, W, b.reshape(1, d_out))

    cpt = 2 * (-(-e // (NW * CHUNK * 2)))
    e_pad = NW * CHUNK * cpt
    ncp = e_pad // CHUNK
    pad = e_pad - e
    col = jnp.concatenate([adj_indices[1], jnp.zeros((pad,), jnp.int32)])
    dst = jnp.concatenate([adj_indices[0], jnp.zeros((pad,), jnp.int32)])
    val = jnp.concatenate([adj_values, jnp.zeros((pad,), jnp.float32)])
    packed = jnp.stack(
        [col.reshape(ncp, CHUNK), dst.reshape(ncp, CHUNK)], axis=1)
    val = val.reshape(ncp, CHUNK)
    n_pad = -(-n // (NS * CHUNK)) * NS * CHUNK
    rows_per_tile = n_pad // NS
    zeros = jnp.zeros((rows_per_tile, d_out), jnp.float32)

    mesh = plsc.VectorSubcoreMesh(
        core_axis_name="c", subcore_axis_name="s",
        num_cores=NC, num_subcores=NS)
    spmm = pl.kernel(
        functools.partial(_spmm_body, d_out, cpt, ncp, rows_per_tile),
        out_type=jax.ShapeDtypeStruct((NC, n_pad, d_out), jnp.float32),
        mesh=mesh,
        scratch_types=[
            pltpu.VMEM_SHARED((n_pad, d_out), jnp.float32),
            pltpu.VMEM((2, 2, CHUNK), jnp.int32),
            pltpu.VMEM((2, CHUNK), jnp.float32),
            pltpu.VMEM((2, CHUNK, d_out), jnp.float32),
            pltpu.SemaphoreType.DMA,
            pltpu.SemaphoreType.DMA,
        ],
    )
    partial = spmm(proj, packed, val, zeros)

    out = pl.pallas_call(
        _combine_body,
        grid=(nblk,),
        in_specs=[
            pl.BlockSpec((NC, blk, d_out), lambda i: (0, i, 0)),
            pl.BlockSpec((1, 1), lambda i: (0, 0)),
        ],
        out_specs=pl.BlockSpec((blk, d_out), lambda i: (i, 0)),
        out_shape=jax.ShapeDtypeStruct((n, d_out), jnp.float32),
    )(partial, prelu_alpha.reshape(1, 1))
    return out

# --- scband reference (transcript-rebuilt; emitter-appended) ---
"""Pipeline reference for scband-gcnlayer-30477087932726 (READ-ONLY COPY).

The authoritative reference and input builder live on the scoring server;
editing this copy changes nothing except your own understanding.
"""

import jax, jax.numpy as jnp
import numpy as np

N = 10000
E = 320000
D_IN = 128
D_OUT = 128

def setup_inputs(seed: int = 0) -> dict:
    key = jax.random.key(seed)
    ks = jax.random.split(key, 6)
    x = jax.random.normal(ks[0], (N, D_IN), dtype=jnp.float32)
    # adj is a sparse COO matrix: adj_indices[0] = row (dst), adj_indices[1] = col (src)
    adj_indices = jax.random.randint(ks[1], (2, E), 0, N, dtype=jnp.int32)
    adj_values = jax.random.uniform(ks[2], (E,), dtype=jnp.float32)
    # nn.Linear(in_ft, out_ft): weight [out_ft, in_ft], bias [out_ft]
    bound = 1.0 / np.sqrt(D_IN)
    W = jax.random.uniform(ks[3], (D_OUT, D_IN), dtype=jnp.float32, minval=-bound, maxval=bound)
    b = jax.random.uniform(ks[4], (D_OUT,), dtype=jnp.float32, minval=-bound, maxval=bound)
    # nn.PReLU() default: single learnable alpha initialized to 0.25
    prelu_alpha = jnp.full((1,), 0.25, dtype=jnp.float32)
    return {"x": x, "adj_indices": adj_indices, "adj_values": adj_values,
            "W": W, "b": b, "prelu_alpha": prelu_alpha}

def reference(x, adj_indices, adj_values, W, b, prelu_alpha):
    # out = self.fc(x)
    out = x @ W.T + b
    # out = torch.spmm(adj, out): agg[i] = sum_e adj_values[e] * out[col[e]] for row[e] == i
    gathered = out[adj_indices[1]] * adj_values[:, None]
    agg = jax.ops.segment_sum(gathered, adj_indices[0], num_segments=N)
    # PReLU: max(0, y) + alpha * min(0, y)
    return jnp.maximum(agg, 0.0) + prelu_alpha * jnp.minimum(agg, 0.0)

if __name__ == "__main__":
    import jax
    _d = setup_inputs()
    print(jax.jit(kernel)(*tuple(_d.values())))

</pallas_src>

<mosaic_0001>
#map = affine_map<(d0, d1) -> (0, 0)>
#map1 = affine_map<(d0, d1) -> (0, 0, 0)>
module attributes {stable_mosaic.version = 14 : i64} {
  func.func @_spmm_body(%arg0: i32, %arg1: i32, %arg2: memref<10000x128xf32, #tpu.memory_space<hbm>>, %arg3: memref<2560x2x128xi32, #tpu.memory_space<hbm>>, %arg4: memref<2560x128xf32, #tpu.memory_space<hbm>>, %arg5: memref<640x128xf32, #tpu.memory_space<hbm>>, %arg6: memref<2x10240x128xf32, #tpu.memory_space<hbm>>, %arg7: memref<10240x128xf32, #tpu.memory_space<vmem_shared>>, %arg8: memref<2x2x128xi32, #tpu.memory_space<vmem>>, %arg9: memref<2x128xf32, #tpu.memory_space<vmem>>, %arg10: memref<2x128x128xf32, #tpu.memory_space<vmem>>, %arg11: memref<!tpu.dma_semaphore, #tpu.memory_space<semaphore_mem>>, %arg12: memref<!tpu.dma_semaphore, #tpu.memory_space<semaphore_mem>>) attributes {dimension_semantics = [#tpu.dimension_semantics<core_parallel>, #tpu.dimension_semantics<subcore_parallel>], iteration_bounds = array<i64: 2, 16>, scalar_prefetch = 0 : i64, scratch_operands = 6 : i64, tpu.core_type = #tpu.core_type<sc_vector_subcore>, window_params = [{transform_indices = #map}, {transform_indices = #map1}, {transform_indices = #map}, {transform_indices = #map}, {transform_indices = #map1}]} {
    %mul3A = arith.constant 16 : i32
    %mul3A_0 = arith.muli %arg0, %mul3A : i32
    %add3A = arith.addi %mul3A_0, %arg1 : i32
    %mul3A_1 = arith.constant 80 : i32
    %mul3A_2 = arith.muli %add3A, %mul3A_1 : i32
    %mul3A_3 = arith.constant 640 : i32
    %mul3A_4 = arith.muli %arg1, %mul3A_3 : i32
    "tpu.region"() ({
      %run_scoped3A_66 = tpu.sem_alloc : memref<!tpu.dma_semaphore, #tpu.memory_space<semaphore_mem>>
      %dma_start3A_67 = arith.constant 0 : i32
      %dma_start3A_68 = tpu.memref_slice %arg7[%mul3A_4, %dma_start3A_67] : memref<10240x128xf32, #tpu.memory_space<vmem_shared>> -> memref<640x128xf32, #tpu.memory_space<vmem_shared>>
      tpu.enqueue_dma source(%arg5 : memref<640x128xf32, #tpu.memory_space<hbm>>) target(%dma_start3A_68 : memref<640x128xf32, #tpu.memory_space<vmem_shared>>) target_semaphore(%run_scoped3A_66 : memref<!tpu.dma_semaphore, #tpu.memory_space<semaphore_mem>>)
      %dma_wait3A_69 = arith.constant 0 : i32
      %dma_wait3A_70 = tpu.memref_slice %arg7[%mul3A_4, %dma_wait3A_69] : memref<10240x128xf32, #tpu.memory_space<vmem_shared>> -> memref<640x128xf32, #tpu.memory_space<vmem_shared>>
      tpu.wait_dma2 semaphore(%run_scoped3A_66 : memref<!tpu.dma_semaphore, #tpu.memory_space<semaphore_mem>>) src(%arg5 : memref<640x128xf32, #tpu.memory_space<hbm>>) dst(%dma_wait3A_70 : memref<640x128xf32, #tpu.memory_space<vmem_shared>>)
      tpu.yield
    }) : () -> ()
    %barrier3A = arith.constant 0 : index
    tpu.barrier barrier_id(%barrier3A)
    %run_scoped3A = arith.constant 0 : i32
    "tpu.region"() ({
      %run_scoped3A_66 = tpu.sem_alloc : memref<!tpu.dma_semaphore, #tpu.memory_space<semaphore_mem>>
      %dma_start3A_67 = arith.constant 0 : i32
      %dma_start3A_68 = arith.constant 0 : i32
      %dma_start3A_69 = tpu.memref_slice %arg8[%run_scoped3A, %dma_start3A_67, %dma_start3A_68] : memref<2x2x128xi32, #tpu.memory_space<vmem>> -> memref<1x2x128xi32, #tpu.memory_space<vmem>>
      %dma_start3A_70 = tpu.memref_squeeze %dma_start3A_69 : memref<1x2x128xi32, #tpu.memory_space<vmem>> -> memref<2x128xi32, #tpu.memory_space<vmem>>
      %dma_start3A_71 = arith.constant 0 : i32
      %dma_start3A_72 = arith.constant 0 : i32
      %dma_start3A_73 = tpu.memref_slice %arg3[%mul3A_2, %dma_start3A_71, %dma_start3A_72] : memref<2560x2x128xi32, #tpu.memory_space<hbm>> -> memref<1x2x128xi32, #tpu.memory_space<hbm>>
      %dma_start3A_74 = tpu.memref_squeeze %dma_start3A_73 : memref<1x2x128xi32, #tpu.memory_space<hbm>> -> memref<2x128xi32, #tpu.memory_space<hbm>>
      %dma_start3A_75 = arith.constant 0 : i32
      %dma_start3A_76 = arith.constant 0 : i32
      %dma_start3A_77 = tpu.memref_slice %arg8[%run_scoped3A, %dma_start3A_75, %dma_start3A_76] : memref<2x2x128xi32, #tpu.memory_space<vmem>> -> memref<1x2x128xi32, #tpu.memory_space<vmem>>
      %dma_start3A_78 = tpu.memref_squeeze %dma_start3A_77 : memref<1x2x128xi32, #tpu.memory_space<vmem>> -> memref<2x128xi32, #tpu.memory_space<vmem>>
      %dma_start3A_79 = arith.constant 0 : i32
      %dma_start3A_80 = arith.constant 0 : i32
      %dma_start3A_81 = tpu.memref_slice %arg3[%mul3A_2, %dma_start3A_79, %dma_start3A_80] : memref<2560x2x128xi32, #tpu.memory_space<hbm>> -> memref<1x2x128xi32, #tpu.memory_space<hbm>>
      %dma_start3A_82 = tpu.memref_squeeze %dma_start3A_81 : memref<1x2x128xi32, #tpu.memory_space<hbm>> -> memref<2x128xi32, #tpu.memory_space<hbm>>
      tpu.enqueue_dma source(%dma_start3A_82 : memref<2x128xi32, #tpu.memory_space<hbm>>) target(%dma_start3A_78 : memref<2x128xi32, #tpu.memory_space<vmem>>) target_semaphore(%run_scoped3A_66 : memref<!tpu.dma_semaphore, #tpu.memory_space<semaphore_mem>>)
      %dma_wait3A_83 = arith.constant 0 : i32
      %dma_wait3A_84 = arith.constant 0 : i32
      %dma_wait3A_85 = tpu.memref_slice %arg8[%run_scoped3A, %dma_wait3A_83, %dma_wait3A_84] : memref<2x2x128xi32, #tpu.memory_space<vmem>> -> memref<1x2x128xi32, #tpu.memory_space<vmem>>
      %dma_wait3A_86 = tpu.memref_squeeze %dma_wait3A_85 : memref<1x2x128xi32, #tpu.memory_space<vmem>> -> memref<2x128xi32, #tpu.memory_space<vmem>>
      %dma_wait3A_87 = arith.constant 0 : i32
      %dma_wait3A_88 = arith.constant 0 : i32
      %dma_wait3A_89 = tpu.memref_slice %arg3[%mul3A_2, %dma_wait3A_87, %dma_wait3A_88] : memref<2560x2x128xi32, #tpu.memory_space<hbm>> -> memref<1x2x128xi32, #tpu.memory_space<hbm>>
      %dma_wait3A_90 = tpu.memref_squeeze %dma_wait3A_89 : memref<1x2x128xi32, #tpu.memory_space<hbm>> -> memref<2x128xi32, #tpu.memory_space<hbm>>
      %dma_wait3A_91 = arith.constant 0 : i32
      %dma_wait3A_92 = arith.constant 0 : i32
      %dma_wait3A_93 = tpu.memref_slice %arg8[%run_scoped3A, %dma_wait3A_91, %dma_wait3A_92] : memref<2x2x128xi32, #tpu.memory_space<vmem>> -> memref<1x2x128xi32, #tpu.memory_space<vmem>>
      %dma_wait3A_94 = tpu.memref_squeeze %dma_wait3A_93 : memref<1x2x128xi32, #tpu.memory_space<vmem>> -> memref<2x128xi32, #tpu.memory_space<vmem>>
      %dma_wait3A_95 = arith.constant 0 : i32
      %dma_wait3A_96 = arith.constant 0 : i32
      %dma_wait3A_97 = tpu.memref_slice %arg3[%mul3A_2, %dma_wait3A_95, %dma_wait3A_96] : memref<2560x2x128xi32, #tpu.memory_space<hbm>> -> memref<1x2x128xi32, #tpu.memory_space<hbm>>
      %dma_wait3A_98 = tpu.memref_squeeze %dma_wait3A_97 : memref<1x2x128xi32, #tpu.memory_space<hbm>> -> memref<2x128xi32, #tpu.memory_space<hbm>>
      tpu.wait_dma2 semaphore(%run_scoped3A_66 : memref<!tpu.dma_semaphore, #tpu.memory_space<semaphore_mem>>) src(%dma_wait3A_98 : memref<2x128xi32, #tpu.memory_space<hbm>>) dst(%dma_wait3A_94 : memref<2x128xi32, #tpu.memory_space<vmem>>)
      tpu.yield
    }) : () -> ()
    %run_scoped3A_5 = arith.constant 0 : i32
    "tpu.region"() ({
      %run_scoped3A_66 = tpu.sem_alloc : memref<!tpu.dma_semaphore, #tpu.memory_space<semaphore_mem>>
      %dma_start3A_67 = arith.constant 0 : i32
      %dma_start3A_68 = tpu.memref_slice %arg9[%run_scoped3A_5, %dma_start3A_67] : memref<2x128xf32, #tpu.memory_space<vmem>> -> memref<1x128xf32, #tpu.memory_space<vmem>>
      %dma_start3A_69 = tpu.memref_squeeze %dma_start3A_68 : memref<1x128xf32, #tpu.memory_space<vmem>> -> memref<128xf32, #tpu.memory_space<vmem>>
      %dma_start3A_70 = arith.constant 0 : i32
      %dma_start3A_71 = tpu.memref_slice %arg4[%mul3A_2, %dma_start3A_70] : memref<2560x128xf32, #tpu.memory_space<hbm>> -> memref<1x128xf32, #tpu.memory_space<hbm>>
      %dma_start3A_72 = tpu.memref_squeeze %dma_start3A_71 : memref<1x128xf32, #tpu.memory_space<hbm>> -> memref<128xf32, #tpu.memory_space<hbm>>
      %dma_start3A_73 = arith.constant 0 : i32
      %dma_start3A_74 = tpu.memref_slice %arg9[%run_scoped3A_5, %dma_start3A_73] : memref<2x128xf32, #tpu.memory_space<vmem>> -> memref<1x128xf32, #tpu.memory_space<vmem>>
      %dma_start3A_75 = tpu.memref_squeeze %dma_start3A_74 : memref<1x128xf32, #tpu.memory_space<vmem>> -> memref<128xf32, #tpu.memory_space<vmem>>
      %dma_start3A_76 = arith.constant 0 : i32
      %dma_start3A_77 = tpu.memref_slice %arg4[%mul3A_2, %dma_start3A_76] : memref<2560x128xf32, #tpu.memory_space<hbm>> -> memref<1x128xf32, #tpu.memory_space<hbm>>
      %dma_start3A_78 = tpu.memref_squeeze %dma_start3A_77 : memref<1x128xf32, #tpu.memory_space<hbm>> -> memref<128xf32, #tpu.memory_space<hbm>>
      tpu.enqueue_dma source(%dma_start3A_78 : memref<128xf32, #tpu.memory_space<hbm>>) target(%dma_start3A_75 : memref<128xf32, #tpu.memory_space<vmem>>) target_semaphore(%run_scoped3A_66 : memref<!tpu.dma_semaphore, #tpu.memory_space<semaphore_mem>>)
      %dma_wait3A_79 = arith.constant 0 : i32
      %dma_wait3A_80 = tpu.memref_slice %arg9[%run_scoped3A_5, %dma_wait3A_79] : memref<2x128xf32, #tpu.memory_space<vmem>> -> memref<1x128xf32, #tpu.memory_space<vmem>>
      %dma_wait3A_81 = tpu.memref_squeeze %dma_wait3A_80 : memref<1x128xf32, #tpu.memory_space<vmem>> -> memref<128xf32, #tpu.memory_space<vmem>>
      %dma_wait3A_82 = arith.constant 0 : i32
      %dma_wait3A_83 = tpu.memref_slice %arg4[%mul3A_2, %dma_wait3A_82] : memref<2560x128xf32, #tpu.memory_space<hbm>> -> memref<1x128xf32, #tpu.memory_space<hbm>>
      %dma_wait3A_84 = tpu.memref_squeeze %dma_wait3A_83 : memref<1x128xf32, #tpu.memory_space<hbm>> -> memref<128xf32, #tpu.memory_space<hbm>>
      %dma_wait3A_85 = arith.constant 0 : i32
      %dma_wait3A_86 = tpu.memref_slice %arg9[%run_scoped3A_5, %dma_wait3A_85] : memref<2x128xf32, #tpu.memory_space<vmem>> -> memref<1x128xf32, #tpu.memory_space<vmem>>
      %dma_wait3A_87 = tpu.memref_squeeze %dma_wait3A_86 : memref<1x128xf32, #tpu.memory_space<vmem>> -> memref<128xf32, #tpu.memory_space<vmem>>
      %dma_wait3A_88 = arith.constant 0 : i32
      %dma_wait3A_89 = tpu.memref_slice %arg4[%mul3A_2, %dma_wait3A_88] : memref<2560x128xf32, #tpu.memory_space<hbm>> -> memref<1x128xf32, #tpu.memory_space<hbm>>
      %dma_wait3A_90 = tpu.memref_squeeze %dma_wait3A_89 : memref<1x128xf32, #tpu.memory_space<hbm>> -> memref<128xf32, #tpu.memory_space<hbm>>
      tpu.wait_dma2 semaphore(%run_scoped3A_66 : memref<!tpu.dma_semaphore, #tpu.memory_space<semaphore_mem>>) src(%dma_wait3A_90 : memref<128xf32, #tpu.memory_space<hbm>>) dst(%dma_wait3A_87 : memref<128xf32, #tpu.memory_space<vmem>>)
      tpu.yield
    }) : () -> ()
    %dma_start3A = arith.constant 0 : i32
    %dma_start3A_6 = arith.constant 0 : i32
    %dma_start3A_7 = arith.constant 0 : i32
    %dma_start3A_8 = arith.constant 0 : i32
    %dma_start3A_9 = arith.constant 0 : i32
    %dma_start3A_10 = tpu.memref_slice %arg10[%dma_start3A_7, %dma_start3A_8, %dma_start3A_9] : memref<2x128x128xf32, #tpu.memory_space<vmem>> -> memref<1x128x128xf32, #tpu.memory_space<vmem>>
    %dma_start3A_11 = tpu.memref_squeeze %dma_start3A_10 : memref<1x128x128xf32, #tpu.memory_space<vmem>> -> memref<128x128xf32, #tpu.memory_space<vmem>>
    %dma_start3A_12 = arith.constant 0 : i32
    %dma_start3A_13 = tpu.memref_slice %arg8[%dma_start3A, %dma_start3A_6, %dma_start3A_12] : memref<2x2x128xi32, #tpu.memory_space<vmem>> -> memref<1x1x128xi32, #tpu.memory_space<vmem>>
    %dma_start3A_14 = tpu.memref_squeeze %dma_start3A_13 : memref<1x1x128xi32, #tpu.memory_space<vmem>> -> memref<128xi32, #tpu.memory_space<vmem>>
    %dma_start3A_15 = arith.constant 0 : i32
    %dma_start3A_16 = arith.constant 0 : i32
    %dma_start3A_17 = tpu.memref_slice %arg2[%dma_start3A_15, %dma_start3A_16] : memref<10000x128xf32, #tpu.memory_space<hbm>> -> memref<10000x128xf32, #tpu.memory_space<hbm>>
    tpu.enqueue_indirect_dma source(%dma_start3A_17 : memref<10000x128xf32, #tpu.memory_space<hbm>>) target(%dma_start3A_11 : memref<128x128xf32, #tpu.memory_space<vmem>>) offsets(%dma_start3A_14 : memref<128xi32, #tpu.memory_space<vmem>>) semaphore(%arg11 : memref<!tpu.dma_semaphore, #tpu.memory_space<semaphore_mem>>)
    %scan3A = arith.constant 0 : i32
    %scan3A_18 = arith.constant 0 : i32
    %scan3A_19 = arith.constant 40 : i32
    %scan3A_20 = arith.addi %scan3A_18, %scan3A_19 : i32
    %scan3A_21 = arith.constant 1 : i32
    scf.for %scan3A_66 = %scan3A_18 to %scan3A_20 step %scan3A_21  : i32 {
      %mul3A_67 = arith.constant 2 : i32
      %mul3A_68 = arith.muli %scan3A_66, %mul3A_67 : i32
      %add3A_69 = arith.addi %mul3A_2, %mul3A_68 : i32
      %add3A_70 = arith.constant 1 : i32
      %add3A_71 = arith.addi %add3A_69, %add3A_70 : i32
      %run_scoped3A_72 = arith.constant 1 : i32
      "tpu.region"() ({
        %run_scoped3A_149 = tpu.sem_alloc : memref<!tpu.dma_semaphore, #tpu.memory_space<semaphore_mem>>
        %dma_start3A_150 = arith.constant 0 : i32
        %dma_start3A_151 = arith.constant 0 : i32
        %dma_start3A_152 = tpu.memref_slice %arg8[%run_scoped3A_72, %dma_start3A_150, %dma_start3A_151] : memref<2x2x128xi32, #tpu.memory_space<vmem>> -> memref<1x2x128xi32, #tpu.memory_space<vmem>>
        %dma_start3A_153 = tpu.memref_squeeze %dma_start3A_152 : memref<1x2x128xi32, #tpu.memory_space<vmem>> -> memref<2x128xi32, #tpu.memory_space<vmem>>
        %dma_start3A_154 = arith.constant 0 : i32
        %dma_start3A_155 = arith.constant 0 : i32
        %dma_start3A_156 = tpu.memref_slice %arg3[%add3A_71, %dma_start3A_154, %dma_start3A_155] : memref<2560x2x128xi32, #tpu.memory_space<hbm>> -> memref<1x2x128xi32, #tpu.memory_space<hbm>>
        %dma_start3A_157 = tpu.memref_squeeze %dma_start3A_156 : memref<1x2x128xi32, #tpu.memory_space<hbm>> -> memref<2x128xi32, #tpu.memory_space<hbm>>
        %dma_start3A_158 = arith.constant 0 : i32
        %dma_start3A_159 = arith.constant 0 : i32
        %dma_start3A_160 = tpu.memref_slice %arg8[%run_scoped3A_72, %dma_start3A_158, %dma_start3A_159] : memref<2x2x128xi32, #tpu.memory_space<vmem>> -> memref<1x2x128xi32, #tpu.memory_space<vmem>>
        %dma_start3A_161 = tpu.memref_squeeze %dma_start3A_160 : memref<1x2x128xi32, #tpu.memory_space<vmem>> -> memref<2x128xi32, #tpu.memory_space<vmem>>
        %dma_start3A_162 = arith.constant 0 : i32
        %dma_start3A_163 = arith.constant 0 : i32
        %dma_start3A_164 = tpu.memref_slice %arg3[%add3A_71, %dma_start3A_162, %dma_start3A_163] : memref<2560x2x128xi32, #tpu.memory_space<hbm>> -> memref<1x2x128xi32, #tpu.memory_space<hbm>>
        %dma_start3A_165 = tpu.memref_squeeze %dma_start3A_164 : memref<1x2x128xi32, #tpu.memory_space<hbm>> -> memref<2x128xi32, #tpu.memory_space<hbm>>
        tpu.enqueue_dma source(%dma_start3A_165 : memref<2x128xi32, #tpu.memory_space<hbm>>) target(%dma_start3A_161 : memref<2x128xi32, #tpu.memory_space<vmem>>) target_semaphore(%run_scoped3A_149 : memref<!tpu.dma_semaphore, #tpu.memory_space<semaphore_mem>>)
        %dma_wait3A_166 = arith.constant 0 : i32
        %dma_wait3A_167 = arith.constant 0 : i32
        %dma_wait3A_168 = tpu.memref_slice %arg8[%run_scoped3A_72, %dma_wait3A_166, %dma_wait3A_167] : memref<2x2x128xi32, #tpu.memory_space<vmem>> -> memref<1x2x128xi32, #tpu.memory_space<vmem>>
        %dma_wait3A_169 = tpu.memref_squeeze %dma_wait3A_168 : memref<1x2x128xi32, #tpu.memory_space<vmem>> -> memref<2x128xi32, #tpu.memory_space<vmem>>
        %dma_wait3A_170 = arith.constant 0 : i32
        %dma_wait3A_171 = arith.constant 0 : i32
        %dma_wait3A_172 = tpu.memref_slice %arg3[%add3A_71, %dma_wait3A_170, %dma_wait3A_171] : memref<2560x2x128xi32, #tpu.memory_space<hbm>> -> memref<1x2x128xi32, #tpu.memory_space<hbm>>
        %dma_wait3A_173 = tpu.memref_squeeze %dma_wait3A_172 : memref<1x2x128xi32, #tpu.memory_space<hbm>> -> memref<2x128xi32, #tpu.memory_space<hbm>>
        %dma_wait3A_174 = arith.constant 0 : i32
        %dma_wait3A_175 = arith.constant 0 : i32
        %dma_wait3A_176 = tpu.memref_slice %arg8[%run_scoped3A_72, %dma_wait3A_174, %dma_wait3A_175] : memref<2x2x128xi32, #tpu.memory_space<vmem>> -> memref<1x2x128xi32, #tpu.memory_space<vmem>>
        %dma_wait3A_177 = tpu.memref_squeeze %dma_wait3A_176 : memref<1x2x128xi32, #tpu.memory_space<vmem>> -> memref<2x128xi32, #tpu.memory_space<vmem>>
        %dma_wait3A_178 = arith.constant 0 : i32
        %dma_wait3A_179 = arith.constant 0 : i32
        %dma_wait3A_180 = tpu.memref_slice %arg3[%add3A_71, %dma_wait3A_178, %dma_wait3A_179] : memref<2560x2x128xi32, #tpu.memory_space<hbm>> -> memref<1x2x128xi32, #tpu.memory_space<hbm>>
        %dma_wait3A_181 = tpu.memref_squeeze %dma_wait3A_180 : memref<1x2x128xi32, #tpu.memory_space<hbm>> -> memref<2x128xi32, #tpu.memory_space<hbm>>
        tpu.wait_dma2 semaphore(%run_scoped3A_149 : memref<!tpu.dma_semaphore, #tpu.memory_space<semaphore_mem>>) src(%dma_wait3A_181 : memref<2x128xi32, #tpu.memory_space<hbm>>) dst(%dma_wait3A_177 : memref<2x128xi32, #tpu.memory_space<vmem>>)
        tpu.yield
      }) : () -> ()
      %run_scoped3A_73 = arith.constant 1 : i32
      "tpu.region"() ({
        %run_scoped3A_149 = tpu.sem_alloc : memref<!tpu.dma_semaphore, #tpu.memory_space<semaphore_mem>>
        %dma_start3A_150 = arith.constant 0 : i32
        %dma_start3A_151 = tpu.memref_slice %arg9[%run_scoped3A_73, %dma_start3A_150] : memref<2x128xf32, #tpu.memory_space<vmem>> -> memref<1x128xf32, #tpu.memory_space<vmem>>
        %dma_start3A_152 = tpu.memref_squeeze %dma_start3A_151 : memref<1x128xf32, #tpu.memory_space<vmem>> -> memref<128xf32, #tpu.memory_space<vmem>>
        %dma_start3A_153 = arith.constant 0 : i32
        %dma_start3A_154 = tpu.memref_slice %arg4[%add3A_71, %dma_start3A_153] : memref<2560x128xf32, #tpu.memory_space<hbm>> -> memref<1x128xf32, #tpu.memory_space<hbm>>
        %dma_start3A_155 = tpu.memref_squeeze %dma_start3A_154 : memref<1x128xf32, #tpu.memory_space<hbm>> -> memref<128xf32, #tpu.memory_space<hbm>>
        %dma_start3A_156 = arith.constant 0 : i32
        %dma_start3A_157 = tpu.memref_slice %arg9[%run_scoped3A_73, %dma_start3A_156] : memref<2x128xf32, #tpu.memory_space<vmem>> -> memref<1x128xf32, #tpu.memory_space<vmem>>
        %dma_start3A_158 = tpu.memref_squeeze %dma_start3A_157 : memref<1x128xf32, #tpu.memory_space<vmem>> -> memref<128xf32, #tpu.memory_space<vmem>>
        %dma_start3A_159 = arith.constant 0 : i32
        %dma_start3A_160 = tpu.memref_slice %arg4[%add3A_71, %dma_start3A_159] : memref<2560x128xf32, #tpu.memory_space<hbm>> -> memref<1x128xf32, #tpu.memory_space<hbm>>
        %dma_start3A_161 = tpu.memref_squeeze %dma_start3A_160 : memref<1x128xf32, #tpu.memory_space<hbm>> -> memref<128xf32, #tpu.memory_space<hbm>>
        tpu.enqueue_dma source(%dma_start3A_161 : memref<128xf32, #tpu.memory_space<hbm>>) target(%dma_start3A_158 : memref<128xf32, #tpu.memory_space<vmem>>) target_semaphore(%run_scoped3A_149 : memref<!tpu.dma_semaphore, #tpu.memory_space<semaphore_mem>>)
        %dma_wait3A_162 = arith.constant 0 : i32
        %dma_wait3A_163 = tpu.memref_slice %arg9[%run_scoped3A_73, %dma_wait3A_162] : memref<2x128xf32, #tpu.memory_space<vmem>> -> memref<1x128xf32, #tpu.memory_space<vmem>>
        %dma_wait3A_164 = tpu.memref_squeeze %dma_wait3A_163 : memref<1x128xf32, #tpu.memory_space<vmem>> -> memref<128xf32, #tpu.memory_space<vmem>>
        %dma_wait3A_165 = arith.constant 0 : i32
        %dma_wait3A_166 = tpu.memref_slice %arg4[%add3A_71, %dma_wait3A_165] : memref<2560x128xf32, #tpu.memory_space<hbm>> -> memref<1x128xf32, #tpu.memory_space<hbm>>
        %dma_wait3A_167 = tpu.memref_squeeze %dma_wait3A_166 : memref<1x128xf32, #tpu.memory_space<hbm>> -> memref<128xf32, #tpu.memory_space<hbm>>
        %dma_wait3A_168 = arith.constant 0 : i32
        %dma_wait3A_169 = tpu.memref_slice %arg9[%run_scoped3A_73, %dma_wait3A_168] : memref<2x128xf32, #tpu.memory_space<vmem>> -> memref<1x128xf32, #tpu.memory_space<vmem>>
        %dma_wait3A_170 = tpu.memref_squeeze %dma_wait3A_169 : memref<1x128xf32, #tpu.memory_space<vmem>> -> memref<128xf32, #tpu.memory_space<vmem>>
        %dma_wait3A_171 = arith.constant 0 : i32
        %dma_wait3A_172 = tpu.memref_slice %arg4[%add3A_71, %dma_wait3A_171] : memref<2560x128xf32, #tpu.memory_space<hbm>> -> memref<1x128xf32, #tpu.memory_space<hbm>>
        %dma_wait3A_173 = tpu.memref_squeeze %dma_wait3A_172 : memref<1x128xf32, #tpu.memory_space<hbm>> -> memref<128xf32, #tpu.memory_space<hbm>>
        tpu.wait_dma2 semaphore(%run_scoped3A_149 : memref<!tpu.dma_semaphore, #tpu.memory_space<semaphore_mem>>) src(%dma_wait3A_173 : memref<128xf32, #tpu.memory_space<hbm>>) dst(%dma_wait3A_170 : memref<128xf32, #tpu.memory_space<vmem>>)
        tpu.yield
      }) : () -> ()
      %dma_start3A_74 = arith.constant 1 : i32
      %dma_start3A_75 = arith.constant 0 : i32
      %dma_start3A_76 = arith.constant 1 : i32
      %dma_start3A_77 = arith.constant 0 : i32
      %dma_start3A_78 = arith.constant 0 : i32
      %dma_start3A_79 = tpu.memref_slice %arg10[%dma_start3A_76, %dma_start3A_77, %dma_start3A_78] : memref<2x128x128xf32, #tpu.memory_space<vmem>> -> memref<1x128x128xf32, #tpu.memory_space<vmem>>
      %dma_start3A_80 = tpu.memref_squeeze %dma_start3A_79 : memref<1x128x128xf32, #tpu.memory_space<vmem>> -> memref<128x128xf32, #tpu.memory_space<vmem>>
      %dma_start3A_81 = arith.constant 0 : i32
      %dma_start3A_82 = tpu.memref_slice %arg8[%dma_start3A_74, %dma_start3A_75, %dma_start3A_81] : memref<2x2x128xi32, #tpu.memory_space<vmem>> -> memref<1x1x128xi32, #tpu.memory_space<vmem>>
      %dma_start3A_83 = tpu.memref_squeeze %dma_start3A_82 : memref<1x1x128xi32, #tpu.memory_space<vmem>> -> memref<128xi32, #tpu.memory_space<vmem>>
      %dma_start3A_84 = arith.constant 0 : i32
      %dma_start3A_85 = arith.constant 0 : i32
      %dma_start3A_86 = tpu.memref_slice %arg2[%dma_start3A_84, %dma_start3A_85] : memref<10000x128xf32, #tpu.memory_space<hbm>> -> memref<10000x128xf32, #tpu.memory_space<hbm>>
      tpu.enqueue_indirect_dma source(%dma_start3A_86 : memref<10000x128xf32, #tpu.memory_space<hbm>>) target(%dma_start3A_80 : memref<128x128xf32, #tpu.memory_space<vmem>>) offsets(%dma_start3A_83 : memref<128xi32, #tpu.memory_space<vmem>>) semaphore(%arg12 : memref<!tpu.dma_semaphore, #tpu.memory_space<semaphore_mem>>)
      %dma_wait3A_87 = arith.constant 0 : i32
      %dma_wait3A_88 = arith.constant 0 : i32
      %dma_wait3A_89 = arith.constant 0 : i32
      %dma_wait3A_90 = arith.constant 0 : i32
      %dma_wait3A_91 = arith.constant 0 : i32
      %dma_wait3A_92 = tpu.memref_slice %arg10[%dma_wait3A_89, %dma_wait3A_90, %dma_wait3A_91] : memref<2x128x128xf32, #tpu.memory_space<vmem>> -> memref<1x128x128xf32, #tpu.memory_space<vmem>>
      %dma_wait3A_93 = tpu.memref_squeeze %dma_wait3A_92 : memref<1x128x128xf32, #tpu.memory_space<vmem>> -> memref<128x128xf32, #tpu.memory_space<vmem>>
      %dma_wait3A_94 = arith.constant 0 : i32
      %dma_wait3A_95 = tpu.memref_slice %arg8[%dma_wait3A_87, %dma_wait3A_88, %dma_wait3A_94] : memref<2x2x128xi32, #tpu.memory_space<vmem>> -> memref<1x1x128xi32, #tpu.memory_space<vmem>>
      %dma_wait3A_96 = tpu.memref_squeeze %dma_wait3A_95 : memref<1x1x128xi32, #tpu.memory_space<vmem>> -> memref<128xi32, #tpu.memory_space<vmem>>
      %dma_wait3A_97 = arith.constant 0 : i32
      %dma_wait3A_98 = arith.constant 0 : i32
      %dma_wait3A_99 = tpu.memref_slice %arg2[%dma_wait3A_97, %dma_wait3A_98] : memref<10000x128xf32, #tpu.memory_space<hbm>> -> memref<10000x128xf32, #tpu.memory_space<hbm>>
      tpu.wait_indirect_dma semaphore(%arg11 : memref<!tpu.dma_semaphore, #tpu.memory_space<semaphore_mem>>) src(%dma_wait3A_99 : memref<10000x128xf32, #tpu.memory_space<hbm>>) dst(%dma_wait3A_93 : memref<128x128xf32, #tpu.memory_space<vmem>>)
      %scan3A_100 = arith.constant 0 : i32
      %scan3A_101 = arith.constant 0 : i32
      %scan3A_102 = arith.constant 8 : i32
      %scan3A_103 = arith.addi %scan3A_101, %scan3A_102 : i32
      %scan3A_104 = arith.constant 1 : i32
      scf.for %scan3A_149 = %scan3A_101 to %scan3A_103 step %scan3A_104  : i32 {
        %mul3A_150 = arith.constant 16 : i32
        %mul3A_151 = arith.muli %scan3A_149, %mul3A_150 : i32
        %get3A = arith.constant 0 : i32
        %get3A_152 = arith.index_cast %get3A : i32 to index
        %get3A_153 = arith.index_cast %mul3A_151 : i32 to index
        %get3A_154 = tpu.vector_load %arg9[%get3A_152, %get3A_153] {strides = array<i32>} : memref<2x128xf32, #tpu.memory_space<vmem>>, vector<1x16xf32>,
        %get3A_155 = vector.shape_cast %get3A_154 : vector<1x16xf32> to vector<16xf32>
        %broadcast_in_dim3A = arith.constant 0 : i32
        %broadcast_in_dim3A_156 = vector.broadcast %broadcast_in_dim3A : i32 to vector<16x1xi32>
        %gather3A = vector.shape_cast %broadcast_in_dim3A_156 : vector<16x1xi32> to vector<16xi32>
        %gather3A_157 = tpu.dynamic_gather %get3A_155[%gather3A] in [0] : vector<16xf32>, vector<16xi32> -> vector<16xf32>
        %mul3A_158 = arith.constant 16 : i32
        %mul3A_159 = arith.muli %scan3A_149, %mul3A_158 : i32
        %add3A_160 = arith.constant 0 : i32
        %add3A_161 = arith.addi %mul3A_159, %add3A_160 : i32
        %get3A_162 = arith.constant 0 : i32
        %get3A_163 = arith.index_cast %get3A_162 : i32 to index
        %get3A_164 = arith.index_cast %add3A_161 : i32 to index
        %get3A_165 = arith.constant 0 : index
        %get3A_166 = tpu.vector_load %arg10[%get3A_163, %get3A_164, %get3A_165] {strides = array<i32>} : memref<2x128x128xf32, #tpu.memory_space<vmem>>, vector<1x1x16xf32>,
        %get3A_167 = vector.shape_cast %get3A_166 : vector<1x1x16xf32> to vector<16xf32>
        %mul3A_168 = arith.mulf %get3A_167, %gather3A_157 : vector<16xf32>
        %swap3A = arith.constant 0 : i32
        %swap3A_169 = arith.index_cast %swap3A : i32 to index
        %swap3A_170 = arith.index_cast %add3A_161 : i32 to index
        %swap3A_171 = arith.constant 0 : index
        %swap3A_172 = tpu.vector_load %arg10[%swap3A_169, %swap3A_170, %swap3A_171] {strides = array<i32>} : memref<2x128x128xf32, #tpu.memory_space<vmem>>, vector<1x1x16xf32>,
        %swap3A_173 = vector.shape_cast %swap3A_172 : vector<1x1x16xf32> to vector<16xf32>
        %swap3A_174 = vector.shape_cast %mul3A_168 : vector<16xf32> to vector<1x1x16xf32>
        tpu.vector_store %arg10[%swap3A_169, %swap3A_170, %swap3A_171], %swap3A_174 {strides = array<i32>} : memref<2x128x128xf32, #tpu.memory_space<vmem>>, vector<1x1x16xf32>,
        %get3A_175 = arith.constant 0 : i32
        %get3A_176 = arith.index_cast %get3A_175 : i32 to index
        %get3A_177 = arith.index_cast %add3A_161 : i32 to index
        %get3A_178 = arith.constant 16 : index
        %get3A_179 = tpu.vector_load %arg10[%get3A_176, %get3A_177, %get3A_178] {strides = array<i32>} : memref<2x128x128xf32, #tpu.memory_space<vmem>>, vector<1x1x16xf32>,
        %get3A_180 = vector.shape_cast %get3A_179 : vector<1x1x16xf32> to vector<16xf32>
        %mul3A_181 = arith.mulf %get3A_180, %gather3A_157 : vector<16xf32>
        %swap3A_182 = arith.constant 0 : i32
        %swap3A_183 = arith.index_cast %swap3A_182 : i32 to index
        %swap3A_184 = arith.index_cast %add3A_161 : i32 to index
        %swap3A_185 = arith.constant 16 : index
        %swap3A_186 = tpu.vector_load %arg10[%swap3A_183, %swap3A_184, %swap3A_185] {strides = array<i32>} : memref<2x128x128xf32, #tpu.memory_space<vmem>>, vector<1x1x16xf32>,
        %swap3A_187 = vector.shape_cast %swap3A_186 : vector<1x1x16xf32> to vector<16xf32>
        %swap3A_188 = vector.shape_cast %mul3A_181 : vector<16xf32> to vector<1x1x16xf32>
        tpu.vector_store %arg10[%swap3A_183, %swap3A_184, %swap3A_185], %swap3A_188 {strides = array<i32>} : memref<2x128x128xf32, #tpu.memory_space<vmem>>, vector<1x1x16xf32>,
        %get3A_189 = arith.constant 0 : i32
        %get3A_190 = arith.index_cast %get3A_189 : i32 to index
        %get3A_191 = arith.index_cast %add3A_161 : i32 to index
        %get3A_192 = arith.constant 32 : index
        %get3A_193 = tpu.vector_load %arg10[%get3A_190, %get3A_191, %get3A_192] {strides = array<i32>} : memref<2x128x128xf32, #tpu.memory_space<vmem>>, vector<1x1x16xf32>,
        %get3A_194 = vector.shape_cast %get3A_193 : vector<1x1x16xf32> to vector<16xf32>
        %mul3A_195 = arith.mulf %get3A_194, %gather3A_157 : vector<16xf32>
        %swap3A_196 = arith.constant 0 : i32
        %swap3A_197 = arith.index_cast %swap3A_196 : i32 to index
        %swap3A_198 = arith.index_cast %add3A_161 : i32 to index
        %swap3A_199 = arith.constant 32 : index
        %swap3A_200 = tpu.vector_load %arg10[%swap3A_197, %swap3A_198, %swap3A_199] {strides = array<i32>} : memref<2x128x128xf32, #tpu.memory_space<vmem>>, vector<1x1x16xf32>,
        %swap3A_201 = vector.shape_cast %swap3A_200 : vector<1x1x16xf32> to vector<16xf32>
        %swap3A_202 = vector.shape_cast %mul3A_195 : vector<16xf32> to vector<1x1x16xf32>
        tpu.vector_store %arg10[%swap3A_197, %swap3A_198, %swap3A_199], %swap3A_202 {strides = array<i32>} : memref<2x128x128xf32, #tpu.memory_space<vmem>>, vector<1x1x16xf32>,
        %get3A_203 = arith.constant 0 : i32
        %get3A_204 = arith.index_cast %get3A_203 : i32 to index
        %get3A_205 = arith.index_cast %add3A_161 : i32 to index
        %get3A_206 = arith.constant 48 : index
        %get3A_207 = tpu.vector_load %arg10[%get3A_204, %get3A_205, %get3A_206] {strides = array<i32>} : memref<2x128x128xf32, #tpu.memory_space<vmem>>, vector<1x1x16xf32>,
        %get3A_208 = vector.shape_cast %get3A_207 : vector<1x1x16xf32> to vector<16xf32>
        %mul3A_209 = arith.mulf %get3A_208, %gather3A_157 : vector<16xf32>
        %swap3A_210 = arith.constant 0 : i32
        %swap3A_211 = arith.index_cast %swap3A_210 : i32 to index
        %swap3A_212 = arith.index_cast %add3A_161 : i32 to index
        %swap3A_213 = arith.constant 48 : index
        %swap3A_214 = tpu.vector_load %arg10[%swap3A_211, %swap3A_212, %swap3A_213] {strides = array<i32>} : memref<2x128x128xf32, #tpu.memory_space<vmem>>, vector<1x1x16xf32>,
        %swap3A_215 = vector.shape_cast %swap3A_214 : vector<1x1x16xf32> to vector<16xf32>
        %swap3A_216 = vector.shape_cast %mul3A_209 : vector<16xf32> to vector<1x1x16xf32>
        tpu.vector_store %arg10[%swap3A_211, %swap3A_212, %swap3A_213], %swap3A_216 {strides = array<i32>} : memref<2x128x128xf32, #tpu.memory_space<vmem>>, vector<1x1x16xf32>,
        %get3A_217 = arith.constant 0 : i32
        %get3A_218 = arith.index_cast %get3A_217 : i32 to index
        %get3A_219 = arith.index_cast %add3A_161 : i32 to index
        %get3A_220 = arith.constant 64 : index
        %get3A_221 = tpu.vector_load %arg10[%get3A_218, %get3A_219, %get3A_220] {strides = array<i32>} : memref<2x128x128xf32, #tpu.memory_space<vmem>>, vector<1x1x16xf32>,
        %get3A_222 = vector.shape_cast %get3A_221 : vector<1x1x16xf32> to vector<16xf32>
        %mul3A_223 = arith.mulf %get3A_222, %gather3A_157 : vector<16xf32>
        %swap3A_224 = arith.constant 0 : i32
        %swap3A_225 = arith.index_cast %swap3A_224 : i32 to index
        %swap3A_226 = arith.index_cast %add3A_161 : i32 to index
        %swap3A_227 = arith.constant 64 : index
        %swap3A_228 = tpu.vector_load %arg10[%swap3A_225, %swap3A_226, %swap3A_227] {strides = array<i32>} : memref<2x128x128xf32, #tpu.memory_space<vmem>>, vector<1x1x16xf32>,
        %swap3A_229 = vector.shape_cast %swap3A_228 : vector<1x1x16xf32> to vector<16xf32>
        %swap3A_230 = vector.shape_cast %mul3A_223 : vector<16xf32> to vector<1x1x16xf32>
        tpu.vector_store %arg10[%swap3A_225, %swap3A_226, %swap3A_227], %swap3A_230 {strides = array<i32>} : memref<2x128x128xf32, #tpu.memory_space<vmem>>, vector<1x1x16xf32>,
        %get3A_231 = arith.constant 0 : i32
        %get3A_232 = arith.index_cast %get3A_231 : i32 to index
        %get3A_233 = arith.index_cast %add3A_161 : i32 to index
        %get3A_234 = arith.constant 80 : index
        %get3A_235 = tpu.vector_load %arg10[%get3A_232, %get3A_233, %get3A_234] {strides = array<i32>} : memref<2x128x128xf32, #tpu.memory_space<vmem>>, vector<1x1x16xf32>,
        %get3A_236 = vector.shape_cast %get3A_235 : vector<1x1x16xf32> to vector<16xf32>
        %mul3A_237 = arith.mulf %get3A_236, %gather3A_157 : vector<16xf32>
        %swap3A_238 = arith.constant 0 : i32
        %swap3A_239 = arith.index_cast %swap3A_238 : i32 to index
        %swap3A_240 = arith.index_cast %add3A_161 : i32 to index
        %swap3A_241 = arith.constant 80 : index
        %swap3A_242 = tpu.vector_load %arg10[%swap3A_239, %swap3A_240, %swap3A_241] {strides = array<i32>} : memref<2x128x128xf32, #tpu.memory_space<vmem>>, vector<1x1x16xf32>,
        %swap3A_243 = vector.shape_cast %swap3A_242 : vector<1x1x16xf32> to vector<16xf32>
        %swap3A_244 = vector.shape_cast %mul3A_237 : vector<16xf32> to vector<1x1x16xf32>
        tpu.vector_store %arg10[%swap3A_239, %swap3A_240, %swap3A_241], %swap3A_244 {strides = array<i32>} : memref<2x128x128xf32, #tpu.memory_space<vmem>>, vector<1x1x16xf32>,
        %get3A_245 = arith.constant 0 : i32
        %get3A_246 = arith.index_cast %get3A_245 : i32 to index
        %get3A_247 = arith.index_cast %add3A_161 : i32 to index
        %get3A_248 = arith.constant 96 : index
        %get3A_249 = tpu.vector_load %arg10[%get3A_246, %get3A_247, %get3A_248] {strides = array<i32>} : memref<2x128x128xf32, #tpu.memory_space<vmem>>, vector<1x1x16xf32>,
        %get3A_250 = vector.shape_cast %get3A_249 : vector<1x1x16xf32> to vector<16xf32>
        %mul3A_251 = arith.mulf %get3A_250, %gather3A_157 : vector<16xf32>
        %swap3A_252 = arith.constant 0 : i32
        %swap3A_253 = arith.index_cast %swap3A_252 : i32 to index
        %swap3A_254 = arith.index_cast %add3A_161 : i32 to index
        %swap3A_255 = arith.constant 96 : index
        %swap3A_256 = tpu.vector_load %arg10[%swap3A_253, %swap3A_254, %swap3A_255] {strides = array<i32>} : memref<2x128x128xf32, #tpu.memory_space<vmem>>, vector<1x1x16xf32>,
        %swap3A_257 = vector.shape_cast %swap3A_256 : vector<1x1x16xf32> to vector<16xf32>
        %swap3A_258 = vector.shape_cast %mul3A_251 : vector<16xf32> to vector<1x1x16xf32>
        tpu.vector_store %arg10[%swap3A_253, %swap3A_254, %swap3A_255], %swap3A_258 {strides = array<i32>} : memref<2x128x128xf32, #tpu.memory_space<vmem>>, vector<1x1x16xf32>,
        %get3A_259 = arith.constant 0 : i32
        %get3A_260 = arith.index_cast %get3A_259 : i32 to index
        %get3A_261 = arith.index_cast %add3A_161 : i32 to index
        %get3A_262 = arith.constant 112 : index
        %get3A_263 = tpu.vector_load %arg10[%get3A_260, %get3A_261, %get3A_262] {strides = array<i32>} : memref<2x128x128xf32, #tpu.memory_space<vmem>>, vector<1x1x16xf32>,
        %get3A_264 = vector.shape_cast %get3A_263 : vector<1x1x16xf32> to vector<16xf32>
        %mul3A_265 = arith.mulf %get3A_264, %gather3A_157 : vector<16xf32>
        %swap3A_266 = arith.constant 0 : i32
        %swap3A_267 = arith.index_cast %swap3A_266 : i32 to index
        %swap3A_268 = arith.index_cast %add3A_161 : i32 to index
        %swap3A_269 = arith.constant 112 : index
        %swap3A_270 = tpu.vector_load %arg10[%swap3A_267, %swap3A_268, %swap3A_269] {strides = array<i32>} : memref<2x128x128xf32, #tpu.memory_space<vmem>>, vector<1x1x16xf32>,
        %swap3A_271 = vector.shape_cast %swap3A_270 : vector<1x1x16xf32> to vector<16xf32>
        %swap3A_272 = vector.shape_cast %mul3A_265 : vector<16xf32> to vector<1x1x16xf32>
        tpu.vector_store %arg10[%swap3A_267, %swap3A_268, %swap3A_269], %swap3A_272 {strides = array<i32>} : memref<2x128x128xf32, #tpu.memory_space<vmem>>, vector<1x1x16xf32>,
        %broadcast_in_dim3A_273 = arith.constant 1 : i32
        %broadcast_in_dim3A_274 = vector.broadcast %broadcast_in_dim3A_273 : i32 to vector<16x1xi32>
        %gather3A_275 = vector.shape_cast %broadcast_in_dim3A_274 : vector<16x1xi32> to vector<16xi32>
        %gather3A_276 = tpu.dynamic_gather %get3A_155[%gather3A_275] in [0] : vector<16xf32>, vector<16xi32> -> vector<16xf32>
        %mul3A_277 = arith.constant 16 : i32
        %mul3A_278 = arith.muli %scan3A_149, %mul3A_277 : i32
        %add3A_279 = arith.constant 1 : i32
        %add3A_280 = arith.addi %mul3A_278, %add3A_279 : i32
        %get3A_281 = arith.constant 0 : i32
        %get3A_282 = arith.index_cast %get3A_281 : i32 to index
        %get3A_283 = arith.index_cast %add3A_280 : i32 to index
        %get3A_284 = arith.constant 0 : index
        %get3A_285 = tpu.vector_load %arg10[%get3A_282, %get3A_283, %get3A_284] {strides = array<i32>} : memref<2x128x128xf32, #tpu.memory_space<vmem>>, vector<1x1x16xf32>,
        %get3A_286 = vector.shape_cast %get3A_285 : vector<1x1x16xf32> to vector<16xf32>
        %mul3A_287 = arith.mulf %get3A_286, %gather3A_276 : vector<16xf32>
        %swap3A_288 = arith.constant 0 : i32
        %swap3A_289 = arith.index_cast %swap3A_288 : i32 to index
        %swap3A_290 = arith.index_cast %add3A_280 : i32 to index
        %swap3A_291 = arith.constant 0 : index
        %swap3A_292 = tpu.vector_load %arg10[%swap3A_289, %swap3A_290, %swap3A_291] {strides = array<i32>} : memref<2x128x128xf32, #tpu.memory_space<vmem>>, vector<1x1x16xf32>,
        %swap3A_293 = vector.shape_cast %swap3A_292 : vector<1x1x16xf32> to vector<16xf32>
        %swap3A_294 = vector.shape_cast %mul3A_287 : vector<16xf32> to vector<1x1x16xf32>
        tpu.vector_store %arg10[%swap3A_289, %swap3A_290, %swap3A_291], %swap3A_294 {strides = array<i32>} : memref<2x128x128xf32, #tpu.memory_space<vmem>>, vector<1x1x16xf32>,
        %get3A_295 = arith.constant 0 : i32
        %get3A_296 = arith.index_cast %get3A_295 : i32 to index
        %get3A_297 = arith.index_cast %add3A_280 : i32 to index
        %get3A_298 = arith.constant 16 : index
        %get3A_299 = tpu.vector_load %arg10[%get3A_296, %get3A_297, %get3A_298] {strides = array<i32>} : memref<2x128x128xf32, #tpu.memory_space<vmem>>, vector<1x1x16xf32>,
        %get3A_300 = vector.shape_cast %get3A_299 : vector<1x1x16xf32> to vector<16xf32>
        %mul3A_301 = arith.mulf %get3A_300, %gather3A_276 : vector<16xf32>
        %swap3A_302 = arith.constant 0 : i32
        %swap3A_303 = arith.index_cast %swap3A_302 : i32 to index
        %swap3A_304 = arith.index_cast %add3A_280 : i32 to index
        %swap3A_305 = arith.constant 16 : index
        %swap3A_306 = tpu.vector_load %arg10[%swap3A_303, %swap3A_304, %swap3A_305] {strides = array<i32>} : memref<2x128x128xf32, #tpu.memory_space<vmem>>, vector<1x1x16xf32>,
        %swap3A_307 = vector.shape_cast %swap3A_306 : vector<1x1x16xf32> to vector<16xf32>
        %swap3A_308 = vector.shape_cast %mul3A_301 : vector<16xf32> to vector<1x1x16xf32>
        tpu.vector_store %arg10[%swap3A_303, %swap3A_304, %swap3A_305], %swap3A_308 {strides = array<i32>} : memref<2x128x128xf32, #tpu.memory_space<vmem>>, vector<1x1x16xf32>,
        %get3A_309 = arith.constant 0 : i32
        %get3A_310 = arith.index_cast %get3A_309 : i32 to index
        %get3A_311 = arith.index_cast %add3A_280 : i32 to index
        %get3A_312 = arith.constant 32 : index
        %get3A_313 = tpu.vector_load %arg10[%get3A_310, %get3A_311, %get3A_312] {strides = array<i32>} : memref<2x128x128xf32, #tpu.memory_space<vmem>>, vector<1x1x16xf32>,
        %get3A_314 = vector.shape_cast %get3A_313 : vector<1x1x16xf32> to vector<16xf32>
        %mul3A_315 = arith.mulf %get3A_314, %gather3A_276 : vector<16xf32>
        %swap3A_316 = arith.constant 0 : i32
        %swap3A_317 = arith.index_cast %swap3A_316 : i32 to index
        %swap3A_318 = arith.index_cast %add3A_280 : i32 to index
        %swap3A_319 = arith.constant 32 : index
        %swap3A_320 = tpu.vector_load %arg10[%swap3A_317, %swap3A_318, %swap3A_319] {strides = array<i32>} : memref<2x128x128xf32, #tpu.memory_space<vmem>>, vector<1x1x16xf32>,
        %swap3A_321 = vector.shape_cast %swap3A_320 : vector<1x1x16xf32> to vector<16xf32>
        %swap3A_322 = vector.shape_cast %mul3A_315 : vector<16xf32> to vector<1x1x16xf32>
        tpu.vector_store %arg10[%swap3A_317, %swap3A_318, %swap3A_319], %swap3A_322 {strides = array<i32>} : memref<2x128x128xf32, #tpu.memory_space<vmem>>, vector<1x1x16xf32>,
        %get3A_323 = arith.constant 0 : i32
        %get3A_324 = arith.index_cast %get3A_323 : i32 to index
        %get3A_325 = arith.index_cast %add3A_280 : i32 to index
        %get3A_326 = arith.constant 48 : index
        %get3A_327 = tpu.vector_load %arg10[%get3A_324, %get3A_325, %get3A_326] {strides = array<i32>} : memref<2x128x128xf32, #tpu.memory_space<vmem>>, vector<1x1x16xf32>,
        %get3A_328 = vector.shape_cast %get3A_327 : vector<1x1x16xf32> to vector<16xf32>
        %mul3A_329 = arith.mulf %get3A_328, %gather3A_276 : vector<16xf32>
        %swap3A_330 = arith.constant 0 : i32
        %swap3A_331 = arith.index_cast %swap3A_330 : i32 to index
        %swap3A_332 = arith.index_cast %add3A_280 : i32 to index
        %swap3A_333 = arith.constant 48 : index
        %swap3A_334 = tpu.vector_load %arg10[%swap3A_331, %swap3A_332, %swap3A_333] {strides = array<i32>} : memref<2x128x128xf32, #tpu.memory_space<vmem>>, vector<1x1x16xf32>,
        %swap3A_335 = vector.shape_cast %swap3A_334 : vector<1x1x16xf32> to vector<16xf32>
        %swap3A_336 = vector.shape_cast %mul3A_329 : vector<16xf32> to vector<1x1x16xf32>
        tpu.vector_store %arg10[%swap3A_331, %swap3A_332, %swap3A_333], %swap3A_336 {strides = array<i32>} : memref<2x128x128xf32, #tpu.memory_space<vmem>>, vector<1x1x16xf32>,
        %get3A_337 = arith.constant 0 : i32
        %get3A_338 = arith.index_cast %get3A_337 : i32 to index
        %get3A_339 = arith.index_cast %add3A_280 : i32 to index
        %get3A_340 = arith.constant 64 : index
        %get3A_341 = tpu.vector_load %arg10[%get3A_338, %get3A_339, %get3A_340] {strides = array<i32>} : memref<2x128x128xf32, #tpu.memory_space<vmem>>, vector<1x1x16xf32>,
        %get3A_342 = vector.shape_cast %get3A_341 : vector<1x1x16xf32> to vector<16xf32>
        %mul3A_343 = arith.mulf %get3A_342, %gather3A_276 : vector<16xf32>
        %swap3A_344 = arith.constant 0 : i32
        %swap3A_345 = arith.index_cast %swap3A_344 : i32 to index
        %swap3A_346 = arith.index_cast %add3A_280 : i32 to index
        %swap3A_347 = arith.constant 64 : index
        %swap3A_348 = tpu.vector_load %arg10[%swap3A_345, %swap3A_346, %swap3A_347] {strides = array<i32>} : memref<2x128x128xf32, #tpu.memory_space<vmem>>, vector<1x1x16xf32>,
        %swap3A_349 = vector.shape_cast %swap3A_348 : vector<1x1x16xf32> to vector<16xf32>
        %swap3A_350 = vector.shape_cast %mul3A_343 : vector<16xf32> to vector<1x1x16xf32>
        tpu.vector_store %arg10[%swap3A_345, %swap3A_346, %swap3A_347], %swap3A_350 {strides = array<i32>} : memref<2x128x128xf32, #tpu.memory_space<vmem>>, vector<1x1x16xf32>,
        %get3A_351 = arith.constant 0 : i32
        %get3A_352 = arith.index_cast %get3A_351 : i32 to index
        %get3A_353 = arith.index_cast %add3A_280 : i32 to index
        %get3A_354 = arith.constant 80 : index
        %get3A_355 = tpu.vector_load %arg10[%get3A_352, %get3A_353, %get3A_354] {strides = array<i32>} : memref<2x128x128xf32, #tpu.memory_space<vmem>>, vector<1x1x16xf32>,
        %get3A_356 = vector.shape_cast %get3A_355 : vector<1x1x16xf32> to vector<16xf32>
        %mul3A_357 = arith.mulf %get3A_356, %gather3A_276 : vector<16xf32>
        %swap3A_358 = arith.constant 0 : i32
        %swap3A_359 = arith.index_cast %swap3A_358 : i32 to index
        %swap3A_360 = arith.index_cast %add3A_280 : i32 to index
        %swap3A_361 = arith.constant 80 : index
        %swap3A_362 = tpu.vector_load %arg10[%swap3A_359, %swap3A_360, %swap3A_361] {strides = array<i32>} : memref<2x128x128xf32, #tpu.memory_space<vmem>>, vector<1x1x16xf32>,
        %swap3A_363 = vector.shape_cast %swap3A_362 : vector<1x1x16xf32> to vector<16xf32>
        %swap3A_364 = vector.shape_cast %mul3A_357 : vector<16xf32> to vector<1x1x16xf32>
        tpu.vector_store %arg10[%swap3A_359, %swap3A_360, %swap3A_361], %swap3A_364 {strides = array<i32>} : memref<2x128x128xf32, #tpu.memory_space<vmem>>, vector<1x1x16xf32>,
        %get3A_365 = arith.constant 0 : i32
        %get3A_366 = arith.index_cast %get3A_365 : i32 to index
        %get3A_367 = arith.index_cast %add3A_280 : i32 to index
        %get3A_368 = arith.constant 96 : index
        %get3A_369 = tpu.vector_load %arg10[%get3A_366, %get3A_367, %get3A_368] {strides = array<i32>} : memref<2x128x128xf32, #tpu.memory_space<vmem>>, vector<1x1x16xf32>,
        %get3A_370 = vector.shape_cast %get3A_369 : vector<1x1x16xf32> to vector<16xf32>
        %mul3A_371 = arith.mulf %get3A_370, %gather3A_276 : vector<16xf32>
        %swap3A_372 = arith.constant 0 : i32
        %swap3A_373 = arith.index_cast %swap3A_372 : i32 to index
        %swap3A_374 = arith.index_cast %add3A_280 : i32 to index
        %swap3A_375 = arith.constant 96 : index
        %swap3A_376 = tpu.vector_load %arg10[%swap3A_373, %swap3A_374, %swap3A_375] {strides = array<i32>} : memref<2x128x128xf32, #tpu.memory_space<vmem>>, vector<1x1x16xf32>,
        %swap3A_377 = vector.shape_cast %swap3A_376 : vector<1x1x16xf32> to vector<16xf32>
        %swap3A_378 = vector.shape_cast %mul3A_371 : vector<16xf32> to vector<1x1x16xf32>
        tpu.vector_store %arg10[%swap3A_373, %swap3A_374, %swap3A_375], %swap3A_378 {strides = array<i32>} : memref<2x128x128xf32, #tpu.memory_space<vmem>>, vector<1x1x16xf32>,
        %get3A_379 = arith.constant 0 : i32
        %get3A_380 = arith.index_cast %get3A_379 : i32 to index
        %get3A_381 = arith.index_cast %add3A_280 : i32 to index
        %get3A_382 = arith.constant 112 : index
        %get3A_383 = tpu.vector_load %arg10[%get3A_380, %get3A_381, %get3A_382] {strides = array<i32>} : memref<2x128x128xf32, #tpu.memory_space<vmem>>, vector<1x1x16xf32>,
        %get3A_384 = vector.shape_cast %get3A_383 : vector<1x1x16xf32> to vector<16xf32>
        %mul3A_385 = arith.mulf %get3A_384, %gather3A_276 : vector<16xf32>
        %swap3A_386 = arith.constant 0 : i32
        %swap3A_387 = arith.index_cast %swap3A_386 : i32 to index
        %swap3A_388 = arith.index_cast %add3A_280 : i32 to index
        %swap3A_389 = arith.constant 112 : index
        %swap3A_390 = tpu.vector_load %arg10[%swap3A_387, %swap3A_388, %swap3A_389] {strides = array<i32>} : memref<2x128x128xf32, #tpu.memory_space<vmem>>, vector<1x1x16xf32>,
        %swap3A_391 = vector.shape_cast %swap3A_390 : vector<1x1x16xf32> to vector<16xf32>
        %swap3A_392 = vector.shape_cast %mul3A_385 : vector<16xf32> to vector<1x1x16xf32>
        tpu.vector_store %arg10[%swap3A_387, %swap3A_388, %swap3A_389], %swap3A_392 {strides = array<i32>} : memref<2x128x128xf32, #tpu.memory_space<vmem>>, vector<1x1x16xf32>,
        %broadcast_in_dim3A_393 = arith.constant 2 : i32
        %broadcast_in_dim3A_394 = vector.broadcast %broadcast_in_dim3A_393 : i32 to vector<16x1xi32>
        %gather3A_395 = vector.shape_cast %broadcast_in_dim3A_394 : vector<16x1xi32> to vector<16xi32>
        %gather3A_396 = tpu.dynamic_gather %get3A_155[%gather3A_395] in [0] : vector<16xf32>, vector<16xi32> -> vector<16xf32>
        %mul3A_397 = arith.constant 16 : i32
        %mul3A_398 = arith.muli %scan3A_149, %mul3A_397 : i32
        %add3A_399 = arith.constant 2 : i32
        %add3A_400 = arith.addi %mul3A_398, %add3A_399 : i32
        %get3A_401 = arith.constant 0 : i32
        %get3A_402 = arith.index_cast %get3A_401 : i32 to index
        %get3A_403 = arith.index_cast %add3A_400 : i32 to index
        %get3A_404 = arith.constant 0 : index
        %get3A_405 = tpu.vector_load %arg10[%get3A_402, %get3A_403, %get3A_404] {strides = array<i32>} : memref<2x128x128xf32, #tpu.memory_space<vmem>>, vector<1x1x16xf32>,
        %get3A_406 = vector.shape_cast %get3A_405 : vector<1x1x16xf32> to vector<16xf32>
        %mul3A_407 = arith.mulf %get3A_406, %gather3A_396 : vector<16xf32>
        %swap3A_408 = arith.constant 0 : i32
        %swap3A_409 = arith.index_cast %swap3A_408 : i32 to index
        %swap3A_410 = arith.index_cast %add3A_400 : i32 to index
        %swap3A_411 = arith.constant 0 : index
        %swap3A_412 = tpu.vector_load %arg10[%swap3A_409, %swap3A_410, %swap3A_411] {strides = array<i32>} : memref<2x128x128xf32, #tpu.memory_space<vmem>>, vector<1x1x16xf32>,
        %swap3A_413 = vector.shape_cast %swap3A_412 : vector<1x1x16xf32> to vector<16xf32>
        %swap3A_414 = vector.shape_cast %mul3A_407 : vector<16xf32> to vector<1x1x16xf32>
        tpu.vector_store %arg10[%swap3A_409, %swap3A_410, %swap3A_411], %swap3A_414 {strides = array<i32>} : memref<2x128x128xf32, #tpu.memory_space<vmem>>, vector<1x1x16xf32>,
        %get3A_415 = arith.constant 0 : i32
        %get3A_416 = arith.index_cast %get3A_415 : i32 to index
        %get3A_417 = arith.index_cast %add3A_400 : i32 to index
        %get3A_418 = arith.constant 16 : index
        %get3A_419 = tpu.vector_load %arg10[%get3A_416, %get3A_417, %get3A_418] {strides = array<i32>} : memref<2x128x128xf32, #tpu.memory_space<vmem>>, vector<1x1x16xf32>,
        %get3A_420 = vector.shape_cast %get3A_419 : vector<1x1x16xf32> to vector<16xf32>
        %mul3A_421 = arith.mulf %get3A_420, %gather3A_396 : vector<16xf32>
        %swap3A_422 = arith.constant 0 : i32
        %swap3A_423 = arith.index_cast %swap3A_422 : i32 to index
        %swap3A_424 = arith.index_cast %add3A_400 : i32 to index
        %swap3A_425 = arith.constant 16 : index
        %swap3A_426 = tpu.vector_load %arg10[%swap3A_423, %swap3A_424, %swap3A_425] {strides = array<i32>} : memref<2x128x128xf32, #tpu.memory_space<vmem>>, vector<1x1x16xf32>,
        %swap3A_427 = vector.shape_cast %swap3A_426 : vector<1x1x16xf32> to vector<16xf32>
        %swap3A_428 = vector.shape_cast %mul3A_421 : vector<16xf32> to vector<1x1x16xf32>
        tpu.vector_store %arg10[%swap3A_423, %swap3A_424, %swap3A_425], %swap3A_428 {strides = array<i32>} : memref<2x128x128xf32, #tpu.memory_space<vmem>>, vector<1x1x16xf32>,
        %get3A_429 = arith.constant 0 : i32
        %get3A_430 = arith.index_cast %get3A_429 : i32 to index
        %get3A_431 = arith.index_cast %add3A_400 : i32 to index
        %get3A_432 = arith.constant 32 : index
        %get3A_433 = tpu.vector_load %arg10[%get3A_430, %get3A_431, %get3A_432] {strides = array<i32>} : memref<2x128x128xf32, #tpu.memory_space<vmem>>, vector<1x1x16xf32>,
        %get3A_434 = vector.shape_cast %get3A_433 : vector<1x1x16xf32> to vector<16xf32>
        %mul3A_435 = arith.mulf %get3A_434, %gather3A_396 : vector<16xf32>
        %swap3A_436 = arith.constant 0 : i32
        %swap3A_437 = arith.index_cast %swap3A_436 : i32 to index
        %swap3A_438 = arith.index_cast %add3A_400 : i32 to index
        %swap3A_439 = arith.constant 32 : index
        %swap3A_440 = tpu.vector_load %arg10[%swap3A_437, %swap3A_438, %swap3A_439] {strides = array<i32>} : memref<2x128x128xf32, #tpu.memory_space<vmem>>, vector<1x1x16xf32>,
        %swap3A_441 = vector.shape_cast %swap3A_440 : vector<1x1x16xf32> to vector<16xf32>
        %swap3A_442 = vector.shape_cast %mul3A_435 : vector<16xf32> to vector<1x1x16xf32>
        tpu.vector_store %arg10[%swap3A_437, %swap3A_438, %swap3A_439], %swap3A_442 {strides = array<i32>} : memref<2x128x128xf32, #tpu.memory_space<vmem>>, vector<1x1x16xf32>,
        %get3A_443 = arith.constant 0 : i32
        %get3A_444 = arith.index_cast %get3A_443 : i32 to index
        %get3A_445 = arith.index_cast %add3A_400 : i32 to index
        %get3A_446 = arith.constant 48 : index
        %get3A_447 = tpu.vector_load %arg10[%get3A_444, %get3A_445, %get3A_446] {strides = array<i32>} : memref<2x128x128xf32, #tpu.memory_space<vmem>>, vector<1x1x16xf32>,
        %get3A_448 = vector.shape_cast %get3A_447 : vector<1x1x16xf32> to vector<16xf32>
        %mul3A_449 = arith.mulf %get3A_448, %gather3A_396 : vector<16xf32>
        %swap3A_450 = arith.constant 0 : i32
        %swap3A_451 = arith.index_cast %swap3A_450 : i32 to index
        %swap3A_452 = arith.index_cast %add3A_400 : i32 to index
        %swap3A_453 = arith.constant 48 : index
        %swap3A_454 = tpu.vector_load %arg10[%swap3A_451, %swap3A_452, %swap3A_453] {strides = array<i32>} : memref<2x128x128xf32, #tpu.memory_space<vmem>>, vector<1x1x16xf32>,
        %swap3A_455 = vector.shape_cast %swap3A_454 : vector<1x1x16xf32> to vector<16xf32>
        %swap3A_456 = vector.shape_cast %mul3A_449 : vector<16xf32> to vector<1x1x16xf32>
        tpu.vector_store %arg10[%swap3A_451, %swap3A_452, %swap3A_453], %swap3A_456 {strides = array<i32>} : memref<2x128x128xf32, #tpu.memory_space<vmem>>, vector<1x1x16xf32>,
        %get3A_457 = arith.constant 0 : i32
        %get3A_458 = arith.index_cast %get3A_457 : i32 to index
        %get3A_459 = arith.index_cast %add3A_400 : i32 to index
        %get3A_460 = arith.constant 64 : index
        %get3A_461 = tpu.vector_load %arg10[%get3A_458, %get3A_459, %get3A_460] {strides = array<i32>} : memref<2x128x128xf32, #tpu.memory_space<vmem>>, vector<1x1x16xf32>,
        %get3A_462 = vector.shape_cast %get3A_461 : vector<1x1x16xf32> to vector<16xf32>
        %mul3A_463 = arith.mulf %get3A_462, %gather3A_396 : vector<16xf32>
        %swap3A_464 = arith.constant 0 : i32
        %swap3A_465 = arith.index_cast %swap3A_464 : i32 to index
        %swap3A_466 = arith.index_cast %add3A_400 : i32 to index
        %swap3A_467 = arith.constant 64 : index
        %swap3A_468 = tpu.vector_load %arg10[%swap3A_465, %swap3A_466, %swap3A_467] {strides = array<i32>} : memref<2x128x128xf32, #tpu.memory_space<vmem>>, vector<1x1x16xf32>,
        %swap3A_469 = vector.shape_cast %swap3A_468 : vector<1x1x16xf32> to vector<16xf32>
        %swap3A_470 = vector.shape_cast %mul3A_463 : vector<16xf32> to vector<1x1x16xf32>
        tpu.vector_store %arg10[%swap3A_465, %swap3A_466, %swap3A_467], %swap3A_470 {strides = array<i32>} : memref<2x128x128xf32, #tpu.memory_space<vmem>>, vector<1x1x16xf32>,
        %get3A_471 = arith.constant 0 : i32
        %get3A_472 = arith.index_cast %get3A_471 : i32 to index
        %get3A_473 = arith.index_cast %add3A_400 : i32 to index
        %get3A_474 = arith.constant 80 : index
        %get3A_475 = tpu.vector_load %arg10[%get3A_472, %get3A_473, %get3A_474] {strides = array<i32>} : memref<2x128x128xf32, #tpu.memory_space<vmem>>, vector<1x1x16xf32>,
        %get3A_476 = vector.shape_cast %get3A_475 : vector<1x1x16xf32> to vector<16xf32>
        %mul3A_477 = arith.mulf %get3A_476, %gather3A_396 : vector<16xf32>
        %swap3A_478 = arith.constant 0 : i32
        %swap3A_479 = arith.index_cast %swap3A_478 : i32 to index
        %swap3A_480 = arith.index_cast %add3A_400 : i32 to index
        %swap3A_481 = arith.constant 80 : index
        %swap3A_482 = tpu.vector_load %arg10[%swap3A_479, %swap3A_480, %swap3A_481] {strides = array<i32>} : memref<2x128x128xf32, #tpu.memory_space<vmem>>, vector<1x1x16xf32>,
        %swap3A_483 = vector.shape_cast %swap3A_482 : vector<1x1x16xf32> to vector<16xf32>
        %swap3A_484 = vector.shape_cast %mul3A_477 : vector<16xf32> to vector<1x1x16xf32>
        tpu.vector_store %arg10[%swap3A_479, %swap3A_480, %swap3A_481], %swap3A_484 {strides = array<i32>} : memref<2x128x128xf32, #tpu.memory_space<vmem>>, vector<1x1x16xf32>,
        %get3A_485 = arith.constant 0 : i32
        %get3A_486 = arith.index_cast %get3A_485 : i32 to index
        %get3A_487 = arith.index_cast %add3A_400 : i32 to index
        %get3A_488 = arith.constant 96 : index
        %get3A_489 = tpu.vector_load %arg10[%get3A_486, %get3A_487, %get3A_488] {strides = array<i32>} : memref<2x128x128xf32, #tpu.memory_space<vmem>>, vector<1x1x16xf32>,
        %get3A_490 = vector.shape_cast %get3A_489 : vector<1x1x16xf32> to vector<16xf32>
        %mul3A_491 = arith.mulf %get3A_490, %gather3A_396 : vector<16xf32>
        %swap3A_492 = arith.constant 0 : i32
        %swap3A_493 = arith.index_cast %swap3A_492 : i32 to index
        %swap3A_494 = arith.index_cast %add3A_400 : i32 to index
        %swap3A_495 = arith.constant 96 : index
        %swap3A_496 = tpu.vector_load %arg10[%swap3A_493, %swap3A_494, %swap3A_495] {strides = array<i32>} : memref<2x128x128xf32, #tpu.memory_space<vmem>>, vector<1x1x16xf32>,
        %swap3A_497 = vector.shape_cast %swap3A_496 : vector<1x1x16xf32> to vector<16xf32>
        %swap3A_498 = vector.shape_cast %mul3A_491 : vector<16xf32> to vector<1x1x16xf32>
        tpu.vector_store %arg10[%swap3A_493, %swap3A_494, %swap3A_495], %swap3A_498 {strides = array<i32>} : memref<2x128x128xf32, #tpu.memory_space<vmem>>, vector<1x1x16xf32>,
        %get3A_499 = arith.constant 0 : i32
        %get3A_500 = arith.index_cast %get3A_499 : i32 to index
        %get3A_501 = arith.index_cast %add3A_400 : i32 to index
        %get3A_502 = arith.constant 112 : index
        %get3A_503 = tpu.vector_load %arg10[%get3A_500, %get3A_501, %get3A_502] {strides = array<i32>} : memref<2x128x128xf32, #tpu.memory_space<vmem>>, vector<1x1x16xf32>,
        %get3A_504 = vector.shape_cast %get3A_503 : vector<1x1x16xf32> to vector<16xf32>
        %mul3A_505 = arith.mulf %get3A_504, %gather3A_396 : vector<16xf32>
        %swap3A_506 = arith.constant 0 : i32
        %swap3A_507 = arith.index_cast %swap3A_506 : i32 to index
        %swap3A_508 = arith.index_cast %add3A_400 : i32 to index
        %swap3A_509 = arith.constant 112 : index
        %swap3A_510 = tpu.vector_load %arg10[%swap3A_507, %swap3A_508, %swap3A_509] {strides = array<i32>} : memref<2x128x128xf32, #tpu.memory_space<vmem>>, vector<1x1x16xf32>,
        %swap3A_511 = vector.shape_cast %swap3A_510 : vector<1x1x16xf32> to vector<16xf32>
        %swap3A_512 = vector.shape_cast %mul3A_505 : vector<16xf32> to vector<1x1x16xf32>
        tpu.vector_store %arg10[%swap3A_507, %swap3A_508, %swap3A_509], %swap3A_512 {strides = array<i32>} : memref<2x128x128xf32, #tpu.memory_space<vmem>>, vector<1x1x16xf32>,
        %broadcast_in_dim3A_513 = arith.constant 3 : i32
        %broadcast_in_dim3A_514 = vector.broadcast %broadcast_in_dim3A_513 : i32 to vector<16x1xi32>
        %gather3A_515 = vector.shape_cast %broadcast_in_dim3A_514 : vector<16x1xi32> to vector<16xi32>
        %gather3A_516 = tpu.dynamic_gather %get3A_155[%gather3A_515] in [0] : vector<16xf32>, vector<16xi32> -> vector<16xf32>
        %mul3A_517 = arith.constant 16 : i32
        %mul3A_518 = arith.muli %scan3A_149, %mul3A_517 : i32
        %add3A_519 = arith.constant 3 : i32
        %add3A_520 = arith.addi %mul3A_518, %add3A_519 : i32
        %get3A_521 = arith.constant 0 : i32
        %get3A_522 = arith.index_cast %get3A_521 : i32 to index
        %get3A_523 = arith.index_cast %add3A_520 : i32 to index
        %get3A_524 = arith.constant 0 : index
        %get3A_525 = tpu.vector_load %arg10[%get3A_522, %get3A_523, %get3A_524] {strides = array<i32>} : memref<2x128x128xf32, #tpu.memory_space<vmem>>, vector<1x1x16xf32>,
        %get3A_526 = vector.shape_cast %get3A_525 : vector<1x1x16xf32> to vector<16xf32>
        %mul3A_527 = arith.mulf %get3A_526, %gather3A_516 : vector<16xf32>
        %swap3A_528 = arith.constant 0 : i32
        %swap3A_529 = arith.index_cast %swap3A_528 : i32 to index
        %swap3A_530 = arith.index_cast %add3A_520 : i32 to index
        %swap3A_531 = arith.constant 0 : index
        %swap3A_532 = tpu.vector_load %arg10[%swap3A_529, %swap3A_530, %swap3A_531] {strides = array<i32>} : memref<2x128x128xf32, #tpu.memory_space<vmem>>, vector<1x1x16xf32>,
        %swap3A_533 = vector.shape_cast %swap3A_532 : vector<1x1x16xf32> to vector<16xf32>
        %swap3A_534 = vector.shape_cast %mul3A_527 : vector<16xf32> to vector<1x1x16xf32>
        tpu.vector_store %arg10[%swap3A_529, %swap3A_530, %swap3A_531], %swap3A_534 {strides = array<i32>} : memref<2x128x128xf32, #tpu.memory_space<vmem>>, vector<1x1x16xf32>,
        %get3A_535 = arith.constant 0 : i32
        %get3A_536 = arith.index_cast %get3A_535 : i32 to index
        %get3A_537 = arith.index_cast %add3A_520 : i32 to index
        %get3A_538 = arith.constant 16 : index
        %get3A_539 = tpu.vector_load %arg10[%get3A_536, %get3A_537, %get3A_538] {strides = array<i32>} : memref<2x128x128xf32, #tpu.memory_space<vmem>>, vector<1x1x16xf32>,
        %get3A_540 = vector.shape_cast %get3A_539 : vector<1x1x16xf32> to vector<16xf32>
        %mul3A_541 = arith.mulf %get3A_540, %gather3A_516 : vector<16xf32>
        %swap3A_542 = arith.constant 0 : i32
        %swap3A_543 = arith.index_cast %swap3A_542 : i32 to index
        %swap3A_544 = arith.index_cast %add3A_520 : i32 to index
        %swap3A_545 = arith.constant 16 : index
        %swap3A_546 = tpu.vector_load %arg10[%swap3A_543, %swap3A_544, %swap3A_545] {strides = array<i32>} : memref<2x128x128xf32, #tpu.memory_space<vmem>>, vector<1x1x16xf32>,
        %swap3A_547 = vector.shape_cast %swap3A_546 : vector<1x1x16xf32> to vector<16xf32>
        %swap3A_548 = vector.shape_cast %mul3A_541 : vector<16xf32> to vector<1x1x16xf32>
        tpu.vector_store %arg10[%swap3A_543, %swap3A_544, %swap3A_545], %swap3A_548 {strides = array<i32>} : memref<2x128x128xf32, #tpu.memory_space<vmem>>, vector<1x1x16xf32>,
        %get3A_549 = arith.constant 0 : i32
        %get3A_550 = arith.index_cast %get3A_549 : i32 to index
        %get3A_551 = arith.index_cast %add3A_520 : i32 to index
        %get3A_552 = arith.constant 32 : index
        %get3A_553 = tpu.vector_load %arg10[%get3A_550, %get3A_551, %get3A_552] {strides = array<i32>} : memref<2x128x128xf32, #tpu.memory_space<vmem>>, vector<1x1x16xf32>,
        %get3A_554 = vector.shape_cast %get3A_553 : vector<1x1x16xf32> to vector<16xf32>
        %mul3A_555 = arith.mulf %get3A_554, %gather3A_516 : vector<16xf32>
        %swap3A_556 = arith.constant 0 : i32
        %swap3A_557 = arith.index_cast %swap3A_556 : i32 to index
        %swap3A_558 = arith.index_cast %add3A_520 : i32 to index
        %swap3A_559 = arith.constant 32 : index
        %swap3A_560 = tpu.vector_load %arg10[%swap3A_557, %swap3A_558, %swap3A_559] {strides = array<i32>} : memref<2x128x128xf32, #tpu.memory_space<vmem>>, vector<1x1x16xf32>,
        %swap3A_561 = vector.shape_cast %swap3A_560 : vector<1x1x16xf32> to vector<16xf32>
        %swap3A_562 = vector.shape_cast %mul3A_555 : vector<16xf32> to vector<1x1x16xf32>
        tpu.vector_store %arg10[%swap3A_557, %swap3A_558, %swap3A_559], %swap3A_562 {strides = array<i32>} : memref<2x128x128xf32, #tpu.memory_space<vmem>>, vector<1x1x16xf32>,
        %get3A_563 = arith.constant 0 : i32
        %get3A_564 = arith.index_cast %get3A_563 : i32 to index
        %get3A_565 = arith.index_cast %add3A_520 : i32 to index
        %get3A_566 = arith.constant 48 : index
        %get3A_567 = tpu.vector_load %arg10[%get3A_564, %get3A_565, %get3A_566] {strides = array<i32>} : memref<2x128x128xf32, #tpu.memory_space<vmem>>, vector<1x1x16xf32>,
        %get3A_568 = vector.shape_cast %get3A_567 : vector<1x1x16xf32> to vector<16xf32>
        %mul3A_569 = arith.mulf %get3A_568, %gather3A_516 : vector<16xf32>
        %swap3A_570 = arith.constant 0 : i32
        %swap3A_571 = arith.index_cast %swap3A_570 : i32 to index
        %swap3A_572 = arith.index_cast %add3A_520 : i32 to index
        %swap3A_573 = arith.constant 48 : index
        %swap3A_574 = tpu.vector_load %arg10[%swap3A_571, %swap3A_572, %swap3A_573] {strides = array<i32>} : memref<2x128x128xf32, #tpu.memory_space<vmem>>, vector<1x1x16xf32>,
        %swap3A_575 = vector.shape_cast %swap3A_574 : vector<1x1x16xf32> to vector<16xf32>
        %swap3A_576 = vector.shape_cast %mul3A_569 : vector<16xf32> to vector<1x1x16xf32>
        tpu.vector_store %arg10[%swap3A_571, %swap3A_572, %swap3A_573], %swap3A_576 {strides = array<i32>} : memref<2x128x128xf32, #tpu.memory_space<vmem>>, vector<1x1x16xf32>,
        %get3A_577 = arith.constant 0 : i32
        %get3A_578 = arith.index_cast %get3A_577 : i32 to index
        %get3A_579 = arith.index_cast %add3A_520 : i32 to index
        %get3A_580 = arith.constant 64 : index
        %get3A_581 = tpu.vector_load %arg10[%get3A_578, %get3A_579, %get3A_580] {strides = array<i32>} : memref<2x128x128xf32, #tpu.memory_space<vmem>>, vector<1x1x16xf32>,
        %get3A_582 = vector.shape_cast %get3A_581 : vector<1x1x16xf32> to vector<16xf32>
        %mul3A_583 = arith.mulf %get3A_582, %gather3A_516 : vector<16xf32>
        %swap3A_584 = arith.constant 0 : i32
        %swap3A_585 = arith.index_cast %swap3A_584 : i32 to index
        %swap3A_586 = arith.index_cast %add3A_520 : i32 to index
        %swap3A_587 = arith.constant 64 : index
        %swap3A_588 = tpu.vector_load %arg10[%swap3A_585, %swap3A_586, %swap3A_587] {strides = array<i32>} : memref<2x128x128xf32, #tpu.memory_space<vmem>>, vector<1x1x16xf32>,
        %swap3A_589 = vector.shape_cast %swap3A_588 : vector<1x1x16xf32> to vector<16xf32>
        %swap3A_590 = vector.shape_cast %mul3A_583 : vector<16xf32> to vector<1x1x16xf32>
        tpu.vector_store %arg10[%swap3A_585, %swap3A_586, %swap3A_587], %swap3A_590 {strides = array<i32>} : memref<2x128x128xf32, #tpu.memory_space<vmem>>, vector<1x1x16xf32>,
        %get3A_591 = arith.constant 0 : i32
        %get3A_592 = arith.index_cast %get3A_591 : i32 to index
        %get3A_593 = arith.index_cast %add3A_520 : i32 to index
        %get3A_594 = arith.constant 80 : index
        %get3A_595 = tpu.vector_load %arg10[%get3A_592, %get3A_593, %get3A_594] {strides = array<i32>} : memref<2x128x128xf32, #tpu.memory_space<vmem>>, vector<1x1x16xf32>,
        %get3A_596 = vector.shape_cast %get3A_595 : vector<1x1x16xf32> to vector<16xf32>
        %mul3A_597 = arith.mulf %get3A_596, %gather3A_516 : vector<16xf32>
        %swap3A_598 = arith.constant 0 : i32
        %swap3A_599 = arith.index_cast %swap3A_598 : i32 to index
        %swap3A_600 = arith.index_cast %add3A_520 : i32 to index
        %swap3A_601 = arith.constant 80 : index
        %swap3A_602 = tpu.vector_load %arg10[%swap3A_599, %swap3A_600, %swap3A_601] {strides = array<i32>} : memref<2x128x128xf32, #tpu.memory_space<vmem>>, vector<1x1x16xf32>,
        %swap3A_603 = vector.shape_cast %swap3A_602 : vector<1x1x16xf32> to vector<16xf32>
        %swap3A_604 = vector.shape_cast %mul3A_597 : vector<16xf32> to vector<1x1x16xf32>
        tpu.vector_store %arg10[%swap3A_599, %swap3A_600, %swap3A_601], %swap3A_604 {strides = array<i32>} : memref<2x128x128xf32, #tpu.memory_space<vmem>>, vector<1x1x16xf32>,
        %get3A_605 = arith.constant 0 : i32
        %get3A_606 = arith.index_cast %get3A_605 : i32 to index
        %get3A_607 = arith.index_cast %add3A_520 : i32 to index
        %get3A_608 = arith.constant 96 : index
        %get3A_609 = tpu.vector_load %arg10[%get3A_606, %get3A_607, %get3A_608] {strides = array<i32>} : memref<2x128x128xf32, #tpu.memory_space<vmem>>, vector<1x1x16xf32>,
        %get3A_610 = vector.shape_cast %get3A_609 : vector<1x1x16xf32> to vector<16xf32>
        %mul3A_611 = arith.mulf %get3A_610, %gather3A_516 : vector<16xf32>
        %swap3A_612 = arith.constant 0 : i32
        %swap3A_613 = arith.index_cast %swap3A_612 : i32 to index
        %swap3A_614 = arith.index_cast %add3A_520 : i32 to index
        %swap3A_615 = arith.constant 96 : index
        %swap3A_616 = tpu.vector_load %arg10[%swap3A_613, %swap3A_614, %swap3A_615] {strides = array<i32>} : memref<2x128x128xf32, #tpu.memory_space<vmem>>, vector<1x1x16xf32>,
        %swap3A_617 = vector.shape_cast %swap3A_616 : vector<1x1x16xf32> to vector<16xf32>
        %swap3A_618 = vector.shape_cast %mul3A_611 : vector<16xf32> to vector<1x1x16xf32>
        tpu.vector_store %arg10[%swap3A_613, %swap3A_614, %swap3A_615], %swap3A_618 {strides = array<i32>} : memref<2x128x128xf32, #tpu.memory_space<vmem>>, vector<1x1x16xf32>,
        %get3A_619 = arith.constant 0 : i32
        %get3A_620 = arith.index_cast %get3A_619 : i32 to index
        %get3A_621 = arith.index_cast %add3A_520 : i32 to index
        %get3A_622 = arith.constant 112 : index
        %get3A_623 = tpu.vector_load %arg10[%get3A_620, %get3A_621, %get3A_622] {strides = array<i32>} : memref<2x128x128xf32, #tpu.memory_space<vmem>>, vector<1x1x16xf32>,
        %get3A_624 = vector.shape_cast %get3A_623 : vector<1x1x16xf32> to vector<16xf32>
        %mul3A_625 = arith.mulf %get3A_624, %gather3A_516 : vector<16xf32>
        %swap3A_626 = arith.constant 0 : i32
        %swap3A_627 = arith.index_cast %swap3A_626 : i32 to index
        %swap3A_628 = arith.index_cast %add3A_520 : i32 to index
        %swap3A_629 = arith.constant 112 : index
        %swap3A_630 = tpu.vector_load %arg10[%swap3A_627, %swap3A_628, %swap3A_629] {strides = array<i32>} : memref<2x128x128xf32, #tpu.memory_space<vmem>>, vector<1x1x16xf32>,
        %swap3A_631 = vector.shape_cast %swap3A_630 : vector<1x1x16xf32> to vector<16xf32>
        %swap3A_632 = vector.shape_cast %mul3A_625 : vector<16xf32> to vector<1x1x16xf32>
        tpu.vector_store %arg10[%swap3A_627, %swap3A_628, %swap3A_629], %swap3A_632 {strides = array<i32>} : memref<2x128x128xf32, #tpu.memory_space<vmem>>, vector<1x1x16xf32>,
        %broadcast_in_dim3A_633 = arith.constant 4 : i32
        %broadcast_in_dim3A_634 = vector.broadcast %broadcast_in_dim3A_633 : i32 to vector<16x1xi32>
        %gather3A_635 = vector.shape_cast %broadcast_in_dim3A_634 : vector<16x1xi32> to vector<16xi32>
        %gather3A_636 = tpu.dynamic_gather %get3A_155[%gather3A_635] in [0] : vector<16xf32>, vector<16xi32> -> vector<16xf32>
        %mul3A_637 = arith.constant 16 : i32
        %mul3A_638 = arith.muli %scan3A_149, %mul3A_637 : i32
        %add3A_639 = arith.constant 4 : i32
        %add3A_640 = arith.addi %mul3A_638, %add3A_639 : i32
        %get3A_641 = arith.constant 0 : i32
        %get3A_642 = arith.index_cast %get3A_641 : i32 to index
        %get3A_643 = arith.index_cast %add3A_640 : i32 to index
        %get3A_644 = arith.constant 0 : index
        %get3A_645 = tpu.vector_load %arg10[%get3A_642, %get3A_643, %get3A_644] {strides = array<i32>} : memref<2x128x128xf32, #tpu.memory_space<vmem>>, vector<1x1x16xf32>,
        %get3A_646 = vector.shape_cast %get3A_645 : vector<1x1x16xf32> to vector<16xf32>
        %mul3A_647 = arith.mulf %get3A_646, %gather3A_636 : vector<16xf32>
        %swap3A_648 = arith.constant 0 : i32
        %swap3A_649 = arith.index_cast %swap3A_648 : i32 to index
        %swap3A_650 = arith.index_cast %add3A_640 : i32 to index
        %swap3A_651 = arith.constant 0 : index
        %swap3A_652 = tpu.vector_load %arg10[%swap3A_649, %swap3A_650, %swap3A_651] {strides = array<i32>} : memref<2x128x128xf32, #tpu.memory_space<vmem>>, vector<1x1x16xf32>,
        %swap3A_653 = vector.shape_cast %swap3A_652 : vector<1x1x16xf32> to vector<16xf32>
        %swap3A_654 = vector.shape_cast %mul3A_647 : vector<16xf32> to vector<1x1x16xf32>
        tpu.vector_store %arg10[%swap3A_649, %swap3A_650, %swap3A_651], %swap3A_654 {strides = array<i32>} : memref<2x128x128xf32, #tpu.memory_space<vmem>>, vector<1x1x16xf32>,
        %get3A_655 = arith.constant 0 : i32
        %get3A_656 = arith.index_cast %get3A_655 : i32 to index
        %get3A_657 = arith.index_cast %add3A_640 : i32 to index
        %get3A_658 = arith.constant 16 : index
        %get3A_659 = tpu.vector_load %arg10[%get3A_656, %get3A_657, %get3A_658] {strides = array<i32>} : memref<2x128x128xf32, #tpu.memory_space<vmem>>, vector<1x1x16xf32>,
        %get3A_660 = vector.shape_cast %get3A_659 : vector<1x1x16xf32> to vector<16xf32>
        %mul3A_661 = arith.mulf %get3A_660, %gather3A_636 : vector<16xf32>
        %swap3A_662 = arith.constant 0 : i32
        %swap3A_663 = arith.index_cast %swap3A_662 : i32 to index
        %swap3A_664 = arith.index_cast %add3A_640 : i32 to index
        %swap3A_665 = arith.constant 16 : index
        %swap3A_666 = tpu.vector_load %arg10[%swap3A_663, %swap3A_664, %swap3A_665] {strides = array<i32>} : memref<2x128x128xf32, #tpu.memory_space<vmem>>, vector<1x1x16xf32>,
        %swap3A_667 = vector.shape_cast %swap3A_666 : vector<1x1x16xf32> to vector<16xf32>
        %swap3A_668 = vector.shape_cast %mul3A_661 : vector<16xf32> to vector<1x1x16xf32>
        tpu.vector_store %arg10[%swap3A_663, %swap3A_664, %swap3A_665], %swap3A_668 {strides = array<i32>} : memref<2x128x128xf32, #tpu.memory_space<vmem>>, vector<1x1x16xf32>,
        %get3A_669 = arith.constant 0 : i32
        %get3A_670 = arith.index_cast %get3A_669 : i32 to index
        %get3A_671 = arith.index_cast %add3A_640 : i32 to index
        %get3A_672 = arith.constant 32 : index
        %get3A_673 = tpu.vector_load %arg10[%get3A_670, %get3A_671, %get3A_672] {strides = array<i32>} : memref<2x128x128xf32, #tpu.memory_space<vmem>>, vector<1x1x16xf32>,
        %get3A_674 = vector.shape_cast %get3A_673 : vector<1x1x16xf32> to vector<16xf32>
        %mul3A_675 = arith.mulf %get3A_674, %gather3A_636 : vector<16xf32>
        %swap3A_676 = arith.constant 0 : i32
        %swap3A_677 = arith.index_cast %swap3A_676 : i32 to index
        %swap3A_678 = arith.index_cast %add3A_640 : i32 to index
        %swap3A_679 = arith.constant 32 : index
        %swap3A_680 = tpu.vector_load %arg10[%swap3A_677, %swap3A_678, %swap3A_679] {strides = array<i32>} : memref<2x128x128xf32, #tpu.memory_space<vmem>>, vector<1x1x16xf32>,
        %swap3A_681 = vector.shape_cast %swap3A_680 : vector<1x1x16xf32> to vector<16xf32>
        %swap3A_682 = vector.shape_cast %mul3A_675 : vector<16xf32> to vector<1x1x16xf32>
        tpu.vector_store %arg10[%swap3A_677, %swap3A_678, %swap3A_679], %swap3A_682 {strides = array<i32>} : memref<2x128x128xf32, #tpu.memory_space<vmem>>, vector<1x1x16xf32>,
        %get3A_683 = arith.constant 0 : i32
        %get3A_684 = arith.index_cast %get3A_683 : i32 to index
        %get3A_685 = arith.index_cast %add3A_640 : i32 to index
        %get3A_686 = arith.constant 48 : index
        %get3A_687 = tpu.vector_load %arg10[%get3A_684, %get3A_685, %get3A_686] {strides = array<i32>} : memref<2x128x128xf32, #tpu.memory_space<vmem>>, vector<1x1x16xf32>,
        %get3A_688 = vector.shape_cast %get3A_687 : vector<1x1x16xf32> to vector<16xf32>
        %mul3A_689 = arith.mulf %get3A_688, %gather3A_636 : vector<16xf32>
        %swap3A_690 = arith.constant 0 : i32
        %swap3A_691 = arith.index_cast %swap3A_690 : i32 to index
        %swap3A_692 = arith.index_cast %add3A_640 : i32 to index
        %swap3A_693 = arith.constant 48 : index
        %swap3A_694 = tpu.vector_load %arg10[%swap3A_691, %swap3A_692, %swap3A_693] {strides = array<i32>} : memref<2x128x128xf32, #tpu.memory_space<vmem>>, vector<1x1x16xf32>,
        %swap3A_695 = vector.shape_cast %swap3A_694 : vector<1x1x16xf32> to vector<16xf32>
        %swap3A_696 = vector.shape_cast %mul3A_689 : vector<16xf32> to vector<1x1x16xf32>
        tpu.vector_store %arg10[%swap3A_691, %swap3A_692, %swap3A_693], %swap3A_696 {strides = array<i32>} : memref<2x128x128xf32, #tpu.memory_space<vmem>>, vector<1x1x16xf32>,
        %get3A_697 = arith.constant 0 : i32
        %get3A_698 = arith.index_cast %get3A_697 : i32 to index
        %get3A_699 = arith.index_cast %add3A_640 : i32 to index
        %get3A_700 = arith.constant 64 : index
        %get3A_701 = tpu.vector_load %arg10[%get3A_698, %get3A_699, %get3A_700] {strides = array<i32>} : memref<2x128x128xf32, #tpu.memory_space<vmem>>, vector<1x1x16xf32>,
        %get3A_702 = vector.shape_cast %get3A_701 : vector<1x1x16xf32> to vector<16xf32>
        %mul3A_703 = arith.mulf %get3A_702, %gather3A_636 : vector<16xf32>
        %swap3A_704 = arith.constant 0 : i32
        %swap3A_705 = arith.index_cast %swap3A_704 : i32 to index
        %swap3A_706 = arith.index_cast %add3A_640 : i32 to index
        %swap3A_707 = arith.constant 64 : index
        %swap3A_708 = tpu.vector_load %arg10[%swap3A_705, %swap3A_706, %swap3A_707] {strides = array<i32>} : memref<2x128x128xf32, #tpu.memory_space<vmem>>, vector<1x1x16xf32>,
        %swap3A_709 = vector.shape_cast %swap3A_708 : vector<1x1x16xf32> to vector<16xf32>
        %swap3A_710 = vector.shape_cast %mul3A_703 : vector<16xf32> to vector<1x1x16xf32>
        tpu.vector_store %arg10[%swap3A_705, %swap3A_706, %swap3A_707], %swap3A_710 {strides = array<i32>} : memref<2x128x128xf32, #tpu.memory_space<vmem>>, vector<1x1x16xf32>,
        %get3A_711 = arith.constant 0 : i32
        %get3A_712 = arith.index_cast %get3A_711 : i32 to index
        %get3A_713 = arith.index_cast %add3A_640 : i32 to index
        %get3A_714 = arith.constant 80 : index
        %get3A_715 = tpu.vector_load %arg10[%get3A_712, %get3A_713, %get3A_714] {strides = array<i32>} : memref<2x128x128xf32, #tpu.memory_space<vmem>>, vector<1x1x16xf32>,
        %get3A_716 = vector.shape_cast %get3A_715 : vector<1x1x16xf32> to vector<16xf32>
        %mul3A_717 = arith.mulf %get3A_716, %gather3A_636 : vector<16xf32>
        %swap3A_718 = arith.constant 0 : i32
        %swap3A_719 = arith.index_cast %swap3A_718 : i32 to index
        %swap3A_720 = arith.index_cast %add3A_640 : i32 to index
        %swap3A_721 = arith.constant 80 : index
        %swap3A_722 = tpu.vector_load %arg10[%swap3A_719, %swap3A_720, %swap3A_721] {strides = array<i32>} : memref<2x128x128xf32, #tpu.memory_space<vmem>>, vector<1x1x16xf32>,
        %swap3A_723 = vector.shape_cast %swap3A_722 : vector<1x1x16xf32> to vector<16xf32>
        %swap3A_724 = vector.shape_cast %mul3A_717 : vector<16xf32> to vector<1x1x16xf32>
        tpu.vector_store %arg10[%swap3A_719, %swap3A_720, %swap3A_721], %swap3A_724 {strides = array<i32>} : memref<2x128x128xf32, #tpu.memory_space<vmem>>, vector<1x1x16xf32>,
        %get3A_725 = arith.constant 0 : i32
        %get3A_726 = arith.index_cast %get3A_725 : i32 to index
        %get3A_727 = arith.index_cast %add3A_640 : i32 to index
        %get3A_728 = arith.constant 96 : index
        %get3A_729 = tpu.vector_load %arg10[%get3A_726, %get3A_727, %get3A_728] {strides = array<i32>} : memref<2x128x128xf32, #tpu.memory_space<vmem>>, vector<1x1x16xf32>,
        %get3A_730 = vector.shape_cast %get3A_729 : vector<1x1x16xf32> to vector<16xf32>
        %mul3A_731 = arith.mulf %get3A_730, %gather3A_636 : vector<16xf32>
        %swap3A_732 = arith.constant 0 : i32
        %swap3A_733 = arith.index_cast %swap3A_732 : i32 to index
        %swap3A_734 = arith.index_cast %add3A_640 : i32 to index
        %swap3A_735 = arith.constant 96 : index
        %swap3A_736 = tpu.vector_load %arg10[%swap3A_733, %swap3A_734, %swap3A_735] {strides = array<i32>} : memref<2x128x128xf32, #tpu.memory_space<vmem>>, vector<1x1x16xf32>,
        %swap3A_737 = vector.shape_cast %swap3A_736 : vector<1x1x16xf32> to vector<16xf32>
        %swap3A_738 = vector.shape_cast %mul3A_731 : vector<16xf32> to vector<1x1x16xf32>
        tpu.vector_store %arg10[%swap3A_733, %swap3A_734, %swap3A_735], %swap3A_738 {strides = array<i32>} : memref<2x128x128xf32, #tpu.memory_space<vmem>>, vector<1x1x16xf32>,
        %get3A_739 = arith.constant 0 : i32
        %get3A_740 = arith.index_cast %get3A_739 : i32 to index
        %get3A_741 = arith.index_cast %add3A_640 : i32 to index
        %get3A_742 = arith.constant 112 : index
        %get3A_743 = tpu.vector_load %arg10[%get3A_740, %get3A_741, %get3A_742] {strides = array<i32>} : memref<2x128x128xf32, #tpu.memory_space<vmem>>, vector<1x1x16xf32>,
        %get3A_744 = vector.shape_cast %get3A_743 : vector<1x1x16xf32> to vector<16xf32>
        %mul3A_745 = arith.mulf %get3A_744, %gather3A_636 : vector<16xf32>
        %swap3A_746 = arith.constant 0 : i32
        %swap3A_747 = arith.index_cast %swap3A_746 : i32 to index
        %swap3A_748 = arith.index_cast %add3A_640 : i32 to index
        %swap3A_749 = arith.constant 112 : index
        %swap3A_750 = tpu.vector_load %arg10[%swap3A_747, %swap3A_748, %swap3A_749] {strides = array<i32>} : memref<2x128x128xf32, #tpu.memory_space<vmem>>, vector<1x1x16xf32>,
        %swap3A_751 = vector.shape_cast %swap3A_750 : vector<1x1x16xf32> to vector<16xf32>
        %swap3A_752 = vector.shape_cast %mul3A_745 : vector<16xf32> to vector<1x1x16xf32>
        tpu.vector_store %arg10[%swap3A_747, %swap3A_748, %swap3A_749], %swap3A_752 {strides = array<i32>} : memref<2x128x128xf32, #tpu.memory_space<vmem>>, vector<1x1x16xf32>,
        %broadcast_in_dim3A_753 = arith.constant 5 : i32
        %broadcast_in_dim3A_754 = vector.broadcast %broadcast_in_dim3A_753 : i32 to vector<16x1xi32>
        %gather3A_755 = vector.shape_cast %broadcast_in_dim3A_754 : vector<16x1xi32> to vector<16xi32>
        %gather3A_756 = tpu.dynamic_gather %get3A_155[%gather3A_755] in [0] : vector<16xf32>, vector<16xi32> -> vector<16xf32>
        %mul3A_757 = arith.constant 16 : i32
        %mul3A_758 = arith.muli %scan3A_149, %mul3A_757 : i32
        %add3A_759 = arith.constant 5 : i32
        %add3A_760 = arith.addi %mul3A_758, %add3A_759 : i32
        %get3A_761 = arith.constant 0 : i32
        %get3A_762 = arith.index_cast %get3A_761 : i32 to index
        %get3A_763 = arith.index_cast %add3A_760 : i32 to index
        %get3A_764 = arith.constant 0 : index
        %get3A_765 = tpu.vector_load %arg10[%get3A_762, %get3A_763, %get3A_764] {strides = array<i32>} : memref<2x128x128xf32, #tpu.memory_space<vmem>>, vector<1x1x16xf32>,
        %get3A_766 = vector.shape_cast %get3A_765 : vector<1x1x16xf32> to vector<16xf32>
        %mul3A_767 = arith.mulf %get3A_766, %gather3A_756 : vector<16xf32>
        %swap3A_768 = arith.constant 0 : i32
        %swap3A_769 = arith.index_cast %swap3A_768 : i32 to index
        %swap3A_770 = arith.index_cast %add3A_760 : i32 to index
        %swap3A_771 = arith.constant 0 : index
        %swap3A_772 = tpu.vector_load %arg10[%swap3A_769, %swap3A_770, %swap3A_771] {strides = array<i32>} : memref<2x128x128xf32, #tpu.memory_space<vmem>>, vector<1x1x16xf32>,
        %swap3A_773 = vector.shape_cast %swap3A_772 : vector<1x1x16xf32> to vector<16xf32>
        %swap3A_774 = vector.shape_cast %mul3A_767 : vector<16xf32> to vector<1x1x16xf32>
        tpu.vector_store %arg10[%swap3A_769, %swap3A_770, %swap3A_771], %swap3A_774 {strides = array<i32>} : memref<2x128x128xf32, #tpu.memory_space<vmem>>, vector<1x1x16xf32>,
        %get3A_775 = arith.constant 0 : i32
        %get3A_776 = arith.index_cast %get3A_775 : i32 to index
        %get3A_777 = arith.index_cast %add3A_760 : i32 to index
        %get3A_778 = arith.constant 16 : index
        %get3A_779 = tpu.vector_load %arg10[%get3A_776, %get3A_777, %get3A_778] {strides = array<i32>} : memref<2x128x128xf32, #tpu.memory_space<vmem>>, vector<1x1x16xf32>,
        %get3A_780 = vector.shape_cast %get3A_779 : vector<1x1x16xf32> to vector<16xf32>
        %mul3A_781 = arith.mulf %get3A_780, %gather3A_756 : vector<16xf32>
        %swap3A_782 = arith.constant 0 : i32
        %swap3A_783 = arith.index_cast %swap3A_782 : i32 to index
        %swap3A_784 = arith.index_cast %add3A_760 : i32 to index
        %swap3A_785 = arith.constant 16 : index
        %swap3A_786 = tpu.vector_load %arg10[%swap3A_783, %swap3A_784, %swap3A_785] {strides = array<i32>} : memref<2x128x128xf32, #tpu.memory_space<vmem>>, vector<1x1x16xf32>,
        %swap3A_787 = vector.shape_cast %swap3A_786 : vector<1x1x16xf32> to vector<16xf32>
        %swap3A_788 = vector.shape_cast %mul3A_781 : vector<16xf32> to vector<1x1x16xf32>
        tpu.vector_store %arg10[%swap3A_783, %swap3A_784, %swap3A_785], %swap3A_788 {strides = array<i32>} : memref<2x128x128xf32, #tpu.memory_space<vmem>>, vector<1x1x16xf32>,
        %get3A_789 = arith.constant 0 : i32
        %get3A_790 = arith.index_cast %get3A_789 : i32 to index
        %get3A_791 = arith.index_cast %add3A_760 : i32 to index
        %get3A_792 = arith.constant 32 : index
        %get3A_793 = tpu.vector_load %arg10[%get3A_790, %get3A_791, %get3A_792] {strides = array<i32>} : memref<2x128x128xf32, #tpu.memory_space<vmem>>, vector<1x1x16xf32>,
        %get3A_794 = vector.shape_cast %get3A_793 : vector<1x1x16xf32> to vector<16xf32>
        %mul3A_795 = arith.mulf %get3A_794, %gather3A_756 : vector<16xf32>
        %swap3A_796 = arith.constant 0 : i32
        %swap3A_797 = arith.index_cast %swap3A_796 : i32 to index
        %swap3A_798 = arith.index_cast %add3A_760 : i32 to index
        %swap3A_799 = arith.constant 32 : index
        %swap3A_800 = tpu.vector_load %arg10[%swap3A_797, %swap3A_798, %swap3A_799] {strides = array<i32>} : memref<2x128x128xf32, #tpu.memory_space<vmem>>, vector<1x1x16xf32>,
        %swap3A_801 = vector.shape_cast %swap3A_800 : vector<1x1x16xf32> to vector<16xf32>
        %swap3A_802 = vector.shape_cast %mul3A_795 : vector<16xf32> to vector<1x1x16xf32>
        tpu.vector_store %arg10[%swap3A_797, %swap3A_798, %swap3A_799], %swap3A_802 {strides = array<i32>} : memref<2x128x128xf32, #tpu.memory_space<vmem>>, vector<1x1x16xf32>,
        %get3A_803 = arith.constant 0 : i32
        %get3A_804 = arith.index_cast %get3A_803 : i32 to index
        %get3A_805 = arith.index_cast %add3A_760 : i32 to index
        %get3A_806 = arith.constant 48 : index
        %get3A_807 = tpu.vector_load %arg10[%get3A_804, %get3A_805, %get3A_806] {strides = array<i32>} : memref<2x128x128xf32, #tpu.memory_space<vmem>>, vector<1x1x16xf32>,
        %get3A_808 = vector.shape_cast %get3A_807 : vector<1x1x16xf32> to vector<16xf32>
        %mul3A_809 = arith.mulf %get3A_808, %gather3A_756 : vector<16xf32>
        %swap3A_810 = arith.constant 0 : i32
        %swap3A_811 = arith.index_cast %swap3A_810 : i32 to index
        %swap3A_812 = arith.index_cast %add3A_760 : i32 to index
        %swap3A_813 = arith.constant 48 : index
        %swap3A_814 = tpu.vector_load %arg10[%swap3A_811, %swap3A_812, %swap3A_813] {strides = array<i32>} : memref<2x128x128xf32, #tpu.memory_space<vmem>>, vector<1x1x16xf32>,
        %swap3A_815 = vector.shape_cast %swap3A_814 : vector<1x1x16xf32> to vector<16xf32>
        %swap3A_816 = vector.shape_cast %mul3A_809 : vector<16xf32> to vector<1x1x16xf32>
        tpu.vector_store %arg10[%swap3A_811, %swap3A_812, %swap3A_813], %swap3A_816 {strides = array<i32>} : memref<2x128x128xf32, #tpu.memory_space<vmem>>, vector<1x1x16xf32>,
        %get3A_817 = arith.constant 0 : i32
        %get3A_818 = arith.index_cast %get3A_817 : i32 to index
        %get3A_819 = arith.index_cast %add3A_760 : i32 to index
        %get3A_820 = arith.constant 64 : index
        %get3A_821 = tpu.vector_load %arg10[%get3A_818, %get3A_819, %get3A_820] {strides = array<i32>} : memref<2x128x128xf32, #tpu.memory_space<vmem>>, vector<1x1x16xf32>,
        %get3A_822 = vector.shape_cast %get3A_821 : vector<1x1x16xf32> to vector<16xf32>
        %mul3A_823 = arith.mulf %get3A_822, %gather3A_756 : vector<16xf32>
        %swap3A_824 = arith.constant 0 : i32
        %swap3A_825 = arith.index_cast %swap3A_824 : i32 to index
        %swap3A_826 = arith.index_cast %add3A_760 : i32 to index
        %swap3A_827 = arith.constant 64 : index
        %swap3A_828 = tpu.vector_load %arg10[%swap3A_825, %swap3A_826, %swap3A_827] {strides = array<i32>} : memref<2x128x128xf32, #tpu.memory_space<vmem>>, vector<1x1x16xf32>,
        %swap3A_829 = vector.shape_cast %swap3A_828 : vector<1x1x16xf32> to vector<16xf32>
        %swap3A_830 = vector.shape_cast %mul3A_823 : vector<16xf32> to vector<1x1x16xf32>
        tpu.vector_store %arg10[%swap3A_825, %swap3A_826, %swap3A_827], %swap3A_830 {strides = array<i32>} : memref<2x128x128xf32, #tpu.memory_space<vmem>>, vector<1x1x16xf32>,
        %get3A_831 = arith.constant 0 : i32
        %get3A_832 = arith.index_cast %get3A_831 : i32 to index
        %get3A_833 = arith.index_cast %add3A_760 : i32 to index
        %get3A_834 = arith.constant 80 : index
        %get3A_835 = tpu.vector_load %arg10[%get3A_832, %get3A_833, %get3A_834] {strides = array<i32>} : memref<2x128x128xf32, #tpu.memory_space<vmem>>, vector<1x1x16xf32>,
        %get3A_836 = vector.shape_cast %get3A_835 : vector<1x1x16xf32> to vector<16xf32>
        %mul3A_837 = arith.mulf %get3A_836, %gather3A_756 : vector<16xf32>
        %swap3A_838 = arith.constant 0 : i32
        %swap3A_839 = arith.index_cast %swap3A_838 : i32 to index
        %swap3A_840 = arith.index_cast %add3A_760 : i32 to index
        %swap3A_841 = arith.constant 80 : index
        %swap3A_842 = tpu.vector_load %arg10[%swap3A_839, %swap3A_840, %swap3A_841] {strides = array<i32>} : memref<2x128x128xf32, #tpu.memory_space<vmem>>, vector<1x1x16xf32>,
        %swap3A_843 = vector.shape_cast %swap3A_842 : vector<1x1x16xf32> to vector<16xf32>
        %swap3A_844 = vector.shape_cast %mul3A_837 : vector<16xf32> to vector<1x1x16xf32>
        tpu.vector_store %arg10[%swap3A_839, %swap3A_840, %swap3A_841], %swap3A_844 {strides = array<i32>} : memref<2x128x128xf32, #tpu.memory_space<vmem>>, vector<1x1x16xf32>,
        %get3A_845 = arith.constant 0 : i32
        %get3A_846 = arith.index_cast %get3A_845 : i32 to index
        %get3A_847 = arith.index_cast %add3A_760 : i32 to index
        %get3A_848 = arith.constant 96 : index
        %get3A_849 = tpu.vector_load %arg10[%get3A_846, %get3A_847, %get3A_848] {strides = array<i32>} : memref<2x128x128xf32, #tpu.memory_space<vmem>>, vector<1x1x16xf32>,
        %get3A_850 = vector.shape_cast %get3A_849 : vector<1x1x16xf32> to vector<16xf32>
        %mul3A_851 = arith.mulf %get3A_850, %gather3A_756 : vector<16xf32>
        %swap3A_852 = arith.constant 0 : i32
        %swap3A_853 = arith.index_cast %swap3A_852 : i32 to index
        %swap3A_854 = arith.index_cast %add3A_760 : i32 to index
        %swap3A_855 = arith.constant 96 : index
        %swap3A_856 = tpu.vector_load %arg10[%swap3A_853, %swap3A_854, %swap3A_855] {strides = array<i32>} : memref<2x128x128xf32, #tpu.memory_space<vmem>>, vector<1x1x16xf32>,
        %swap3A_857 = vector.shape_cast %swap3A_856 : vector<1x1x16xf32> to vector<16xf32>
        %swap3A_858 = vector.shape_cast %mul3A_851 : vector<16xf32> to vector<1x1x16xf32>
        tpu.vector_store %arg10[%swap3A_853, %swap3A_854, %swap3A_855], %swap3A_858 {strides = array<i32>} : memref<2x128x128xf32, #tpu.memory_space<vmem>>, vector<1x1x16xf32>,
        %get3A_859 = arith.constant 0 : i32
        %get3A_860 = arith.index_cast %get3A_859 : i32 to index
        %get3A_861 = arith.index_cast %add3A_760 : i32 to index
        %get3A_862 = arith.constant 112 : index
        %get3A_863 = tpu.vector_load %arg10[%get3A_860, %get3A_861, %get3A_862] {strides = array<i32>} : memref<2x128x128xf32, #tpu.memory_space<vmem>>, vector<1x1x16xf32>,
        %get3A_864 = vector.shape_cast %get3A_863 : vector<1x1x16xf32> to vector<16xf32>
        %mul3A_865 = arith.mulf %get3A_864, %gather3A_756 : vector<16xf32>
        %swap3A_866 = arith.constant 0 : i32
        %swap3A_867 = arith.index_cast %swap3A_866 : i32 to index
        %swap3A_868 = arith.index_cast %add3A_760 : i32 to index
        %swap3A_869 = arith.constant 112 : index
        %swap3A_870 = tpu.vector_load %arg10[%swap3A_867, %swap3A_868, %swap3A_869] {strides = array<i32>} : memref<2x128x128xf32, #tpu.memory_space<vmem>>, vector<1x1x16xf32>,
        %swap3A_871 = vector.shape_cast %swap3A_870 : vector<1x1x16xf32> to vector<16xf32>
        %swap3A_872 = vector.shape_cast %mul3A_865 : vector<16xf32> to vector<1x1x16xf32>
        tpu.vector_store %arg10[%swap3A_867, %swap3A_868, %swap3A_869], %swap3A_872 {strides = array<i32>} : memref<2x128x128xf32, #tpu.memory_space<vmem>>, vector<1x1x16xf32>,
        %broadcast_in_dim3A_873 = arith.constant 6 : i32
        %broadcast_in_dim3A_874 = vector.broadcast %broadcast_in_dim3A_873 : i32 to vector<16x1xi32>
        %gather3A_875 = vector.shape_cast %broadcast_in_dim3A_874 : vector<16x1xi32> to vector<16xi32>
        %gather3A_876 = tpu.dynamic_gather %get3A_155[%gather3A_875] in [0] : vector<16xf32>, vector<16xi32> -> vector<16xf32>
        %mul3A_877 = arith.constant 16 : i32
        %mul3A_878 = arith.muli %scan3A_149, %mul3A_877 : i32
        %add3A_879 = arith.constant 6 : i32
        %add3A_880 = arith.addi %mul3A_878, %add3A_879 : i32
        %get3A_881 = arith.constant 0 : i32
        %get3A_882 = arith.index_cast %get3A_881 : i32 to index
        %get3A_883 = arith.index_cast %add3A_880 : i32 to index
        %get3A_884 = arith.constant 0 : index
        %get3A_885 = tpu.vector_load %arg10[%get3A_882, %get3A_883, %get3A_884] {strides = array<i32>} : memref<2x128x128xf32, #tpu.memory_space<vmem>>, vector<1x1x16xf32>,
        %get3A_886 = vector.shape_cast %get3A_885 : vector<1x1x16xf32> to vector<16xf32>
        %mul3A_887 = arith.mulf %get3A_886, %gather3A_876 : vector<16xf32>
        %swap3A_888 = arith.constant 0 : i32
        %swap3A_889 = arith.index_cast %swap3A_888 : i32 to index
        %swap3A_890 = arith.index_cast %add3A_880 : i32 to index
        %swap3A_891 = arith.constant 0 : index
        %swap3A_892 = tpu.vector_load %arg10[%swap3A_889, %swap3A_890, %swap3A_891] {strides = array<i32>} : memref<2x128x128xf32, #tpu.memory_space<vmem>>, vector<1x1x16xf32>,
        %swap3A_893 = vector.shape_cast %swap3A_892 : vector<1x1x16xf32> to vector<16xf32>
        %swap3A_894 = vector.shape_cast %mul3A_887 : vector<16xf32> to vector<1x1x16xf32>
        tpu.vector_store %arg10[%swap3A_889, %swap3A_890, %swap3A_891], %swap3A_894 {strides = array<i32>} : memref<2x128x128xf32, #tpu.memory_space<vmem>>, vector<1x1x16xf32>,
        %get3A_895 = arith.constant 0 : i32
        %get3A_896 = arith.index_cast %get3A_895 : i32 to index
        %get3A_897 = arith.index_cast %add3A_880 : i32 to index
        %get3A_898 = arith.constant 16 : index
        %get3A_899 = tpu.vector_load %arg10[%get3A_896, %get3A_897, %get3A_898] {strides = array<i32>} : memref<2x128x128xf32, #tpu.memory_space<vmem>>, vector<1x1x16xf32>,
        %get3A_900 = vector.shape_cast %get3A_899 : vector<1x1x16xf32> to vector<16xf32>
        %mul3A_901 = arith.mulf %get3A_900, %gather3A_876 : vector<16xf32>
        %swap3A_902 = arith.constant 0 : i32
        %swap3A_903 = arith.index_cast %swap3A_902 : i32 to index
        %swap3A_904 = arith.index_cast %add3A_880 : i32 to index
        %swap3A_905 = arith.constant 16 : index
        %swap3A_906 = tpu.vector_load %arg10[%swap3A_903, %swap3A_904, %swap3A_905] {strides = array<i32>} : memref<2x128x128xf32, #tpu.memory_space<vmem>>, vector<1x1x16xf32>,
        %swap3A_907 = vector.shape_cast %swap3A_906 : vector<1x1x16xf32> to vector<16xf32>
        %swap3A_908 = vector.shape_cast %mul3A_901 : vector<16xf32> to vector<1x1x16xf32>
        tpu.vector_store %arg10[%swap3A_903, %swap3A_904, %swap3A_905], %swap3A_908 {strides = array<i32>} : memref<2x128x128xf32, #tpu.memory_space<vmem>>, vector<1x1x16xf32>,
        %get3A_909 = arith.constant 0 : i32
        %get3A_910 = arith.index_cast %get3A_909 : i32 to index
        %get3A_911 = arith.index_cast %add3A_880 : i32 to index
        %get3A_912 = arith.constant 32 : index
        %get3A_913 = tpu.vector_load %arg10[%get3A_910, %get3A_911, %get3A_912] {strides = array<i32>} : memref<2x128x128xf32, #tpu.memory_space<vmem>>, vector<1x1x16xf32>,
        %get3A_914 = vector.shape_cast %get3A_913 : vector<1x1x16xf32> to vector<16xf32>
        %mul3A_915 = arith.mulf %get3A_914, %gather3A_876 : vector<16xf32>
        %swap3A_916 = arith.constant 0 : i32
        %swap3A_917 = arith.index_cast %swap3A_916 : i32 to index
        %swap3A_918 = arith.index_cast %add3A_880 : i32 to index
        %swap3A_919 = arith.constant 32 : index
        %swap3A_920 = tpu.vector_load %arg10[%swap3A_917, %swap3A_918, %swap3A_919] {strides = array<i32>} : memref<2x128x128xf32, #tpu.memory_space<vmem>>, vector<1x1x16xf32>,
        %swap3A_921 = vector.shape_cast %swap3A_920 : vector<1x1x16xf32> to vector<16xf32>
        %swap3A_922 = vector.shape_cast %mul3A_915 : vector<16xf32> to vector<1x1x16xf32>
        tpu.vector_store %arg10[%swap3A_917, %swap3A_918, %swap3A_919], %swap3A_922 {strides = array<i32>} : memref<2x128x128xf32, #tpu.memory_space<vmem>>, vector<1x1x16xf32>,
        %get3A_923 = arith.constant 0 : i32
        %get3A_924 = arith.index_cast %get3A_923 : i32 to index
        %get3A_925 = arith.index_cast %add3A_880 : i32 to index
        %get3A_926 = arith.constant 48 : index
        %get3A_927 = tpu.vector_load %arg10[%get3A_924, %get3A_925, %get3A_926] {strides = array<i32>} : memref<2x128x128xf32, #tpu.memory_space<vmem>>, vector<1x1x16xf32>,
        %get3A_928 = vector.shape_cast %get3A_927 : vector<1x1x16xf32> to vector<16xf32>
        %mul3A_929 = arith.mulf %get3A_928, %gather3A_876 : vector<16xf32>
        %swap3A_930 = arith.constant 0 : i32
        %swap3A_931 = arith.index_cast %swap3A_930 : i32 to index
        %swap3A_932 = arith.index_cast %add3A_880 : i32 to index
        %swap3A_933 = arith.constant 48 : index
        %swap3A_934 = tpu.vector_load %arg10[%swap3A_931, %swap3A_932, %swap3A_933] {strides = array<i32>} : memref<2x128x128xf32, #tpu.memory_space<vmem>>, vector<1x1x16xf32>,
        %swap3A_935 = vector.shape_cast %swap3A_934 : vector<1x1x16xf32> to vector<16xf32>
        %swap3A_936 = vector.shape_cast %mul3A_929 : vector<16xf32> to vector<1x1x16xf32>
        tpu.vector_store %arg10[%swap3A_931, %swap3A_932, %swap3A_933], %swap3A_936 {strides = array<i32>} : memref<2x128x128xf32, #tpu.memory_space<vmem>>, vector<1x1x16xf32>,
        %get3A_937 = arith.constant 0 : i32
        %get3A_938 = arith.index_cast %get3A_937 : i32 to index
        %get3A_939 = arith.index_cast %add3A_880 : i32 to index
        %get3A_940 = arith.constant 64 : index
        %get3A_941 = tpu.vector_load %arg10[%get3A_938, %get3A_939, %get3A_940] {strides = array<i32>} : memref<2x128x128xf32, #tpu.memory_space<vmem>>, vector<1x1x16xf32>,
        %get3A_942 = vector.shape_cast %get3A_941 : vector<1x1x16xf32> to vector<16xf32>
        %mul3A_943 = arith.mulf %get3A_942, %gather3A_876 : vector<16xf32>
        %swap3A_944 = arith.constant 0 : i32
        %swap3A_945 = arith.index_cast %swap3A_944 : i32 to index
        %swap3A_946 = arith.index_cast %add3A_880 : i32 to index
        %swap3A_947 = arith.constant 64 : index
        %swap3A_948 = tpu.vector_load %arg10[%swap3A_945, %swap3A_946, %swap3A_947] {strides = array<i32>} : memref<2x128x128xf32, #tpu.memory_space<vmem>>, vector<1x1x16xf32>,
        %swap3A_949 = vector.shape_cast %swap3A_948 : vector<1x1x16xf32> to vector<16xf32>
        %swap3A_950 = vector.shape_cast %mul3A_943 : vector<16xf32> to vector<1x1x16xf32>
        tpu.vector_store %arg10[%swap3A_945, %swap3A_946, %swap3A_947], %swap3A_950 {strides = array<i32>} : memref<2x128x128xf32, #tpu.memory_space<vmem>>, vector<1x1x16xf32>,
        %get3A_951 = arith.constant 0 : i32
        %get3A_952 = arith.index_cast %get3A_951 : i32 to index
        %get3A_953 = arith.index_cast %add3A_880 : i32 to index
        %get3A_954 = arith.constant 80 : index
        %get3A_955 = tpu.vector_load %arg10[%get3A_952, %get3A_953, %get3A_954] {strides = array<i32>} : memref<2x128x128xf32, #tpu.memory_space<vmem>>, vector<1x1x16xf32>,
        %get3A_956 = vector.shape_cast %get3A_955 : vector<1x1x16xf32> to vector<16xf32>
        %mul3A_957 = arith.mulf %get3A_956, %gather3A_876 : vector<16xf32>
        %swap3A_958 = arith.constant 0 : i32
        %swap3A_959 = arith.index_cast %swap3A_958 : i32 to index
        %swap3A_960 = arith.index_cast %add3A_880 : i32 to index
        %swap3A_961 = arith.constant 80 : index
        %swap3A_962 = tpu.vector_load %arg10[%swap3A_959, %swap3A_960, %swap3A_961] {strides = array<i32>} : memref<2x128x128xf32, #tpu.memory_space<vmem>>, vector<1x1x16xf32>,
        %swap3A_963 = vector.shape_cast %swap3A_962 : vector<1x1x16xf32> to vector<16xf32>
        %swap3A_964 = vector.shape_cast %mul3A_957 : vector<16xf32> to vector<1x1x16xf32>
        tpu.vector_store %arg10[%swap3A_959, %swap3A_960, %swap3A_961], %swap3A_964 {strides = array<i32>} : memref<2x128x128xf32, #tpu.memory_space<vmem>>, vector<1x1x16xf32>,
        %get3A_965 = arith.constant 0 : i32
        %get3A_966 = arith.index_cast %get3A_965 : i32 to index
        %get3A_967 = arith.index_cast %add3A_880 : i32 to index
        %get3A_968 = arith.constant 96 : index
        %get3A_969 = tpu.vector_load %arg10[%get3A_966, %get3A_967, %get3A_968] {strides = array<i32>} : memref<2x128x128xf32, #tpu.memory_space<vmem>>, vector<1x1x16xf32>,
        %get3A_970 = vector.shape_cast %get3A_969 : vector<1x1x16xf32> to vector<16xf32>
        %mul3A_971 = arith.mulf %get3A_970, %gather3A_876 : vector<16xf32>
        %swap3A_972 = arith.constant 0 : i32
        %swap3A_973 = arith.index_cast %swap3A_972 : i32 to index
        %swap3A_974 = arith.index_cast %add3A_880 : i32 to index
        %swap3A_975 = arith.constant 96 : index
        %swap3A_976 = tpu.vector_load %arg10[%swap3A_973, %swap3A_974, %swap3A_975] {strides = array<i32>} : memref<2x128x128xf32, #tpu.memory_space<vmem>>, vector<1x1x16xf32>,
        %swap3A_977 = vector.shape_cast %swap3A_976 : vector<1x1x16xf32> to vector<16xf32>
        %swap3A_978 = vector.shape_cast %mul3A_971 : vector<16xf32> to vector<1x1x16xf32>
        tpu.vector_store %arg10[%swap3A_973, %swap3A_974, %swap3A_975], %swap3A_978 {strides = array<i32>} : memref<2x128x128xf32, #tpu.memory_space<vmem>>, vector<1x1x16xf32>,
        %get3A_979 = arith.constant 0 : i32
        %get3A_980 = arith.index_cast %get3A_979 : i32 to index
        %get3A_981 = arith.index_cast %add3A_880 : i32 to index
        %get3A_982 = arith.constant 112 : index
        %get3A_983 = tpu.vector_load %arg10[%get3A_980, %get3A_981, %get3A_982] {strides = array<i32>} : memref<2x128x128xf32, #tpu.memory_space<vmem>>, vector<1x1x16xf32>,
        %get3A_984 = vector.shape_cast %get3A_983 : vector<1x1x16xf32> to vector<16xf32>
        %mul3A_985 = arith.mulf %get3A_984, %gather3A_876 : vector<16xf32>
        %swap3A_986 = arith.constant 0 : i32
        %swap3A_987 = arith.index_cast %swap3A_986 : i32 to index
        %swap3A_988 = arith.index_cast %add3A_880 : i32 to index
        %swap3A_989 = arith.constant 112 : index
        %swap3A_990 = tpu.vector_load %arg10[%swap3A_987, %swap3A_988, %swap3A_989] {strides = array<i32>} : memref<2x128x128xf32, #tpu.memory_space<vmem>>, vector<1x1x16xf32>,
        %swap3A_991 = vector.shape_cast %swap3A_990 : vector<1x1x16xf32> to vector<16xf32>
        %swap3A_992 = vector.shape_cast %mul3A_985 : vector<16xf32> to vector<1x1x16xf32>
        tpu.vector_store %arg10[%swap3A_987, %swap3A_988, %swap3A_989], %swap3A_992 {strides = array<i32>} : memref<2x128x128xf32, #tpu.memory_space<vmem>>, vector<1x1x16xf32>,
        %broadcast_in_dim3A_993 = arith.constant 7 : i32
        %broadcast_in_dim3A_994 = vector.broadcast %broadcast_in_dim3A_993 : i32 to vector<16x1xi32>
        %gather3A_995 = vector.shape_cast %broadcast_in_dim3A_994 : vector<16x1xi32> to vector<16xi32>
        %gather3A_996 = tpu.dynamic_gather %get3A_155[%gather3A_995] in [0] : vector<16xf32>, vector<16xi32> -> vector<16xf32>
        %mul3A_997 = arith.constant 16 : i32
        %mul3A_998 = arith.muli %scan3A_149, %mul3A_997 : i32
        %add3A_999 = arith.constant 7 : i32
        %add3A_1000 = arith.addi %mul3A_998, %add3A_999 : i32
        %get3A_1001 = arith.constant 0 : i32
        %get3A_1002 = arith.index_cast %get3A_1001 : i32 to index
        %get3A_1003 = arith.index_cast %add3A_1000 : i32 to index
        %get3A_1004 = arith.constant 0 : index
        %get3A_1005 = tpu.vector_load %arg10[%get3A_1002, %get3A_1003, %get3A_1004] {strides = array<i32>} : memref<2x128x128xf32, #tpu.memory_space<vmem>>, vector<1x1x16xf32>,
        %get3A_1006 = vector.shape_cast %get3A_1005 : vector<1x1x16xf32> to vector<16xf32>
        %mul3A_1007 = arith.mulf %get3A_1006, %gather3A_996 : vector<16xf32>
        %swap3A_1008 = arith.constant 0 : i32
        %swap3A_1009 = arith.index_cast %swap3A_1008 : i32 to index
        %swap3A_1010 = arith.index_cast %add3A_1000 : i32 to index
        %swap3A_1011 = arith.constant 0 : index
        %swap3A_1012 = tpu.vector_load %arg10[%swap3A_1009, %swap3A_1010, %swap3A_1011] {strides = array<i32>} : memref<2x128x128xf32, #tpu.memory_space<vmem>>, vector<1x1x16xf32>,
        %swap3A_1013 = vector.shape_cast %swap3A_1012 : vector<1x1x16xf32> to vector<16xf32>
        %swap3A_1014 = vector.shape_cast %mul3A_1007 : vector<16xf32> to vector<1x1x16xf32>
        tpu.vector_store %arg10[%swap3A_1009, %swap3A_1010, %swap3A_1011], %swap3A_1014 {strides = array<i32>} : memref<2x128x128xf32, #tpu.memory_space<vmem>>, vector<1x1x16xf32>,
        %get3A_1015 = arith.constant 0 : i32
        %get3A_1016 = arith.index_cast %get3A_1015 : i32 to index
        %get3A_1017 = arith.index_cast %add3A_1000 : i32 to index
        %get3A_1018 = arith.constant 16 : index
        %get3A_1019 = tpu.vector_load %arg10[%get3A_1016, %get3A_1017, %get3A_1018] {strides = array<i32>} : memref<2x128x128xf32, #tpu.memory_space<vmem>>, vector<1x1x16xf32>,
        %get3A_1020 = vector.shape_cast %get3A_1019 : vector<1x1x16xf32> to vector<16xf32>
        %mul3A_1021 = arith.mulf %get3A_1020, %gather3A_996 : vector<16xf32>
        %swap3A_1022 = arith.constant 0 : i32
        %swap3A_1023 = arith.index_cast %swap3A_1022 : i32 to index
        %swap3A_1024 = arith.index_cast %add3A_1000 : i32 to index
        %swap3A_1025 = arith.constant 16 : index
        %swap3A_1026 = tpu.vector_load %arg10[%swap3A_1023, %swap3A_1024, %swap3A_1025] {strides = array<i32>} : memref<2x128x128xf32, #tpu.memory_space<vmem>>, vector<1x1x16xf32>,
        %swap3A_1027 = vector.shape_cast %swap3A_1026 : vector<1x1x16xf32> to vector<16xf32>
        %swap3A_1028 = vector.shape_cast %mul3A_1021 : vector<16xf32> to vector<1x1x16xf32>
        tpu.vector_store %arg10[%swap3A_1023, %swap3A_1024, %swap3A_1025], %swap3A_1028 {strides = array<i32>} : memref<2x128x128xf32, #tpu.memory_space<vmem>>, vector<1x1x16xf32>,
        %get3A_1029 = arith.constant 0 : i32
        %get3A_1030 = arith.index_cast %get3A_1029 : i32 to index
        %get3A_1031 = arith.index_cast %add3A_1000 : i32 to index
        %get3A_1032 = arith.constant 32 : index
        %get3A_1033 = tpu.vector_load %arg10[%get3A_1030, %get3A_1031, %get3A_1032] {strides = array<i32>} : memref<2x128x128xf32, #tpu.memory_space<vmem>>, vector<1x1x16xf32>,
        %get3A_1034 = vector.shape_cast %get3A_1033 : vector<1x1x16xf32> to vector<16xf32>
        %mul3A_1035 = arith.mulf %get3A_1034, %gather3A_996 : vector<16xf32>
        %swap3A_1036 = arith.constant 0 : i32
        %swap3A_1037 = arith.index_cast %swap3A_1036 : i32 to index
        %swap3A_1038 = arith.index_cast %add3A_1000 : i32 to index
        %swap3A_1039 = arith.constant 32 : index
        %swap3A_1040 = tpu.vector_load %arg10[%swap3A_1037, %swap3A_1038, %swap3A_1039] {strides = array<i32>} : memref<2x128x128xf32, #tpu.memory_space<vmem>>, vector<1x1x16xf32>,
        %swap3A_1041 = vector.shape_cast %swap3A_1040 : vector<1x1x16xf32> to vector<16xf32>
        %swap3A_1042 = vector.shape_cast %mul3A_1035 : vector<16xf32> to vector<1x1x16xf32>
        tpu.vector_store %arg10[%swap3A_1037, %swap3A_1038, %swap3A_1039], %swap3A_1042 {strides = array<i32>} : memref<2x128x128xf32, #tpu.memory_space<vmem>>, vector<1x1x16xf32>,
        %get3A_1043 = arith.constant 0 : i32
        %get3A_1044 = arith.index_cast %get3A_1043 : i32 to index
        %get3A_1045 = arith.index_cast %add3A_1000 : i32 to index
        %get3A_1046 = arith.constant 48 : index
        %get3A_1047 = tpu.vector_load %arg10[%get3A_1044, %get3A_1045, %get3A_1046] {strides = array<i32>} : memref<2x128x128xf32, #tpu.memory_space<vmem>>, vector<1x1x16xf32>,
        %get3A_1048 = vector.shape_cast %get3A_1047 : vector<1x1x16xf32> to vector<16xf32>
        %mul3A_1049 = arith.mulf %get3A_1048, %gather3A_996 : vector<16xf32>
        %swap3A_1050 = arith.constant 0 : i32
        %swap3A_1051 = arith.index_cast %swap3A_1050 : i32 to index
        %swap3A_1052 = arith.index_cast %add3A_1000 : i32 to index
        %swap3A_1053 = arith.constant 48 : index
        %swap3A_1054 = tpu.vector_load %arg10[%swap3A_1051, %swap3A_1052, %swap3A_1053] {strides = array<i32>} : memref<2x128x128xf32, #tpu.memory_space<vmem>>, vector<1x1x16xf32>,
        %swap3A_1055 = vector.shape_cast %swap3A_1054 : vector<1x1x16xf32> to vector<16xf32>
        %swap3A_1056 = vector.shape_cast %mul3A_1049 : vector<16xf32> to vector<1x1x16xf32>
        tpu.vector_store %arg10[%swap3A_1051, %swap3A_1052, %swap3A_1053], %swap3A_1056 {strides = array<i32>} : memref<2x128x128xf32, #tpu.memory_space<vmem>>, vector<1x1x16xf32>,
        %get3A_1057 = arith.constant 0 : i32
        %get3A_1058 = arith.index_cast %get3A_1057 : i32 to index
        %get3A_1059 = arith.index_cast %add3A_1000 : i32 to index
        %get3A_1060 = arith.constant 64 : index
        %get3A_1061 = tpu.vector_load %arg10[%get3A_1058, %get3A_1059, %get3A_1060] {strides = array<i32>} : memref<2x128x128xf32, #tpu.memory_space<vmem>>, vector<1x1x16xf32>,
        %get3A_1062 = vector.shape_cast %get3A_1061 : vector<1x1x16xf32> to vector<16xf32>
        %mul3A_1063 = arith.mulf %get3A_1062, %gather3A_996 : vector<16xf32>
        %swap3A_1064 = arith.constant 0 : i32
        %swap3A_1065 = arith.index_cast %swap3A_1064 : i32 to index
        %swap3A_1066 = arith.index_cast %add3A_1000 : i32 to index
        %swap3A_1067 = arith.constant 64 : index
        %swap3A_1068 = tpu.vector_load %arg10[%swap3A_1065, %swap3A_1066, %swap3A_1067] {strides = array<i32>} : memref<2x128x128xf32, #tpu.memory_space<vmem>>, vector<1x1x16xf32>,
        %swap3A_1069 = vector.shape_cast %swap3A_1068 : vector<1x1x16xf32> to vector<16xf32>
        %swap3A_1070 = vector.shape_cast %mul3A_1063 : vector<16xf32> to vector<1x1x16xf32>
        tpu.vector_store %arg10[%swap3A_1065, %swap3A_1066, %swap3A_1067], %swap3A_1070 {strides = array<i32>} : memref<2x128x128xf32, #tpu.memory_space<vmem>>, vector<1x1x16xf32>,
        %get3A_1071 = arith.constant 0 : i32
        %get3A_1072 = arith.index_cast %get3A_1071 : i32 to index
        %get3A_1073 = arith.index_cast %add3A_1000 : i32 to index
        %get3A_1074 = arith.constant 80 : index
        %get3A_1075 = tpu.vector_load %arg10[%get3A_1072, %get3A_1073, %get3A_1074] {strides = array<i32>} : memref<2x128x128xf32, #tpu.memory_space<vmem>>, vector<1x1x16xf32>,
        %get3A_1076 = vector.shape_cast %get3A_1075 : vector<1x1x16xf32> to vector<16xf32>
        %mul3A_1077 = arith.mulf %get3A_1076, %gather3A_996 : vector<16xf32>
        %swap3A_1078 = arith.constant 0 : i32
        %swap3A_1079 = arith.index_cast %swap3A_1078 : i32 to index
        %swap3A_1080 = arith.index_cast %add3A_1000 : i32 to index
        %swap3A_1081 = arith.constant 80 : index
        %swap3A_1082 = tpu.vector_load %arg10[%swap3A_1079, %swap3A_1080, %swap3A_1081] {strides = array<i32>} : memref<2x128x128xf32, #tpu.memory_space<vmem>>, vector<1x1x16xf32>,
        %swap3A_1083 = vector.shape_cast %swap3A_1082 : vector<1x1x16xf32> to vector<16xf32>
        %swap3A_1084 = vector.shape_cast %mul3A_1077 : vector<16xf32> to vector<1x1x16xf32>
        tpu.vector_store %arg10[%swap3A_1079, %swap3A_1080, %swap3A_1081], %swap3A_1084 {strides = array<i32>} : memref<2x128x128xf32, #tpu.memory_space<vmem>>, vector<1x1x16xf32>,
        %get3A_1085 = arith.constant 0 : i32
        %get3A_1086 = arith.index_cast %get3A_1085 : i32 to index
        %get3A_1087 = arith.index_cast %add3A_1000 : i32 to index
        %get3A_1088 = arith.constant 96 : index
        %get3A_1089 = tpu.vector_load %arg10[%get3A_1086, %get3A_1087, %get3A_1088] {strides = array<i32>} : memref<2x128x128xf32, #tpu.memory_space<vmem>>, vector<1x1x16xf32>,
        %get3A_1090 = vector.shape_cast %get3A_1089 : vector<1x1x16xf32> to vector<16xf32>
        %mul3A_1091 = arith.mulf %get3A_1090, %gather3A_996 : vector<16xf32>
        %swap3A_1092 = arith.constant 0 : i32
        %swap3A_1093 = arith.index_cast %swap3A_1092 : i32 to index
        %swap3A_1094 = arith.index_cast %add3A_1000 : i32 to index
        %swap3A_1095 = arith.constant 96 : index
        %swap3A_1096 = tpu.vector_load %arg10[%swap3A_1093, %swap3A_1094, %swap3A_1095] {strides = array<i32>} : memref<2x128x128xf32, #tpu.memory_space<vmem>>, vector<1x1x16xf32>,
        %swap3A_1097 = vector.shape_cast %swap3A_1096 : vector<1x1x16xf32> to vector<16xf32>
        %swap3A_1098 = vector.shape_cast %mul3A_1091 : vector<16xf32> to vector<1x1x16xf32>
        tpu.vector_store %arg10[%swap3A_1093, %swap3A_1094, %swap3A_1095], %swap3A_1098 {strides = array<i32>} : memref<2x128x128xf32, #tpu.memory_space<vmem>>, vector<1x1x16xf32>,
        %get3A_1099 = arith.constant 0 : i32
        %get3A_1100 = arith.index_cast %get3A_1099 : i32 to index
        %get3A_1101 = arith.index_cast %add3A_1000 : i32 to index
        %get3A_1102 = arith.constant 112 : index
        %get3A_1103 = tpu.vector_load %arg10[%get3A_1100, %get3A_1101, %get3A_1102] {strides = array<i32>} : memref<2x128x128xf32, #tpu.memory_space<vmem>>, vector<1x1x16xf32>,
        %get3A_1104 = vector.shape_cast %get3A_1103 : vector<1x1x16xf32> to vector<16xf32>
        %mul3A_1105 = arith.mulf %get3A_1104, %gather3A_996 : vector<16xf32>
        %swap3A_1106 = arith.constant 0 : i32
        %swap3A_1107 = arith.index_cast %swap3A_1106 : i32 to index
        %swap3A_1108 = arith.index_cast %add3A_1000 : i32 to index
        %swap3A_1109 = arith.constant 112 : index
        %swap3A_1110 = tpu.vector_load %arg10[%swap3A_1107, %swap3A_1108, %swap3A_1109] {strides = array<i32>} : memref<2x128x128xf32, #tpu.memory_space<vmem>>, vector<1x1x16xf32>,
        %swap3A_1111 = vector.shape_cast %swap3A_1110 : vector<1x1x16xf32> to vector<16xf32>
        %swap3A_1112 = vector.shape_cast %mul3A_1105 : vector<16xf32> to vector<1x1x16xf32>
        tpu.vector_store %arg10[%swap3A_1107, %swap3A_1108, %swap3A_1109], %swap3A_1112 {strides = array<i32>} : memref<2x128x128xf32, #tpu.memory_space<vmem>>, vector<1x1x16xf32>,
        %broadcast_in_dim3A_1113 = arith.constant 8 : i32
        %broadcast_in_dim3A_1114 = vector.broadcast %broadcast_in_dim3A_1113 : i32 to vector<16x1xi32>
        %gather3A_1115 = vector.shape_cast %broadcast_in_dim3A_1114 : vector<16x1xi32> to vector<16xi32>
        %gather3A_1116 = tpu.dynamic_gather %get3A_155[%gather3A_1115] in [0] : vector<16xf32>, vector<16xi32> -> vector<16xf32>
        %mul3A_1117 = arith.constant 16 : i32
        %mul3A_1118 = arith.muli %scan3A_149, %mul3A_1117 : i32
        %add3A_1119 = arith.constant 8 : i32
        %add3A_1120 = arith.addi %mul3A_1118, %add3A_1119 : i32
        %get3A_1121 = arith.constant 0 : i32
        %get3A_1122 = arith.index_cast %get3A_1121 : i32 to index
        %get3A_1123 = arith.index_cast %add3A_1120 : i32 to index
        %get3A_1124 = arith.constant 0 : index
        %get3A_1125 = tpu.vector_load %arg10[%get3A_1122, %get3A_1123, %get3A_1124] {strides = array<i32>} : memref<2x128x128xf32, #tpu.memory_space<vmem>>, vector<1x1x16xf32>,
        %get3A_1126 = vector.shape_cast %get3A_1125 : vector<1x1x16xf32> to vector<16xf32>
        %mul3A_1127 = arith.mulf %get3A_1126, %gather3A_1116 : vector<16xf32>
        %swap3A_1128 = arith.constant 0 : i32
        %swap3A_1129 = arith.index_cast %swap3A_1128 : i32 to index
        %swap3A_1130 = arith.index_cast %add3A_1120 : i32 to index
        %swap3A_1131 = arith.constant 0 : index
        %swap3A_1132 = tpu.vector_load %arg10[%swap3A_1129, %swap3A_1130, %swap3A_1131] {strides = array<i32>} : memref<2x128x128xf32, #tpu.memory_space<vmem>>, vector<1x1x16xf32>,
        %swap3A_1133 = vector.shape_cast %swap3A_1132 : vector<1x1x16xf32> to vector<16xf32>
        %swap3A_1134 = vector.shape_cast %mul3A_1127 : vector<16xf32> to vector<1x1x16xf32>
        tpu.vector_store %arg10[%swap3A_1129, %swap3A_1130, %swap3A_1131], %swap3A_1134 {strides = array<i32>} : memref<2x128x128xf32, #tpu.memory_space<vmem>>, vector<1x1x16xf32>,
        %get3A_1135 = arith.constant 0 : i32
        %get3A_1136 = arith.index_cast %get3A_1135 : i32 to index
        %get3A_1137 = arith.index_cast %add3A_1120 : i32 to index
        %get3A_1138 = arith.constant 16 : index
        %get3A_1139 = tpu.vector_load %arg10[%get3A_1136, %get3A_1137, %get3A_1138] {strides = array<i32>} : memref<2x128x128xf32, #tpu.memory_space<vmem>>, vector<1x1x16xf32>,
        %get3A_1140 = vector.shape_cast %get3A_1139 : vector<1x1x16xf32> to vector<16xf32>
        %mul3A_1141 = arith.mulf %get3A_1140, %gather3A_1116 : vector<16xf32>
        %swap3A_1142 = arith.constant 0 : i32
        %swap3A_1143 = arith.index_cast %swap3A_1142 : i32 to index
        %swap3A_1144 = arith.index_cast %add3A_1120 : i32 to index
        %swap3A_1145 = arith.constant 16 : index
        %swap3A_1146 = tpu.vector_load %arg10[%swap3A_1143, %swap3A_1144, %swap3A_1145] {strides = array<i32>} : memref<2x128x128xf32, #tpu.memory_space<vmem>>, vector<1x1x16xf32>,
        %swap3A_1147 = vector.shape_cast %swap3A_1146 : vector<1x1x16xf32> to vector<16xf32>
        %swap3A_1148 = vector.shape_cast %mul3A_1141 : vector<16xf32> to vector<1x1x16xf32>
        tpu.vector_store %arg10[%swap3A_1143, %swap3A_1144, %swap3A_1145], %swap3A_1148 {strides = array<i32>} : memref<2x128x128xf32, #tpu.memory_space<vmem>>, vector<1x1x16xf32>,
        %get3A_1149 = arith.constant 0 : i32
        %get3A_1150 = arith.index_cast %get3A_1149 : i32 to index
        %get3A_1151 = arith.index_cast %add3A_1120 : i32 to index
        %get3A_1152 = arith.constant 32 : index
        %get3A_1153 = tpu.vector_load %arg10[%get3A_1150, %get3A_1151, %get3A_1152] {strides = array<i32>} : memref<2x128x128xf32, #tpu.memory_space<vmem>>, vector<1x1x16xf32>,
        %get3A_1154 = vector.shape_cast %get3A_1153 : vector<1x1x16xf32> to vector<16xf32>
        %mul3A_1155 = arith.mulf %get3A_1154, %gather3A_1116 : vector<16xf32>
        %swap3A_1156 = arith.constant 0 : i32
        %swap3A_1157 = arith.index_cast %swap3A_1156 : i32 to index
        %swap3A_1158 = arith.index_cast %add3A_1120 : i32 to index
        %swap3A_1159 = arith.constant 32 : index
        %swap3A_1160 = tpu.vector_load %arg10[%swap3A_1157, %swap3A_1158, %swap3A_1159] {strides = array<i32>} : memref<2x128x128xf32, #tpu.memory_space<vmem>>, vector<1x1x16xf32>,
        %swap3A_1161 = vector.shape_cast %swap3A_1160 : vector<1x1x16xf32> to vector<16xf32>
        %swap3A_1162 = vector.shape_cast %mul3A_1155 : vector<16xf32> to vector<1x1x16xf32>
        tpu.vector_store %arg10[%swap3A_1157, %swap3A_1158, %swap3A_1159], %swap3A_1162 {strides = array<i32>} : memref<2x128x128xf32, #tpu.memory_space<vmem>>, vector<1x1x16xf32>,
        %get3A_1163 = arith.constant 0 : i32
        %get3A_1164 = arith.index_cast %get3A_1163 : i32 to index
        %get3A_1165 = arith.index_cast %add3A_1120 : i32 to index
        %get3A_1166 = arith.constant 48 : index
        %get3A_1167 = tpu.vector_load %arg10[%get3A_1164, %get3A_1165, %get3A_1166] {strides = array<i32>} : memref<2x128x128xf32, #tpu.memory_space<vmem>>, vector<1x1x16xf32>,
        %get3A_1168 = vector.shape_cast %get3A_1167 : vector<1x1x16xf32> to vector<16xf32>
        %mul3A_1169 = arith.mulf %get3A_1168, %gather3A_1116 : vector<16xf32>
        %swap3A_1170 = arith.constant 0 : i32
        %swap3A_1171 = arith.index_cast %swap3A_1170 : i32 to index
        %swap3A_1172 = arith.index_cast %add3A_1120 : i32 to index
        %swap3A_1173 = arith.constant 48 : index
        %swap3A_1174 = tpu.vector_load %arg10[%swap3A_1171, %swap3A_1172, %swap3A_1173] {strides = array<i32>} : memref<2x128x128xf32, #tpu.memory_space<vmem>>, vector<1x1x16xf32>,
        %swap3A_1175 = vector.shape_cast %swap3A_1174 : vector<1x1x16xf32> to vector<16xf32>
        %swap3A_1176 = vector.shape_cast %mul3A_1169 : vector<16xf32> to vector<1x1x16xf32>
        tpu.vector_store %arg10[%swap3A_1171, %swap3A_1172, %swap3A_1173], %swap3A_1176 {strides = array<i32>} : memref<2x128x128xf32, #tpu.memory_space<vmem>>, vector<1x1x16xf32>,
        %get3A_1177 = arith.constant 0 : i32
        %get3A_1178 = arith.index_cast %get3A_1177 : i32 to index
        %get3A_1179 = arith.index_cast %add3A_1120 : i32 to index
        %get3A_1180 = arith.constant 64 : index
        %get3A_1181 = tpu.vector_load %arg10[%get3A_1178, %get3A_1179, %get3A_1180] {strides = array<i32>} : memref<2x128x128xf32, #tpu.memory_space<vmem>>, vector<1x1x16xf32>,
        %get3A_1182 = vector.shape_cast %get3A_1181 : vector<1x1x16xf32> to vector<16xf32>
        %mul3A_1183 = arith.mulf %get3A_1182, %gather3A_1116 : vector<16xf32>
        %swap3A_1184 = arith.constant 0 : i32
        %swap3A_1185 = arith.index_cast %swap3A_1184 : i32 to index
        %swap3A_1186 = arith.index_cast %add3A_1120 : i32 to index
        %swap3A_1187 = arith.constant 64 : index
        %swap3A_1188 = tpu.vector_load %arg10[%swap3A_1185, %swap3A_1186, %swap3A_1187] {strides = array<i32>} : memref<2x128x128xf32, #tpu.memory_space<vmem>>, vector<1x1x16xf32>,
        %swap3A_1189 = vector.shape_cast %swap3A_1188 : vector<1x1x16xf32> to vector<16xf32>
        %swap3A_1190 = vector.shape_cast %mul3A_1183 : vector<16xf32> to vector<1x1x16xf32>
        tpu.vector_store %arg10[%swap3A_1185, %swap3A_1186, %swap3A_1187], %swap3A_1190 {strides = array<i32>} : memref<2x128x128xf32, #tpu.memory_space<vmem>>, vector<1x1x16xf32>,
        %get3A_1191 = arith.constant 0 : i32
        %get3A_1192 = arith.index_cast %get3A_1191 : i32 to index
        %get3A_1193 = arith.index_cast %add3A_1120 : i32 to index
        %get3A_1194 = arith.constant 80 : index
        %get3A_1195 = tpu.vector_load %arg10[%get3A_1192, %get3A_1193, %get3A_1194] {strides = array<i32>} : memref<2x128x128xf32, #tpu.memory_space<vmem>>, vector<1x1x16xf32>,
        %get3A_1196 = vector.shape_cast %get3A_1195 : vector<1x1x16xf32> to vector<16xf32>
        %mul3A_1197 = arith.mulf %get3A_1196, %gather3A_1116 : vector<16xf32>
        %swap3A_1198 = arith.constant 0 : i32
        %swap3A_1199 = arith.index_cast %swap3A_1198 : i32 to index
        %swap3A_1200 = arith.index_cast %add3A_1120 : i32 to index
        %swap3A_1201 = arith.constant 80 : index
        %swap3A_1202 = tpu.vector_load %arg10[%swap3A_1199, %swap3A_1200, %swap3A_1201] {strides = array<i32>} : memref<2x128x128xf32, #tpu.memory_space<vmem>>, vector<1x1x16xf32>,
        %swap3A_1203 = vector.shape_cast %swap3A_1202 : vector<1x1x16xf32> to vector<16xf32>
        %swap3A_1204 = vector.shape_cast %mul3A_1197 : vector<16xf32> to vector<1x1x16xf32>
        tpu.vector_store %arg10[%swap3A_1199, %swap3A_1200, %swap3A_1201], %swap3A_1204 {strides = array<i32>} : memref<2x128x128xf32, #tpu.memory_space<vmem>>, vector<1x1x16xf32>,
        %get3A_1205 = arith.constant 0 : i32
        %get3A_1206 = arith.index_cast %get3A_1205 : i32 to index
        %get3A_1207 = arith.index_cast %add3A_1120 : i32 to index
        %get3A_1208 = arith.constant 96 : index
        %get3A_1209 = tpu.vector_load %arg10[%get3A_1206, %get3A_1207, %get3A_1208] {strides = array<i32>} : memref<2x128x128xf32, #tpu.memory_space<vmem>>, vector<1x1x16xf32>,
        %get3A_1210 = vector.shape_cast %get3A_1209 : vector<1x1x16xf32> to vector<16xf32>
        %mul3A_1211 = arith.mulf %get3A_1210, %gather3A_1116 : vector<16xf32>
        %swap3A_1212 = arith.constant 0 : i32
        %swap3A_1213 = arith.index_cast %swap3A_1212 : i32 to index
        %swap3A_1214 = arith.index_cast %add3A_1120 : i32 to index
        %swap3A_1215 = arith.constant 96 : index
        %swap3A_1216 = tpu.vector_load %arg10[%swap3A_1213, %swap3A_1214, %swap3A_1215] {strides = array<i32>} : memref<2x128x128xf32, #tpu.memory_space<vmem>>, vector<1x1x16xf32>,
        %swap3A_1217 = vector.shape_cast %swap3A_1216 : vector<1x1x16xf32> to vector<16xf32>
        %swap3A_1218 = vector.shape_cast %mul3A_1211 : vector<16xf32> to vector<1x1x16xf32>
        tpu.vector_store %arg10[%swap3A_1213, %swap3A_1214, %swap3A_1215], %swap3A_1218 {strides = array<i32>} : memref<2x128x128xf32, #tpu.memory_space<vmem>>, vector<1x1x16xf32>,
        %get3A_1219 = arith.constant 0 : i32
        %get3A_1220 = arith.index_cast %get3A_1219 : i32 to index
        %get3A_1221 = arith.index_cast %add3A_1120 : i32 to index
        %get3A_1222 = arith.constant 112 : index
        %get3A_1223 = tpu.vector_load %arg10[%get3A_1220, %get3A_1221, %get3A_1222] {strides = array<i32>} : memref<2x128x128xf32, #tpu.memory_space<vmem>>, vector<1x1x16xf32>,
        %get3A_1224 = vector.shape_cast %get3A_1223 : vector<1x1x16xf32> to vector<16xf32>
        %mul3A_1225 = arith.mulf %get3A_1224, %gather3A_1116 : vector<16xf32>
        %swap3A_1226 = arith.constant 0 : i32
        %swap3A_1227 = arith.index_cast %swap3A_1226 : i32 to index
        %swap3A_1228 = arith.index_cast %add3A_1120 : i32 to index
        %swap3A_1229 = arith.constant 112 : index
        %swap3A_1230 = tpu.vector_load %arg10[%swap3A_1227, %swap3A_1228, %swap3A_1229] {strides = array<i32>} : memref<2x128x128xf32, #tpu.memory_space<vmem>>, vector<1x1x16xf32>,
        %swap3A_1231 = vector.shape_cast %swap3A_1230 : vector<1x1x16xf32> to vector<16xf32>
        %swap3A_1232 = vector.shape_cast %mul3A_1225 : vector<16xf32> to vector<1x1x16xf32>
        tpu.vector_store %arg10[%swap3A_1227, %swap3A_1228, %swap3A_1229], %swap3A_1232 {strides = array<i32>} : memref<2x128x128xf32, #tpu.memory_space<vmem>>, vector<1x1x16xf32>,
        %broadcast_in_dim3A_1233 = arith.constant 9 : i32
        %broadcast_in_dim3A_1234 = vector.broadcast %broadcast_in_dim3A_1233 : i32 to vector<16x1xi32>
        %gather3A_1235 = vector.shape_cast %broadcast_in_dim3A_1234 : vector<16x1xi32> to vector<16xi32>
        %gather3A_1236 = tpu.dynamic_gather %get3A_155[%gather3A_1235] in [0] : vector<16xf32>, vector<16xi32> -> vector<16xf32>
        %mul3A_1237 = arith.constant 16 : i32
        %mul3A_1238 = arith.muli %scan3A_149, %mul3A_1237 : i32
        %add3A_1239 = arith.constant 9 : i32
        %add3A_1240 = arith.addi %mul3A_1238, %add3A_1239 : i32
        %get3A_1241 = arith.constant 0 : i32
        %get3A_1242 = arith.index_cast %get3A_1241 : i32 to index
        %get3A_1243 = arith.index_cast %add3A_1240 : i32 to index
        %get3A_1244 = arith.constant 0 : index
        %get3A_1245 = tpu.vector_load %arg10[%get3A_1242, %get3A_1243, %get3A_1244] {strides = array<i32>} : memref<2x128x128xf32, #tpu.memory_space<vmem>>, vector<1x1x16xf32>,
        %get3A_1246 = vector.shape_cast %get3A_1245 : vector<1x1x16xf32> to vector<16xf32>
        %mul3A_1247 = arith.mulf %get3A_1246, %gather3A_1236 : vector<16xf32>
        %swap3A_1248 = arith.constant 0 : i32
        %swap3A_1249 = arith.index_cast %swap3A_1248 : i32 to index
        %swap3A_1250 = arith.index_cast %add3A_1240 : i32 to index
        %swap3A_1251 = arith.constant 0 : index
        %swap3A_1252 = tpu.vector_load %arg10[%swap3A_1249, %swap3A_1250, %swap3A_1251] {strides = array<i32>} : memref<2x128x128xf32, #tpu.memory_space<vmem>>, vector<1x1x16xf32>,
        %swap3A_1253 = vector.shape_cast %swap3A_1252 : vector<1x1x16xf32> to vector<16xf32>
        %swap3A_1254 = vector.shape_cast %mul3A_1247 : vector<16xf32> to vector<1x1x16xf32>
        tpu.vector_store %arg10[%swap3A_1249, %swap3A_1250, %swap3A_1251], %swap3A_1254 {strides = array<i32>} : memref<2x128x128xf32, #tpu.memory_space<vmem>>, vector<1x1x16xf32>,
        %get3A_1255 = arith.constant 0 : i32
        %get3A_1256 = arith.index_cast %get3A_1255 : i32 to index
        %get3A_1257 = arith.index_cast %add3A_1240 : i32 to index
        %get3A_1258 = arith.constant 16 : index
        %get3A_1259 = tpu.vector_load %arg10[%get3A_1256, %get3A_1257, %get3A_1258] {strides = array<i32>} : memref<2x128x128xf32, #tpu.memory_space<vmem>>, vector<1x1x16xf32>,
        %get3A_1260 = vector.shape_cast %get3A_1259 : vector<1x1x16xf32> to vector<16xf32>
        %mul3A_1261 = arith.mulf %get3A_1260, %gather3A_1236 : vector<16xf32>
        %swap3A_1262 = arith.constant 0 : i32
        %swap3A_1263 = arith.index_cast %swap3A_1262 : i32 to index
        %swap3A_1264 = arith.index_cast %add3A_1240 : i32 to index
        %swap3A_1265 = arith.constant 16 : index
        %swap3A_1266 = tpu.vector_load %arg10[%swap3A_1263, %swap3A_1264, %swap3A_1265] {strides = array<i32>} : memref<2x128x128xf32, #tpu.memory_space<vmem>>, vector<1x1x16xf32>,
        %swap3A_1267 = vector.shape_cast %swap3A_1266 : vector<1x1x16xf32> to vector<16xf32>
        %swap3A_1268 = vector.shape_cast %mul3A_1261 : vector<16xf32> to vector<1x1x16xf32>
        tpu.vector_store %arg10[%swap3A_1263, %swap3A_1264, %swap3A_1265], %swap3A_1268 {strides = array<i32>} : memref<2x128x128xf32, #tpu.memory_space<vmem>>, vector<1x1x16xf32>,
        %get3A_1269 = arith.constant 0 : i32
        %get3A_1270 = arith.index_cast %get3A_1269 : i32 to index
        %get3A_1271 = arith.index_cast %add3A_1240 : i32 to index
        %get3A_1272 = arith.constant 32 : index
        %get3A_1273 = tpu.vector_load %arg10[%get3A_1270, %get3A_1271, %get3A_1272] {strides = array<i32>} : memref<2x128x128xf32, #tpu.memory_space<vmem>>, vector<1x1x16xf32>,
        %get3A_1274 = vector.shape_cast %get3A_1273 : vector<1x1x16xf32> to vector<16xf32>
        %mul3A_1275 = arith.mulf %get3A_1274, %gather3A_1236 : vector<16xf32>
        %swap3A_1276 = arith.constant 0 : i32
        %swap3A_1277 = arith.index_cast %swap3A_1276 : i32 to index
        %swap3A_1278 = arith.index_cast %add3A_1240 : i32 to index
        %swap3A_1279 = arith.constant 32 : index
        %swap3A_1280 = tpu.vector_load %arg10[%swap3A_1277, %swap3A_1278, %swap3A_1279] {strides = array<i32>} : memref<2x128x128xf32, #tpu.memory_space<vmem>>, vector<1x1x16xf32>,
        %swap3A_1281 = vector.shape_cast %swap3A_1280 : vector<1x1x16xf32> to vector<16xf32>
        %swap3A_1282 = vector.shape_cast %mul3A_1275 : vector<16xf32> to vector<1x1x16xf32>
        tpu.vector_store %arg10[%swap3A_1277, %swap3A_1278, %swap3A_1279], %swap3A_1282 {strides = array<i32>} : memref<2x128x128xf32, #tpu.memory_space<vmem>>, vector<1x1x16xf32>,
        %get3A_1283 = arith.constant 0 : i32
        %get3A_1284 = arith.index_cast %get3A_1283 : i32 to index
        %get3A_1285 = arith.index_cast %add3A_1240 : i32 to index
        %get3A_1286 = arith.constant 48 : index
        %get3A_1287 = tpu.vector_load %arg10[%get3A_1284, %get3A_1285, %get3A_1286] {strides = array<i32>} : memref<2x128x128xf32, #tpu.memory_space<vmem>>, vector<1x1x16xf32>,
        %get3A_1288 = vector.shape_cast %get3A_1287 : vector<1x1x16xf32> to vector<16xf32>
        %mul3A_1289 = arith.mulf %get3A_1288, %gather3A_1236 : vector<16xf32>
        %swap3A_1290 = arith.constant 0 : i32
        %swap3A_1291 = arith.index_cast %swap3A_1290 : i32 to index
        %swap3A_1292 = arith.index_cast %add3A_1240 : i32 to index
        %swap3A_1293 = arith.constant 48 : index
        %swap3A_1294 = tpu.vector_load %arg10[%swap3A_1291, %swap3A_1292, %swap3A_1293] {strides = array<i32>} : memref<2x128x128xf32, #tpu.memory_space<vmem>>, vector<1x1x16xf32>,
        %swap3A_1295 = vector.shape_cast %swap3A_1294 : vector<1x1x16xf32> to vector<16xf32>
        %swap3A_1296 = vector.shape_cast %mul3A_1289 : vector<16xf32> to vector<1x1x16xf32>
        tpu.vector_store %arg10[%swap3A_1291, %swap3A_1292, %swap3A_1293], %swap3A_1296 {strides = array<i32>} : memref<2x128x128xf32, #tpu.memory_space<vmem>>, vector<1x1x16xf32>,
        %get3A_1297 = arith.constant 0 : i32
        %get3A_1298 = arith.index_cast %get3A_1297 : i32 to index
        %get3A_1299 = arith.index_cast %add3A_1240 : i32 to index
        %get3A_1300 = arith.constant 64 : index
        %get3A_1301 = tpu.vector_load %arg10[%get3A_1298, %get3A_1299, %get3A_1300] {strides = array<i32>} : memref<2x128x128xf32, #tpu.memory_space<vmem>>, vector<1x1x16xf32>,
        %get3A_1302 = vector.shape_cast %get3A_1301 : vector<1x1x16xf32> to vector<16xf32>
        %mul3A_1303 = arith.mulf %get3A_1302, %gather3A_1236 : vector<16xf32>
        %swap3A_1304 = arith.constant 0 : i32
        %swap3A_1305 = arith.index_cast %swap3A_1304 : i32 to index
        %swap3A_1306 = arith.index_cast %add3A_1240 : i32 to index
        %swap3A_1307 = arith.constant 64 : index
        %swap3A_1308 = tpu.vector_load %arg10[%swap3A_1305, %swap3A_1306, %swap3A_1307] {strides = array<i32>} : memref<2x128x128xf32, #tpu.memory_space<vmem>>, vector<1x1x16xf32>,
        %swap3A_1309 = vector.shape_cast %swap3A_1308 : vector<1x1x16xf32> to vector<16xf32>
        %swap3A_1310 = vector.shape_cast %mul3A_1303 : vector<16xf32> to vector<1x1x16xf32>
        tpu.vector_store %arg10[%swap3A_1305, %swap3A_1306, %swap3A_1307], %swap3A_1310 {strides = array<i32>} : memref<2x128x128xf32, #tpu.memory_space<vmem>>, vector<1x1x16xf32>,
        %get3A_1311 = arith.constant 0 : i32
        %get3A_1312 = arith.index_cast %get3A_1311 : i32 to index
        %get3A_1313 = arith.index_cast %add3A_1240 : i32 to index
        %get3A_1314 = arith.constant 80 : index
        %get3A_1315 = tpu.vector_load %arg10[%get3A_1312, %get3A_1313, %get3A_1314] {strides = array<i32>} : memref<2x128x128xf32, #tpu.memory_space<vmem>>, vector<1x1x16xf32>,
        %get3A_1316 = vector.shape_cast %get3A_1315 : vector<1x1x16xf32> to vector<16xf32>
        %mul3A_1317 = arith.mulf %get3A_1316, %gather3A_1236 : vector<16xf32>
        %swap3A_1318 = arith.constant 0 : i32
        %swap3A_1319 = arith.index_cast %swap3A_1318 : i32 to index
        %swap3A_1320 = arith.index_cast %add3A_1240 : i32 to index
        %swap3A_1321 = arith.constant 80 : index
        %swap3A_1322 = tpu.vector_load %arg10[%swap3A_1319, %swap3A_1320, %swap3A_1321] {strides = array<i32>} : memref<2x128x128xf32, #tpu.memory_space<vmem>>, vector<1x1x16xf32>,
        %swap3A_1323 = vector.shape_cast %swap3A_1322 : vector<1x1x16xf32> to vector<16xf32>
        %swap3A_1324 = vector.shape_cast %mul3A_1317 : vector<16xf32> to vector<1x1x16xf32>
        tpu.vector_store %arg10[%swap3A_1319, %swap3A_1320, %swap3A_1321], %swap3A_1324 {strides = array<i32>} : memref<2x128x128xf32, #tpu.memory_space<vmem>>, vector<1x1x16xf32>,
        %get3A_1325 = arith.constant 0 : i32
        %get3A_1326 = arith.index_cast %get3A_1325 : i32 to index
        %get3A_1327 = arith.index_cast %add3A_1240 : i32 to index
        %get3A_1328 = arith.constant 96 : index
        %get3A_1329 = tpu.vector_load %arg10[%get3A_1326, %get3A_1327, %get3A_1328] {strides = array<i32>} : memref<2x128x128xf32, #tpu.memory_space<vmem>>, vector<1x1x16xf32>,
        %get3A_1330 = vector.shape_cast %get3A_1329 : vector<1x1x16xf32> to vector<16xf32>
        %mul3A_1331 = arith.mulf %get3A_1330, %gather3A_1236 : vector<16xf32>
        %swap3A_1332 = arith.constant 0 : i32
        %swap3A_1333 = arith.index_cast %swap3A_1332 : i32 to index
        %swap3A_1334 = arith.index_cast %add3A_1240 : i32 to index
        %swap3A_1335 = arith.constant 96 : index
        %swap3A_1336 = tpu.vector_load %arg10[%swap3A_1333, %swap3A_1334, %swap3A_1335] {strides = array<i32>} : memref<2x128x128xf32, #tpu.memory_space<vmem>>, vector<1x1x16xf32>,
        %swap3A_1337 = vector.shape_cast %swap3A_1336 : vector<1x1x16xf32> to vector<16xf32>
        %swap3A_1338 = vector.shape_cast %mul3A_1331 : vector<16xf32> to vector<1x1x16xf32>
        tpu.vector_store %arg10[%swap3A_1333, %swap3A_1334, %swap3A_1335], %swap3A_1338 {strides = array<i32>} : memref<2x128x128xf32, #tpu.memory_space<vmem>>, vector<1x1x16xf32>,
        %get3A_1339 = arith.constant 0 : i32
        %get3A_1340 = arith.index_cast %get3A_1339 : i32 to index
        %get3A_1341 = arith.index_cast %add3A_1240 : i32 to index
        %get3A_1342 = arith.constant 112 : index
        %get3A_1343 = tpu.vector_load %arg10[%get3A_1340, %get3A_1341, %get3A_1342] {strides = array<i32>} : memref<2x128x128xf32, #tpu.memory_space<vmem>>, vector<1x1x16xf32>,
        %get3A_1344 = vector.shape_cast %get3A_1343 : vector<1x1x16xf32> to vector<16xf32>
        %mul3A_1345 = arith.mulf %get3A_1344, %gather3A_1236 : vector<16xf32>
        %swap3A_1346 = arith.constant 0 : i32
        %swap3A_1347 = arith.index_cast %swap3A_1346 : i32 to index
        %swap3A_1348 = arith.index_cast %add3A_1240 : i32 to index
        %swap3A_1349 = arith.constant 112 : index
        %swap3A_1350 = tpu.vector_load %arg10[%swap3A_1347, %swap3A_1348, %swap3A_1349] {strides = array<i32>} : memref<2x128x128xf32, #tpu.memory_space<vmem>>, vector<1x1x16xf32>,
        %swap3A_1351 = vector.shape_cast %swap3A_1350 : vector<1x1x16xf32> to vector<16xf32>
        %swap3A_1352 = vector.shape_cast %mul3A_1345 : vector<16xf32> to vector<1x1x16xf32>
        tpu.vector_store %arg10[%swap3A_1347, %swap3A_1348, %swap3A_1349], %swap3A_1352 {strides = array<i32>} : memref<2x128x128xf32, #tpu.memory_space<vmem>>, vector<1x1x16xf32>,
        %broadcast_in_dim3A_1353 = arith.constant 10 : i32
        %broadcast_in_dim3A_1354 = vector.broadcast %broadcast_in_dim3A_1353 : i32 to vector<16x1xi32>
        %gather3A_1355 = vector.shape_cast %broadcast_in_dim3A_1354 : vector<16x1xi32> to vector<16xi32>
        %gather3A_1356 = tpu.dynamic_gather %get3A_155[%gather3A_1355] in [0] : vector<16xf32>, vector<16xi32> -> vector<16xf32>
        %mul3A_1357 = arith.constant 16 : i32
        %mul3A_1358 = arith.muli %scan3A_149, %mul3A_1357 : i32
        %add3A_1359 = arith.constant 10 : i32
        %add3A_1360 = arith.addi %mul3A_1358, %add3A_1359 : i32
        %get3A_1361 = arith.constant 0 : i32
        %get3A_1362 = arith.index_cast %get3A_1361 : i32 to index
        %get3A_1363 = arith.index_cast %add3A_1360 : i32 to index
        %get3A_1364 = arith.constant 0 : index
        %get3A_1365 = tpu.vector_load %arg10[%get3A_1362, %get3A_1363, %get3A_1364] {strides = array<i32>} : memref<2x128x128xf32, #tpu.memory_space<vmem>>, vector<1x1x16xf32>,
        %get3A_1366 = vector.shape_cast %get3A_1365 : vector<1x1x16xf32> to vector<16xf32>
        %mul3A_1367 = arith.mulf %get3A_1366, %gather3A_1356 : vector<16xf32>
        %swap3A_1368 = arith.constant 0 : i32
        %swap3A_1369 = arith.index_cast %swap3A_1368 : i32 to index
        %swap3A_1370 = arith.index_cast %add3A_1360 : i32 to index
        %swap3A_1371 = arith.constant 0 : index
        %swap3A_1372 = tpu.vector_load %arg10[%swap3A_1369, %swap3A_1370, %swap3A_1371] {strides = array<i32>} : memref<2x128x128xf32, #tpu.memory_space<vmem>>, vector<1x1x16xf32>,
        %swap3A_1373 = vector.shape_cast %swap3A_1372 : vector<1x1x16xf32> to vector<16xf32>
        %swap3A_1374 = vector.shape_cast %mul3A_1367 : vector<16xf32> to vector<1x1x16xf32>
        tpu.vector_store %arg10[%swap3A_1369, %swap3A_1370, %swap3A_1371], %swap3A_1374 {strides = array<i32>} : memref<2x128x128xf32, #tpu.memory_space<vmem>>, vector<1x1x16xf32>,
        %get3A_1375 = arith.constant 0 : i32
        %get3A_1376 = arith.index_cast %get3A_1375 : i32 to index
        %get3A_1377 = arith.index_cast %add3A_1360 : i32 to index
        %get3A_1378 = arith.constant 16 : index
        %get3A_1379 = tpu.vector_load %arg10[%get3A_1376, %get3A_1377, %get3A_1378] {strides = array<i32>} : memref<2x128x128xf32, #tpu.memory_space<vmem>>, vector<1x1x16xf32>,
        %get3A_1380 = vector.shape_cast %get3A_1379 : vector<1x1x16xf32> to vector<16xf32>
        %mul3A_1381 = arith.mulf %get3A_1380, %gather3A_1356 : vector<16xf32>
        %swap3A_1382 = arith.constant 0 : i32
        %swap3A_1383 = arith.index_cast %swap3A_1382 : i32 to index
        %swap3A_1384 = arith.index_cast %add3A_1360 : i32 to index
        %swap3A_1385 = arith.constant 16 : index
        %swap3A_1386 = tpu.vector_load %arg10[%swap3A_1383, %swap3A_1384, %swap3A_1385] {strides = array<i32>} : memref<2x128x128xf32, #tpu.memory_space<vmem>>, vector<1x1x16xf32>,
        %swap3A_1387 = vector.shape_cast %swap3A_1386 : vector<1x1x16xf32> to vector<16xf32>
        %swap3A_1388 = vector.shape_cast %mul3A_1381 : vector<16xf32> to vector<1x1x16xf32>
        tpu.vector_store %arg10[%swap3A_1383, %swap3A_1384, %swap3A_1385], %swap3A_1388 {strides = array<i32>} : memref<2x128x128xf32, #tpu.memory_space<vmem>>, vector<1x1x16xf32>,
        %get3A_1389 = arith.constant 0 : i32
        %get3A_1390 = arith.index_cast %get3A_1389 : i32 to index
        %get3A_1391 = arith.index_cast %add3A_1360 : i32 to index
        %get3A_1392 = arith.constant 32 : index
        %get3A_1393 = tpu.vector_load %arg10[%get3A_1390, %get3A_1391, %get3A_1392] {strides = array<i32>} : memref<2x128x128xf32, #tpu.memory_space<vmem>>, vector<1x1x16xf32>,
        %get3A_1394 = vector.shape_cast %get3A_1393 : vector<1x1x16xf32> to vector<16xf32>
        %mul3A_1395 = arith.mulf %get3A_1394, %gather3A_1356 : vector<16xf32>
        %swap3A_1396 = arith.constant 0 : i32
        %swap3A_1397 = arith.index_cast %swap3A_1396 : i32 to index
        %swap3A_1398 = arith.index_cast %add3A_1360 : i32 to index
        %swap3A_1399 = arith.constant 32 : index
        %swap3A_1400 = tpu.vector_load %arg10[%swap3A_1397, %swap3A_1398, %swap3A_1399] {strides = array<i32>} : memref<2x128x128xf32, #tpu.memory_space<vmem>>, vector<1x1x16xf32>,
        %swap3A_1401 = vector.shape_cast %swap3A_1400 : vector<1x1x16xf32> to vector<16xf32>
        %swap3A_1402 = vector.shape_cast %mul3A_1395 : vector<16xf32> to vector<1x1x16xf32>
        tpu.vector_store %arg10[%swap3A_1397, %swap3A_1398, %swap3A_1399], %swap3A_1402 {strides = array<i32>} : memref<2x128x128xf32, #tpu.memory_space<vmem>>, vector<1x1x16xf32>,
        %get3A_1403 = arith.constant 0 : i32
        %get3A_1404 = arith.index_cast %get3A_1403 : i32 to index
        %get3A_1405 = arith.index_cast %add3A_1360 : i32 to index
        %get3A_1406 = arith.constant 48 : index
        %get3A_1407 = tpu.vector_load %arg10[%get3A_1404, %get3A_1405, %get3A_1406] {strides = array<i32>} : memref<2x128x128xf32, #tpu.memory_space<vmem>>, vector<1x1x16xf32>,
        %get3A_1408 = vector.shape_cast %get3A_1407 : vector<1x1x16xf32> to vector<16xf32>
        %mul3A_1409 = arith.mulf %get3A_1408, %gather3A_1356 : vector<16xf32>
        %swap3A_1410 = arith.constant 0 : i32
        %swap3A_1411 = arith.index_cast %swap3A_1410 : i32 to index
        %swap3A_1412 = arith.index_cast %add3A_1360 : i32 to index
        %swap3A_1413 = arith.constant 48 : index
        %swap3A_1414 = tpu.vector_load %arg10[%swap3A_1411, %swap3A_1412, %swap3A_1413] {strides = array<i32>} : memref<2x128x128xf32, #tpu.memory_space<vmem>>, vector<1x1x16xf32>,
        %swap3A_1415 = vector.shape_cast %swap3A_1414 : vector<1x1x16xf32> to vector<16xf32>
        %swap3A_1416 = vector.shape_cast %mul3A_1409 : vector<16xf32> to vector<1x1x16xf32>
        tpu.vector_store %arg10[%swap3A_1411, %swap3A_1412, %swap3A_1413], %swap3A_1416 {strides = array<i32>} : memref<2x128x128xf32, #tpu.memory_space<vmem>>, vector<1x1x16xf32>,
        %get3A_1417 = arith.constant 0 : i32
        %get3A_1418 = arith.index_cast %get3A_1417 : i32 to index
        %get3A_1419 = arith.index_cast %add3A_1360 : i32 to index
        %get3A_1420 = arith.constant 64 : index
        %get3A_1421 = tpu.vector_load %arg10[%get3A_1418, %get3A_1419, %get3A_1420] {strides = array<i32>} : memref<2x128x128xf32, #tpu.memory_space<vmem>>, vector<1x1x16xf32>,
        %get3A_1422 = vector.shape_cast %get3A_1421 : vector<1x1x16xf32> to vector<16xf32>
        %mul3A_1423 = arith.mulf %get3A_1422, %gather3A_1356 : vector<16xf32>
        %swap3A_1424 = arith.constant 0 : i32
        %swap3A_1425 = arith.index_cast %swap3A_1424 : i32 to index
        %swap3A_1426 = arith.index_cast %add3A_1360 : i32 to index
        %swap3A_1427 = arith.constant 64 : index
        %swap3A_1428 = tpu.vector_load %arg10[%swap3A_1425, %swap3A_1426, %swap3A_1427] {strides = array<i32>} : memref<2x128x128xf32, #tpu.memory_space<vmem>>, vector<1x1x16xf32>,
        %swap3A_1429 = vector.shape_cast %swap3A_1428 : vector<1x1x16xf32> to vector<16xf32>
        %swap3A_1430 = vector.shape_cast %mul3A_1423 : vector<16xf32> to vector<1x1x16xf32>
        tpu.vector_store %arg10[%swap3A_1425, %swap3A_1426, %swap3A_1427], %swap3A_1430 {strides = array<i32>} : memref<2x128x128xf32, #tpu.memory_space<vmem>>, vector<1x1x16xf32>,
        %get3A_1431 = arith.constant 0 : i32
        %get3A_1432 = arith.index_cast %get3A_1431 : i32 to index
        %get3A_1433 = arith.index_cast %add3A_1360 : i32 to index
        %get3A_1434 = arith.constant 80 : index
        %get3A_1435 = tpu.vector_load %arg10[%get3A_1432, %get3A_1433, %get3A_1434] {strides = array<i32>} : memref<2x128x128xf32, #tpu.memory_space<vmem>>, vector<1x1x16xf32>,
        %get3A_1436 = vector.shape_cast %get3A_1435 : vector<1x1x16xf32> to vector<16xf32>
        %mul3A_1437 = arith.mulf %get3A_1436, %gather3A_1356 : vector<16xf32>
        %swap3A_1438 = arith.constant 0 : i32
        %swap3A_1439 = arith.index_cast %swap3A_1438 : i32 to index
        %swap3A_1440 = arith.index_cast %add3A_1360 : i32 to index
        %swap3A_1441 = arith.constant 80 : index
        %swap3A_1442 = tpu.vector_load %arg10[%swap3A_1439, %swap3A_1440, %swap3A_1441] {strides = array<i32>} : memref<2x128x128xf32, #tpu.memory_space<vmem>>, vector<1x1x16xf32>,
        %swap3A_1443 = vector.shape_cast %swap3A_1442 : vector<1x1x16xf32> to vector<16xf32>
        %swap3A_1444 = vector.shape_cast %mul3A_1437 : vector<16xf32> to vector<1x1x16xf32>
        tpu.vector_store %arg10[%swap3A_1439, %swap3A_1440, %swap3A_1441], %swap3A_1444 {strides = array<i32>} : memref<2x128x128xf32, #tpu.memory_space<vmem>>, vector<1x1x16xf32>,
        %get3A_1445 = arith.constant 0 : i32
        %get3A_1446 = arith.index_cast %get3A_1445 : i32 to index
        %get3A_1447 = arith.index_cast %add3A_1360 : i32 to index
        %get3A_1448 = arith.constant 96 : index
        %get3A_1449 = tpu.vector_load %arg10[%get3A_1446, %get3A_1447, %get3A_1448] {strides = array<i32>} : memref<2x128x128xf32, #tpu.memory_space<vmem>>, vector<1x1x16xf32>,
        %get3A_1450 = vector.shape_cast %get3A_1449 : vector<1x1x16xf32> to vector<16xf32>
        %mul3A_1451 = arith.mulf %get3A_1450, %gather3A_1356 : vector<16xf32>
        %swap3A_1452 = arith.constant 0 : i32
        %swap3A_1453 = arith.index_cast %swap3A_1452 : i32 to index
        %swap3A_1454 = arith.index_cast %add3A_1360 : i32 to index
        %swap3A_1455 = arith.constant 96 : index
        %swap3A_1456 = tpu.vector_load %arg10[%swap3A_1453, %swap3A_1454, %swap3A_1455] {strides = array<i32>} : memref<2x128x128xf32, #tpu.memory_space<vmem>>, vector<1x1x16xf32>,
        %swap3A_1457 = vector.shape_cast %swap3A_1456 : vector<1x1x16xf32> to vector<16xf32>
        %swap3A_1458 = vector.shape_cast %mul3A_1451 : vector<16xf32> to vector<1x1x16xf32>
        tpu.vector_store %arg10[%swap3A_1453, %swap3A_1454, %swap3A_1455], %swap3A_1458 {strides = array<i32>} : memref<2x128x128xf32, #tpu.memory_space<vmem>>, vector<1x1x16xf32>,
        %get3A_1459 = arith.constant 0 : i32
        %get3A_1460 = arith.index_cast %get3A_1459 : i32 to index
        %get3A_1461 = arith.index_cast %add3A_1360 : i32 to index
        %get3A_1462 = arith.constant 112 : index
        %get3A_1463 = tpu.vector_load %arg10[%get3A_1460, %get3A_1461, %get3A_1462] {strides = array<i32>} : memref<2x128x128xf32, #tpu.memory_space<vmem>>, vector<1x1x16xf32>,
        %get3A_1464 = vector.shape_cast %get3A_1463 : vector<1x1x16xf32> to vector<16xf32>
        %mul3A_1465 = arith.mulf %get3A_1464, %gather3A_1356 : vector<16xf32>
        %swap3A_1466 = arith.constant 0 : i32
        %swap3A_1467 = arith.index_cast %swap3A_1466 : i32 to index
        %swap3A_1468 = arith.index_cast %add3A_1360 : i32 to index
        %swap3A_1469 = arith.constant 112 : index
        %swap3A_1470 = tpu.vector_load %arg10[%swap3A_1467, %swap3A_1468, %swap3A_1469] {strides = array<i32>} : memref<2x128x128xf32, #tpu.memory_space<vmem>>, vector<1x1x16xf32>,
        %swap3A_1471 = vector.shape_cast %swap3A_1470 : vector<1x1x16xf32> to vector<16xf32>
        %swap3A_1472 = vector.shape_cast %mul3A_1465 : vector<16xf32> to vector<1x1x16xf32>
        tpu.vector_store %arg10[%swap3A_1467, %swap3A_1468, %swap3A_1469], %swap3A_1472 {strides = array<i32>} : memref<2x128x128xf32, #tpu.memory_space<vmem>>, vector<1x1x16xf32>,
        %broadcast_in_dim3A_1473 = arith.constant 11 : i32
        %broadcast_in_dim3A_1474 = vector.broadcast %broadcast_in_dim3A_1473 : i32 to vector<16x1xi32>
        %gather3A_1475 = vector.shape_cast %broadcast_in_dim3A_1474 : vector<16x1xi32> to vector<16xi32>
        %gather3A_1476 = tpu.dynamic_gather %get3A_155[%gather3A_1475] in [0] : vector<16xf32>, vector<16xi32> -> vector<16xf32>
        %mul3A_1477 = arith.constant 16 : i32
        %mul3A_1478 = arith.muli %scan3A_149, %mul3A_1477 : i32
        %add3A_1479 = arith.constant 11 : i32
        %add3A_1480 = arith.addi %mul3A_1478, %add3A_1479 : i32
        %get3A_1481 = arith.constant 0 : i32
        %get3A_1482 = arith.index_cast %get3A_1481 : i32 to index
        %get3A_1483 = arith.index_cast %add3A_1480 : i32 to index
        %get3A_1484 = arith.constant 0 : index
        %get3A_1485 = tpu.vector_load %arg10[%get3A_1482, %get3A_1483, %get3A_1484] {strides = array<i32>} : memref<2x128x128xf32, #tpu.memory_space<vmem>>, vector<1x1x16xf32>,
        %get3A_1486 = vector.shape_cast %get3A_1485 : vector<1x1x16xf32> to vector<16xf32>
        %mul3A_1487 = arith.mulf %get3A_1486, %gather3A_1476 : vector<16xf32>
        %swap3A_1488 = arith.constant 0 : i32
        %swap3A_1489 = arith.index_cast %swap3A_1488 : i32 to index
        %swap3A_1490 = arith.index_cast %add3A_1480 : i32 to index
        %swap3A_1491 = arith.constant 0 : index
        %swap3A_1492 = tpu.vector_load %arg10[%swap3A_1489, %swap3A_1490, %swap3A_1491] {strides = array<i32>} : memref<2x128x128xf32, #tpu.memory_space<vmem>>, vector<1x1x16xf32>,
        %swap3A_1493 = vector.shape_cast %swap3A_1492 : vector<1x1x16xf32> to vector<16xf32>
        %swap3A_1494 = vector.shape_cast %mul3A_1487 : vector<16xf32> to vector<1x1x16xf32>
        tpu.vector_store %arg10[%swap3A_1489, %swap3A_1490, %swap3A_1491], %swap3A_1494 {strides = array<i32>} : memref<2x128x128xf32, #tpu.memory_space<vmem>>, vector<1x1x16xf32>,
        %get3A_1495 = arith.constant 0 : i32
        %get3A_1496 = arith.index_cast %get3A_1495 : i32 to index
        %get3A_1497 = arith.index_cast %add3A_1480 : i32 to index
        %get3A_1498 = arith.constant 16 : index
        %get3A_1499 = tpu.vector_load %arg10[%get3A_1496, %get3A_1497, %get3A_1498] {strides = array<i32>} : memref<2x128x128xf32, #tpu.memory_space<vmem>>, vector<1x1x16xf32>,
        %get3A_1500 = vector.shape_cast %get3A_1499 : vector<1x1x16xf32> to vector<16xf32>
        %mul3A_1501 = arith.mulf %get3A_1500, %gather3A_1476 : vector<16xf32>
        %swap3A_1502 = arith.constant 0 : i32
        %swap3A_1503 = arith.index_cast %swap3A_1502 : i32 to index
        %swap3A_1504 = arith.index_cast %add3A_1480 : i32 to index
        %swap3A_1505 = arith.constant 16 : index
        %swap3A_1506 = tpu.vector_load %arg10[%swap3A_1503, %swap3A_1504, %swap3A_1505] {strides = array<i32>} : memref<2x128x128xf32, #tpu.memory_space<vmem>>, vector<1x1x16xf32>,
        %swap3A_1507 = vector.shape_cast %swap3A_1506 : vector<1x1x16xf32> to vector<16xf32>
        %swap3A_1508 = vector.shape_cast %mul3A_1501 : vector<16xf32> to vector<1x1x16xf32>
        tpu.vector_store %arg10[%swap3A_1503, %swap3A_1504, %swap3A_1505], %swap3A_1508 {strides = array<i32>} : memref<2x128x128xf32, #tpu.memory_space<vmem>>, vector<1x1x16xf32>,
        %get3A_1509 = arith.constant 0 : i32
        %get3A_1510 = arith.index_cast %get3A_1509 : i32 to index
        %get3A_1511 = arith.index_cast %add3A_1480 : i32 to index
        %get3A_1512 = arith.constant 32 : index
        %get3A_1513 = tpu.vector_load %arg10[%get3A_1510, %get3A_1511, %get3A_1512] {strides = array<i32>} : memref<2x128x128xf32, #tpu.memory_space<vmem>>, vector<1x1x16xf32>,
        %get3A_1514 = vector.shape_cast %get3A_1513 : vector<1x1x16xf32> to vector<16xf32>
        %mul3A_1515 = arith.mulf %get3A_1514, %gather3A_1476 : vector<16xf32>
        %swap3A_1516 = arith.constant 0 : i32
        %swap3A_1517 = arith.index_cast %swap3A_1516 : i32 to index
        %swap3A_1518 = arith.index_cast %add3A_1480 : i32 to index
        %swap3A_1519 = arith.constant 32 : index
        %swap3A_1520 = tpu.vector_load %arg10[%swap3A_1517, %swap3A_1518, %swap3A_1519] {strides = array<i32>} : memref<2x128x128xf32, #tpu.memory_space<vmem>>, vector<1x1x16xf32>,
        %swap3A_1521 = vector.shape_cast %swap3A_1520 : vector<1x1x16xf32> to vector<16xf32>
        %swap3A_1522 = vector.shape_cast %mul3A_1515 : vector<16xf32> to vector<1x1x16xf32>
        tpu.vector_store %arg10[%swap3A_1517, %swap3A_1518, %swap3A_1519], %swap3A_1522 {strides = array<i32>} : memref<2x128x128xf32, #tpu.memory_space<vmem>>, vector<1x1x16xf32>,
        %get3A_1523 = arith.constant 0 : i32
        %get3A_1524 = arith.index_cast %get3A_1523 : i32 to index
        %get3A_1525 = arith.index_cast %add3A_1480 : i32 to index
        %get3A_1526 = arith.constant 48 : index
        %get3A_1527 = tpu.vector_load %arg10[%get3A_1524, %get3A_1525, %get3A_1526] {strides = array<i32>} : memref<2x128x128xf32, #tpu.memory_space<vmem>>, vector<1x1x16xf32>,
        %get3A_1528 = vector.shape_cast %get3A_1527 : vector<1x1x16xf32> to vector<16xf32>
        %mul3A_1529 = arith.mulf %get3A_1528, %gather3A_1476 : vector<16xf32>
        %swap3A_1530 = arith.constant 0 : i32
        %swap3A_1531 = arith.index_cast %swap3A_1530 : i32 to index
        %swap3A_1532 = arith.index_cast %add3A_1480 : i32 to index
        %swap3A_1533 = arith.constant 48 : index
        %swap3A_1534 = tpu.vector_load %arg10[%swap3A_1531, %swap3A_1532, %swap3A_1533] {strides = array<i32>} : memref<2x128x128xf32, #tpu.memory_space<vmem>>, vector<1x1x16xf32>,
        %swap3A_1535 = vector.shape_cast %swap3A_1534 : vector<1x1x16xf32> to vector<16xf32>
        %swap3A_1536 = vector.shape_cast %mul3A_1529 : vector<16xf32> to vector<1x1x16xf32>
        tpu.vector_store %arg10[%swap3A_1531, %swap3A_1532, %swap3A_1533], %swap3A_1536 {strides = array<i32>} : memref<2x128x128xf32, #tpu.memory_space<vmem>>, vector<1x1x16xf32>,
        %get3A_1537 = arith.constant 0 : i32
        %get3A_1538 = arith.index_cast %get3A_1537 : i32 to index
        %get3A_1539 = arith.index_cast %add3A_1480 : i32 to index
        %get3A_1540 = arith.constant 64 : index
        %get3A_1541 = tpu.vector_load %arg10[%get3A_1538, %get3A_1539, %get3A_1540] {strides = array<i32>} : memref<2x128x128xf32, #tpu.memory_space<vmem>>, vector<1x1x16xf32>,
        %get3A_1542 = vector.shape_cast %get3A_1541 : vector<1x1x16xf32> to vector<16xf32>
        %mul3A_1543 = arith.mulf %get3A_1542, %gather3A_1476 : vector<16xf32>
        %swap3A_1544 = arith.constant 0 : i32
        %swap3A_1545 = arith.index_cast %swap3A_1544 : i32 to index
        %swap3A_1546 = arith.index_cast %add3A_1480 : i32 to index
        %swap3A_1547 = arith.constant 64 : index
        %swap3A_1548 = tpu.vector_load %arg10[%swap3A_1545, %swap3A_1546, %swap3A_1547] {strides = array<i32>} : memref<2x128x128xf32, #tpu.memory_space<vmem>>, vector<1x1x16xf32>,
        %swap3A_1549 = vector.shape_cast %swap3A_1548 : vector<1x1x16xf32> to vector<16xf32>
        %swap3A_1550 = vector.shape_cast %mul3A_1543 : vector<16xf32> to vector<1x1x16xf32>
        tpu.vector_store %arg10[%swap3A_1545, %swap3A_1546, %swap3A_1547], %swap3A_1550 {strides = array<i32>} : memref<2x128x128xf32, #tpu.memory_space<vmem>>, vector<1x1x16xf32>,
        %get3A_1551 = arith.constant 0 : i32
        %get3A_1552 = arith.index_cast %get3A_1551 : i32 to index
        %get3A_1553 = arith.index_cast %add3A_1480 : i32 to index
        %get3A_1554 = arith.constant 80 : index
        %get3A_1555 = tpu.vector_load %arg10[%get3A_1552, %get3A_1553, %get3A_1554] {strides = array<i32>} : memref<2x128x128xf32, #tpu.memory_space<vmem>>, vector<1x1x16xf32>,
        %get3A_1556 = vector.shape_cast %get3A_1555 : vector<1x1x16xf32> to vector<16xf32>
        %mul3A_1557 = arith.mulf %get3A_1556, %gather3A_1476 : vector<16xf32>
        %swap3A_1558 = arith.constant 0 : i32
        %swap3A_1559 = arith.index_cast %swap3A_1558 : i32 to index
        %swap3A_1560 = arith.index_cast %add3A_1480 : i32 to index
        %swap3A_1561 = arith.constant 80 : index
        %swap3A_1562 = tpu.vector_load %arg10[%swap3A_1559, %swap3A_1560, %swap3A_1561] {strides = array<i32>} : memref<2x128x128xf32, #tpu.memory_space<vmem>>, vector<1x1x16xf32>,
        %swap3A_1563 = vector.shape_cast %swap3A_1562 : vector<1x1x16xf32> to vector<16xf32>
        %swap3A_1564 = vector.shape_cast %mul3A_1557 : vector<16xf32> to vector<1x1x16xf32>
        tpu.vector_store %arg10[%swap3A_1559, %swap3A_1560, %swap3A_1561], %swap3A_1564 {strides = array<i32>} : memref<2x128x128xf32, #tpu.memory_space<vmem>>, vector<1x1x16xf32>,
        %get3A_1565 = arith.constant 0 : i32
        %get3A_1566 = arith.index_cast %get3A_1565 : i32 to index
        %get3A_1567 = arith.index_cast %add3A_1480 : i32 to index
        %get3A_1568 = arith.constant 96 : index
        %get3A_1569 = tpu.vector_load %arg10[%get3A_1566, %get3A_1567, %get3A_1568] {strides = array<i32>} : memref<2x128x128xf32, #tpu.memory_space<vmem>>, vector<1x1x16xf32>,
        %get3A_1570 = vector.shape_cast %get3A_1569 : vector<1x1x16xf32> to vector<16xf32>
        %mul3A_1571 = arith.mulf %get3A_1570, %gather3A_1476 : vector<16xf32>
        %swap3A_1572 = arith.constant 0 : i32
        %swap3A_1573 = arith.index_cast %swap3A_1572 : i32 to index
        %swap3A_1574 = arith.index_cast %add3A_1480 : i32 to index
        %swap3A_1575 = arith.constant 96 : index
        %swap3A_1576 = tpu.vector_load %arg10[%swap3A_1573, %swap3A_1574, %swap3A_1575] {strides = array<i32>} : memref<2x128x128xf32, #tpu.memory_space<vmem>>, vector<1x1x16xf32>,
        %swap3A_1577 = vector.shape_cast %swap3A_1576 : vector<1x1x16xf32> to vector<16xf32>
        %swap3A_1578 = vector.shape_cast %mul3A_1571 : vector<16xf32> to vector<1x1x16xf32>
        tpu.vector_store %arg10[%swap3A_1573, %swap3A_1574, %swap3A_1575], %swap3A_1578 {strides = array<i32>} : memref<2x128x128xf32, #tpu.memory_space<vmem>>, vector<1x1x16xf32>,
        %get3A_1579 = arith.constant 0 : i32
        %get3A_1580 = arith.index_cast %get3A_1579 : i32 to index
        %get3A_1581 = arith.index_cast %add3A_1480 : i32 to index
        %get3A_1582 = arith.constant 112 : index
        %get3A_1583 = tpu.vector_load %arg10[%get3A_1580, %get3A_1581, %get3A_1582] {strides = array<i32>} : memref<2x128x128xf32, #tpu.memory_space<vmem>>, vector<1x1x16xf32>,
        %get3A_1584 = vector.shape_cast %get3A_1583 : vector<1x1x16xf32> to vector<16xf32>
        %mul3A_1585 = arith.mulf %get3A_1584, %gather3A_1476 : vector<16xf32>
        %swap3A_1586 = arith.constant 0 : i32
        %swap3A_1587 = arith.index_cast %swap3A_1586 : i32 to index
        %swap3A_1588 = arith.index_cast %add3A_1480 : i32 to index
        %swap3A_1589 = arith.constant 112 : index
        %swap3A_1590 = tpu.vector_load %arg10[%swap3A_1587, %swap3A_1588, %swap3A_1589] {strides = array<i32>} : memref<2x128x128xf32, #tpu.memory_space<vmem>>, vector<1x1x16xf32>,
        %swap3A_1591 = vector.shape_cast %swap3A_1590 : vector<1x1x16xf32> to vector<16xf32>
        %swap3A_1592 = vector.shape_cast %mul3A_1585 : vector<16xf32> to vector<1x1x16xf32>
        tpu.vector_store %arg10[%swap3A_1587, %swap3A_1588, %swap3A_1589], %swap3A_1592 {strides = array<i32>} : memref<2x128x128xf32, #tpu.memory_space<vmem>>, vector<1x1x16xf32>,
        %broadcast_in_dim3A_1593 = arith.constant 12 : i32
        %broadcast_in_dim3A_1594 = vector.broadcast %broadcast_in_dim3A_1593 : i32 to vector<16x1xi32>
        %gather3A_1595 = vector.shape_cast %broadcast_in_dim3A_1594 : vector<16x1xi32> to vector<16xi32>
        %gather3A_1596 = tpu.dynamic_gather %get3A_155[%gather3A_1595] in [0] : vector<16xf32>, vector<16xi32> -> vector<16xf32>
        %mul3A_1597 = arith.constant 16 : i32
        %mul3A_1598 = arith.muli %scan3A_149, %mul3A_1597 : i32
        %add3A_1599 = arith.constant 12 : i32
        %add3A_1600 = arith.addi %mul3A_1598, %add3A_1599 : i32
        %get3A_1601 = arith.constant 0 : i32
        %get3A_1602 = arith.index_cast %get3A_1601 : i32 to index
        %get3A_1603 = arith.index_cast %add3A_1600 : i32 to index
        %get3A_1604 = arith.constant 0 : index
        %get3A_1605 = tpu.vector_load %arg10[%get3A_1602, %get3A_1603, %get3A_1604] {strides = array<i32>} : memref<2x128x128xf32, #tpu.memory_space<vmem>>, vector<1x1x16xf32>,
        %get3A_1606 = vector.shape_cast %get3A_1605 : vector<1x1x16xf32> to vector<16xf32>
        %mul3A_1607 = arith.mulf %get3A_1606, %gather3A_1596 : vector<16xf32>
        %swap3A_1608 = arith.constant 0 : i32
        %swap3A_1609 = arith.index_cast %swap3A_1608 : i32 to index
        %swap3A_1610 = arith.index_cast %add3A_1600 : i32 to index
        %swap3A_1611 = arith.constant 0 : index
        %swap3A_1612 = tpu.vector_load %arg10[%swap3A_1609, %swap3A_1610, %swap3A_1611] {strides = array<i32>} : memref<2x128x128xf32, #tpu.memory_space<vmem>>, vector<1x1x16xf32>,
        %swap3A_1613 = vector.shape_cast %swap3A_1612 : vector<1x1x16xf32> to vector<16xf32>
        %swap3A_1614 = vector.shape_cast %mul3A_1607 : vector<16xf32> to vector<1x1x16xf32>
        tpu.vector_store %arg10[%swap3A_1609, %swap3A_1610, %swap3A_1611], %swap3A_1614 {strides = array<i32>} : memref<2x128x128xf32, #tpu.memory_space<vmem>>, vector<1x1x16xf32>,
        %get3A_1615 = arith.constant 0 : i32
        %get3A_1616 = arith.index_cast %get3A_1615 : i32 to index
        %get3A_1617 = arith.index_cast %add3A_1600 : i32 to index
        %get3A_1618 = arith.constant 16 : index
        %get3A_1619 = tpu.vector_load %arg10[%get3A_1616, %get3A_1617, %get3A_1618] {strides = array<i32>} : memref<2x128x128xf32, #tpu.memory_space<vmem>>, vector<1x1x16xf32>,
        %get3A_1620 = vector.shape_cast %get3A_1619 : vector<1x1x16xf32> to vector<16xf32>
        %mul3A_1621 = arith.mulf %get3A_1620, %gather3A_1596 : vector<16xf32>
        %swap3A_1622 = arith.constant 0 : i32
        %swap3A_1623 = arith.index_cast %swap3A_1622 : i32 to index
        %swap3A_1624 = arith.index_cast %add3A_1600 : i32 to index
        %swap3A_1625 = arith.constant 16 : index
        %swap3A_1626 = tpu.vector_load %arg10[%swap3A_1623, %swap3A_1624, %swap3A_1625] {strides = array<i32>} : memref<2x128x128xf32, #tpu.memory_space<vmem>>, vector<1x1x16xf32>,
        %swap3A_1627 = vector.shape_cast %swap3A_1626 : vector<1x1x16xf32> to vector<16xf32>
        %swap3A_1628 = vector.shape_cast %mul3A_1621 : vector<16xf32> to vector<1x1x16xf32>
        tpu.vector_store %arg10[%swap3A_1623, %swap3A_1624, %swap3A_1625], %swap3A_1628 {strides = array<i32>} : memref<2x128x128xf32, #tpu.memory_space<vmem>>, vector<1x1x16xf32>,
        %get3A_1629 = arith.constant 0 : i32
        %get3A_1630 = arith.index_cast %get3A_1629 : i32 to index
        %get3A_1631 = arith.index_cast %add3A_1600 : i32 to index
        %get3A_1632 = arith.constant 32 : index
        %get3A_1633 = tpu.vector_load %arg10[%get3A_1630, %get3A_1631, %get3A_1632] {strides = array<i32>} : memref<2x128x128xf32, #tpu.memory_space<vmem>>, vector<1x1x16xf32>,
        %get3A_1634 = vector.shape_cast %get3A_1633 : vector<1x1x16xf32> to vector<16xf32>
        %mul3A_1635 = arith.mulf %get3A_1634, %gather3A_1596 : vector<16xf32>
        %swap3A_1636 = arith.constant 0 : i32
        %swap3A_1637 = arith.index_cast %swap3A_1636 : i32 to index
        %swap3A_1638 = arith.index_cast %add3A_1600 : i32 to index
        %swap3A_1639 = arith.constant 32 : index
        %swap3A_1640 = tpu.vector_load %arg10[%swap3A_1637, %swap3A_1638, %swap3A_1639] {strides = array<i32>} : memref<2x128x128xf32, #tpu.memory_space<vmem>>, vector<1x1x16xf32>,
        %swap3A_1641 = vector.shape_cast %swap3A_1640 : vector<1x1x16xf32> to vector<16xf32>
        %swap3A_1642 = vector.shape_cast %mul3A_1635 : vector<16xf32> to vector<1x1x16xf32>
        tpu.vector_store %arg10[%swap3A_1637, %swap3A_1638, %swap3A_1639], %swap3A_1642 {strides = array<i32>} : memref<2x128x128xf32, #tpu.memory_space<vmem>>, vector<1x1x16xf32>,
        %get3A_1643 = arith.constant 0 : i32
        %get3A_1644 = arith.index_cast %get3A_1643 : i32 to index
        %get3A_1645 = arith.index_cast %add3A_1600 : i32 to index
        %get3A_1646 = arith.constant 48 : index
        %get3A_1647 = tpu.vector_load %arg10[%get3A_1644, %get3A_1645, %get3A_1646] {strides = array<i32>} : memref<2x128x128xf32, #tpu.memory_space<vmem>>, vector<1x1x16xf32>,
        %get3A_1648 = vector.shape_cast %get3A_1647 : vector<1x1x16xf32> to vector<16xf32>
        %mul3A_1649 = arith.mulf %get3A_1648, %gather3A_1596 : vector<16xf32>
        %swap3A_1650 = arith.constant 0 : i32
        %swap3A_1651 = arith.index_cast %swap3A_1650 : i32 to index
        %swap3A_1652 = arith.index_cast %add3A_1600 : i32 to index
        %swap3A_1653 = arith.constant 48 : index
        %swap3A_1654 = tpu.vector_load %arg10[%swap3A_1651, %swap3A_1652, %swap3A_1653] {strides = array<i32>} : memref<2x128x128xf32, #tpu.memory_space<vmem>>, vector<1x1x16xf32>,
        %swap3A_1655 = vector.shape_cast %swap3A_1654 : vector<1x1x16xf32> to vector<16xf32>
        %swap3A_1656 = vector.shape_cast %mul3A_1649 : vector<16xf32> to vector<1x1x16xf32>
        tpu.vector_store %arg10[%swap3A_1651, %swap3A_1652, %swap3A_1653], %swap3A_1656 {strides = array<i32>} : memref<2x128x128xf32, #tpu.memory_space<vmem>>, vector<1x1x16xf32>,
        %get3A_1657 = arith.constant 0 : i32
        %get3A_1658 = arith.index_cast %get3A_1657 : i32 to index
        %get3A_1659 = arith.index_cast %add3A_1600 : i32 to index
        %get3A_1660 = arith.constant 64 : index
        %get3A_1661 = tpu.vector_load %arg10[%get3A_1658, %get3A_1659, %get3A_1660] {strides = array<i32>} : memref<2x128x128xf32, #tpu.memory_space<vmem>>, vector<1x1x16xf32>,
        %get3A_1662 = vector.shape_cast %get3A_1661 : vector<1x1x16xf32> to vector<16xf32>
        %mul3A_1663 = arith.mulf %get3A_1662, %gather3A_1596 : vector<16xf32>
        %swap3A_1664 = arith.constant 0 : i32
        %swap3A_1665 = arith.index_cast %swap3A_1664 : i32 to index
        %swap3A_1666 = arith.index_cast %add3A_1600 : i32 to index
        %swap3A_1667 = arith.constant 64 : index
        %swap3A_1668 = tpu.vector_load %arg10[%swap3A_1665, %swap3A_1666, %swap3A_1667] {strides = array<i32>} : memref<2x128x128xf32, #tpu.memory_space<vmem>>, vector<1x1x16xf32>,
        %swap3A_1669 = vector.shape_cast %swap3A_1668 : vector<1x1x16xf32> to vector<16xf32>
        %swap3A_1670 = vector.shape_cast %mul3A_1663 : vector<16xf32> to vector<1x1x16xf32>
        tpu.vector_store %arg10[%swap3A_1665, %swap3A_1666, %swap3A_1667], %swap3A_1670 {strides = array<i32>} : memref<2x128x128xf32, #tpu.memory_space<vmem>>, vector<1x1x16xf32>,
        %get3A_1671 = arith.constant 0 : i32
        %get3A_1672 = arith.index_cast %get3A_1671 : i32 to index
        %get3A_1673 = arith.index_cast %add3A_1600 : i32 to index
        %get3A_1674 = arith.constant 80 : index
        %get3A_1675 = tpu.vector_load %arg10[%get3A_1672, %get3A_1673, %get3A_1674] {strides = array<i32>} : memref<2x128x128xf32, #tpu.memory_space<vmem>>, vector<1x1x16xf32>,
        %get3A_1676 = vector.shape_cast %get3A_1675 : vector<1x1x16xf32> to vector<16xf32>
        %mul3A_1677 = arith.mulf %get3A_1676, %gather3A_1596 : vector<16xf32>
        %swap3A_1678 = arith.constant 0 : i32
        %swap3A_1679 = arith.index_cast %swap3A_1678 : i32 to index
        %swap3A_1680 = arith.index_cast %add3A_1600 : i32 to index
        %swap3A_1681 = arith.constant 80 : index
        %swap3A_1682 = tpu.vector_load %arg10[%swap3A_1679, %swap3A_1680, %swap3A_1681] {strides = array<i32>} : memref<2x128x128xf32, #tpu.memory_space<vmem>>, vector<1x1x16xf32>,
        %swap3A_1683 = vector.shape_cast %swap3A_1682 : vector<1x1x16xf32> to vector<16xf32>
        %swap3A_1684 = vector.shape_cast %mul3A_1677 : vector<16xf32> to vector<1x1x16xf32>
        tpu.vector_store %arg10[%swap3A_1679, %swap3A_1680, %swap3A_1681], %swap3A_1684 {strides = array<i32>} : memref<2x128x128xf32, #tpu.memory_space<vmem>>, vector<1x1x16xf32>,
        %get3A_1685 = arith.constant 0 : i32
        %get3A_1686 = arith.index_cast %get3A_1685 : i32 to index
        %get3A_1687 = arith.index_cast %add3A_1600 : i32 to index
        %get3A_1688 = arith.constant 96 : index
        %get3A_1689 = tpu.vector_load %arg10[%get3A_1686, %get3A_1687, %get3A_1688] {strides = array<i32>} : memref<2x128x128xf32, #tpu.memory_space<vmem>>, vector<1x1x16xf32>,
        %get3A_1690 = vector.shape_cast %get3A_1689 : vector<1x1x16xf32> to vector<16xf32>
        %mul3A_1691 = arith.mulf %get3A_1690, %gather3A_1596 : vector<16xf32>
        %swap3A_1692 = arith.constant 0 : i32
        %swap3A_1693 = arith.index_cast %swap3A_1692 : i32 to index
        %swap3A_1694 = arith.index_cast %add3A_1600 : i32 to index
        %swap3A_1695 = arith.constant 96 : index
        %swap3A_1696 = tpu.vector_load %arg10[%swap3A_1693, %swap3A_1694, %swap3A_1695] {strides = array<i32>} : memref<2x128x128xf32, #tpu.memory_space<vmem>>, vector<1x1x16xf32>,
        %swap3A_1697 = vector.shape_cast %swap3A_1696 : vector<1x1x16xf32> to vector<16xf32>
        %swap3A_1698 = vector.shape_cast %mul3A_1691 : vector<16xf32> to vector<1x1x16xf32>
        tpu.vector_store %arg10[%swap3A_1693, %swap3A_1694, %swap3A_1695], %swap3A_1698 {strides = array<i32>} : memref<2x128x128xf32, #tpu.memory_space<vmem>>, vector<1x1x16xf32>,
        %get3A_1699 = arith.constant 0 : i32
        %get3A_1700 = arith.index_cast %get3A_1699 : i32 to index
        %get3A_1701 = arith.index_cast %add3A_1600 : i32 to index
        %get3A_1702 = arith.constant 112 : index
        %get3A_1703 = tpu.vector_load %arg10[%get3A_1700, %get3A_1701, %get3A_1702] {strides = array<i32>} : memref<2x128x128xf32, #tpu.memory_space<vmem>>, vector<1x1x16xf32>,
        %get3A_1704 = vector.shape_cast %get3A_1703 : vector<1x1x16xf32> to vector<16xf32>
        %mul3A_1705 = arith.mulf %get3A_1704, %gather3A_1596 : vector<16xf32>
        %swap3A_1706 = arith.constant 0 : i32
        %swap3A_1707 = arith.index_cast %swap3A_1706 : i32 to index
        %swap3A_1708 = arith.index_cast %add3A_1600 : i32 to index
        %swap3A_1709 = arith.constant 112 : index
        %swap3A_1710 = tpu.vector_load %arg10[%swap3A_1707, %swap3A_1708, %swap3A_1709] {strides = array<i32>} : memref<2x128x128xf32, #tpu.memory_space<vmem>>, vector<1x1x16xf32>,
        %swap3A_1711 = vector.shape_cast %swap3A_1710 : vector<1x1x16xf32> to vector<16xf32>
        %swap3A_1712 = vector.shape_cast %mul3A_1705 : vector<16xf32> to vector<1x1x16xf32>
        tpu.vector_store %arg10[%swap3A_1707, %swap3A_1708, %swap3A_1709], %swap3A_1712 {strides = array<i32>} : memref<2x128x128xf32, #tpu.memory_space<vmem>>, vector<1x1x16xf32>,
        %broadcast_in_dim3A_1713 = arith.constant 13 : i32
        %broadcast_in_dim3A_1714 = vector.broadcast %broadcast_in_dim3A_1713 : i32 to vector<16x1xi32>
        %gather3A_1715 = vector.shape_cast %broadcast_in_dim3A_1714 : vector<16x1xi32> to vector<16xi32>
        %gather3A_1716 = tpu.dynamic_gather %get3A_155[%gather3A_1715] in [0] : vector<16xf32>, vector<16xi32> -> vector<16xf32>
        %mul3A_1717 = arith.constant 16 : i32
        %mul3A_1718 = arith.muli %scan3A_149, %mul3A_1717 : i32
        %add3A_1719 = arith.constant 13 : i32
        %add3A_1720 = arith.addi %mul3A_1718, %add3A_1719 : i32
        %get3A_1721 = arith.constant 0 : i32
        %get3A_1722 = arith.index_cast %get3A_1721 : i32 to index
        %get3A_1723 = arith.index_cast %add3A_1720 : i32 to index
        %get3A_1724 = arith.constant 0 : index
        %get3A_1725 = tpu.vector_load %arg10[%get3A_1722, %get3A_1723, %get3A_1724] {strides = array<i32>} : memref<2x128x128xf32, #tpu.memory_space<vmem>>, vector<1x1x16xf32>,
        %get3A_1726 = vector.shape_cast %get3A_1725 : vector<1x1x16xf32> to vector<16xf32>
        %mul3A_1727 = arith.mulf %get3A_1726, %gather3A_1716 : vector<16xf32>
        %swap3A_1728 = arith.constant 0 : i32
        %swap3A_1729 = arith.index_cast %swap3A_1728 : i32 to index
        %swap3A_1730 = arith.index_cast %add3A_1720 : i32 to index
        %swap3A_1731 = arith.constant 0 : index
        %swap3A_1732 = tpu.vector_load %arg10[%swap3A_1729, %swap3A_1730, %swap3A_1731] {strides = array<i32>} : memref<2x128x128xf32, #tpu.memory_space<vmem>>, vector<1x1x16xf32>,
        %swap3A_1733 = vector.shape_cast %swap3A_1732 : vector<1x1x16xf32> to vector<16xf32>
        %swap3A_1734 = vector.shape_cast %mul3A_1727 : vector<16xf32> to vector<1x1x16xf32>
        tpu.vector_store %arg10[%swap3A_1729, %swap3A_1730, %swap3A_1731], %swap3A_1734 {strides = array<i32>} : memref<2x128x128xf32, #tpu.memory_space<vmem>>, vector<1x1x16xf32>,
        %get3A_1735 = arith.constant 0 : i32
        %get3A_1736 = arith.index_cast %get3A_1735 : i32 to index
        %get3A_1737 = arith.index_cast %add3A_1720 : i32 to index
        %get3A_1738 = arith.constant 16 : index
        %get3A_1739 = tpu.vector_load %arg10[%get3A_1736, %get3A_1737, %get3A_1738] {strides = array<i32>} : memref<2x128x128xf32, #tpu.memory_space<vmem>>, vector<1x1x16xf32>,
        %get3A_1740 = vector.shape_cast %get3A_1739 : vector<1x1x16xf32> to vector<16xf32>
        %mul3A_1741 = arith.mulf %get3A_1740, %gather3A_1716 : vector<16xf32>
        %swap3A_1742 = arith.constant 0 : i32
        %swap3A_1743 = arith.index_cast %swap3A_1742 : i32 to index
        %swap3A_1744 = arith.index_cast %add3A_1720 : i32 to index
        %swap3A_1745 = arith.constant 16 : index
        %swap3A_1746 = tpu.vector_load %arg10[%swap3A_1743, %swap3A_1744, %swap3A_1745] {strides = array<i32>} : memref<2x128x128xf32, #tpu.memory_space<vmem>>, vector<1x1x16xf32>,
        %swap3A_1747 = vector.shape_cast %swap3A_1746 : vector<1x1x16xf32> to vector<16xf32>
        %swap3A_1748 = vector.shape_cast %mul3A_1741 : vector<16xf32> to vector<1x1x16xf32>
        tpu.vector_store %arg10[%swap3A_1743, %swap3A_1744, %swap3A_1745], %swap3A_1748 {strides = array<i32>} : memref<2x128x128xf32, #tpu.memory_space<vmem>>, vector<1x1x16xf32>,
        %get3A_1749 = arith.constant 0 : i32
        %get3A_1750 = arith.index_cast %get3A_1749 : i32 to index
        %get3A_1751 = arith.index_cast %add3A_1720 : i32 to index
        %get3A_1752 = arith.constant 32 : index
        %get3A_1753 = tpu.vector_load %arg10[%get3A_1750, %get3A_1751, %get3A_1752] {strides = array<i32>} : memref<2x128x128xf32, #tpu.memory_space<vmem>>, vector<1x1x16xf32>,
        %get3A_1754 = vector.shape_cast %get3A_1753 : vector<1x1x16xf32> to vector<16xf32>
        %mul3A_1755 = arith.mulf %get3A_1754, %gather3A_1716 : vector<16xf32>
        %swap3A_1756 = arith.constant 0 : i32
        %swap3A_1757 = arith.index_cast %swap3A_1756 : i32 to index
        %swap3A_1758 = arith.index_cast %add3A_1720 : i32 to index
        %swap3A_1759 = arith.constant 32 : index
        %swap3A_1760 = tpu.vector_load %arg10[%swap3A_1757, %swap3A_1758, %swap3A_1759] {strides = array<i32>} : memref<2x128x128xf32, #tpu.memory_space<vmem>>, vector<1x1x16xf32>,
        %swap3A_1761 = vector.shape_cast %swap3A_1760 : vector<1x1x16xf32> to vector<16xf32>
        %swap3A_1762 = vector.shape_cast %mul3A_1755 : vector<16xf32> to vector<1x1x16xf32>
        tpu.vector_store %arg10[%swap3A_1757, %swap3A_1758, %swap3A_1759], %swap3A_1762 {strides = array<i32>} : memref<2x128x128xf32, #tpu.memory_space<vmem>>, vector<1x1x16xf32>,
        %get3A_1763 = arith.constant 0 : i32
        %get3A_1764 = arith.index_cast %get3A_1763 : i32 to index
        %get3A_1765 = arith.index_cast %add3A_1720 : i32 to index
        %get3A_1766 = arith.constant 48 : index
        %get3A_1767 = tpu.vector_load %arg10[%get3A_1764, %get3A_1765, %get3A_1766] {strides = array<i32>} : memref<2x128x128xf32, #tpu.memory_space<vmem>>, vector<1x1x16xf32>,
        %get3A_1768 = vector.shape_cast %get3A_1767 : vector<1x1x16xf32> to vector<16xf32>
        %mul3A_1769 = arith.mulf %get3A_1768, %gather3A_1716 : vector<16xf32>
        %swap3A_1770 = arith.constant 0 : i32
        %swap3A_1771 = arith.index_cast %swap3A_1770 : i32 to index
        %swap3A_1772 = arith.index_cast %add3A_1720 : i32 to index
        %swap3A_1773 = arith.constant 48 : index
        %swap3A_1774 = tpu.vector_load %arg10[%swap3A_1771, %swap3A_1772, %swap3A_1773] {strides = array<i32>} : memref<2x128x128xf32, #tpu.memory_space<vmem>>, vector<1x1x16xf32>,
        %swap3A_1775 = vector.shape_cast %swap3A_1774 : vector<1x1x16xf32> to vector<16xf32>
        %swap3A_1776 = vector.shape_cast %mul3A_1769 : vector<16xf32> to vector<1x1x16xf32>
        tpu.vector_store %arg10[%swap3A_1771, %swap3A_1772, %swap3A_1773], %swap3A_1776 {strides = array<i32>} : memref<2x128x128xf32, #tpu.memory_space<vmem>>, vector<1x1x16xf32>,
        %get3A_1777 = arith.constant 0 : i32
        %get3A_1778 = arith.index_cast %get3A_1777 : i32 to index
        %get3A_1779 = arith.index_cast %add3A_1720 : i32 to index
        %get3A_1780 = arith.constant 64 : index
        %get3A_1781 = tpu.vector_load %arg10[%get3A_1778, %get3A_1779, %get3A_1780] {strides = array<i32>} : memref<2x128x128xf32, #tpu.memory_space<vmem>>, vector<1x1x16xf32>,
        %get3A_1782 = vector.shape_cast %get3A_1781 : vector<1x1x16xf32> to vector<16xf32>
        %mul3A_1783 = arith.mulf %get3A_1782, %gather3A_1716 : vector<16xf32>
        %swap3A_1784 = arith.constant 0 : i32
        %swap3A_1785 = arith.index_cast %swap3A_1784 : i32 to index
        %swap3A_1786 = arith.index_cast %add3A_1720 : i32 to index
        %swap3A_1787 = arith.constant 64 : index
        %swap3A_1788 = tpu.vector_load %arg10[%swap3A_1785, %swap3A_1786, %swap3A_1787] {strides = array<i32>} : memref<2x128x128xf32, #tpu.memory_space<vmem>>, vector<1x1x16xf32>,
        %swap3A_1789 = vector.shape_cast %swap3A_1788 : vector<1x1x16xf32> to vector<16xf32>
        %swap3A_1790 = vector.shape_cast %mul3A_1783 : vector<16xf32> to vector<1x1x16xf32>
        tpu.vector_store %arg10[%swap3A_1785, %swap3A_1786, %swap3A_1787], %swap3A_1790 {strides = array<i32>} : memref<2x128x128xf32, #tpu.memory_space<vmem>>, vector<1x1x16xf32>,
        %get3A_1791 = arith.constant 0 : i32
        %get3A_1792 = arith.index_cast %get3A_1791 : i32 to index
        %get3A_1793 = arith.index_cast %add3A_1720 : i32 to index
        %get3A_1794 = arith.constant 80 : index
        %get3A_1795 = tpu.vector_load %arg10[%get3A_1792, %get3A_1793, %get3A_1794] {strides = array<i32>} : memref<2x128x128xf32, #tpu.memory_space<vmem>>, vector<1x1x16xf32>,
        %get3A_1796 = vector.shape_cast %get3A_1795 : vector<1x1x16xf32> to vector<16xf32>
        %mul3A_1797 = arith.mulf %get3A_1796, %gather3A_1716 : vector<16xf32>
        %swap3A_1798 = arith.constant 0 : i32
        %swap3A_1799 = arith.index_cast %swap3A_1798 : i32 to index
        %swap3A_1800 = arith.index_cast %add3A_1720 : i32 to index
        %swap3A_1801 = arith.constant 80 : index
        %swap3A_1802 = tpu.vector_load %arg10[%swap3A_1799, %swap3A_1800, %swap3A_1801] {strides = array<i32>} : memref<2x128x128xf32, #tpu.memory_space<vmem>>, vector<1x1x16xf32>,
        %swap3A_1803 = vector.shape_cast %swap3A_1802 : vector<1x1x16xf32> to vector<16xf32>
        %swap3A_1804 = vector.shape_cast %mul3A_1797 : vector<16xf32> to vector<1x1x16xf32>
        tpu.vector_store %arg10[%swap3A_1799, %swap3A_1800, %swap3A_1801], %swap3A_1804 {strides = array<i32>} : memref<2x128x128xf32, #tpu.memory_space<vmem>>, vector<1x1x16xf32>,
        %get3A_1805 = arith.constant 0 : i32
        %get3A_1806 = arith.index_cast %get3A_1805 : i32 to index
        %get3A_1807 = arith.index_cast %add3A_1720 : i32 to index
        %get3A_1808 = arith.constant 96 : index
        %get3A_1809 = tpu.vector_load %arg10[%get3A_1806, %get3A_1807, %get3A_1808] {strides = array<i32>} : memref<2x128x128xf32, #tpu.memory_space<vmem>>, vector<1x1x16xf32>,
        %get3A_1810 = vector.shape_cast %get3A_1809 : vector<1x1x16xf32> to vector<16xf32>
        %mul3A_1811 = arith.mulf %get3A_1810, %gather3A_1716 : vector<16xf32>
        %swap3A_1812 = arith.constant 0 : i32
        %swap3A_1813 = arith.index_cast %swap3A_1812 : i32 to index
        %swap3A_1814 = arith.index_cast %add3A_1720 : i32 to index
        %swap3A_1815 = arith.constant 96 : index
        %swap3A_1816 = tpu.vector_load %arg10[%swap3A_1813, %swap3A_1814, %swap3A_1815] {strides = array<i32>} : memref<2x128x128xf32, #tpu.memory_space<vmem>>, vector<1x1x16xf32>,
        %swap3A_1817 = vector.shape_cast %swap3A_1816 : vector<1x1x16xf32> to vector<16xf32>
        %swap3A_1818 = vector.shape_cast %mul3A_1811 : vector<16xf32> to vector<1x1x16xf32>
        tpu.vector_store %arg10[%swap3A_1813, %swap3A_1814, %swap3A_1815], %swap3A_1818 {strides = array<i32>} : memref<2x128x128xf32, #tpu.memory_space<vmem>>, vector<1x1x16xf32>,
        %get3A_1819 = arith.constant 0 : i32
        %get3A_1820 = arith.index_cast %get3A_1819 : i32 to index
        %get3A_1821 = arith.index_cast %add3A_1720 : i32 to index
        %get3A_1822 = arith.constant 112 : index
        %get3A_1823 = tpu.vector_load %arg10[%get3A_1820, %get3A_1821, %get3A_1822] {strides = array<i32>} : memref<2x128x128xf32, #tpu.memory_space<vmem>>, vector<1x1x16xf32>,
        %get3A_1824 = vector.shape_cast %get3A_1823 : vector<1x1x16xf32> to vector<16xf32>
        %mul3A_1825 = arith.mulf %get3A_1824, %gather3A_1716 : vector<16xf32>
        %swap3A_1826 = arith.constant 0 : i32
        %swap3A_1827 = arith.index_cast %swap3A_1826 : i32 to index
        %swap3A_1828 = arith.index_cast %add3A_1720 : i32 to index
        %swap3A_1829 = arith.constant 112 : index
        %swap3A_1830 = tpu.vector_load %arg10[%swap3A_1827, %swap3A_1828, %swap3A_1829] {strides = array<i32>} : memref<2x128x128xf32, #tpu.memory_space<vmem>>, vector<1x1x16xf32>,
        %swap3A_1831 = vector.shape_cast %swap3A_1830 : vector<1x1x16xf32> to vector<16xf32>
        %swap3A_1832 = vector.shape_cast %mul3A_1825 : vector<16xf32> to vector<1x1x16xf32>
        tpu.vector_store %arg10[%swap3A_1827, %swap3A_1828, %swap3A_1829], %swap3A_1832 {strides = array<i32>} : memref<2x128x128xf32, #tpu.memory_space<vmem>>, vector<1x1x16xf32>,
        %broadcast_in_dim3A_1833 = arith.constant 14 : i32
        %broadcast_in_dim3A_1834 = vector.broadcast %broadcast_in_dim3A_1833 : i32 to vector<16x1xi32>
        %gather3A_1835 = vector.shape_cast %broadcast_in_dim3A_1834 : vector<16x1xi32> to vector<16xi32>
        %gather3A_1836 = tpu.dynamic_gather %get3A_155[%gather3A_1835] in [0] : vector<16xf32>, vector<16xi32> -> vector<16xf32>
        %mul3A_1837 = arith.constant 16 : i32
        %mul3A_1838 = arith.muli %scan3A_149, %mul3A_1837 : i32
        %add3A_1839 = arith.constant 14 : i32
        %add3A_1840 = arith.addi %mul3A_1838, %add3A_1839 : i32
        %get3A_1841 = arith.constant 0 : i32
        %get3A_1842 = arith.index_cast %get3A_1841 : i32 to index
        %get3A_1843 = arith.index_cast %add3A_1840 : i32 to index
        %get3A_1844 = arith.constant 0 : index
        %get3A_1845 = tpu.vector_load %arg10[%get3A_1842, %get3A_1843, %get3A_1844] {strides = array<i32>} : memref<2x128x128xf32, #tpu.memory_space<vmem>>, vector<1x1x16xf32>,
        %get3A_1846 = vector.shape_cast %get3A_1845 : vector<1x1x16xf32> to vector<16xf32>
        %mul3A_1847 = arith.mulf %get3A_1846, %gather3A_1836 : vector<16xf32>
        %swap3A_1848 = arith.constant 0 : i32
        %swap3A_1849 = arith.index_cast %swap3A_1848 : i32 to index
        %swap3A_1850 = arith.index_cast %add3A_1840 : i32 to index
        %swap3A_1851 = arith.constant 0 : index
        %swap3A_1852 = tpu.vector_load %arg10[%swap3A_1849, %swap3A_1850, %swap3A_1851] {strides = array<i32>} : memref<2x128x128xf32, #tpu.memory_space<vmem>>, vector<1x1x16xf32>,
        %swap3A_1853 = vector.shape_cast %swap3A_1852 : vector<1x1x16xf32> to vector<16xf32>
        %swap3A_1854 = vector.shape_cast %mul3A_1847 : vector<16xf32> to vector<1x1x16xf32>
        tpu.vector_store %arg10[%swap3A_1849, %swap3A_1850, %swap3A_1851], %swap3A_1854 {strides = array<i32>} : memref<2x128x128xf32, #tpu.memory_space<vmem>>, vector<1x1x16xf32>,
        %get3A_1855 = arith.constant 0 : i32
        %get3A_1856 = arith.index_cast %get3A_1855 : i32 to index
        %get3A_1857 = arith.index_cast %add3A_1840 : i32 to index
        %get3A_1858 = arith.constant 16 : index
        %get3A_1859 = tpu.vector_load %arg10[%get3A_1856, %get3A_1857, %get3A_1858] {strides = array<i32>} : memref<2x128x128xf32, #tpu.memory_space<vmem>>, vector<1x1x16xf32>,
        %get3A_1860 = vector.shape_cast %get3A_1859 : vector<1x1x16xf32> to vector<16xf32>
        %mul3A_1861 = arith.mulf %get3A_1860, %gather3A_1836 : vector<16xf32>
        %swap3A_1862 = arith.constant 0 : i32
        %swap3A_1863 = arith.index_cast %swap3A_1862 : i32 to index
        %swap3A_1864 = arith.index_cast %add3A_1840 : i32 to index
        %swap3A_1865 = arith.constant 16 : index
        %swap3A_1866 = tpu.vector_load %arg10[%swap3A_1863, %swap3A_1864, %swap3A_1865] {strides = array<i32>} : memref<2x128x128xf32, #tpu.memory_space<vmem>>, vector<1x1x16xf32>,
        %swap3A_1867 = vector.shape_cast %swap3A_1866 : vector<1x1x16xf32> to vector<16xf32>
        %swap3A_1868 = vector.shape_cast %mul3A_1861 : vector<16xf32> to vector<1x1x16xf32>
        tpu.vector_store %arg10[%swap3A_1863, %swap3A_1864, %swap3A_1865], %swap3A_1868 {strides = array<i32>} : memref<2x128x128xf32, #tpu.memory_space<vmem>>, vector<1x1x16xf32>,
        %get3A_1869 = arith.constant 0 : i32
        %get3A_1870 = arith.index_cast %get3A_1869 : i32 to index
        %get3A_1871 = arith.index_cast %add3A_1840 : i32 to index
        %get3A_1872 = arith.constant 32 : index
        %get3A_1873 = tpu.vector_load %arg10[%get3A_1870, %get3A_1871, %get3A_1872] {strides = array<i32>} : memref<2x128x128xf32, #tpu.memory_space<vmem>>, vector<1x1x16xf32>,
        %get3A_1874 = vector.shape_cast %get3A_1873 : vector<1x1x16xf32> to vector<16xf32>
        %mul3A_1875 = arith.mulf %get3A_1874, %gather3A_1836 : vector<16xf32>
        %swap3A_1876 = arith.constant 0 : i32
        %swap3A_1877 = arith.index_cast %swap3A_1876 : i32 to index
        %swap3A_1878 = arith.index_cast %add3A_1840 : i32 to index
        %swap3A_1879 = arith.constant 32 : index
        %swap3A_1880 = tpu.vector_load %arg10[%swap3A_1877, %swap3A_1878, %swap3A_1879] {strides = array<i32>} : memref<2x128x128xf32, #tpu.memory_space<vmem>>, vector<1x1x16xf32>,
        %swap3A_1881 = vector.shape_cast %swap3A_1880 : vector<1x1x16xf32> to vector<16xf32>
        %swap3A_1882 = vector.shape_cast %mul3A_1875 : vector<16xf32> to vector<1x1x16xf32>
        tpu.vector_store %arg10[%swap3A_1877, %swap3A_1878, %swap3A_1879], %swap3A_1882 {strides = array<i32>} : memref<2x128x128xf32, #tpu.memory_space<vmem>>, vector<1x1x16xf32>,
        %get3A_1883 = arith.constant 0 : i32
        %get3A_1884 = arith.index_cast %get3A_1883 : i32 to index
        %get3A_1885 = arith.index_cast %add3A_1840 : i32 to index
        %get3A_1886 = arith.constant 48 : index
        %get3A_1887 = tpu.vector_load %arg10[%get3A_1884, %get3A_1885, %get3A_1886] {strides = array<i32>} : memref<2x128x128xf32, #tpu.memory_space<vmem>>, vector<1x1x16xf32>,
        %get3A_1888 = vector.shape_cast %get3A_1887 : vector<1x1x16xf32> to vector<16xf32>
        %mul3A_1889 = arith.mulf %get3A_1888, %gather3A_1836 : vector<16xf32>
        %swap3A_1890 = arith.constant 0 : i32
        %swap3A_1891 = arith.index_cast %swap3A_1890 : i32 to index
        %swap3A_1892 = arith.index_cast %add3A_1840 : i32 to index
        %swap3A_1893 = arith.constant 48 : index
        %swap3A_1894 = tpu.vector_load %arg10[%swap3A_1891, %swap3A_1892, %swap3A_1893] {strides = array<i32>} : memref<2x128x128xf32, #tpu.memory_space<vmem>>, vector<1x1x16xf32>,
        %swap3A_1895 = vector.shape_cast %swap3A_1894 : vector<1x1x16xf32> to vector<16xf32>
        %swap3A_1896 = vector.shape_cast %mul3A_1889 : vector<16xf32> to vector<1x1x16xf32>
        tpu.vector_store %arg10[%swap3A_1891, %swap3A_1892, %swap3A_1893], %swap3A_1896 {strides = array<i32>} : memref<2x128x128xf32, #tpu.memory_space<vmem>>, vector<1x1x16xf32>,
        %get3A_1897 = arith.constant 0 : i32
        %get3A_1898 = arith.index_cast %get3A_1897 : i32 to index
        %get3A_1899 = arith.index_cast %add3A_1840 : i32 to index
        %get3A_1900 = arith.constant 64 : index
        %get3A_1901 = tpu.vector_load %arg10[%get3A_1898, %get3A_1899, %get3A_1900] {strides = array<i32>} : memref<2x128x128xf32, #tpu.memory_space<vmem>>, vector<1x1x16xf32>,
        %get3A_1902 = vector.shape_cast %get3A_1901 : vector<1x1x16xf32> to vector<16xf32>
        %mul3A_1903 = arith.mulf %get3A_1902, %gather3A_1836 : vector<16xf32>
        %swap3A_1904 = arith.constant 0 : i32
        %swap3A_1905 = arith.index_cast %swap3A_1904 : i32 to index
        %swap3A_1906 = arith.index_cast %add3A_1840 : i32 to index
        %swap3A_1907 = arith.constant 64 : index
        %swap3A_1908 = tpu.vector_load %arg10[%swap3A_1905, %swap3A_1906, %swap3A_1907] {strides = array<i32>} : memref<2x128x128xf32, #tpu.memory_space<vmem>>, vector<1x1x16xf32>,
        %swap3A_1909 = vector.shape_cast %swap3A_1908 : vector<1x1x16xf32> to vector<16xf32>
        %swap3A_1910 = vector.shape_cast %mul3A_1903 : vector<16xf32> to vector<1x1x16xf32>
        tpu.vector_store %arg10[%swap3A_1905, %swap3A_1906, %swap3A_1907], %swap3A_1910 {strides = array<i32>} : memref<2x128x128xf32, #tpu.memory_space<vmem>>, vector<1x1x16xf32>,
        %get3A_1911 = arith.constant 0 : i32
        %get3A_1912 = arith.index_cast %get3A_1911 : i32 to index
        %get3A_1913 = arith.index_cast %add3A_1840 : i32 to index
        %get3A_1914 = arith.constant 80 : index
        %get3A_1915 = tpu.vector_load %arg10[%get3A_1912, %get3A_1913, %get3A_1914] {strides = array<i32>} : memref<2x128x128xf32, #tpu.memory_space<vmem>>, vector<1x1x16xf32>,
        %get3A_1916 = vector.shape_cast %get3A_1915 : vector<1x1x16xf32> to vector<16xf32>
        %mul3A_1917 = arith.mulf %get3A_1916, %gather3A_1836 : vector<16xf32>
        %swap3A_1918 = arith.constant 0 : i32
        %swap3A_1919 = arith.index_cast %swap3A_1918 : i32 to index
        %swap3A_1920 = arith.index_cast %add3A_1840 : i32 to index
        %swap3A_1921 = arith.constant 80 : index
        %swap3A_1922 = tpu.vector_load %arg10[%swap3A_1919, %swap3A_1920, %swap3A_1921] {strides = array<i32>} : memref<2x128x128xf32, #tpu.memory_space<vmem>>, vector<1x1x16xf32>,
        %swap3A_1923 = vector.shape_cast %swap3A_1922 : vector<1x1x16xf32> to vector<16xf32>
        %swap3A_1924 = vector.shape_cast %mul3A_1917 : vector<16xf32> to vector<1x1x16xf32>
        tpu.vector_store %arg10[%swap3A_1919, %swap3A_1920, %swap3A_1921], %swap3A_1924 {strides = array<i32>} : memref<2x128x128xf32, #tpu.memory_space<vmem>>, vector<1x1x16xf32>,
        %get3A_1925 = arith.constant 0 : i32
        %get3A_1926 = arith.index_cast %get3A_1925 : i32 to index
        %get3A_1927 = arith.index_cast %add3A_1840 : i32 to index
        %get3A_1928 = arith.constant 96 : index
        %get3A_1929 = tpu.vector_load %arg10[%get3A_1926, %get3A_1927, %get3A_1928] {strides = array<i32>} : memref<2x128x128xf32, #tpu.memory_space<vmem>>, vector<1x1x16xf32>,
        %get3A_1930 = vector.shape_cast %get3A_1929 : vector<1x1x16xf32> to vector<16xf32>
        %mul3A_1931 = arith.mulf %get3A_1930, %gather3A_1836 : vector<16xf32>
        %swap3A_1932 = arith.constant 0 : i32
        %swap3A_1933 = arith.index_cast %swap3A_1932 : i32 to index
        %swap3A_1934 = arith.index_cast %add3A_1840 : i32 to index
        %swap3A_1935 = arith.constant 96 : index
        %swap3A_1936 = tpu.vector_load %arg10[%swap3A_1933, %swap3A_1934, %swap3A_1935] {strides = array<i32>} : memref<2x128x128xf32, #tpu.memory_space<vmem>>, vector<1x1x16xf32>,
        %swap3A_1937 = vector.shape_cast %swap3A_1936 : vector<1x1x16xf32> to vector<16xf32>
        %swap3A_1938 = vector.shape_cast %mul3A_1931 : vector<16xf32> to vector<1x1x16xf32>
        tpu.vector_store %arg10[%swap3A_1933, %swap3A_1934, %swap3A_1935], %swap3A_1938 {strides = array<i32>} : memref<2x128x128xf32, #tpu.memory_space<vmem>>, vector<1x1x16xf32>,
        %get3A_1939 = arith.constant 0 : i32
        %get3A_1940 = arith.index_cast %get3A_1939 : i32 to index
        %get3A_1941 = arith.index_cast %add3A_1840 : i32 to index
        %get3A_1942 = arith.constant 112 : index
        %get3A_1943 = tpu.vector_load %arg10[%get3A_1940, %get3A_1941, %get3A_1942] {strides = array<i32>} : memref<2x128x128xf32, #tpu.memory_space<vmem>>, vector<1x1x16xf32>,
        %get3A_1944 = vector.shape_cast %get3A_1943 : vector<1x1x16xf32> to vector<16xf32>
        %mul3A_1945 = arith.mulf %get3A_1944, %gather3A_1836 : vector<16xf32>
        %swap3A_1946 = arith.constant 0 : i32
        %swap3A_1947 = arith.index_cast %swap3A_1946 : i32 to index
        %swap3A_1948 = arith.index_cast %add3A_1840 : i32 to index
        %swap3A_1949 = arith.constant 112 : index
        %swap3A_1950 = tpu.vector_load %arg10[%swap3A_1947, %swap3A_1948, %swap3A_1949] {strides = array<i32>} : memref<2x128x128xf32, #tpu.memory_space<vmem>>, vector<1x1x16xf32>,
        %swap3A_1951 = vector.shape_cast %swap3A_1950 : vector<1x1x16xf32> to vector<16xf32>
        %swap3A_1952 = vector.shape_cast %mul3A_1945 : vector<16xf32> to vector<1x1x16xf32>
        tpu.vector_store %arg10[%swap3A_1947, %swap3A_1948, %swap3A_1949], %swap3A_1952 {strides = array<i32>} : memref<2x128x128xf32, #tpu.memory_space<vmem>>, vector<1x1x16xf32>,
        %broadcast_in_dim3A_1953 = arith.constant 15 : i32
        %broadcast_in_dim3A_1954 = vector.broadcast %broadcast_in_dim3A_1953 : i32 to vector<16x1xi32>
        %gather3A_1955 = vector.shape_cast %broadcast_in_dim3A_1954 : vector<16x1xi32> to vector<16xi32>
        %gather3A_1956 = tpu.dynamic_gather %get3A_155[%gather3A_1955] in [0] : vector<16xf32>, vector<16xi32> -> vector<16xf32>
        %mul3A_1957 = arith.constant 16 : i32
        %mul3A_1958 = arith.muli %scan3A_149, %mul3A_1957 : i32
        %add3A_1959 = arith.constant 15 : i32
        %add3A_1960 = arith.addi %mul3A_1958, %add3A_1959 : i32
        %get3A_1961 = arith.constant 0 : i32
        %get3A_1962 = arith.index_cast %get3A_1961 : i32 to index
        %get3A_1963 = arith.index_cast %add3A_1960 : i32 to index
        %get3A_1964 = arith.constant 0 : index
        %get3A_1965 = tpu.vector_load %arg10[%get3A_1962, %get3A_1963, %get3A_1964] {strides = array<i32>} : memref<2x128x128xf32, #tpu.memory_space<vmem>>, vector<1x1x16xf32>,
        %get3A_1966 = vector.shape_cast %get3A_1965 : vector<1x1x16xf32> to vector<16xf32>
        %mul3A_1967 = arith.mulf %get3A_1966, %gather3A_1956 : vector<16xf32>
        %swap3A_1968 = arith.constant 0 : i32
        %swap3A_1969 = arith.index_cast %swap3A_1968 : i32 to index
        %swap3A_1970 = arith.index_cast %add3A_1960 : i32 to index
        %swap3A_1971 = arith.constant 0 : index
        %swap3A_1972 = tpu.vector_load %arg10[%swap3A_1969, %swap3A_1970, %swap3A_1971] {strides = array<i32>} : memref<2x128x128xf32, #tpu.memory_space<vmem>>, vector<1x1x16xf32>,
        %swap3A_1973 = vector.shape_cast %swap3A_1972 : vector<1x1x16xf32> to vector<16xf32>
        %swap3A_1974 = vector.shape_cast %mul3A_1967 : vector<16xf32> to vector<1x1x16xf32>
        tpu.vector_store %arg10[%swap3A_1969, %swap3A_1970, %swap3A_1971], %swap3A_1974 {strides = array<i32>} : memref<2x128x128xf32, #tpu.memory_space<vmem>>, vector<1x1x16xf32>,
        %get3A_1975 = arith.constant 0 : i32
        %get3A_1976 = arith.index_cast %get3A_1975 : i32 to index
        %get3A_1977 = arith.index_cast %add3A_1960 : i32 to index
        %get3A_1978 = arith.constant 16 : index
        %get3A_1979 = tpu.vector_load %arg10[%get3A_1976, %get3A_1977, %get3A_1978] {strides = array<i32>} : memref<2x128x128xf32, #tpu.memory_space<vmem>>, vector<1x1x16xf32>,
        %get3A_1980 = vector.shape_cast %get3A_1979 : vector<1x1x16xf32> to vector<16xf32>
        %mul3A_1981 = arith.mulf %get3A_1980, %gather3A_1956 : vector<16xf32>
        %swap3A_1982 = arith.constant 0 : i32
        %swap3A_1983 = arith.index_cast %swap3A_1982 : i32 to index
        %swap3A_1984 = arith.index_cast %add3A_1960 : i32 to index
        %swap3A_1985 = arith.constant 16 : index
        %swap3A_1986 = tpu.vector_load %arg10[%swap3A_1983, %swap3A_1984, %swap3A_1985] {strides = array<i32>} : memref<2x128x128xf32, #tpu.memory_space<vmem>>, vector<1x1x16xf32>,
        %swap3A_1987 = vector.shape_cast %swap3A_1986 : vector<1x1x16xf32> to vector<16xf32>
        %swap3A_1988 = vector.shape_cast %mul3A_1981 : vector<16xf32> to vector<1x1x16xf32>
        tpu.vector_store %arg10[%swap3A_1983, %swap3A_1984, %swap3A_1985], %swap3A_1988 {strides = array<i32>} : memref<2x128x128xf32, #tpu.memory_space<vmem>>, vector<1x1x16xf32>,
        %get3A_1989 = arith.constant 0 : i32
        %get3A_1990 = arith.index_cast %get3A_1989 : i32 to index
        %get3A_1991 = arith.index_cast %add3A_1960 : i32 to index
        %get3A_1992 = arith.constant 32 : index
        %get3A_1993 = tpu.vector_load %arg10[%get3A_1990, %get3A_1991, %get3A_1992] {strides = array<i32>} : memref<2x128x128xf32, #tpu.memory_space<vmem>>, vector<1x1x16xf32>,
        %get3A_1994 = vector.shape_cast %get3A_1993 : vector<1x1x16xf32> to vector<16xf32>
        %mul3A_1995 = arith.mulf %get3A_1994, %gather3A_1956 : vector<16xf32>
        %swap3A_1996 = arith.constant 0 : i32
        %swap3A_1997 = arith.index_cast %swap3A_1996 : i32 to index
        %swap3A_1998 = arith.index_cast %add3A_1960 : i32 to index
        %swap3A_1999 = arith.constant 32 : index
        %swap3A_2000 = tpu.vector_load %arg10[%swap3A_1997, %swap3A_1998, %swap3A_1999] {strides = array<i32>} : memref<2x128x128xf32, #tpu.memory_space<vmem>>, vector<1x1x16xf32>,
        %swap3A_2001 = vector.shape_cast %swap3A_2000 : vector<1x1x16xf32> to vector<16xf32>
        %swap3A_2002 = vector.shape_cast %mul3A_1995 : vector<16xf32> to vector<1x1x16xf32>
        tpu.vector_store %arg10[%swap3A_1997, %swap3A_1998, %swap3A_1999], %swap3A_2002 {strides = array<i32>} : memref<2x128x128xf32, #tpu.memory_space<vmem>>, vector<1x1x16xf32>,
        %get3A_2003 = arith.constant 0 : i32
        %get3A_2004 = arith.index_cast %get3A_2003 : i32 to index
        %get3A_2005 = arith.index_cast %add3A_1960 : i32 to index
        %get3A_2006 = arith.constant 48 : index
        %get3A_2007 = tpu.vector_load %arg10[%get3A_2004, %get3A_2005, %get3A_2006] {strides = array<i32>} : memref<2x128x128xf32, #tpu.memory_space<vmem>>, vector<1x1x16xf32>,
        %get3A_2008 = vector.shape_cast %get3A_2007 : vector<1x1x16xf32> to vector<16xf32>
        %mul3A_2009 = arith.mulf %get3A_2008, %gather3A_1956 : vector<16xf32>
        %swap3A_2010 = arith.constant 0 : i32
        %swap3A_2011 = arith.index_cast %swap3A_2010 : i32 to index
        %swap3A_2012 = arith.index_cast %add3A_1960 : i32 to index
        %swap3A_2013 = arith.constant 48 : index
        %swap3A_2014 = tpu.vector_load %arg10[%swap3A_2011, %swap3A_2012, %swap3A_2013] {strides = array<i32>} : memref<2x128x128xf32, #tpu.memory_space<vmem>>, vector<1x1x16xf32>,
        %swap3A_2015 = vector.shape_cast %swap3A_2014 : vector<1x1x16xf32> to vector<16xf32>
        %swap3A_2016 = vector.shape_cast %mul3A_2009 : vector<16xf32> to vector<1x1x16xf32>
        tpu.vector_store %arg10[%swap3A_2011, %swap3A_2012, %swap3A_2013], %swap3A_2016 {strides = array<i32>} : memref<2x128x128xf32, #tpu.memory_space<vmem>>, vector<1x1x16xf32>,
        %get3A_2017 = arith.constant 0 : i32
        %get3A_2018 = arith.index_cast %get3A_2017 : i32 to index
        %get3A_2019 = arith.index_cast %add3A_1960 : i32 to index
        %get3A_2020 = arith.constant 64 : index
        %get3A_2021 = tpu.vector_load %arg10[%get3A_2018, %get3A_2019, %get3A_2020] {strides = array<i32>} : memref<2x128x128xf32, #tpu.memory_space<vmem>>, vector<1x1x16xf32>,
        %get3A_2022 = vector.shape_cast %get3A_2021 : vector<1x1x16xf32> to vector<16xf32>
        %mul3A_2023 = arith.mulf %get3A_2022, %gather3A_1956 : vector<16xf32>
        %swap3A_2024 = arith.constant 0 : i32
        %swap3A_2025 = arith.index_cast %swap3A_2024 : i32 to index
        %swap3A_2026 = arith.index_cast %add3A_1960 : i32 to index
        %swap3A_2027 = arith.constant 64 : index
        %swap3A_2028 = tpu.vector_load %arg10[%swap3A_2025, %swap3A_2026, %swap3A_2027] {strides = array<i32>} : memref<2x128x128xf32, #tpu.memory_space<vmem>>, vector<1x1x16xf32>,
        %swap3A_2029 = vector.shape_cast %swap3A_2028 : vector<1x1x16xf32> to vector<16xf32>
        %swap3A_2030 = vector.shape_cast %mul3A_2023 : vector<16xf32> to vector<1x1x16xf32>
        tpu.vector_store %arg10[%swap3A_2025, %swap3A_2026, %swap3A_2027], %swap3A_2030 {strides = array<i32>} : memref<2x128x128xf32, #tpu.memory_space<vmem>>, vector<1x1x16xf32>,
        %get3A_2031 = arith.constant 0 : i32
        %get3A_2032 = arith.index_cast %get3A_2031 : i32 to index
        %get3A_2033 = arith.index_cast %add3A_1960 : i32 to index
        %get3A_2034 = arith.constant 80 : index
        %get3A_2035 = tpu.vector_load %arg10[%get3A_2032, %get3A_2033, %get3A_2034] {strides = array<i32>} : memref<2x128x128xf32, #tpu.memory_space<vmem>>, vector<1x1x16xf32>,
        %get3A_2036 = vector.shape_cast %get3A_2035 : vector<1x1x16xf32> to vector<16xf32>
        %mul3A_2037 = arith.mulf %get3A_2036, %gather3A_1956 : vector<16xf32>
        %swap3A_2038 = arith.constant 0 : i32
        %swap3A_2039 = arith.index_cast %swap3A_2038 : i32 to index
        %swap3A_2040 = arith.index_cast %add3A_1960 : i32 to index
        %swap3A_2041 = arith.constant 80 : index
        %swap3A_2042 = tpu.vector_load %arg10[%swap3A_2039, %swap3A_2040, %swap3A_2041] {strides = array<i32>} : memref<2x128x128xf32, #tpu.memory_space<vmem>>, vector<1x1x16xf32>,
        %swap3A_2043 = vector.shape_cast %swap3A_2042 : vector<1x1x16xf32> to vector<16xf32>
        %swap3A_2044 = vector.shape_cast %mul3A_2037 : vector<16xf32> to vector<1x1x16xf32>
        tpu.vector_store %arg10[%swap3A_2039, %swap3A_2040, %swap3A_2041], %swap3A_2044 {strides = array<i32>} : memref<2x128x128xf32, #tpu.memory_space<vmem>>, vector<1x1x16xf32>,
        %get3A_2045 = arith.constant 0 : i32
        %get3A_2046 = arith.index_cast %get3A_2045 : i32 to index
        %get3A_2047 = arith.index_cast %add3A_1960 : i32 to index
        %get3A_2048 = arith.constant 96 : index
        %get3A_2049 = tpu.vector_load %arg10[%get3A_2046, %get3A_2047, %get3A_2048] {strides = array<i32>} : memref<2x128x128xf32, #tpu.memory_space<vmem>>, vector<1x1x16xf32>,
        %get3A_2050 = vector.shape_cast %get3A_2049 : vector<1x1x16xf32> to vector<16xf32>
        %mul3A_2051 = arith.mulf %get3A_2050, %gather3A_1956 : vector<16xf32>
        %swap3A_2052 = arith.constant 0 : i32
        %swap3A_2053 = arith.index_cast %swap3A_2052 : i32 to index
        %swap3A_2054 = arith.index_cast %add3A_1960 : i32 to index
        %swap3A_2055 = arith.constant 96 : index
        %swap3A_2056 = tpu.vector_load %arg10[%swap3A_2053, %swap3A_2054, %swap3A_2055] {strides = array<i32>} : memref<2x128x128xf32, #tpu.memory_space<vmem>>, vector<1x1x16xf32>,
        %swap3A_2057 = vector.shape_cast %swap3A_2056 : vector<1x1x16xf32> to vector<16xf32>
        %swap3A_2058 = vector.shape_cast %mul3A_2051 : vector<16xf32> to vector<1x1x16xf32>
        tpu.vector_store %arg10[%swap3A_2053, %swap3A_2054, %swap3A_2055], %swap3A_2058 {strides = array<i32>} : memref<2x128x128xf32, #tpu.memory_space<vmem>>, vector<1x1x16xf32>,
        %get3A_2059 = arith.constant 0 : i32
        %get3A_2060 = arith.index_cast %get3A_2059 : i32 to index
        %get3A_2061 = arith.index_cast %add3A_1960 : i32 to index
        %get3A_2062 = arith.constant 112 : index
        %get3A_2063 = tpu.vector_load %arg10[%get3A_2060, %get3A_2061, %get3A_2062] {strides = array<i32>} : memref<2x128x128xf32, #tpu.memory_space<vmem>>, vector<1x1x16xf32>,
        %get3A_2064 = vector.shape_cast %get3A_2063 : vector<1x1x16xf32> to vector<16xf32>
        %mul3A_2065 = arith.mulf %get3A_2064, %gather3A_1956 : vector<16xf32>
        %swap3A_2066 = arith.constant 0 : i32
        %swap3A_2067 = arith.index_cast %swap3A_2066 : i32 to index
        %swap3A_2068 = arith.index_cast %add3A_1960 : i32 to index
        %swap3A_2069 = arith.constant 112 : index
        %swap3A_2070 = tpu.vector_load %arg10[%swap3A_2067, %swap3A_2068, %swap3A_2069] {strides = array<i32>} : memref<2x128x128xf32, #tpu.memory_space<vmem>>, vector<1x1x16xf32>,
        %swap3A_2071 = vector.shape_cast %swap3A_2070 : vector<1x1x16xf32> to vector<16xf32>
        %swap3A_2072 = vector.shape_cast %mul3A_2065 : vector<16xf32> to vector<1x1x16xf32>
        tpu.vector_store %arg10[%swap3A_2067, %swap3A_2068, %swap3A_2069], %swap3A_2072 {strides = array<i32>} : memref<2x128x128xf32, #tpu.memory_space<vmem>>, vector<1x1x16xf32>,
      }
      %scan3A_105 = arith.constant 8 : i32
      %run_scoped3A_106 = arith.constant 0 : i32
      %run_scoped3A_107 = arith.constant 0 : i32
      %run_scoped3A_108 = arith.constant 1 : i32
      "tpu.region"() ({
        %run_scoped3A_149 = tpu.sem_alloc : memref<!tpu.dma_semaphore, #tpu.memory_space<semaphore_mem>>
        %dma_start3A_150 = arith.constant 0 : i32
        %dma_start3A_151 = arith.constant 0 : i32
        %dma_start3A_152 = tpu.memref_slice %arg10[%run_scoped3A_106, %dma_start3A_150, %dma_start3A_151] : memref<2x128x128xf32, #tpu.memory_space<vmem>> -> memref<1x128x128xf32, #tpu.memory_space<vmem>>
        %dma_start3A_153 = tpu.memref_squeeze %dma_start3A_152 : memref<1x128x128xf32, #tpu.memory_space<vmem>> -> memref<128x128xf32, #tpu.memory_space<vmem>>
        %dma_start3A_154 = arith.constant 0 : i32
        %dma_start3A_155 = tpu.memref_slice %arg8[%run_scoped3A_107, %run_scoped3A_108, %dma_start3A_154] : memref<2x2x128xi32, #tpu.memory_space<vmem>> -> memref<1x1x128xi32, #tpu.memory_space<vmem>>
        %dma_start3A_156 = tpu.memref_squeeze %dma_start3A_155 : memref<1x1x128xi32, #tpu.memory_space<vmem>> -> memref<128xi32, #tpu.memory_space<vmem>>
        %dma_start3A_157 = arith.constant 0 : i32
        %dma_start3A_158 = arith.constant 0 : i32
        %dma_start3A_159 = tpu.memref_slice %arg7[%dma_start3A_157, %dma_start3A_158] : memref<10240x128xf32, #tpu.memory_space<vmem_shared>> -> memref<10240x128xf32, #tpu.memory_space<vmem_shared>>
        tpu.enqueue_indirect_dma source(%dma_start3A_153 : memref<128x128xf32, #tpu.memory_space<vmem>>) target(%dma_start3A_159 : memref<10240x128xf32, #tpu.memory_space<vmem_shared>>) offsets(%dma_start3A_156 : memref<128xi32, #tpu.memory_space<vmem>>) semaphore(%run_scoped3A_149 : memref<!tpu.dma_semaphore, #tpu.memory_space<semaphore_mem>>) {add = true}
        %dma_wait3A_160 = arith.constant 0 : i32
        %dma_wait3A_161 = arith.constant 0 : i32
        %dma_wait3A_162 = tpu.memref_slice %arg10[%run_scoped3A_106, %dma_wait3A_160, %dma_wait3A_161] : memref<2x128x128xf32, #tpu.memory_space<vmem>> -> memref<1x128x128xf32, #tpu.memory_space<vmem>>
        %dma_wait3A_163 = tpu.memref_squeeze %dma_wait3A_162 : memref<1x128x128xf32, #tpu.memory_space<vmem>> -> memref<128x128xf32, #tpu.memory_space<vmem>>
        %dma_wait3A_164 = arith.constant 0 : i32
        %dma_wait3A_165 = tpu.memref_slice %arg8[%run_scoped3A_107, %run_scoped3A_108, %dma_wait3A_164] : memref<2x2x128xi32, #tpu.memory_space<vmem>> -> memref<1x1x128xi32, #tpu.memory_space<vmem>>
        %dma_wait3A_166 = tpu.memref_squeeze %dma_wait3A_165 : memref<1x1x128xi32, #tpu.memory_space<vmem>> -> memref<128xi32, #tpu.memory_space<vmem>>
        %dma_wait3A_167 = arith.constant 0 : i32
        %dma_wait3A_168 = arith.constant 0 : i32
        %dma_wait3A_169 = tpu.memref_slice %arg7[%dma_wait3A_167, %dma_wait3A_168] : memref<10240x128xf32, #tpu.memory_space<vmem_shared>> -> memref<10240x128xf32, #tpu.memory_space<vmem_shared>>
        tpu.wait_indirect_dma semaphore(%run_scoped3A_149 : memref<!tpu.dma_semaphore, #tpu.memory_space<semaphore_mem>>) src(%dma_wait3A_163 : memref<128x128xf32, #tpu.memory_space<vmem>>) dst(%dma_wait3A_169 : memref<10240x128xf32, #tpu.memory_space<vmem_shared>>)
        tpu.yield
      }) : () -> ()
      %add3A_109 = arith.constant 2 : i32
      %add3A_110 = arith.addi %add3A_69, %add3A_109 : i32
      %rem3A = arith.constant 2560 : i32
      %rem3A_111 = arith.remsi %add3A_110, %rem3A : i32
      %run_scoped3A_112 = arith.constant 0 : i32
      "tpu.region"() ({
        %run_scoped3A_149 = tpu.sem_alloc : memref<!tpu.dma_semaphore, #tpu.memory_space<semaphore_mem>>
        %dma_start3A_150 = arith.constant 0 : i32
        %dma_start3A_151 = arith.constant 0 : i32
        %dma_start3A_152 = tpu.memref_slice %arg8[%run_scoped3A_112, %dma_start3A_150, %dma_start3A_151] : memref<2x2x128xi32, #tpu.memory_space<vmem>> -> memref<1x2x128xi32, #tpu.memory_space<vmem>>
        %dma_start3A_153 = tpu.memref_squeeze %dma_start3A_152 : memref<1x2x128xi32, #tpu.memory_space<vmem>> -> memref<2x128xi32, #tpu.memory_space<vmem>>
        %dma_start3A_154 = arith.constant 0 : i32
        %dma_start3A_155 = arith.constant 0 : i32
        %dma_start3A_156 = tpu.memref_slice %arg3[%rem3A_111, %dma_start3A_154, %dma_start3A_155] : memref<2560x2x128xi32, #tpu.memory_space<hbm>> -> memref<1x2x128xi32, #tpu.memory_space<hbm>>
        %dma_start3A_157 = tpu.memref_squeeze %dma_start3A_156 : memref<1x2x128xi32, #tpu.memory_space<hbm>> -> memref<2x128xi32, #tpu.memory_space<hbm>>
        %dma_start3A_158 = arith.constant 0 : i32
        %dma_start3A_159 = arith.constant 0 : i32
        %dma_start3A_160 = tpu.memref_slice %arg8[%run_scoped3A_112, %dma_start3A_158, %dma_start3A_159] : memref<2x2x128xi32, #tpu.memory_space<vmem>> -> memref<1x2x128xi32, #tpu.memory_space<vmem>>
        %dma_start3A_161 = tpu.memref_squeeze %dma_start3A_160 : memref<1x2x128xi32, #tpu.memory_space<vmem>> -> memref<2x128xi32, #tpu.memory_space<vmem>>
        %dma_start3A_162 = arith.constant 0 : i32
        %dma_start3A_163 = arith.constant 0 : i32
        %dma_start3A_164 = tpu.memref_slice %arg3[%rem3A_111, %dma_start3A_162, %dma_start3A_163] : memref<2560x2x128xi32, #tpu.memory_space<hbm>> -> memref<1x2x128xi32, #tpu.memory_space<hbm>>
        %dma_start3A_165 = tpu.memref_squeeze %dma_start3A_164 : memref<1x2x128xi32, #tpu.memory_space<hbm>> -> memref<2x128xi32, #tpu.memory_space<hbm>>
        tpu.enqueue_dma source(%dma_start3A_165 : memref<2x128xi32, #tpu.memory_space<hbm>>) target(%dma_start3A_161 : memref<2x128xi32, #tpu.memory_space<vmem>>) target_semaphore(%run_scoped3A_149 : memref<!tpu.dma_semaphore, #tpu.memory_space<semaphore_mem>>)
        %dma_wait3A_166 = arith.constant 0 : i32
        %dma_wait3A_167 = arith.constant 0 : i32
        %dma_wait3A_168 = tpu.memref_slice %arg8[%run_scoped3A_112, %dma_wait3A_166, %dma_wait3A_167] : memref<2x2x128xi32, #tpu.memory_space<vmem>> -> memref<1x2x128xi32, #tpu.memory_space<vmem>>
        %dma_wait3A_169 = tpu.memref_squeeze %dma_wait3A_168 : memref<1x2x128xi32, #tpu.memory_space<vmem>> -> memref<2x128xi32, #tpu.memory_space<vmem>>
        %dma_wait3A_170 = arith.constant 0 : i32
        %dma_wait3A_171 = arith.constant 0 : i32
        %dma_wait3A_172 = tpu.memref_slice %arg3[%rem3A_111, %dma_wait3A_170, %dma_wait3A_171] : memref<2560x2x128xi32, #tpu.memory_space<hbm>> -> memref<1x2x128xi32, #tpu.memory_space<hbm>>
        %dma_wait3A_173 = tpu.memref_squeeze %dma_wait3A_172 : memref<1x2x128xi32, #tpu.memory_space<hbm>> -> memref<2x128xi32, #tpu.memory_space<hbm>>
        %dma_wait3A_174 = arith.constant 0 : i32
        %dma_wait3A_175 = arith.constant 0 : i32
        %dma_wait3A_176 = tpu.memref_slice %arg8[%run_scoped3A_112, %dma_wait3A_174, %dma_wait3A_175] : memref<2x2x128xi32, #tpu.memory_space<vmem>> -> memref<1x2x128xi32, #tpu.memory_space<vmem>>
        %dma_wait3A_177 = tpu.memref_squeeze %dma_wait3A_176 : memref<1x2x128xi32, #tpu.memory_space<vmem>> -> memref<2x128xi32, #tpu.memory_space<vmem>>
        %dma_wait3A_178 = arith.constant 0 : i32
        %dma_wait3A_179 = arith.constant 0 : i32
        %dma_wait3A_180 = tpu.memref_slice %arg3[%rem3A_111, %dma_wait3A_178, %dma_wait3A_179] : memref<2560x2x128xi32, #tpu.memory_space<hbm>> -> memref<1x2x128xi32, #tpu.memory_space<hbm>>
        %dma_wait3A_181 = tpu.memref_squeeze %dma_wait3A_180 : memref<1x2x128xi32, #tpu.memory_space<hbm>> -> memref<2x128xi32, #tpu.memory_space<hbm>>
        tpu.wait_dma2 semaphore(%run_scoped3A_149 : memref<!tpu.dma_semaphore, #tpu.memory_space<semaphore_mem>>) src(%dma_wait3A_181 : memref<2x128xi32, #tpu.memory_space<hbm>>) dst(%dma_wait3A_177 : memref<2x128xi32, #tpu.memory_space<vmem>>)
        tpu.yield
      }) : () -> ()
      %run_scoped3A_113 = arith.constant 0 : i32
      "tpu.region"() ({
        %run_scoped3A_149 = tpu.sem_alloc : memref<!tpu.dma_semaphore, #tpu.memory_space<semaphore_mem>>
        %dma_start3A_150 = arith.constant 0 : i32
        %dma_start3A_151 = tpu.memref_slice %arg9[%run_scoped3A_113, %dma_start3A_150] : memref<2x128xf32, #tpu.memory_space<vmem>> -> memref<1x128xf32, #tpu.memory_space<vmem>>
        %dma_start3A_152 = tpu.memref_squeeze %dma_start3A_151 : memref<1x128xf32, #tpu.memory_space<vmem>> -> memref<128xf32, #tpu.memory_space<vmem>>
        %dma_start3A_153 = arith.constant 0 : i32
        %dma_start3A_154 = tpu.memref_slice %arg4[%rem3A_111, %dma_start3A_153] : memref<2560x128xf32, #tpu.memory_space<hbm>> -> memref<1x128xf32, #tpu.memory_space<hbm>>
        %dma_start3A_155 = tpu.memref_squeeze %dma_start3A_154 : memref<1x128xf32, #tpu.memory_space<hbm>> -> memref<128xf32, #tpu.memory_space<hbm>>
        %dma_start3A_156 = arith.constant 0 : i32
        %dma_start3A_157 = tpu.memref_slice %arg9[%run_scoped3A_113, %dma_start3A_156] : memref<2x128xf32, #tpu.memory_space<vmem>> -> memref<1x128xf32, #tpu.memory_space<vmem>>
        %dma_start3A_158 = tpu.memref_squeeze %dma_start3A_157 : memref<1x128xf32, #tpu.memory_space<vmem>> -> memref<128xf32, #tpu.memory_space<vmem>>
        %dma_start3A_159 = arith.constant 0 : i32
        %dma_start3A_160 = tpu.memref_slice %arg4[%rem3A_111, %dma_start3A_159] : memref<2560x128xf32, #tpu.memory_space<hbm>> -> memref<1x128xf32, #tpu.memory_space<hbm>>
        %dma_start3A_161 = tpu.memref_squeeze %dma_start3A_160 : memref<1x128xf32, #tpu.memory_space<hbm>> -> memref<128xf32, #tpu.memory_space<hbm>>
        tpu.enqueue_dma source(%dma_start3A_161 : memref<128xf32, #tpu.memory_space<hbm>>) target(%dma_start3A_158 : memref<128xf32, #tpu.memory_space<vmem>>) target_semaphore(%run_scoped3A_149 : memref<!tpu.dma_semaphore, #tpu.memory_space<semaphore_mem>>)
        %dma_wait3A_162 = arith.constant 0 : i32
        %dma_wait3A_163 = tpu.memref_slice %arg9[%run_scoped3A_113, %dma_wait3A_162] : memref<2x128xf32, #tpu.memory_space<vmem>> -> memref<1x128xf32, #tpu.memory_space<vmem>>
        %dma_wait3A_164 = tpu.memref_squeeze %dma_wait3A_163 : memref<1x128xf32, #tpu.memory_space<vmem>> -> memref<128xf32, #tpu.memory_space<vmem>>
        %dma_wait3A_165 = arith.constant 0 : i32
        %dma_wait3A_166 = tpu.memref_slice %arg4[%rem3A_111, %dma_wait3A_165] : memref<2560x128xf32, #tpu.memory_space<hbm>> -> memref<1x128xf32, #tpu.memory_space<hbm>>
        %dma_wait3A_167 = tpu.memref_squeeze %dma_wait3A_166 : memref<1x128xf32, #tpu.memory_space<hbm>> -> memref<128xf32, #tpu.memory_space<hbm>>
        %dma_wait3A_168 = arith.constant 0 : i32
        %dma_wait3A_169 = tpu.memref_slice %arg9[%run_scoped3A_113, %dma_wait3A_168] : memref<2x128xf32, #tpu.memory_space<vmem>> -> memref<1x128xf32, #tpu.memory_space<vmem>>
        %dma_wait3A_170 = tpu.memref_squeeze %dma_wait3A_169 : memref<1x128xf32, #tpu.memory_space<vmem>> -> memref<128xf32, #tpu.memory_space<vmem>>
        %dma_wait3A_171 = arith.constant 0 : i32
        %dma_wait3A_172 = tpu.memref_slice %arg4[%rem3A_111, %dma_wait3A_171] : memref<2560x128xf32, #tpu.memory_space<hbm>> -> memref<1x128xf32, #tpu.memory_space<hbm>>
        %dma_wait3A_173 = tpu.memref_squeeze %dma_wait3A_172 : memref<1x128xf32, #tpu.memory_space<hbm>> -> memref<128xf32, #tpu.memory_space<hbm>>
        tpu.wait_dma2 semaphore(%run_scoped3A_149 : memref<!tpu.dma_semaphore, #tpu.memory_space<semaphore_mem>>) src(%dma_wait3A_173 : memref<128xf32, #tpu.memory_space<hbm>>) dst(%dma_wait3A_170 : memref<128xf32, #tpu.memory_space<vmem>>)
        tpu.yield
      }) : () -> ()
      %dma_start3A_114 = arith.constant 0 : i32
      %dma_start3A_115 = arith.constant 0 : i32
      %dma_start3A_116 = arith.constant 0 : i32
      %dma_start3A_117 = arith.constant 0 : i32
      %dma_start3A_118 = arith.constant 0 : i32
      %dma_start3A_119 = tpu.memref_slice %arg10[%dma_start3A_116, %dma_start3A_117, %dma_start3A_118] : memref<2x128x128xf32, #tpu.memory_space<vmem>> -> memref<1x128x128xf32, #tpu.memory_space<vmem>>
      %dma_start3A_120 = tpu.memref_squeeze %dma_start3A_119 : memref<1x128x128xf32, #tpu.memory_space<vmem>> -> memref<128x128xf32, #tpu.memory_space<vmem>>
      %dma_start3A_121 = arith.constant 0 : i32
      %dma_start3A_122 = tpu.memref_slice %arg8[%dma_start3A_114, %dma_start3A_115, %dma_start3A_121] : memref<2x2x128xi32, #tpu.memory_space<vmem>> -> memref<1x1x128xi32, #tpu.memory_space<vmem>>
      %dma_start3A_123 = tpu.memref_squeeze %dma_start3A_122 : memref<1x1x128xi32, #tpu.memory_space<vmem>> -> memref<128xi32, #tpu.memory_space<vmem>>
      %dma_start3A_124 = arith.constant 0 : i32
      %dma_start3A_125 = arith.constant 0 : i32
      %dma_start3A_126 = tpu.memref_slice %arg2[%dma_start3A_124, %dma_start3A_125] : memref<10000x128xf32, #tpu.memory_space<hbm>> -> memref<10000x128xf32, #tpu.memory_space<hbm>>
      tpu.enqueue_indirect_dma source(%dma_start3A_126 : memref<10000x128xf32, #tpu.memory_space<hbm>>) target(%dma_start3A_120 : memref<128x128xf32, #tpu.memory_space<vmem>>) offsets(%dma_start3A_123 : memref<128xi32, #tpu.memory_space<vmem>>) semaphore(%arg11 : memref<!tpu.dma_semaphore, #tpu.memory_space<semaphore_mem>>)
      %dma_wait3A_127 = arith.constant 1 : i32
      %dma_wait3A_128 = arith.constant 0 : i32
      %dma_wait3A_129 = arith.constant 1 : i32
      %dma_wait3A_130 = arith.constant 0 : i32
      %dma_wait3A_131 = arith.constant 0 : i32
      %dma_wait3A_132 = tpu.memref_slice %arg10[%dma_wait3A_129, %dma_wait3A_130, %dma_wait3A_131] : memref<2x128x128xf32, #tpu.memory_space<vmem>> -> memref<1x128x128xf32, #tpu.memory_space<vmem>>
      %dma_wait3A_133 = tpu.memref_squeeze %dma_wait3A_132 : memref<1x128x128xf32, #tpu.memory_space<vmem>> -> memref<128x128xf32, #tpu.memory_space<vmem>>
      %dma_wait3A_134 = arith.constant 0 : i32
      %dma_wait3A_135 = tpu.memref_slice %arg8[%dma_wait3A_127, %dma_wait3A_128, %dma_wait3A_134] : memref<2x2x128xi32, #tpu.memory_space<vmem>> -> memref<1x1x128xi32, #tpu.memory_space<vmem>>
      %dma_wait3A_136 = tpu.memref_squeeze %dma_wait3A_135 : memref<1x1x128xi32, #tpu.memory_space<vmem>> -> memref<128xi32, #tpu.memory_space<vmem>>
      %dma_wait3A_137 = arith.constant 0 : i32
      %dma_wait3A_138 = arith.constant 0 : i32
      %dma_wait3A_139 = tpu.memref_slice %arg2[%dma_wait3A_137, %dma_wait3A_138] : memref<10000x128xf32, #tpu.memory_space<hbm>> -> memref<10000x128xf32, #tpu.memory_space<hbm>>
      tpu.wait_indirect_dma semaphore(%arg12 : memref<!tpu.dma_semaphore, #tpu.memory_space<semaphore_mem>>) src(%dma_wait3A_139 : memref<10000x128xf32, #tpu.memory_space<hbm>>) dst(%dma_wait3A_133 : memref<128x128xf32, #tpu.memory_space<vmem>>)
      %scan3A_140 = arith.constant 0 : i32
      %scan3A_141 = arith.constant 0 : i32
      %scan3A_142 = arith.constant 8 : i32
      %scan3A_143 = arith.addi %scan3A_141, %scan3A_142 : i32
      %scan3A_144 = arith.constant 1 : i32
      scf.for %scan3A_149 = %scan3A_141 to %scan3A_143 step %scan3A_144  : i32 {
        %mul3A_150 = arith.constant 16 : i32
        %mul3A_151 = arith.muli %scan3A_149, %mul3A_150 : i32
        %get3A = arith.constant 1 : i32
        %get3A_152 = arith.index_cast %get3A : i32 to index
        %get3A_153 = arith.index_cast %mul3A_151 : i32 to index
        %get3A_154 = tpu.vector_load %arg9[%get3A_152, %get3A_153] {strides = array<i32>} : memref<2x128xf32, #tpu.memory_space<vmem>>, vector<1x16xf32>,
        %get3A_155 = vector.shape_cast %get3A_154 : vector<1x16xf32> to vector<16xf32>
        %broadcast_in_dim3A = arith.constant 0 : i32
        %broadcast_in_dim3A_156 = vector.broadcast %broadcast_in_dim3A : i32 to vector<16x1xi32>
        %gather3A = vector.shape_cast %broadcast_in_dim3A_156 : vector<16x1xi32> to vector<16xi32>
        %gather3A_157 = tpu.dynamic_gather %get3A_155[%gather3A] in [0] : vector<16xf32>, vector<16xi32> -> vector<16xf32>
        %mul3A_158 = arith.constant 16 : i32
        %mul3A_159 = arith.muli %scan3A_149, %mul3A_158 : i32
        %add3A_160 = arith.constant 0 : i32
        %add3A_161 = arith.addi %mul3A_159, %add3A_160 : i32
        %get3A_162 = arith.constant 1 : i32
        %get3A_163 = arith.index_cast %get3A_162 : i32 to index
        %get3A_164 = arith.index_cast %add3A_161 : i32 to index
        %get3A_165 = arith.constant 0 : index
        %get3A_166 = tpu.vector_load %arg10[%get3A_163, %get3A_164, %get3A_165] {strides = array<i32>} : memref<2x128x128xf32, #tpu.memory_space<vmem>>, vector<1x1x16xf32>,
        %get3A_167 = vector.shape_cast %get3A_166 : vector<1x1x16xf32> to vector<16xf32>
        %mul3A_168 = arith.mulf %get3A_167, %gather3A_157 : vector<16xf32>
        %swap3A = arith.constant 1 : i32
        %swap3A_169 = arith.index_cast %swap3A : i32 to index
        %swap3A_170 = arith.index_cast %add3A_161 : i32 to index
        %swap3A_171 = arith.constant 0 : index
        %swap3A_172 = tpu.vector_load %arg10[%swap3A_169, %swap3A_170, %swap3A_171] {strides = array<i32>} : memref<2x128x128xf32, #tpu.memory_space<vmem>>, vector<1x1x16xf32>,
        %swap3A_173 = vector.shape_cast %swap3A_172 : vector<1x1x16xf32> to vector<16xf32>
        %swap3A_174 = vector.shape_cast %mul3A_168 : vector<16xf32> to vector<1x1x16xf32>
        tpu.vector_store %arg10[%swap3A_169, %swap3A_170, %swap3A_171], %swap3A_174 {strides = array<i32>} : memref<2x128x128xf32, #tpu.memory_space<vmem>>, vector<1x1x16xf32>,
        %get3A_175 = arith.constant 1 : i32
        %get3A_176 = arith.index_cast %get3A_175 : i32 to index
        %get3A_177 = arith.index_cast %add3A_161 : i32 to index
        %get3A_178 = arith.constant 16 : index
        %get3A_179 = tpu.vector_load %arg10[%get3A_176, %get3A_177, %get3A_178] {strides = array<i32>} : memref<2x128x128xf32, #tpu.memory_space<vmem>>, vector<1x1x16xf32>,
        %get3A_180 = vector.shape_cast %get3A_179 : vector<1x1x16xf32> to vector<16xf32>
        %mul3A_181 = arith.mulf %get3A_180, %gather3A_157 : vector<16xf32>
        %swap3A_182 = arith.constant 1 : i32
        %swap3A_183 = arith.index_cast %swap3A_182 : i32 to index
        %swap3A_184 = arith.index_cast %add3A_161 : i32 to index
        %swap3A_185 = arith.constant 16 : index
        %swap3A_186 = tpu.vector_load %arg10[%swap3A_183, %swap3A_184, %swap3A_185] {strides = array<i32>} : memref<2x128x128xf32, #tpu.memory_space<vmem>>, vector<1x1x16xf32>,
        %swap3A_187 = vector.shape_cast %swap3A_186 : vector<1x1x16xf32> to vector<16xf32>
        %swap3A_188 = vector.shape_cast %mul3A_181 : vector<16xf32> to vector<1x1x16xf32>
        tpu.vector_store %arg10[%swap3A_183, %swap3A_184, %swap3A_185], %swap3A_188 {strides = array<i32>} : memref<2x128x128xf32, #tpu.memory_space<vmem>>, vector<1x1x16xf32>,
        %get3A_189 = arith.constant 1 : i32
        %get3A_190 = arith.index_cast %get3A_189 : i32 to index
        %get3A_191 = arith.index_cast %add3A_161 : i32 to index
        %get3A_192 = arith.constant 32 : index
        %get3A_193 = tpu.vector_load %arg10[%get3A_190, %get3A_191, %get3A_192] {strides = array<i32>} : memref<2x128x128xf32, #tpu.memory_space<vmem>>, vector<1x1x16xf32>,
        %get3A_194 = vector.shape_cast %get3A_193 : vector<1x1x16xf32> to vector<16xf32>
        %mul3A_195 = arith.mulf %get3A_194, %gather3A_157 : vector<16xf32>
        %swap3A_196 = arith.constant 1 : i32
        %swap3A_197 = arith.index_cast %swap3A_196 : i32 to index
        %swap3A_198 = arith.index_cast %add3A_161 : i32 to index
        %swap3A_199 = arith.constant 32 : index
        %swap3A_200 = tpu.vector_load %arg10[%swap3A_197, %swap3A_198, %swap3A_199] {strides = array<i32>} : memref<2x128x128xf32, #tpu.memory_space<vmem>>, vector<1x1x16xf32>,
        %swap3A_201 = vector.shape_cast %swap3A_200 : vector<1x1x16xf32> to vector<16xf32>
        %swap3A_202 = vector.shape_cast %mul3A_195 : vector<16xf32> to vector<1x1x16xf32>
        tpu.vector_store %arg10[%swap3A_197, %swap3A_198, %swap3A_199], %swap3A_202 {strides = array<i32>} : memref<2x128x128xf32, #tpu.memory_space<vmem>>, vector<1x1x16xf32>,
        %get3A_203 = arith.constant 1 : i32
        %get3A_204 = arith.index_cast %get3A_203 : i32 to index
        %get3A_205 = arith.index_cast %add3A_161 : i32 to index
        %get3A_206 = arith.constant 48 : index
        %get3A_207 = tpu.vector_load %arg10[%get3A_204, %get3A_205, %get3A_206] {strides = array<i32>} : memref<2x128x128xf32, #tpu.memory_space<vmem>>, vector<1x1x16xf32>,
        %get3A_208 = vector.shape_cast %get3A_207 : vector<1x1x16xf32> to vector<16xf32>
        %mul3A_209 = arith.mulf %get3A_208, %gather3A_157 : vector<16xf32>
        %swap3A_210 = arith.constant 1 : i32
        %swap3A_211 = arith.index_cast %swap3A_210 : i32 to index
        %swap3A_212 = arith.index_cast %add3A_161 : i32 to index
        %swap3A_213 = arith.constant 48 : index
        %swap3A_214 = tpu.vector_load %arg10[%swap3A_211, %swap3A_212, %swap3A_213] {strides = array<i32>} : memref<2x128x128xf32, #tpu.memory_space<vmem>>, vector<1x1x16xf32>,
        %swap3A_215 = vector.shape_cast %swap3A_214 : vector<1x1x16xf32> to vector<16xf32>
        %swap3A_216 = vector.shape_cast %mul3A_209 : vector<16xf32> to vector<1x1x16xf32>
        tpu.vector_store %arg10[%swap3A_211, %swap3A_212, %swap3A_213], %swap3A_216 {strides = array<i32>} : memref<2x128x128xf32, #tpu.memory_space<vmem>>, vector<1x1x16xf32>,
        %get3A_217 = arith.constant 1 : i32
        %get3A_218 = arith.index_cast %get3A_217 : i32 to index
        %get3A_219 = arith.index_cast %add3A_161 : i32 to index
        %get3A_220 = arith.constant 64 : index
        %get3A_221 = tpu.vector_load %arg10[%get3A_218, %get3A_219, %get3A_220] {strides = array<i32>} : memref<2x128x128xf32, #tpu.memory_space<vmem>>, vector<1x1x16xf32>,
        %get3A_222 = vector.shape_cast %get3A_221 : vector<1x1x16xf32> to vector<16xf32>
        %mul3A_223 = arith.mulf %get3A_222, %gather3A_157 : vector<16xf32>
        %swap3A_224 = arith.constant 1 : i32
        %swap3A_225 = arith.index_cast %swap3A_224 : i32 to index
        %swap3A_226 = arith.index_cast %add3A_161 : i32 to index
        %swap3A_227 = arith.constant 64 : index
        %swap3A_228 = tpu.vector_load %arg10[%swap3A_225, %swap3A_226, %swap3A_227] {strides = array<i32>} : memref<2x128x128xf32, #tpu.memory_space<vmem>>, vector<1x1x16xf32>,
        %swap3A_229 = vector.shape_cast %swap3A_228 : vector<1x1x16xf32> to vector<16xf32>
        %swap3A_230 = vector.shape_cast %mul3A_223 : vector<16xf32> to vector<1x1x16xf32>
        tpu.vector_store %arg10[%swap3A_225, %swap3A_226, %swap3A_227], %swap3A_230 {strides = array<i32>} : memref<2x128x128xf32, #tpu.memory_space<vmem>>, vector<1x1x16xf32>,
        %get3A_231 = arith.constant 1 : i32
        %get3A_232 = arith.index_cast %get3A_231 : i32 to index
        %get3A_233 = arith.index_cast %add3A_161 : i32 to index
        %get3A_234 = arith.constant 80 : index
        %get3A_235 = tpu.vector_load %arg10[%get3A_232, %get3A_233, %get3A_234] {strides = array<i32>} : memref<2x128x128xf32, #tpu.memory_space<vmem>>, vector<1x1x16xf32>,
        %get3A_236 = vector.shape_cast %get3A_235 : vector<1x1x16xf32> to vector<16xf32>
        %mul3A_237 = arith.mulf %get3A_236, %gather3A_157 : vector<16xf32>
        %swap3A_238 = arith.constant 1 : i32
        %swap3A_239 = arith.index_cast %swap3A_238 : i32 to index
        %swap3A_240 = arith.index_cast %add3A_161 : i32 to index
        %swap3A_241 = arith.constant 80 : index
        %swap3A_242 = tpu.vector_load %arg10[%swap3A_239, %swap3A_240, %swap3A_241] {strides = array<i32>} : memref<2x128x128xf32, #tpu.memory_space<vmem>>, vector<1x1x16xf32>,
        %swap3A_243 = vector.shape_cast %swap3A_242 : vector<1x1x16xf32> to vector<16xf32>
        %swap3A_244 = vector.shape_cast %mul3A_237 : vector<16xf32> to vector<1x1x16xf32>
        tpu.vector_store %arg10[%swap3A_239, %swap3A_240, %swap3A_241], %swap3A_244 {strides = array<i32>} : memref<2x128x128xf32, #tpu.memory_space<vmem>>, vector<1x1x16xf32>,
        %get3A_245 = arith.constant 1 : i32
        %get3A_246 = arith.index_cast %get3A_245 : i32 to index
        %get3A_247 = arith.index_cast %add3A_161 : i32 to index
        %get3A_248 = arith.constant 96 : index
        %get3A_249 = tpu.vector_load %arg10[%get3A_246, %get3A_247, %get3A_248] {strides = array<i32>} : memref<2x128x128xf32, #tpu.memory_space<vmem>>, vector<1x1x16xf32>,
        %get3A_250 = vector.shape_cast %get3A_249 : vector<1x1x16xf32> to vector<16xf32>
        %mul3A_251 = arith.mulf %get3A_250, %gather3A_157 : vector<16xf32>
        %swap3A_252 = arith.constant 1 : i32
        %swap3A_253 = arith.index_cast %swap3A_252 : i32 to index
        %swap3A_254 = arith.index_cast %add3A_161 : i32 to index
        %swap3A_255 = arith.constant 96 : index
        %swap3A_256 = tpu.vector_load %arg10[%swap3A_253, %swap3A_254, %swap3A_255] {strides = array<i32>} : memref<2x128x128xf32, #tpu.memory_space<vmem>>, vector<1x1x16xf32>,
        %swap3A_257 = vector.shape_cast %swap3A_256 : vector<1x1x16xf32> to vector<16xf32>
        %swap3A_258 = vector.shape_cast %mul3A_251 : vector<16xf32> to vector<1x1x16xf32>
        tpu.vector_store %arg10[%swap3A_253, %swap3A_254, %swap3A_255], %swap3A_258 {strides = array<i32>} : memref<2x128x128xf32, #tpu.memory_space<vmem>>, vector<1x1x16xf32>,
        %get3A_259 = arith.constant 1 : i32
        %get3A_260 = arith.index_cast %get3A_259 : i32 to index
        %get3A_261 = arith.index_cast %add3A_161 : i32 to index
        %get3A_262 = arith.constant 112 : index
        %get3A_263 = tpu.vector_load %arg10[%get3A_260, %get3A_261, %get3A_262] {strides = array<i32>} : memref<2x128x128xf32, #tpu.memory_space<vmem>>, vector<1x1x16xf32>,
        %get3A_264 = vector.shape_cast %get3A_263 : vector<1x1x16xf32> to vector<16xf32>
        %mul3A_265 = arith.mulf %get3A_264, %gather3A_157 : vector<16xf32>
        %swap3A_266 = arith.constant 1 : i32
        %swap3A_267 = arith.index_cast %swap3A_266 : i32 to index
        %swap3A_268 = arith.index_cast %add3A_161 : i32 to index
        %swap3A_269 = arith.constant 112 : index
        %swap3A_270 = tpu.vector_load %arg10[%swap3A_267, %swap3A_268, %swap3A_269] {strides = array<i32>} : memref<2x128x128xf32, #tpu.memory_space<vmem>>, vector<1x1x16xf32>,
        %swap3A_271 = vector.shape_cast %swap3A_270 : vector<1x1x16xf32> to vector<16xf32>
        %swap3A_272 = vector.shape_cast %mul3A_265 : vector<16xf32> to vector<1x1x16xf32>
        tpu.vector_store %arg10[%swap3A_267, %swap3A_268, %swap3A_269], %swap3A_272 {strides = array<i32>} : memref<2x128x128xf32, #tpu.memory_space<vmem>>, vector<1x1x16xf32>,
        %broadcast_in_dim3A_273 = arith.constant 1 : i32
        %broadcast_in_dim3A_274 = vector.broadcast %broadcast_in_dim3A_273 : i32 to vector<16x1xi32>
        %gather3A_275 = vector.shape_cast %broadcast_in_dim3A_274 : vector<16x1xi32> to vector<16xi32>
        %gather3A_276 = tpu.dynamic_gather %get3A_155[%gather3A_275] in [0] : vector<16xf32>, vector<16xi32> -> vector<16xf32>
        %mul3A_277 = arith.constant 16 : i32
        %mul3A_278 = arith.muli %scan3A_149, %mul3A_277 : i32
        %add3A_279 = arith.constant 1 : i32
        %add3A_280 = arith.addi %mul3A_278, %add3A_279 : i32
        %get3A_281 = arith.constant 1 : i32
        %get3A_282 = arith.index_cast %get3A_281 : i32 to index
        %get3A_283 = arith.index_cast %add3A_280 : i32 to index
        %get3A_284 = arith.constant 0 : index
        %get3A_285 = tpu.vector_load %arg10[%get3A_282, %get3A_283, %get3A_284] {strides = array<i32>} : memref<2x128x128xf32, #tpu.memory_space<vmem>>, vector<1x1x16xf32>,
        %get3A_286 = vector.shape_cast %get3A_285 : vector<1x1x16xf32> to vector<16xf32>
        %mul3A_287 = arith.mulf %get3A_286, %gather3A_276 : vector<16xf32>
        %swap3A_288 = arith.constant 1 : i32
        %swap3A_289 = arith.index_cast %swap3A_288 : i32 to index
        %swap3A_290 = arith.index_cast %add3A_280 : i32 to index
        %swap3A_291 = arith.constant 0 : index
        %swap3A_292 = tpu.vector_load %arg10[%swap3A_289, %swap3A_290, %swap3A_291] {strides = array<i32>} : memref<2x128x128xf32, #tpu.memory_space<vmem>>, vector<1x1x16xf32>,
        %swap3A_293 = vector.shape_cast %swap3A_292 : vector<1x1x16xf32> to vector<16xf32>
        %swap3A_294 = vector.shape_cast %mul3A_287 : vector<16xf32> to vector<1x1x16xf32>
        tpu.vector_store %arg10[%swap3A_289, %swap3A_290, %swap3A_291], %swap3A_294 {strides = array<i32>} : memref<2x128x128xf32, #tpu.memory_space<vmem>>, vector<1x1x16xf32>,
        %get3A_295 = arith.constant 1 : i32
        %get3A_296 = arith.index_cast %get3A_295 : i32 to index
        %get3A_297 = arith.index_cast %add3A_280 : i32 to index
        %get3A_298 = arith.constant 16 : index
        %get3A_299 = tpu.vector_load %arg10[%get3A_296, %get3A_297, %get3A_298] {strides = array<i32>} : memref<2x128x128xf32, #tpu.memory_space<vmem>>, vector<1x1x16xf32>,
        %get3A_300 = vector.shape_cast %get3A_299 : vector<1x1x16xf32> to vector<16xf32>
        %mul3A_301 = arith.mulf %get3A_300, %gather3A_276 : vector<16xf32>
        %swap3A_302 = arith.constant 1 : i32
        %swap3A_303 = arith.index_cast %swap3A_302 : i32 to index
        %swap3A_304 = arith.index_cast %add3A_280 : i32 to index
        %swap3A_305 = arith.constant 16 : index
        %swap3A_306 = tpu.vector_load %arg10[%swap3A_303, %swap3A_304, %swap3A_305] {strides = array<i32>} : memref<2x128x128xf32, #tpu.memory_space<vmem>>, vector<1x1x16xf32>,
        %swap3A_307 = vector.shape_cast %swap3A_306 : vector<1x1x16xf32> to vector<16xf32>
        %swap3A_308 = vector.shape_cast %mul3A_301 : vector<16xf32> to vector<1x1x16xf32>
        tpu.vector_store %arg10[%swap3A_303, %swap3A_304, %swap3A_305], %swap3A_308 {strides = array<i32>} : memref<2x128x128xf32, #tpu.memory_space<vmem>>, vector<1x1x16xf32>,
        %get3A_309 = arith.constant 1 : i32
        %get3A_310 = arith.index_cast %get3A_309 : i32 to index
        %get3A_311 = arith.index_cast %add3A_280 : i32 to index
        %get3A_312 = arith.constant 32 : index
        %get3A_313 = tpu.vector_load %arg10[%get3A_310, %get3A_311, %get3A_312] {strides = array<i32>} : memref<2x128x128xf32, #tpu.memory_space<vmem>>, vector<1x1x16xf32>,
        %get3A_314 = vector.shape_cast %get3A_313 : vector<1x1x16xf32> to vector<16xf32>
        %mul3A_315 = arith.mulf %get3A_314, %gather3A_276 : vector<16xf32>
        %swap3A_316 = arith.constant 1 : i32
        %swap3A_317 = arith.index_cast %swap3A_316 : i32 to index
        %swap3A_318 = arith.index_cast %add3A_280 : i32 to index
        %swap3A_319 = arith.constant 32 : index
        %swap3A_320 = tpu.vector_load %arg10[%swap3A_317, %swap3A_318, %swap3A_319] {strides = array<i32>} : memref<2x128x128xf32, #tpu.memory_space<vmem>>, vector<1x1x16xf32>,
        %swap3A_321 = vector.shape_cast %swap3A_320 : vector<1x1x16xf32> to vector<16xf32>
        %swap3A_322 = vector.shape_cast %mul3A_315 : vector<16xf32> to vector<1x1x16xf32>
        tpu.vector_store %arg10[%swap3A_317, %swap3A_318, %swap3A_319], %swap3A_322 {strides = array<i32>} : memref<2x128x128xf32, #tpu.memory_space<vmem>>, vector<1x1x16xf32>,
        %get3A_323 = arith.constant 1 : i32
        %get3A_324 = arith.index_cast %get3A_323 : i32 to index
        %get3A_325 = arith.index_cast %add3A_280 : i32 to index
        %get3A_326 = arith.constant 48 : index
        %get3A_327 = tpu.vector_load %arg10[%get3A_324, %get3A_325, %get3A_326] {strides = array<i32>} : memref<2x128x128xf32, #tpu.memory_space<vmem>>, vector<1x1x16xf32>,
        %get3A_328 = vector.shape_cast %get3A_327 : vector<1x1x16xf32> to vector<16xf32>
        %mul3A_329 = arith.mulf %get3A_328, %gather3A_276 : vector<16xf32>
        %swap3A_330 = arith.constant 1 : i32
        %swap3A_331 = arith.index_cast %swap3A_330 : i32 to index
        %swap3A_332 = arith.index_cast %add3A_280 : i32 to index
        %swap3A_333 = arith.constant 48 : index
        %swap3A_334 = tpu.vector_load %arg10[%swap3A_331, %swap3A_332, %swap3A_333] {strides = array<i32>} : memref<2x128x128xf32, #tpu.memory_space<vmem>>, vector<1x1x16xf32>,
        %swap3A_335 = vector.shape_cast %swap3A_334 : vector<1x1x16xf32> to vector<16xf32>
        %swap3A_336 = vector.shape_cast %mul3A_329 : vector<16xf32> to vector<1x1x16xf32>
        tpu.vector_store %arg10[%swap3A_331, %swap3A_332, %swap3A_333], %swap3A_336 {strides = array<i32>} : memref<2x128x128xf32, #tpu.memory_space<vmem>>, vector<1x1x16xf32>,
        %get3A_337 = arith.constant 1 : i32
        %get3A_338 = arith.index_cast %get3A_337 : i32 to index
        %get3A_339 = arith.index_cast %add3A_280 : i32 to index
        %get3A_340 = arith.constant 64 : index
        %get3A_341 = tpu.vector_load %arg10[%get3A_338, %get3A_339, %get3A_340] {strides = array<i32>} : memref<2x128x128xf32, #tpu.memory_space<vmem>>, vector<1x1x16xf32>,
        %get3A_342 = vector.shape_cast %get3A_341 : vector<1x1x16xf32> to vector<16xf32>
        %mul3A_343 = arith.mulf %get3A_342, %gather3A_276 : vector<16xf32>
        %swap3A_344 = arith.constant 1 : i32
        %swap3A_345 = arith.index_cast %swap3A_344 : i32 to index
        %swap3A_346 = arith.index_cast %add3A_280 : i32 to index
        %swap3A_347 = arith.constant 64 : index
        %swap3A_348 = tpu.vector_load %arg10[%swap3A_345, %swap3A_346, %swap3A_347] {strides = array<i32>} : memref<2x128x128xf32, #tpu.memory_space<vmem>>, vector<1x1x16xf32>,
        %swap3A_349 = vector.shape_cast %swap3A_348 : vector<1x1x16xf32> to vector<16xf32>
        %swap3A_350 = vector.shape_cast %mul3A_343 : vector<16xf32> to vector<1x1x16xf32>
        tpu.vector_store %arg10[%swap3A_345, %swap3A_346, %swap3A_347], %swap3A_350 {strides = array<i32>} : memref<2x128x128xf32, #tpu.memory_space<vmem>>, vector<1x1x16xf32>,
        %get3A_351 = arith.constant 1 : i32
        %get3A_352 = arith.index_cast %get3A_351 : i32 to index
        %get3A_353 = arith.index_cast %add3A_280 : i32 to index
        %get3A_354 = arith.constant 80 : index
        %get3A_355 = tpu.vector_load %arg10[%get3A_352, %get3A_353, %get3A_354] {strides = array<i32>} : memref<2x128x128xf32, #tpu.memory_space<vmem>>, vector<1x1x16xf32>,
        %get3A_356 = vector.shape_cast %get3A_355 : vector<1x1x16xf32> to vector<16xf32>
        %mul3A_357 = arith.mulf %get3A_356, %gather3A_276 : vector<16xf32>
        %swap3A_358 = arith.constant 1 : i32
        %swap3A_359 = arith.index_cast %swap3A_358 : i32 to index
        %swap3A_360 = arith.index_cast %add3A_280 : i32 to index
        %swap3A_361 = arith.constant 80 : index
        %swap3A_362 = tpu.vector_load %arg10[%swap3A_359, %swap3A_360, %swap3A_361] {strides = array<i32>} : memref<2x128x128xf32, #tpu.memory_space<vmem>>, vector<1x1x16xf32>,
        %swap3A_363 = vector.shape_cast %swap3A_362 : vector<1x1x16xf32> to vector<16xf32>
        %swap3A_364 = vector.shape_cast %mul3A_357 : vector<16xf32> to vector<1x1x16xf32>
        tpu.vector_store %arg10[%swap3A_359, %swap3A_360, %swap3A_361], %swap3A_364 {strides = array<i32>} : memref<2x128x128xf32, #tpu.memory_space<vmem>>, vector<1x1x16xf32>,
        %get3A_365 = arith.constant 1 : i32
        %get3A_366 = arith.index_cast %get3A_365 : i32 to index
        %get3A_367 = arith.index_cast %add3A_280 : i32 to index
        %get3A_368 = arith.constant 96 : index
        %get3A_369 = tpu.vector_load %arg10[%get3A_366, %get3A_367, %get3A_368] {strides = array<i32>} : memref<2x128x128xf32, #tpu.memory_space<vmem>>, vector<1x1x16xf32>,
        %get3A_370 = vector.shape_cast %get3A_369 : vector<1x1x16xf32> to vector<16xf32>
        %mul3A_371 = arith.mulf %get3A_370, %gather3A_276 : vector<16xf32>
        %swap3A_372 = arith.constant 1 : i32
        %swap3A_373 = arith.index_cast %swap3A_372 : i32 to index
        %swap3A_374 = arith.index_cast %add3A_280 : i32 to index
        %swap3A_375 = arith.constant 96 : index
        %swap3A_376 = tpu.vector_load %arg10[%swap3A_373, %swap3A_374, %swap3A_375] {strides = array<i32>} : memref<2x128x128xf32, #tpu.memory_space<vmem>>, vector<1x1x16xf32>,
        %swap3A_377 = vector.shape_cast %swap3A_376 : vector<1x1x16xf32> to vector<16xf32>
        %swap3A_378 = vector.shape_cast %mul3A_371 : vector<16xf32> to vector<1x1x16xf32>
        tpu.vector_store %arg10[%swap3A_373, %swap3A_374, %swap3A_375], %swap3A_378 {strides = array<i32>} : memref<2x128x128xf32, #tpu.memory_space<vmem>>, vector<1x1x16xf32>,
        %get3A_379 = arith.constant 1 : i32
        %get3A_380 = arith.index_cast %get3A_379 : i32 to index
        %get3A_381 = arith.index_cast %add3A_280 : i32 to index
        %get3A_382 = arith.constant 112 : index
        %get3A_383 = tpu.vector_load %arg10[%get3A_380, %get3A_381, %get3A_382] {strides = array<i32>} : memref<2x128x128xf32, #tpu.memory_space<vmem>>, vector<1x1x16xf32>,
        %get3A_384 = vector.shape_cast %get3A_383 : vector<1x1x16xf32> to vector<16xf32>
        %mul3A_385 = arith.mulf %get3A_384, %gather3A_276 : vector<16xf32>
        %swap3A_386 = arith.constant 1 : i32
        %swap3A_387 = arith.index_cast %swap3A_386 : i32 to index
        %swap3A_388 = arith.index_cast %add3A_280 : i32 to index
        %swap3A_389 = arith.constant 112 : index
        %swap3A_390 = tpu.vector_load %arg10[%swap3A_387, %swap3A_388, %swap3A_389] {strides = array<i32>} : memref<2x128x128xf32, #tpu.memory_space<vmem>>, vector<1x1x16xf32>,
        %swap3A_391 = vector.shape_cast %swap3A_390 : vector<1x1x16xf32> to vector<16xf32>
        %swap3A_392 = vector.shape_cast %mul3A_385 : vector<16xf32> to vector<1x1x16xf32>
        tpu.vector_store %arg10[%swap3A_387, %swap3A_388, %swap3A_389], %swap3A_392 {strides = array<i32>} : memref<2x128x128xf32, #tpu.memory_space<vmem>>, vector<1x1x16xf32>,
        %broadcast_in_dim3A_393 = arith.constant 2 : i32
        %broadcast_in_dim3A_394 = vector.broadcast %broadcast_in_dim3A_393 : i32 to vector<16x1xi32>
        %gather3A_395 = vector.shape_cast %broadcast_in_dim3A_394 : vector<16x1xi32> to vector<16xi32>
        %gather3A_396 = tpu.dynamic_gather %get3A_155[%gather3A_395] in [0] : vector<16xf32>, vector<16xi32> -> vector<16xf32>
        %mul3A_397 = arith.constant 16 : i32
        %mul3A_398 = arith.muli %scan3A_149, %mul3A_397 : i32
        %add3A_399 = arith.constant 2 : i32
        %add3A_400 = arith.addi %mul3A_398, %add3A_399 : i32
        %get3A_401 = arith.constant 1 : i32
        %get3A_402 = arith.index_cast %get3A_401 : i32 to index
        %get3A_403 = arith.index_cast %add3A_400 : i32 to index
        %get3A_404 = arith.constant 0 : index
        %get3A_405 = tpu.vector_load %arg10[%get3A_402, %get3A_403, %get3A_404] {strides = array<i32>} : memref<2x128x128xf32, #tpu.memory_space<vmem>>, vector<1x1x16xf32>,
        %get3A_406 = vector.shape_cast %get3A_405 : vector<1x1x16xf32> to vector<16xf32>
        %mul3A_407 = arith.mulf %get3A_406, %gather3A_396 : vector<16xf32>
        %swap3A_408 = arith.constant 1 : i32
        %swap3A_409 = arith.index_cast %swap3A_408 : i32 to index
        %swap3A_410 = arith.index_cast %add3A_400 : i32 to index
        %swap3A_411 = arith.constant 0 : index
        %swap3A_412 = tpu.vector_load %arg10[%swap3A_409, %swap3A_410, %swap3A_411] {strides = array<i32>} : memref<2x128x128xf32, #tpu.memory_space<vmem>>, vector<1x1x16xf32>,
        %swap3A_413 = vector.shape_cast %swap3A_412 : vector<1x1x16xf32> to vector<16xf32>
        %swap3A_414 = vector.shape_cast %mul3A_407 : vector<16xf32> to vector<1x1x16xf32>
        tpu.vector_store %arg10[%swap3A_409, %swap3A_410, %swap3A_411], %swap3A_414 {strides = array<i32>} : memref<2x128x128xf32, #tpu.memory_space<vmem>>, vector<1x1x16xf32>,
        %get3A_415 = arith.constant 1 : i32
        %get3A_416 = arith.index_cast %get3A_415 : i32 to index
        %get3A_417 = arith.index_cast %add3A_400 : i32 to index
        %get3A_418 = arith.constant 16 : index
        %get3A_419 = tpu.vector_load %arg10[%get3A_416, %get3A_417, %get3A_418] {strides = array<i32>} : memref<2x128x128xf32, #tpu.memory_space<vmem>>, vector<1x1x16xf32>,
        %get3A_420 = vector.shape_cast %get3A_419 : vector<1x1x16xf32> to vector<16xf32>
        %mul3A_421 = arith.mulf %get3A_420, %gather3A_396 : vector<16xf32>
        %swap3A_422 = arith.constant 1 : i32
        %swap3A_423 = arith.index_cast %swap3A_422 : i32 to index
        %swap3A_424 = arith.index_cast %add3A_400 : i32 to index
        %swap3A_425 = arith.constant 16 : index
        %swap3A_426 = tpu.vector_load %arg10[%swap3A_423, %swap3A_424, %swap3A_425] {strides = array<i32>} : memref<2x128x128xf32, #tpu.memory_space<vmem>>, vector<1x1x16xf32>,
        %swap3A_427 = vector.shape_cast %swap3A_426 : vector<1x1x16xf32> to vector<16xf32>
        %swap3A_428 = vector.shape_cast %mul3A_421 : vector<16xf32> to vector<1x1x16xf32>
        tpu.vector_store %arg10[%swap3A_423, %swap3A_424, %swap3A_425], %swap3A_428 {strides = array<i32>} : memref<2x128x128xf32, #tpu.memory_space<vmem>>, vector<1x1x16xf32>,
        %get3A_429 = arith.constant 1 : i32
        %get3A_430 = arith.index_cast %get3A_429 : i32 to index
        %get3A_431 = arith.index_cast %add3A_400 : i32 to index
        %get3A_432 = arith.constant 32 : index
        %get3A_433 = tpu.vector_load %arg10[%get3A_430, %get3A_431, %get3A_432] {strides = array<i32>} : memref<2x128x128xf32, #tpu.memory_space<vmem>>, vector<1x1x16xf32>,
        %get3A_434 = vector.shape_cast %get3A_433 : vector<1x1x16xf32> to vector<16xf32>
        %mul3A_435 = arith.mulf %get3A_434, %gather3A_396 : vector<16xf32>
        %swap3A_436 = arith.constant 1 : i32
        %swap3A_437 = arith.index_cast %swap3A_436 : i32 to index
        %swap3A_438 = arith.index_cast %add3A_400 : i32 to index
        %swap3A_439 = arith.constant 32 : index
        %swap3A_440 = tpu.vector_load %arg10[%swap3A_437, %swap3A_438, %swap3A_439] {strides = array<i32>} : memref<2x128x128xf32, #tpu.memory_space<vmem>>, vector<1x1x16xf32>,
        %swap3A_441 = vector.shape_cast %swap3A_440 : vector<1x1x16xf32> to vector<16xf32>
        %swap3A_442 = vector.shape_cast %mul3A_435 : vector<16xf32> to vector<1x1x16xf32>
        tpu.vector_store %arg10[%swap3A_437, %swap3A_438, %swap3A_439], %swap3A_442 {strides = array<i32>} : memref<2x128x128xf32, #tpu.memory_space<vmem>>, vector<1x1x16xf32>,
        %get3A_443 = arith.constant 1 : i32
        %get3A_444 = arith.index_cast %get3A_443 : i32 to index
        %get3A_445 = arith.index_cast %add3A_400 : i32 to index
        %get3A_446 = arith.constant 48 : index
        %get3A_447 = tpu.vector_load %arg10[%get3A_444, %get3A_445, %get3A_446] {strides = array<i32>} : memref<2x128x128xf32, #tpu.memory_space<vmem>>, vector<1x1x16xf32>,
        %get3A_448 = vector.shape_cast %get3A_447 : vector<1x1x16xf32> to vector<16xf32>
        %mul3A_449 = arith.mulf %get3A_448, %gather3A_396 : vector<16xf32>
        %swap3A_450 = arith.constant 1 : i32
        %swap3A_451 = arith.index_cast %swap3A_450 : i32 to index
        %swap3A_452 = arith.index_cast %add3A_400 : i32 to index
        %swap3A_453 = arith.constant 48 : index
        %swap3A_454 = tpu.vector_load %arg10[%swap3A_451, %swap3A_452, %swap3A_453] {strides = array<i32>} : memref<2x128x128xf32, #tpu.memory_space<vmem>>, vector<1x1x16xf32>,
        %swap3A_455 = vector.shape_cast %swap3A_454 : vector<1x1x16xf32> to vector<16xf32>
        %swap3A_456 = vector.shape_cast %mul3A_449 : vector<16xf32> to vector<1x1x16xf32>
        tpu.vector_store %arg10[%swap3A_451, %swap3A_452, %swap3A_453], %swap3A_456 {strides = array<i32>} : memref<2x128x128xf32, #tpu.memory_space<vmem>>, vector<1x1x16xf32>,
        %get3A_457 = arith.constant 1 : i32
        %get3A_458 = arith.index_cast %get3A_457 : i32 to index
        %get3A_459 = arith.index_cast %add3A_400 : i32 to index
        %get3A_460 = arith.constant 64 : index
        %get3A_461 = tpu.vector_load %arg10[%get3A_458, %get3A_459, %get3A_460] {strides = array<i32>} : memref<2x128x128xf32, #tpu.memory_space<vmem>>, vector<1x1x16xf32>,
        %get3A_462 = vector.shape_cast %get3A_461 : vector<1x1x16xf32> to vector<16xf32>
        %mul3A_463 = arith.mulf %get3A_462, %gather3A_396 : vector<16xf32>
        %swap3A_464 = arith.constant 1 : i32
        %swap3A_465 = arith.index_cast %swap3A_464 : i32 to index
        %swap3A_466 = arith.index_cast %add3A_400 : i32 to index
        %swap3A_467 = arith.constant 64 : index
        %swap3A_468 = tpu.vector_load %arg10[%swap3A_465, %swap3A_466, %swap3A_467] {strides = array<i32>} : memref<2x128x128xf32, #tpu.memory_space<vmem>>, vector<1x1x16xf32>,
        %swap3A_469 = vector.shape_cast %swap3A_468 : vector<1x1x16xf32> to vector<16xf32>
        %swap3A_470 = vector.shape_cast %mul3A_463 : vector<16xf32> to vector<1x1x16xf32>
        tpu.vector_store %arg10[%swap3A_465, %swap3A_466, %swap3A_467], %swap3A_470 {strides = array<i32>} : memref<2x128x128xf32, #tpu.memory_space<vmem>>, vector<1x1x16xf32>,
        %get3A_471 = arith.constant 1 : i32
        %get3A_472 = arith.index_cast %get3A_471 : i32 to index
        %get3A_473 = arith.index_cast %add3A_400 : i32 to index
        %get3A_474 = arith.constant 80 : index
        %get3A_475 = tpu.vector_load %arg10[%get3A_472, %get3A_473, %get3A_474] {strides = array<i32>} : memref<2x128x128xf32, #tpu.memory_space<vmem>>, vector<1x1x16xf32>,
        %get3A_476 = vector.shape_cast %get3A_475 : vector<1x1x16xf32> to vector<16xf32>
        %mul3A_477 = arith.mulf %get3A_476, %gather3A_396 : vector<16xf32>
        %swap3A_478 = arith.constant 1 : i32
        %swap3A_479 = arith.index_cast %swap3A_478 : i32 to index
        %swap3A_480 = arith.index_cast %add3A_400 : i32 to index
        %swap3A_481 = arith.constant 80 : index
        %swap3A_482 = tpu.vector_load %arg10[%swap3A_479, %swap3A_480, %swap3A_481] {strides = array<i32>} : memref<2x128x128xf32, #tpu.memory_space<vmem>>, vector<1x1x16xf32>,
        %swap3A_483 = vector.shape_cast %swap3A_482 : vector<1x1x16xf32> to vector<16xf32>
        %swap3A_484 = vector.shape_cast %mul3A_477 : vector<16xf32> to vector<1x1x16xf32>
        tpu.vector_store %arg10[%swap3A_479, %swap3A_480, %swap3A_481], %swap3A_484 {strides = array<i32>} : memref<2x128x128xf32, #tpu.memory_space<vmem>>, vector<1x1x16xf32>,
        %get3A_485 = arith.constant 1 : i32
        %get3A_486 = arith.index_cast %get3A_485 : i32 to index
        %get3A_487 = arith.index_cast %add3A_400 : i32 to index
        %get3A_488 = arith.constant 96 : index
        %get3A_489 = tpu.vector_load %arg10[%get3A_486, %get3A_487, %get3A_488] {strides = array<i32>} : memref<2x128x128xf32, #tpu.memory_space<vmem>>, vector<1x1x16xf32>,
        %get3A_490 = vector.shape_cast %get3A_489 : vector<1x1x16xf32> to vector<16xf32>
        %mul3A_491 = arith.mulf %get3A_490, %gather3A_396 : vector<16xf32>
        %swap3A_492 = arith.constant 1 : i32
        %swap3A_493 = arith.index_cast %swap3A_492 : i32 to index
        %swap3A_494 = arith.index_cast %add3A_400 : i32 to index
        %swap3A_495 = arith.constant 96 : index
        %swap3A_496 = tpu.vector_load %arg10[%swap3A_493, %swap3A_494, %swap3A_495] {strides = array<i32>} : memref<2x128x128xf32, #tpu.memory_space<vmem>>, vector<1x1x16xf32>,
        %swap3A_497 = vector.shape_cast %swap3A_496 : vector<1x1x16xf32> to vector<16xf32>
        %swap3A_498 = vector.shape_cast %mul3A_491 : vector<16xf32> to vector<1x1x16xf32>
        tpu.vector_store %arg10[%swap3A_493, %swap3A_494, %swap3A_495], %swap3A_498 {strides = array<i32>} : memref<2x128x128xf32, #tpu.memory_space<vmem>>, vector<1x1x16xf32>,
        %get3A_499 = arith.constant 1 : i32
        %get3A_500 = arith.index_cast %get3A_499 : i32 to index
        %get3A_501 = arith.index_cast %add3A_400 : i32 to index
        %get3A_502 = arith.constant 112 : index
        %get3A_503 = tpu.vector_load %arg10[%get3A_500, %get3A_501, %get3A_502] {strides = array<i32>} : memref<2x128x128xf32, #tpu.memory_space<vmem>>, vector<1x1x16xf32>,
        %get3A_504 = vector.shape_cast %get3A_503 : vector<1x1x16xf32> to vector<16xf32>
        %mul3A_505 = arith.mulf %get3A_504, %gather3A_396 : vector<16xf32>
        %swap3A_506 = arith.constant 1 : i32
        %swap3A_507 = arith.index_cast %swap3A_506 : i32 to index
        %swap3A_508 = arith.index_cast %add3A_400 : i32 to index
        %swap3A_509 = arith.constant 112 : index
        %swap3A_510 = tpu.vector_load %arg10[%swap3A_507, %swap3A_508, %swap3A_509] {strides = array<i32>} : memref<2x128x128xf32, #tpu.memory_space<vmem>>, vector<1x1x16xf32>,
        %swap3A_511 = vector.shape_cast %swap3A_510 : vector<1x1x16xf32> to vector<16xf32>
        %swap3A_512 = vector.shape_cast %mul3A_505 : vector<16xf32> to vector<1x1x16xf32>
        tpu.vector_store %arg10[%swap3A_507, %swap3A_508, %swap3A_509], %swap3A_512 {strides = array<i32>} : memref<2x128x128xf32, #tpu.memory_space<vmem>>, vector<1x1x16xf32>,
        %broadcast_in_dim3A_513 = arith.constant 3 : i32
        %broadcast_in_dim3A_514 = vector.broadcast %broadcast_in_dim3A_513 : i32 to vector<16x1xi32>
        %gather3A_515 = vector.shape_cast %broadcast_in_dim3A_514 : vector<16x1xi32> to vector<16xi32>
        %gather3A_516 = tpu.dynamic_gather %get3A_155[%gather3A_515] in [0] : vector<16xf32>, vector<16xi32> -> vector<16xf32>
        %mul3A_517 = arith.constant 16 : i32
        %mul3A_518 = arith.muli %scan3A_149, %mul3A_517 : i32
        %add3A_519 = arith.constant 3 : i32
        %add3A_520 = arith.addi %mul3A_518, %add3A_519 : i32
        %get3A_521 = arith.constant 1 : i32
        %get3A_522 = arith.index_cast %get3A_521 : i32 to index
        %get3A_523 = arith.index_cast %add3A_520 : i32 to index
        %get3A_524 = arith.constant 0 : index
        %get3A_525 = tpu.vector_load %arg10[%get3A_522, %get3A_523, %get3A_524] {strides = array<i32>} : memref<2x128x128xf32, #tpu.memory_space<vmem>>, vector<1x1x16xf32>,
        %get3A_526 = vector.shape_cast %get3A_525 : vector<1x1x16xf32> to vector<16xf32>
        %mul3A_527 = arith.mulf %get3A_526, %gather3A_516 : vector<16xf32>
        %swap3A_528 = arith.constant 1 : i32
        %swap3A_529 = arith.index_cast %swap3A_528 : i32 to index
        %swap3A_530 = arith.index_cast %add3A_520 : i32 to index
        %swap3A_531 = arith.constant 0 : index
        %swap3A_532 = tpu.vector_load %arg10[%swap3A_529, %swap3A_530, %swap3A_531] {strides = array<i32>} : memref<2x128x128xf32, #tpu.memory_space<vmem>>, vector<1x1x16xf32>,
        %swap3A_533 = vector.shape_cast %swap3A_532 : vector<1x1x16xf32> to vector<16xf32>
        %swap3A_534 = vector.shape_cast %mul3A_527 : vector<16xf32> to vector<1x1x16xf32>
        tpu.vector_store %arg10[%swap3A_529, %swap3A_530, %swap3A_531], %swap3A_534 {strides = array<i32>} : memref<2x128x128xf32, #tpu.memory_space<vmem>>, vector<1x1x16xf32>,
        %get3A_535 = arith.constant 1 : i32
        %get3A_536 = arith.index_cast %get3A_535 : i32 to index
        %get3A_537 = arith.index_cast %add3A_520 : i32 to index
        %get3A_538 = arith.constant 16 : index
        %get3A_539 = tpu.vector_load %arg10[%get3A_536, %get3A_537, %get3A_538] {strides = array<i32>} : memref<2x128x128xf32, #tpu.memory_space<vmem>>, vector<1x1x16xf32>,
        %get3A_540 = vector.shape_cast %get3A_539 : vector<1x1x16xf32> to vector<16xf32>
        %mul3A_541 = arith.mulf %get3A_540, %gather3A_516 : vector<16xf32>
        %swap3A_542 = arith.constant 1 : i32
        %swap3A_543 = arith.index_cast %swap3A_542 : i32 to index
        %swap3A_544 = arith.index_cast %add3A_520 : i32 to index
        %swap3A_545 = arith.constant 16 : index
        %swap3A_546 = tpu.vector_load %arg10[%swap3A_543, %swap3A_544, %swap3A_545] {strides = array<i32>} : memref<2x128x128xf32, #tpu.memory_space<vmem>>, vector<1x1x16xf32>,
        %swap3A_547 = vector.shape_cast %swap3A_546 : vector<1x1x16xf32> to vector<16xf32>
        %swap3A_548 = vector.shape_cast %mul3A_541 : vector<16xf32> to vector<1x1x16xf32>
        tpu.vector_store %arg10[%swap3A_543, %swap3A_544, %swap3A_545], %swap3A_548 {strides = array<i32>} : memref<2x128x128xf32, #tpu.memory_space<vmem>>, vector<1x1x16xf32>,
        %get3A_549 = arith.constant 1 : i32
        %get3A_550 = arith.index_cast %get3A_549 : i32 to index
        %get3A_551 = arith.index_cast %add3A_520 : i32 to index
        %get3A_552 = arith.constant 32 : index
        %get3A_553 = tpu.vector_load %arg10[%get3A_550, %get3A_551, %get3A_552] {strides = array<i32>} : memref<2x128x128xf32, #tpu.memory_space<vmem>>, vector<1x1x16xf32>,
        %get3A_554 = vector.shape_cast %get3A_553 : vector<1x1x16xf32> to vector<16xf32>
        %mul3A_555 = arith.mulf %get3A_554, %gather3A_516 : vector<16xf32>
        %swap3A_556 = arith.constant 1 : i32
        %swap3A_557 = arith.index_cast %swap3A_556 : i32 to index
        %swap3A_558 = arith.index_cast %add3A_520 : i32 to index
        %swap3A_559 = arith.constant 32 : index
        %swap3A_560 = tpu.vector_load %arg10[%swap3A_557, %swap3A_558, %swap3A_559] {strides = array<i32>} : memref<2x128x128xf32, #tpu.memory_space<vmem>>, vector<1x1x16xf32>,
        %swap3A_561 = vector.shape_cast %swap3A_560 : vector<1x1x16xf32> to vector<16xf32>
        %swap3A_562 = vector.shape_cast %mul3A_555 : vector<16xf32> to vector<1x1x16xf32>
        tpu.vector_store %arg10[%swap3A_557, %swap3A_558, %swap3A_559], %swap3A_562 {strides = array<i32>} : memref<2x128x128xf32, #tpu.memory_space<vmem>>, vector<1x1x16xf32>,
        %get3A_563 = arith.constant 1 : i32
        %get3A_564 = arith.index_cast %get3A_563 : i32 to index
        %get3A_565 = arith.index_cast %add3A_520 : i32 to index
        %get3A_566 = arith.constant 48 : index
        %get3A_567 = tpu.vector_load %arg10[%get3A_564, %get3A_565, %get3A_566] {strides = array<i32>} : memref<2x128x128xf32, #tpu.memory_space<vmem>>, vector<1x1x16xf32>,
        %get3A_568 = vector.shape_cast %get3A_567 : vector<1x1x16xf32> to vector<16xf32>
        %mul3A_569 = arith.mulf %get3A_568, %gather3A_516 : vector<16xf32>
        %swap3A_570 = arith.constant 1 : i32
        %swap3A_571 = arith.index_cast %swap3A_570 : i32 to index
        %swap3A_572 = arith.index_cast %add3A_520 : i32 to index
        %swap3A_573 = arith.constant 48 : index
        %swap3A_574 = tpu.vector_load %arg10[%swap3A_571, %swap3A_572, %swap3A_573] {strides = array<i32>} : memref<2x128x128xf32, #tpu.memory_space<vmem>>, vector<1x1x16xf32>,
        %swap3A_575 = vector.shape_cast %swap3A_574 : vector<1x1x16xf32> to vector<16xf32>
        %swap3A_576 = vector.shape_cast %mul3A_569 : vector<16xf32> to vector<1x1x16xf32>
        tpu.vector_store %arg10[%swap3A_571, %swap3A_572, %swap3A_573], %swap3A_576 {strides = array<i32>} : memref<2x128x128xf32, #tpu.memory_space<vmem>>, vector<1x1x16xf32>,
        %get3A_577 = arith.constant 1 : i32
        %get3A_578 = arith.index_cast %get3A_577 : i32 to index
        %get3A_579 = arith.index_cast %add3A_520 : i32 to index
        %get3A_580 = arith.constant 64 : index
        %get3A_581 = tpu.vector_load %arg10[%get3A_578, %get3A_579, %get3A_580] {strides = array<i32>} : memref<2x128x128xf32, #tpu.memory_space<vmem>>, vector<1x1x16xf32>,
        %get3A_582 = vector.shape_cast %get3A_581 : vector<1x1x16xf32> to vector<16xf32>
        %mul3A_583 = arith.mulf %get3A_582, %gather3A_516 : vector<16xf32>
        %swap3A_584 = arith.constant 1 : i32
        %swap3A_585 = arith.index_cast %swap3A_584 : i32 to index
        %swap3A_586 = arith.index_cast %add3A_520 : i32 to index
        %swap3A_587 = arith.constant 64 : index
        %swap3A_588 = tpu.vector_load %arg10[%swap3A_585, %swap3A_586, %swap3A_587] {strides = array<i32>} : memref<2x128x128xf32, #tpu.memory_space<vmem>>, vector<1x1x16xf32>,
        %swap3A_589 = vector.shape_cast %swap3A_588 : vector<1x1x16xf32> to vector<16xf32>
        %swap3A_590 = vector.shape_cast %mul3A_583 : vector<16xf32> to vector<1x1x16xf32>
        tpu.vector_store %arg10[%swap3A_585, %swap3A_586, %swap3A_587], %swap3A_590 {strides = array<i32>} : memref<2x128x128xf32, #tpu.memory_space<vmem>>, vector<1x1x16xf32>,
        %get3A_591 = arith.constant 1 : i32
        %get3A_592 = arith.index_cast %get3A_591 : i32 to index
        %get3A_593 = arith.index_cast %add3A_520 : i32 to index
        %get3A_594 = arith.constant 80 : index
        %get3A_595 = tpu.vector_load %arg10[%get3A_592, %get3A_593, %get3A_594] {strides = array<i32>} : memref<2x128x128xf32, #tpu.memory_space<vmem>>, vector<1x1x16xf32>,
        %get3A_596 = vector.shape_cast %get3A_595 : vector<1x1x16xf32> to vector<16xf32>
        %mul3A_597 = arith.mulf %get3A_596, %gather3A_516 : vector<16xf32>
        %swap3A_598 = arith.constant 1 : i32
        %swap3A_599 = arith.index_cast %swap3A_598 : i32 to index
        %swap3A_600 = arith.index_cast %add3A_520 : i32 to index
        %swap3A_601 = arith.constant 80 : index
        %swap3A_602 = tpu.vector_load %arg10[%swap3A_599, %swap3A_600, %swap3A_601] {strides = array<i32>} : memref<2x128x128xf32, #tpu.memory_space<vmem>>, vector<1x1x16xf32>,
        %swap3A_603 = vector.shape_cast %swap3A_602 : vector<1x1x16xf32> to vector<16xf32>
        %swap3A_604 = vector.shape_cast %mul3A_597 : vector<16xf32> to vector<1x1x16xf32>
        tpu.vector_store %arg10[%swap3A_599, %swap3A_600, %swap3A_601], %swap3A_604 {strides = array<i32>} : memref<2x128x128xf32, #tpu.memory_space<vmem>>, vector<1x1x16xf32>,
        %get3A_605 = arith.constant 1 : i32
        %get3A_606 = arith.index_cast %get3A_605 : i32 to index
        %get3A_607 = arith.index_cast %add3A_520 : i32 to index
        %get3A_608 = arith.constant 96 : index
        %get3A_609 = tpu.vector_load %arg10[%get3A_606, %get3A_607, %get3A_608] {strides = array<i32>} : memref<2x128x128xf32, #tpu.memory_space<vmem>>, vector<1x1x16xf32>,
        %get3A_610 = vector.shape_cast %get3A_609 : vector<1x1x16xf32> to vector<16xf32>
        %mul3A_611 = arith.mulf %get3A_610, %gather3A_516 : vector<16xf32>
        %swap3A_612 = arith.constant 1 : i32
        %swap3A_613 = arith.index_cast %swap3A_612 : i32 to index
        %swap3A_614 = arith.index_cast %add3A_520 : i32 to index
        %swap3A_615 = arith.constant 96 : index
        %swap3A_616 = tpu.vector_load %arg10[%swap3A_613, %swap3A_614, %swap3A_615] {strides = array<i32>} : memref<2x128x128xf32, #tpu.memory_space<vmem>>, vector<1x1x16xf32>,
        %swap3A_617 = vector.shape_cast %swap3A_616 : vector<1x1x16xf32> to vector<16xf32>
        %swap3A_618 = vector.shape_cast %mul3A_611 : vector<16xf32> to vector<1x1x16xf32>
        tpu.vector_store %arg10[%swap3A_613, %swap3A_614, %swap3A_615], %swap3A_618 {strides = array<i32>} : memref<2x128x128xf32, #tpu.memory_space<vmem>>, vector<1x1x16xf32>,
        %get3A_619 = arith.constant 1 : i32
        %get3A_620 = arith.index_cast %get3A_619 : i32 to index
        %get3A_621 = arith.index_cast %add3A_520 : i32 to index
        %get3A_622 = arith.constant 112 : index
        %get3A_623 = tpu.vector_load %arg10[%get3A_620, %get3A_621, %get3A_622] {strides = array<i32>} : memref<2x128x128xf32, #tpu.memory_space<vmem>>, vector<1x1x16xf32>,
        %get3A_624 = vector.shape_cast %get3A_623 : vector<1x1x16xf32> to vector<16xf32>
        %mul3A_625 = arith.mulf %get3A_624, %gather3A_516 : vector<16xf32>
        %swap3A_626 = arith.constant 1 : i32
        %swap3A_627 = arith.index_cast %swap3A_626 : i32 to index
        %swap3A_628 = arith.index_cast %add3A_520 : i32 to index
        %swap3A_629 = arith.constant 112 : index
        %swap3A_630 = tpu.vector_load %arg10[%swap3A_627, %swap3A_628, %swap3A_629] {strides = array<i32>} : memref<2x128x128xf32, #tpu.memory_space<vmem>>, vector<1x1x16xf32>,
        %swap3A_631 = vector.shape_cast %swap3A_630 : vector<1x1x16xf32> to vector<16xf32>
        %swap3A_632 = vector.shape_cast %mul3A_625 : vector<16xf32> to vector<1x1x16xf32>
        tpu.vector_store %arg10[%swap3A_627, %swap3A_628, %swap3A_629], %swap3A_632 {strides = array<i32>} : memref<2x128x128xf32, #tpu.memory_space<vmem>>, vector<1x1x16xf32>,
        %broadcast_in_dim3A_633 = arith.constant 4 : i32
        %broadcast_in_dim3A_634 = vector.broadcast %broadcast_in_dim3A_633 : i32 to vector<16x1xi32>
        %gather3A_635 = vector.shape_cast %broadcast_in_dim3A_634 : vector<16x1xi32> to vector<16xi32>
        %gather3A_636 = tpu.dynamic_gather %get3A_155[%gather3A_635] in [0] : vector<16xf32>, vector<16xi32> -> vector<16xf32>
        %mul3A_637 = arith.constant 16 : i32
        %mul3A_638 = arith.muli %scan3A_149, %mul3A_637 : i32
        %add3A_639 = arith.constant 4 : i32
        %add3A_640 = arith.addi %mul3A_638, %add3A_639 : i32
        %get3A_641 = arith.constant 1 : i32
        %get3A_642 = arith.index_cast %get3A_641 : i32 to index
        %get3A_643 = arith.index_cast %add3A_640 : i32 to index
        %get3A_644 = arith.constant 0 : index
        %get3A_645 = tpu.vector_load %arg10[%get3A_642, %get3A_643, %get3A_644] {strides = array<i32>} : memref<2x128x128xf32, #tpu.memory_space<vmem>>, vector<1x1x16xf32>,
        %get3A_646 = vector.shape_cast %get3A_645 : vector<1x1x16xf32> to vector<16xf32>
        %mul3A_647 = arith.mulf %get3A_646, %gather3A_636 : vector<16xf32>
        %swap3A_648 = arith.constant 1 : i32
        %swap3A_649 = arith.index_cast %swap3A_648 : i32 to index
        %swap3A_650 = arith.index_cast %add3A_640 : i32 to index
        %swap3A_651 = arith.constant 0 : index
        %swap3A_652 = tpu.vector_load %arg10[%swap3A_649, %swap3A_650, %swap3A_651] {strides = array<i32>} : memref<2x128x128xf32, #tpu.memory_space<vmem>>, vector<1x1x16xf32>,
        %swap3A_653 = vector.shape_cast %swap3A_652 : vector<1x1x16xf32> to vector<16xf32>
        %swap3A_654 = vector.shape_cast %mul3A_647 : vector<16xf32> to vector<1x1x16xf32>
        tpu.vector_store %arg10[%swap3A_649, %swap3A_650, %swap3A_651], %swap3A_654 {strides = array<i32>} : memref<2x128x128xf32, #tpu.memory_space<vmem>>, vector<1x1x16xf32>,
        %get3A_655 = arith.constant 1 : i32
        %get3A_656 = arith.index_cast %get3A_655 : i32 to index
        %get3A_657 = arith.index_cast %add3A_640 : i32 to index
        %get3A_658 = arith.constant 16 : index
        %get3A_659 = tpu.vector_load %arg10[%get3A_656, %get3A_657, %get3A_658] {strides = array<i32>} : memref<2x128x128xf32, #tpu.memory_space<vmem>>, vector<1x1x16xf32>,
        %get3A_660 = vector.shape_cast %get3A_659 : vector<1x1x16xf32> to vector<16xf32>
        %mul3A_661 = arith.mulf %get3A_660, %gather3A_636 : vector<16xf32>
        %swap3A_662 = arith.constant 1 : i32
        %swap3A_663 = arith.index_cast %swap3A_662 : i32 to index
        %swap3A_664 = arith.index_cast %add3A_640 : i32 to index
        %swap3A_665 = arith.constant 16 : index
        %swap3A_666 = tpu.vector_load %arg10[%swap3A_663, %swap3A_664, %swap3A_665] {strides = array<i32>} : memref<2x128x128xf32, #tpu.memory_space<vmem>>, vector<1x1x16xf32>,
        %swap3A_667 = vector.shape_cast %swap3A_666 : vector<1x1x16xf32> to vector<16xf32>
        %swap3A_668 = vector.shape_cast %mul3A_661 : vector<16xf32> to vector<1x1x16xf32>
        tpu.vector_store %arg10[%swap3A_663, %swap3A_664, %swap3A_665], %swap3A_668 {strides = array<i32>} : memref<2x128x128xf32, #tpu.memory_space<vmem>>, vector<1x1x16xf32>,
        %get3A_669 = arith.constant 1 : i32
        %get3A_670 = arith.index_cast %get3A_669 : i32 to index
        %get3A_671 = arith.index_cast %add3A_640 : i32 to index
        %get3A_672 = arith.constant 32 : index
        %get3A_673 = tpu.vector_load %arg10[%get3A_670, %get3A_671, %get3A_672] {strides = array<i32>} : memref<2x128x128xf32, #tpu.memory_space<vmem>>, vector<1x1x16xf32>,
        %get3A_674 = vector.shape_cast %get3A_673 : vector<1x1x16xf32> to vector<16xf32>
        %mul3A_675 = arith.mulf %get3A_674, %gather3A_636 : vector<16xf32>
        %swap3A_676 = arith.constant 1 : i32
        %swap3A_677 = arith.index_cast %swap3A_676 : i32 to index
        %swap3A_678 = arith.index_cast %add3A_640 : i32 to index
        %swap3A_679 = arith.constant 32 : index
        %swap3A_680 = tpu.vector_load %arg10[%swap3A_677, %swap3A_678, %swap3A_679] {strides = array<i32>} : memref<2x128x128xf32, #tpu.memory_space<vmem>>, vector<1x1x16xf32>,
        %swap3A_681 = vector.shape_cast %swap3A_680 : vector<1x1x16xf32> to vector<16xf32>
        %swap3A_682 = vector.shape_cast %mul3A_675 : vector<16xf32> to vector<1x1x16xf32>
        tpu.vector_store %arg10[%swap3A_677, %swap3A_678, %swap3A_679], %swap3A_682 {strides = array<i32>} : memref<2x128x128xf32, #tpu.memory_space<vmem>>, vector<1x1x16xf32>,
        %get3A_683 = arith.constant 1 : i32
        %get3A_684 = arith.index_cast %get3A_683 : i32 to index
        %get3A_685 = arith.index_cast %add3A_640 : i32 to index
        %get3A_686 = arith.constant 48 : index
        %get3A_687 = tpu.vector_load %arg10[%get3A_684, %get3A_685, %get3A_686] {strides = array<i32>} : memref<2x128x128xf32, #tpu.memory_space<vmem>>, vector<1x1x16xf32>,
        %get3A_688 = vector.shape_cast %get3A_687 : vector<1x1x16xf32> to vector<16xf32>
        %mul3A_689 = arith.mulf %get3A_688, %gather3A_636 : vector<16xf32>
        %swap3A_690 = arith.constant 1 : i32
        %swap3A_691 = arith.index_cast %swap3A_690 : i32 to index
        %swap3A_692 = arith.index_cast %add3A_640 : i32 to index
        %swap3A_693 = arith.constant 48 : index
        %swap3A_694 = tpu.vector_load %arg10[%swap3A_691, %swap3A_692, %swap3A_693] {strides = array<i32>} : memref<2x128x128xf32, #tpu.memory_space<vmem>>, vector<1x1x16xf32>,
        %swap3A_695 = vector.shape_cast %swap3A_694 : vector<1x1x16xf32> to vector<16xf32>
        %swap3A_696 = vector.shape_cast %mul3A_689 : vector<16xf32> to vector<1x1x16xf32>
        tpu.vector_store %arg10[%swap3A_691, %swap3A_692, %swap3A_693], %swap3A_696 {strides = array<i32>} : memref<2x128x128xf32, #tpu.memory_space<vmem>>, vector<1x1x16xf32>,
        %get3A_697 = arith.constant 1 : i32
        %get3A_698 = arith.index_cast %get3A_697 : i32 to index
        %get3A_699 = arith.index_cast %add3A_640 : i32 to index
        %get3A_700 = arith.constant 64 : index
        %get3A_701 = tpu.vector_load %arg10[%get3A_698, %get3A_699, %get3A_700] {strides = array<i32>} : memref<2x128x128xf32, #tpu.memory_space<vmem>>, vector<1x1x16xf32>,
        %get3A_702 = vector.shape_cast %get3A_701 : vector<1x1x16xf32> to vector<16xf32>
        %mul3A_703 = arith.mulf %get3A_702, %gather3A_636 : vector<16xf32>
        %swap3A_704 = arith.constant 1 : i32
        %swap3A_705 = arith.index_cast %swap3A_704 : i32 to index
        %swap3A_706 = arith.index_cast %add3A_640 : i32 to index
        %swap3A_707 = arith.constant 64 : index
        %swap3A_708 = tpu.vector_load %arg10[%swap3A_705, %swap3A_706, %swap3A_707] {strides = array<i32>} : memref<2x128x128xf32, #tpu.memory_space<vmem>>, vector<1x1x16xf32>,
        %swap3A_709 = vector.shape_cast %swap3A_708 : vector<1x1x16xf32> to vector<16xf32>
        %swap3A_710 = vector.shape_cast %mul3A_703 : vector<16xf32> to vector<1x1x16xf32>
        tpu.vector_store %arg10[%swap3A_705, %swap3A_706, %swap3A_707], %swap3A_710 {strides = array<i32>} : memref<2x128x128xf32, #tpu.memory_space<vmem>>, vector<1x1x16xf32>,
        %get3A_711 = arith.constant 1 : i32
        %get3A_712 = arith.index_cast %get3A_711 : i32 to index
        %get3A_713 = arith.index_cast %add3A_640 : i32 to index
        %get3A_714 = arith.constant 80 : index
        %get3A_715 = tpu.vector_load %arg10[%get3A_712, %get3A_713, %get3A_714] {strides = array<i32>} : memref<2x128x128xf32, #tpu.memory_space<vmem>>, vector<1x1x16xf32>,
        %get3A_716 = vector.shape_cast %get3A_715 : vector<1x1x16xf32> to vector<16xf32>
        %mul3A_717 = arith.mulf %get3A_716, %gather3A_636 : vector<16xf32>
        %swap3A_718 = arith.constant 1 : i32
        %swap3A_719 = arith.index_cast %swap3A_718 : i32 to index
        %swap3A_720 = arith.index_cast %add3A_640 : i32 to index
        %swap3A_721 = arith.constant 80 : index
        %swap3A_722 = tpu.vector_load %arg10[%swap3A_719, %swap3A_720, %swap3A_721] {strides = array<i32>} : memref<2x128x128xf32, #tpu.memory_space<vmem>>, vector<1x1x16xf32>,
        %swap3A_723 = vector.shape_cast %swap3A_722 : vector<1x1x16xf32> to vector<16xf32>
        %swap3A_724 = vector.shape_cast %mul3A_717 : vector<16xf32> to vector<1x1x16xf32>
        tpu.vector_store %arg10[%swap3A_719, %swap3A_720, %swap3A_721], %swap3A_724 {strides = array<i32>} : memref<2x128x128xf32, #tpu.memory_space<vmem>>, vector<1x1x16xf32>,
        %get3A_725 = arith.constant 1 : i32
        %get3A_726 = arith.index_cast %get3A_725 : i32 to index
        %get3A_727 = arith.index_cast %add3A_640 : i32 to index
        %get3A_728 = arith.constant 96 : index
        %get3A_729 = tpu.vector_load %arg10[%get3A_726, %get3A_727, %get3A_728] {strides = array<i32>} : memref<2x128x128xf32, #tpu.memory_space<vmem>>, vector<1x1x16xf32>,
        %get3A_730 = vector.shape_cast %get3A_729 : vector<1x1x16xf32> to vector<16xf32>
        %mul3A_731 = arith.mulf %get3A_730, %gather3A_636 : vector<16xf32>
        %swap3A_732 = arith.constant 1 : i32
        %swap3A_733 = arith.index_cast %swap3A_732 : i32 to index
        %swap3A_734 = arith.index_cast %add3A_640 : i32 to index
        %swap3A_735 = arith.constant 96 : index
        %swap3A_736 = tpu.vector_load %arg10[%swap3A_733, %swap3A_734, %swap3A_735] {strides = array<i32>} : memref<2x128x128xf32, #tpu.memory_space<vmem>>, vector<1x1x16xf32>,
        %swap3A_737 = vector.shape_cast %swap3A_736 : vector<1x1x16xf32> to vector<16xf32>
        %swap3A_738 = vector.shape_cast %mul3A_731 : vector<16xf32> to vector<1x1x16xf32>
        tpu.vector_store %arg10[%swap3A_733, %swap3A_734, %swap3A_735], %swap3A_738 {strides = array<i32>} : memref<2x128x128xf32, #tpu.memory_space<vmem>>, vector<1x1x16xf32>,
        %get3A_739 = arith.constant 1 : i32
        %get3A_740 = arith.index_cast %get3A_739 : i32 to index
        %get3A_741 = arith.index_cast %add3A_640 : i32 to index
        %get3A_742 = arith.constant 112 : index
        %get3A_743 = tpu.vector_load %arg10[%get3A_740, %get3A_741, %get3A_742] {strides = array<i32>} : memref<2x128x128xf32, #tpu.memory_space<vmem>>, vector<1x1x16xf32>,
        %get3A_744 = vector.shape_cast %get3A_743 : vector<1x1x16xf32> to vector<16xf32>
        %mul3A_745 = arith.mulf %get3A_744, %gather3A_636 : vector<16xf32>
        %swap3A_746 = arith.constant 1 : i32
        %swap3A_747 = arith.index_cast %swap3A_746 : i32 to index
        %swap3A_748 = arith.index_cast %add3A_640 : i32 to index
        %swap3A_749 = arith.constant 112 : index
        %swap3A_750 = tpu.vector_load %arg10[%swap3A_747, %swap3A_748, %swap3A_749] {strides = array<i32>} : memref<2x128x128xf32, #tpu.memory_space<vmem>>, vector<1x1x16xf32>,
        %swap3A_751 = vector.shape_cast %swap3A_750 : vector<1x1x16xf32> to vector<16xf32>
        %swap3A_752 = vector.shape_cast %mul3A_745 : vector<16xf32> to vector<1x1x16xf32>
        tpu.vector_store %arg10[%swap3A_747, %swap3A_748, %swap3A_749], %swap3A_752 {strides = array<i32>} : memref<2x128x128xf32, #tpu.memory_space<vmem>>, vector<1x1x16xf32>,
        %broadcast_in_dim3A_753 = arith.constant 5 : i32
        %broadcast_in_dim3A_754 = vector.broadcast %broadcast_in_dim3A_753 : i32 to vector<16x1xi32>
        %gather3A_755 = vector.shape_cast %broadcast_in_dim3A_754 : vector<16x1xi32> to vector<16xi32>
        %gather3A_756 = tpu.dynamic_gather %get3A_155[%gather3A_755] in [0] : vector<16xf32>, vector<16xi32> -> vector<16xf32>
        %mul3A_757 = arith.constant 16 : i32
        %mul3A_758 = arith.muli %scan3A_149, %mul3A_757 : i32
        %add3A_759 = arith.constant 5 : i32
        %add3A_760 = arith.addi %mul3A_758, %add3A_759 : i32
        %get3A_761 = arith.constant 1 : i32
        %get3A_762 = arith.index_cast %get3A_761 : i32 to index
        %get3A_763 = arith.index_cast %add3A_760 : i32 to index
        %get3A_764 = arith.constant 0 : index
        %get3A_765 = tpu.vector_load %arg10[%get3A_762, %get3A_763, %get3A_764] {strides = array<i32>} : memref<2x128x128xf32, #tpu.memory_space<vmem>>, vector<1x1x16xf32>,
        %get3A_766 = vector.shape_cast %get3A_765 : vector<1x1x16xf32> to vector<16xf32>
        %mul3A_767 = arith.mulf %get3A_766, %gather3A_756 : vector<16xf32>
        %swap3A_768 = arith.constant 1 : i32
        %swap3A_769 = arith.index_cast %swap3A_768 : i32 to index
        %swap3A_770 = arith.index_cast %add3A_760 : i32 to index
        %swap3A_771 = arith.constant 0 : index
        %swap3A_772 = tpu.vector_load %arg10[%swap3A_769, %swap3A_770, %swap3A_771] {strides = array<i32>} : memref<2x128x128xf32, #tpu.memory_space<vmem>>, vector<1x1x16xf32>,
        %swap3A_773 = vector.shape_cast %swap3A_772 : vector<1x1x16xf32> to vector<16xf32>
        %swap3A_774 = vector.shape_cast %mul3A_767 : vector<16xf32> to vector<1x1x16xf32>
        tpu.vector_store %arg10[%swap3A_769, %swap3A_770, %swap3A_771], %swap3A_774 {strides = array<i32>} : memref<2x128x128xf32, #tpu.memory_space<vmem>>, vector<1x1x16xf32>,
        %get3A_775 = arith.constant 1 : i32
        %get3A_776 = arith.index_cast %get3A_775 : i32 to index
        %get3A_777 = arith.index_cast %add3A_760 : i32 to index
        %get3A_778 = arith.constant 16 : index
        %get3A_779 = tpu.vector_load %arg10[%get3A_776, %get3A_777, %get3A_778] {strides = array<i32>} : memref<2x128x128xf32, #tpu.memory_space<vmem>>, vector<1x1x16xf32>,
        %get3A_780 = vector.shape_cast %get3A_779 : vector<1x1x16xf32> to vector<16xf32>
        %mul3A_781 = arith.mulf %get3A_780, %gather3A_756 : vector<16xf32>
        %swap3A_782 = arith.constant 1 : i32
        %swap3A_783 = arith.index_cast %swap3A_782 : i32 to index
        %swap3A_784 = arith.index_cast %add3A_760 : i32 to index
        %swap3A_785 = arith.constant 16 : index
        %swap3A_786 = tpu.vector_load %arg10[%swap3A_783, %swap3A_784, %swap3A_785] {strides = array<i32>} : memref<2x128x128xf32, #tpu.memory_space<vmem>>, vector<1x1x16xf32>,
        %swap3A_787 = vector.shape_cast %swap3A_786 : vector<1x1x16xf32> to vector<16xf32>
        %swap3A_788 = vector.shape_cast %mul3A_781 : vector<16xf32> to vector<1x1x16xf32>
        tpu.vector_store %arg10[%swap3A_783, %swap3A_784, %swap3A_785], %swap3A_788 {strides = array<i32>} : memref<2x128x128xf32, #tpu.memory_space<vmem>>, vector<1x1x16xf32>,
        %get3A_789 = arith.constant 1 : i32
        %get3A_790 = arith.index_cast %get3A_789 : i32 to index
        %get3A_791 = arith.index_cast %add3A_760 : i32 to index
        %get3A_792 = arith.constant 32 : index
        %get3A_793 = tpu.vector_load %arg10[%get3A_790, %get3A_791, %get3A_792] {strides = array<i32>} : memref<2x128x128xf32, #tpu.memory_space<vmem>>, vector<1x1x16xf32>,
        %get3A_794 = vector.shape_cast %get3A_793 : vector<1x1x16xf32> to vector<16xf32>
        %mul3A_795 = arith.mulf %get3A_794, %gather3A_756 : vector<16xf32>
        %swap3A_796 = arith.constant 1 : i32
        %swap3A_797 = arith.index_cast %swap3A_796 : i32 to index
        %swap3A_798 = arith.index_cast %add3A_760 : i32 to index
        %swap3A_799 = arith.constant 32 : index
        %swap3A_800 = tpu.vector_load %arg10[%swap3A_797, %swap3A_798, %swap3A_799] {strides = array<i32>} : memref<2x128x128xf32, #tpu.memory_space<vmem>>, vector<1x1x16xf32>,
        %swap3A_801 = vector.shape_cast %swap3A_800 : vector<1x1x16xf32> to vector<16xf32>
        %swap3A_802 = vector.shape_cast %mul3A_795 : vector<16xf32> to vector<1x1x16xf32>
        tpu.vector_store %arg10[%swap3A_797, %swap3A_798, %swap3A_799], %swap3A_802 {strides = array<i32>} : memref<2x128x128xf32, #tpu.memory_space<vmem>>, vector<1x1x16xf32>,
        %get3A_803 = arith.constant 1 : i32
        %get3A_804 = arith.index_cast %get3A_803 : i32 to index
        %get3A_805 = arith.index_cast %add3A_760 : i32 to index
        %get3A_806 = arith.constant 48 : index
        %get3A_807 = tpu.vector_load %arg10[%get3A_804, %get3A_805, %get3A_806] {strides = array<i32>} : memref<2x128x128xf32, #tpu.memory_space<vmem>>, vector<1x1x16xf32>,
        %get3A_808 = vector.shape_cast %get3A_807 : vector<1x1x16xf32> to vector<16xf32>
        %mul3A_809 = arith.mulf %get3A_808, %gather3A_756 : vector<16xf32>
        %swap3A_810 = arith.constant 1 : i32
        %swap3A_811 = arith.index_cast %swap3A_810 : i32 to index
        %swap3A_812 = arith.index_cast %add3A_760 : i32 to index
        %swap3A_813 = arith.constant 48 : index
        %swap3A_814 = tpu.vector_load %arg10[%swap3A_811, %swap3A_812, %swap3A_813] {strides = array<i32>} : memref<2x128x128xf32, #tpu.memory_space<vmem>>, vector<1x1x16xf32>,
        %swap3A_815 = vector.shape_cast %swap3A_814 : vector<1x1x16xf32> to vector<16xf32>
        %swap3A_816 = vector.shape_cast %mul3A_809 : vector<16xf32> to vector<1x1x16xf32>
        tpu.vector_store %arg10[%swap3A_811, %swap3A_812, %swap3A_813], %swap3A_816 {strides = array<i32>} : memref<2x128x128xf32, #tpu.memory_space<vmem>>, vector<1x1x16xf32>,
        %get3A_817 = arith.constant 1 : i32
        %get3A_818 = arith.index_cast %get3A_817 : i32 to index
        %get3A_819 = arith.index_cast %add3A_760 : i32 to index
        %get3A_820 = arith.constant 64 : index
        %get3A_821 = tpu.vector_load %arg10[%get3A_818, %get3A_819, %get3A_820] {strides = array<i32>} : memref<2x128x128xf32, #tpu.memory_space<vmem>>, vector<1x1x16xf32>,
        %get3A_822 = vector.shape_cast %get3A_821 : vector<1x1x16xf32> to vector<16xf32>
        %mul3A_823 = arith.mulf %get3A_822, %gather3A_756 : vector<16xf32>
        %swap3A_824 = arith.constant 1 : i32
        %swap3A_825 = arith.index_cast %swap3A_824 : i32 to index
        %swap3A_826 = arith.index_cast %add3A_760 : i32 to index
        %swap3A_827 = arith.constant 64 : index
        %swap3A_828 = tpu.vector_load %arg10[%swap3A_825, %swap3A_826, %swap3A_827] {strides = array<i32>} : memref<2x128x128xf32, #tpu.memory_space<vmem>>, vector<1x1x16xf32>,
        %swap3A_829 = vector.shape_cast %swap3A_828 : vector<1x1x16xf32> to vector<16xf32>
        %swap3A_830 = vector.shape_cast %mul3A_823 : vector<16xf32> to vector<1x1x16xf32>
        tpu.vector_store %arg10[%swap3A_825, %swap3A_826, %swap3A_827], %swap3A_830 {strides = array<i32>} : memref<2x128x128xf32, #tpu.memory_space<vmem>>, vector<1x1x16xf32>,
        %get3A_831 = arith.constant 1 : i32
        %get3A_832 = arith.index_cast %get3A_831 : i32 to index
        %get3A_833 = arith.index_cast %add3A_760 : i32 to index
        %get3A_834 = arith.constant 80 : index
        %get3A_835 = tpu.vector_load %arg10[%get3A_832, %get3A_833, %get3A_834] {strides = array<i32>} : memref<2x128x128xf32, #tpu.memory_space<vmem>>, vector<1x1x16xf32>,
        %get3A_836 = vector.shape_cast %get3A_835 : vector<1x1x16xf32> to vector<16xf32>
        %mul3A_837 = arith.mulf %get3A_836, %gather3A_756 : vector<16xf32>
        %swap3A_838 = arith.constant 1 : i32
        %swap3A_839 = arith.index_cast %swap3A_838 : i32 to index
        %swap3A_840 = arith.index_cast %add3A_760 : i32 to index
        %swap3A_841 = arith.constant 80 : index
        %swap3A_842 = tpu.vector_load %arg10[%swap3A_839, %swap3A_840, %swap3A_841] {strides = array<i32>} : memref<2x128x128xf32, #tpu.memory_space<vmem>>, vector<1x1x16xf32>,
        %swap3A_843 = vector.shape_cast %swap3A_842 : vector<1x1x16xf32> to vector<16xf32>
        %swap3A_844 = vector.shape_cast %mul3A_837 : vector<16xf32> to vector<1x1x16xf32>
        tpu.vector_store %arg10[%swap3A_839, %swap3A_840, %swap3A_841], %swap3A_844 {strides = array<i32>} : memref<2x128x128xf32, #tpu.memory_space<vmem>>, vector<1x1x16xf32>,
        %get3A_845 = arith.constant 1 : i32
        %get3A_846 = arith.index_cast %get3A_845 : i32 to index
        %get3A_847 = arith.index_cast %add3A_760 : i32 to index
        %get3A_848 = arith.constant 96 : index
        %get3A_849 = tpu.vector_load %arg10[%get3A_846, %get3A_847, %get3A_848] {strides = array<i32>} : memref<2x128x128xf32, #tpu.memory_space<vmem>>, vector<1x1x16xf32>,
        %get3A_850 = vector.shape_cast %get3A_849 : vector<1x1x16xf32> to vector<16xf32>
        %mul3A_851 = arith.mulf %get3A_850, %gather3A_756 : vector<16xf32>
        %swap3A_852 = arith.constant 1 : i32
        %swap3A_853 = arith.index_cast %swap3A_852 : i32 to index
        %swap3A_854 = arith.index_cast %add3A_760 : i32 to index
        %swap3A_855 = arith.constant 96 : index
        %swap3A_856 = tpu.vector_load %arg10[%swap3A_853, %swap3A_854, %swap3A_855] {strides = array<i32>} : memref<2x128x128xf32, #tpu.memory_space<vmem>>, vector<1x1x16xf32>,
        %swap3A_857 = vector.shape_cast %swap3A_856 : vector<1x1x16xf32> to vector<16xf32>
        %swap3A_858 = vector.shape_cast %mul3A_851 : vector<16xf32> to vector<1x1x16xf32>
        tpu.vector_store %arg10[%swap3A_853, %swap3A_854, %swap3A_855], %swap3A_858 {strides = array<i32>} : memref<2x128x128xf32, #tpu.memory_space<vmem>>, vector<1x1x16xf32>,
        %get3A_859 = arith.constant 1 : i32
        %get3A_860 = arith.index_cast %get3A_859 : i32 to index
        %get3A_861 = arith.index_cast %add3A_760 : i32 to index
        %get3A_862 = arith.constant 112 : index
        %get3A_863 = tpu.vector_load %arg10[%get3A_860, %get3A_861, %get3A_862] {strides = array<i32>} : memref<2x128x128xf32, #tpu.memory_space<vmem>>, vector<1x1x16xf32>,
        %get3A_864 = vector.shape_cast %get3A_863 : vector<1x1x16xf32> to vector<16xf32>
        %mul3A_865 = arith.mulf %get3A_864, %gather3A_756 : vector<16xf32>
        %swap3A_866 = arith.constant 1 : i32
        %swap3A_867 = arith.index_cast %swap3A_866 : i32 to index
        %swap3A_868 = arith.index_cast %add3A_760 : i32 to index
        %swap3A_869 = arith.constant 112 : index
        %swap3A_870 = tpu.vector_load %arg10[%swap3A_867, %swap3A_868, %swap3A_869] {strides = array<i32>} : memref<2x128x128xf32, #tpu.memory_space<vmem>>, vector<1x1x16xf32>,
        %swap3A_871 = vector.shape_cast %swap3A_870 : vector<1x1x16xf32> to vector<16xf32>
        %swap3A_872 = vector.shape_cast %mul3A_865 : vector<16xf32> to vector<1x1x16xf32>
        tpu.vector_store %arg10[%swap3A_867, %swap3A_868, %swap3A_869], %swap3A_872 {strides = array<i32>} : memref<2x128x128xf32, #tpu.memory_space<vmem>>, vector<1x1x16xf32>,
        %broadcast_in_dim3A_873 = arith.constant 6 : i32
        %broadcast_in_dim3A_874 = vector.broadcast %broadcast_in_dim3A_873 : i32 to vector<16x1xi32>
        %gather3A_875 = vector.shape_cast %broadcast_in_dim3A_874 : vector<16x1xi32> to vector<16xi32>
        %gather3A_876 = tpu.dynamic_gather %get3A_155[%gather3A_875] in [0] : vector<16xf32>, vector<16xi32> -> vector<16xf32>
        %mul3A_877 = arith.constant 16 : i32
        %mul3A_878 = arith.muli %scan3A_149, %mul3A_877 : i32
        %add3A_879 = arith.constant 6 : i32
        %add3A_880 = arith.addi %mul3A_878, %add3A_879 : i32
        %get3A_881 = arith.constant 1 : i32
        %get3A_882 = arith.index_cast %get3A_881 : i32 to index
        %get3A_883 = arith.index_cast %add3A_880 : i32 to index
        %get3A_884 = arith.constant 0 : index
        %get3A_885 = tpu.vector_load %arg10[%get3A_882, %get3A_883, %get3A_884] {strides = array<i32>} : memref<2x128x128xf32, #tpu.memory_space<vmem>>, vector<1x1x16xf32>,
        %get3A_886 = vector.shape_cast %get3A_885 : vector<1x1x16xf32> to vector<16xf32>
        %mul3A_887 = arith.mulf %get3A_886, %gather3A_876 : vector<16xf32>
        %swap3A_888 = arith.constant 1 : i32
        %swap3A_889 = arith.index_cast %swap3A_888 : i32 to index
        %swap3A_890 = arith.index_cast %add3A_880 : i32 to index
        %swap3A_891 = arith.constant 0 : index
        %swap3A_892 = tpu.vector_load %arg10[%swap3A_889, %swap3A_890, %swap3A_891] {strides = array<i32>} : memref<2x128x128xf32, #tpu.memory_space<vmem>>, vector<1x1x16xf32>,
        %swap3A_893 = vector.shape_cast %swap3A_892 : vector<1x1x16xf32> to vector<16xf32>
        %swap3A_894 = vector.shape_cast %mul3A_887 : vector<16xf32> to vector<1x1x16xf32>
        tpu.vector_store %arg10[%swap3A_889, %swap3A_890, %swap3A_891], %swap3A_894 {strides = array<i32>} : memref<2x128x128xf32, #tpu.memory_space<vmem>>, vector<1x1x16xf32>,
        %get3A_895 = arith.constant 1 : i32
        %get3A_896 = arith.index_cast %get3A_895 : i32 to index
        %get3A_897 = arith.index_cast %add3A_880 : i32 to index
        %get3A_898 = arith.constant 16 : index
        %get3A_899 = tpu.vector_load %arg10[%get3A_896, %get3A_897, %get3A_898] {strides = array<i32>} : memref<2x128x128xf32, #tpu.memory_space<vmem>>, vector<1x1x16xf32>,
        %get3A_900 = vector.shape_cast %get3A_899 : vector<1x1x16xf32> to vector<16xf32>
        %mul3A_901 = arith.mulf %get3A_900, %gather3A_876 : vector<16xf32>
        %swap3A_902 = arith.constant 1 : i32
        %swap3A_903 = arith.index_cast %swap3A_902 : i32 to index
        %swap3A_904 = arith.index_cast %add3A_880 : i32 to index
        %swap3A_905 = arith.constant 16 : index
        %swap3A_906 = tpu.vector_load %arg10[%swap3A_903, %swap3A_904, %swap3A_905] {strides = array<i32>} : memref<2x128x128xf32, #tpu.memory_space<vmem>>, vector<1x1x16xf32>,
        %swap3A_907 = vector.shape_cast %swap3A_906 : vector<1x1x16xf32> to vector<16xf32>
        %swap3A_908 = vector.shape_cast %mul3A_901 : vector<16xf32> to vector<1x1x16xf32>
        tpu.vector_store %arg10[%swap3A_903, %swap3A_904, %swap3A_905], %swap3A_908 {strides = array<i32>} : memref<2x128x128xf32, #tpu.memory_space<vmem>>, vector<1x1x16xf32>,
        %get3A_909 = arith.constant 1 : i32
        %get3A_910 = arith.index_cast %get3A_909 : i32 to index
        %get3A_911 = arith.index_cast %add3A_880 : i32 to index
        %get3A_912 = arith.constant 32 : index
        %get3A_913 = tpu.vector_load %arg10[%get3A_910, %get3A_911, %get3A_912] {strides = array<i32>} : memref<2x128x128xf32, #tpu.memory_space<vmem>>, vector<1x1x16xf32>,
        %get3A_914 = vector.shape_cast %get3A_913 : vector<1x1x16xf32> to vector<16xf32>
        %mul3A_915 = arith.mulf %get3A_914, %gather3A_876 : vector<16xf32>
        %swap3A_916 = arith.constant 1 : i32
        %swap3A_917 = arith.index_cast %swap3A_916 : i32 to index
        %swap3A_918 = arith.index_cast %add3A_880 : i32 to index
        %swap3A_919 = arith.constant 32 : index
        %swap3A_920 = tpu.vector_load %arg10[%swap3A_917, %swap3A_918, %swap3A_919] {strides = array<i32>} : memref<2x128x128xf32, #tpu.memory_space<vmem>>, vector<1x1x16xf32>,
        %swap3A_921 = vector.shape_cast %swap3A_920 : vector<1x1x16xf32> to vector<16xf32>
        %swap3A_922 = vector.shape_cast %mul3A_915 : vector<16xf32> to vector<1x1x16xf32>
        tpu.vector_store %arg10[%swap3A_917, %swap3A_918, %swap3A_919], %swap3A_922 {strides = array<i32>} : memref<2x128x128xf32, #tpu.memory_space<vmem>>, vector<1x1x16xf32>,
        %get3A_923 = arith.constant 1 : i32
        %get3A_924 = arith.index_cast %get3A_923 : i32 to index
        %get3A_925 = arith.index_cast %add3A_880 : i32 to index
        %get3A_926 = arith.constant 48 : index
        %get3A_927 = tpu.vector_load %arg10[%get3A_924, %get3A_925, %get3A_926] {strides = array<i32>} : memref<2x128x128xf32, #tpu.memory_space<vmem>>, vector<1x1x16xf32>,
        %get3A_928 = vector.shape_cast %get3A_927 : vector<1x1x16xf32> to vector<16xf32>
        %mul3A_929 = arith.mulf %get3A_928, %gather3A_876 : vector<16xf32>
        %swap3A_930 = arith.constant 1 : i32
        %swap3A_931 = arith.index_cast %swap3A_930 : i32 to index
        %swap3A_932 = arith.index_cast %add3A_880 : i32 to index
        %swap3A_933 = arith.constant 48 : index
        %swap3A_934 = tpu.vector_load %arg10[%swap3A_931, %swap3A_932, %swap3A_933] {strides = array<i32>} : memref<2x128x128xf32, #tpu.memory_space<vmem>>, vector<1x1x16xf32>,
        %swap3A_935 = vector.shape_cast %swap3A_934 : vector<1x1x16xf32> to vector<16xf32>
        %swap3A_936 = vector.shape_cast %mul3A_929 : vector<16xf32> to vector<1x1x16xf32>
        tpu.vector_store %arg10[%swap3A_931, %swap3A_932, %swap3A_933], %swap3A_936 {strides = array<i32>} : memref<2x128x128xf32, #tpu.memory_space<vmem>>, vector<1x1x16xf32>,
        %get3A_937 = arith.constant 1 : i32
        %get3A_938 = arith.index_cast %get3A_937 : i32 to index
        %get3A_939 = arith.index_cast %add3A_880 : i32 to index
        %get3A_940 = arith.constant 64 : index
        %get3A_941 = tpu.vector_load %arg10[%get3A_938, %get3A_939, %get3A_940] {strides = array<i32>} : memref<2x128x128xf32, #tpu.memory_space<vmem>>, vector<1x1x16xf32>,
        %get3A_942 = vector.shape_cast %get3A_941 : vector<1x1x16xf32> to vector<16xf32>
        %mul3A_943 = arith.mulf %get3A_942, %gather3A_876 : vector<16xf32>
        %swap3A_944 = arith.constant 1 : i32
        %swap3A_945 = arith.index_cast %swap3A_944 : i32 to index
        %swap3A_946 = arith.index_cast %add3A_880 : i32 to index
        %swap3A_947 = arith.constant 64 : index
        %swap3A_948 = tpu.vector_load %arg10[%swap3A_945, %swap3A_946, %swap3A_947] {strides = array<i32>} : memref<2x128x128xf32, #tpu.memory_space<vmem>>, vector<1x1x16xf32>,
        %swap3A_949 = vector.shape_cast %swap3A_948 : vector<1x1x16xf32> to vector<16xf32>
        %swap3A_950 = vector.shape_cast %mul3A_943 : vector<16xf32> to vector<1x1x16xf32>
        tpu.vector_store %arg10[%swap3A_945, %swap3A_946, %swap3A_947], %swap3A_950 {strides = array<i32>} : memref<2x128x128xf32, #tpu.memory_space<vmem>>, vector<1x1x16xf32>,
        %get3A_951 = arith.constant 1 : i32
        %get3A_952 = arith.index_cast %get3A_951 : i32 to index
        %get3A_953 = arith.index_cast %add3A_880 : i32 to index
        %get3A_954 = arith.constant 80 : index
        %get3A_955 = tpu.vector_load %arg10[%get3A_952, %get3A_953, %get3A_954] {strides = array<i32>} : memref<2x128x128xf32, #tpu.memory_space<vmem>>, vector<1x1x16xf32>,
        %get3A_956 = vector.shape_cast %get3A_955 : vector<1x1x16xf32> to vector<16xf32>
        %mul3A_957 = arith.mulf %get3A_956, %gather3A_876 : vector<16xf32>
        %swap3A_958 = arith.constant 1 : i32
        %swap3A_959 = arith.index_cast %swap3A_958 : i32 to index
        %swap3A_960 = arith.index_cast %add3A_880 : i32 to index
        %swap3A_961 = arith.constant 80 : index
        %swap3A_962 = tpu.vector_load %arg10[%swap3A_959, %swap3A_960, %swap3A_961] {strides = array<i32>} : memref<2x128x128xf32, #tpu.memory_space<vmem>>, vector<1x1x16xf32>,
        %swap3A_963 = vector.shape_cast %swap3A_962 : vector<1x1x16xf32> to vector<16xf32>
        %swap3A_964 = vector.shape_cast %mul3A_957 : vector<16xf32> to vector<1x1x16xf32>
        tpu.vector_store %arg10[%swap3A_959, %swap3A_960, %swap3A_961], %swap3A_964 {strides = array<i32>} : memref<2x128x128xf32, #tpu.memory_space<vmem>>, vector<1x1x16xf32>,
        %get3A_965 = arith.constant 1 : i32
        %get3A_966 = arith.index_cast %get3A_965 : i32 to index
        %get3A_967 = arith.index_cast %add3A_880 : i32 to index
        %get3A_968 = arith.constant 96 : index
        %get3A_969 = tpu.vector_load %arg10[%get3A_966, %get3A_967, %get3A_968] {strides = array<i32>} : memref<2x128x128xf32, #tpu.memory_space<vmem>>, vector<1x1x16xf32>,
        %get3A_970 = vector.shape_cast %get3A_969 : vector<1x1x16xf32> to vector<16xf32>
        %mul3A_971 = arith.mulf %get3A_970, %gather3A_876 : vector<16xf32>
        %swap3A_972 = arith.constant 1 : i32
        %swap3A_973 = arith.index_cast %swap3A_972 : i32 to index
        %swap3A_974 = arith.index_cast %add3A_880 : i32 to index
        %swap3A_975 = arith.constant 96 : index
        %swap3A_976 = tpu.vector_load %arg10[%swap3A_973, %swap3A_974, %swap3A_975] {strides = array<i32>} : memref<2x128x128xf32, #tpu.memory_space<vmem>>, vector<1x1x16xf32>,
        %swap3A_977 = vector.shape_cast %swap3A_976 : vector<1x1x16xf32> to vector<16xf32>
        %swap3A_978 = vector.shape_cast %mul3A_971 : vector<16xf32> to vector<1x1x16xf32>
        tpu.vector_store %arg10[%swap3A_973, %swap3A_974, %swap3A_975], %swap3A_978 {strides = array<i32>} : memref<2x128x128xf32, #tpu.memory_space<vmem>>, vector<1x1x16xf32>,
        %get3A_979 = arith.constant 1 : i32
        %get3A_980 = arith.index_cast %get3A_979 : i32 to index
        %get3A_981 = arith.index_cast %add3A_880 : i32 to index
        %get3A_982 = arith.constant 112 : index
        %get3A_983 = tpu.vector_load %arg10[%get3A_980, %get3A_981, %get3A_982] {strides = array<i32>} : memref<2x128x128xf32, #tpu.memory_space<vmem>>, vector<1x1x16xf32>,
        %get3A_984 = vector.shape_cast %get3A_983 : vector<1x1x16xf32> to vector<16xf32>
        %mul3A_985 = arith.mulf %get3A_984, %gather3A_876 : vector<16xf32>
        %swap3A_986 = arith.constant 1 : i32
        %swap3A_987 = arith.index_cast %swap3A_986 : i32 to index
        %swap3A_988 = arith.index_cast %add3A_880 : i32 to index
        %swap3A_989 = arith.constant 112 : index
        %swap3A_990 = tpu.vector_load %arg10[%swap3A_987, %swap3A_988, %swap3A_989] {strides = array<i32>} : memref<2x128x128xf32, #tpu.memory_space<vmem>>, vector<1x1x16xf32>,
        %swap3A_991 = vector.shape_cast %swap3A_990 : vector<1x1x16xf32> to vector<16xf32>
        %swap3A_992 = vector.shape_cast %mul3A_985 : vector<16xf32> to vector<1x1x16xf32>
        tpu.vector_store %arg10[%swap3A_987, %swap3A_988, %swap3A_989], %swap3A_992 {strides = array<i32>} : memref<2x128x128xf32, #tpu.memory_space<vmem>>, vector<1x1x16xf32>,
        %broadcast_in_dim3A_993 = arith.constant 7 : i32
        %broadcast_in_dim3A_994 = vector.broadcast %broadcast_in_dim3A_993 : i32 to vector<16x1xi32>
        %gather3A_995 = vector.shape_cast %broadcast_in_dim3A_994 : vector<16x1xi32> to vector<16xi32>
        %gather3A_996 = tpu.dynamic_gather %get3A_155[%gather3A_995] in [0] : vector<16xf32>, vector<16xi32> -> vector<16xf32>
        %mul3A_997 = arith.constant 16 : i32
        %mul3A_998 = arith.muli %scan3A_149, %mul3A_997 : i32
        %add3A_999 = arith.constant 7 : i32
        %add3A_1000 = arith.addi %mul3A_998, %add3A_999 : i32
        %get3A_1001 = arith.constant 1 : i32
        %get3A_1002 = arith.index_cast %get3A_1001 : i32 to index
        %get3A_1003 = arith.index_cast %add3A_1000 : i32 to index
        %get3A_1004 = arith.constant 0 : index
        %get3A_1005 = tpu.vector_load %arg10[%get3A_1002, %get3A_1003, %get3A_1004] {strides = array<i32>} : memref<2x128x128xf32, #tpu.memory_space<vmem>>, vector<1x1x16xf32>,
        %get3A_1006 = vector.shape_cast %get3A_1005 : vector<1x1x16xf32> to vector<16xf32>
        %mul3A_1007 = arith.mulf %get3A_1006, %gather3A_996 : vector<16xf32>
        %swap3A_1008 = arith.constant 1 : i32
        %swap3A_1009 = arith.index_cast %swap3A_1008 : i32 to index
        %swap3A_1010 = arith.index_cast %add3A_1000 : i32 to index
        %swap3A_1011 = arith.constant 0 : index
        %swap3A_1012 = tpu.vector_load %arg10[%swap3A_1009, %swap3A_1010, %swap3A_1011] {strides = array<i32>} : memref<2x128x128xf32, #tpu.memory_space<vmem>>, vector<1x1x16xf32>,
        %swap3A_1013 = vector.shape_cast %swap3A_1012 : vector<1x1x16xf32> to vector<16xf32>
        %swap3A_1014 = vector.shape_cast %mul3A_1007 : vector<16xf32> to vector<1x1x16xf32>
        tpu.vector_store %arg10[%swap3A_1009, %swap3A_1010, %swap3A_1011], %swap3A_1014 {strides = array<i32>} : memref<2x128x128xf32, #tpu.memory_space<vmem>>, vector<1x1x16xf32>,
        %get3A_1015 = arith.constant 1 : i32
        %get3A_1016 = arith.index_cast %get3A_1015 : i32 to index
        %get3A_1017 = arith.index_cast %add3A_1000 : i32 to index
        %get3A_1018 = arith.constant 16 : index
        %get3A_1019 = tpu.vector_load %arg10[%get3A_1016, %get3A_1017, %get3A_1018] {strides = array<i32>} : memref<2x128x128xf32, #tpu.memory_space<vmem>>, vector<1x1x16xf32>,
        %get3A_1020 = vector.shape_cast %get3A_1019 : vector<1x1x16xf32> to vector<16xf32>
        %mul3A_1021 = arith.mulf %get3A_1020, %gather3A_996 : vector<16xf32>
        %swap3A_1022 = arith.constant 1 : i32
        %swap3A_1023 = arith.index_cast %swap3A_1022 : i32 to index
        %swap3A_1024 = arith.index_cast %add3A_1000 : i32 to index
        %swap3A_1025 = arith.constant 16 : index
        %swap3A_1026 = tpu.vector_load %arg10[%swap3A_1023, %swap3A_1024, %swap3A_1025] {strides = array<i32>} : memref<2x128x128xf32, #tpu.memory_space<vmem>>, vector<1x1x16xf32>,
        %swap3A_1027 = vector.shape_cast %swap3A_1026 : vector<1x1x16xf32> to vector<16xf32>
        %swap3A_1028 = vector.shape_cast %mul3A_1021 : vector<16xf32> to vector<1x1x16xf32>
        tpu.vector_store %arg10[%swap3A_1023, %swap3A_1024, %swap3A_1025], %swap3A_1028 {strides = array<i32>} : memref<2x128x128xf32, #tpu.memory_space<vmem>>, vector<1x1x16xf32>,
        %get3A_1029 = arith.constant 1 : i32
        %get3A_1030 = arith.index_cast %get3A_1029 : i32 to index
        %get3A_1031 = arith.index_cast %add3A_1000 : i32 to index
        %get3A_1032 = arith.constant 32 : index
        %get3A_1033 = tpu.vector_load %arg10[%get3A_1030, %get3A_1031, %get3A_1032] {strides = array<i32>} : memref<2x128x128xf32, #tpu.memory_space<vmem>>, vector<1x1x16xf32>,
        %get3A_1034 = vector.shape_cast %get3A_1033 : vector<1x1x16xf32> to vector<16xf32>
        %mul3A_1035 = arith.mulf %get3A_1034, %gather3A_996 : vector<16xf32>
        %swap3A_1036 = arith.constant 1 : i32
        %swap3A_1037 = arith.index_cast %swap3A_1036 : i32 to index
        %swap3A_1038 = arith.index_cast %add3A_1000 : i32 to index
        %swap3A_1039 = arith.constant 32 : index
        %swap3A_1040 = tpu.vector_load %arg10[%swap3A_1037, %swap3A_1038, %swap3A_1039] {strides = array<i32>} : memref<2x128x128xf32, #tpu.memory_space<vmem>>, vector<1x1x16xf32>,
        %swap3A_1041 = vector.shape_cast %swap3A_1040 : vector<1x1x16xf32> to vector<16xf32>
        %swap3A_1042 = vector.shape_cast %mul3A_1035 : vector<16xf32> to vector<1x1x16xf32>
        tpu.vector_store %arg10[%swap3A_1037, %swap3A_1038, %swap3A_1039], %swap3A_1042 {strides = array<i32>} : memref<2x128x128xf32, #tpu.memory_space<vmem>>, vector<1x1x16xf32>,
        %get3A_1043 = arith.constant 1 : i32
        %get3A_1044 = arith.index_cast %get3A_1043 : i32 to index
        %get3A_1045 = arith.index_cast %add3A_1000 : i32 to index
        %get3A_1046 = arith.constant 48 : index
        %get3A_1047 = tpu.vector_load %arg10[%get3A_1044, %get3A_1045, %get3A_1046] {strides = array<i32>} : memref<2x128x128xf32, #tpu.memory_space<vmem>>, vector<1x1x16xf32>,
        %get3A_1048 = vector.shape_cast %get3A_1047 : vector<1x1x16xf32> to vector<16xf32>
        %mul3A_1049 = arith.mulf %get3A_1048, %gather3A_996 : vector<16xf32>
        %swap3A_1050 = arith.constant 1 : i32
        %swap3A_1051 = arith.index_cast %swap3A_1050 : i32 to index
        %swap3A_1052 = arith.index_cast %add3A_1000 : i32 to index
        %swap3A_1053 = arith.constant 48 : index
        %swap3A_1054 = tpu.vector_load %arg10[%swap3A_1051, %swap3A_1052, %swap3A_1053] {strides = array<i32>} : memref<2x128x128xf32, #tpu.memory_space<vmem>>, vector<1x1x16xf32>,
        %swap3A_1055 = vector.shape_cast %swap3A_1054 : vector<1x1x16xf32> to vector<16xf32>
        %swap3A_1056 = vector.shape_cast %mul3A_1049 : vector<16xf32> to vector<1x1x16xf32>
        tpu.vector_store %arg10[%swap3A_1051, %swap3A_1052, %swap3A_1053], %swap3A_1056 {strides = array<i32>} : memref<2x128x128xf32, #tpu.memory_space<vmem>>, vector<1x1x16xf32>,
        %get3A_1057 = arith.constant 1 : i32
        %get3A_1058 = arith.index_cast %get3A_1057 : i32 to index
        %get3A_1059 = arith.index_cast %add3A_1000 : i32 to index
        %get3A_1060 = arith.constant 64 : index
        %get3A_1061 = tpu.vector_load %arg10[%get3A_1058, %get3A_1059, %get3A_1060] {strides = array<i32>} : memref<2x128x128xf32, #tpu.memory_space<vmem>>, vector<1x1x16xf32>,
        %get3A_1062 = vector.shape_cast %get3A_1061 : vector<1x1x16xf32> to vector<16xf32>
        %mul3A_1063 = arith.mulf %get3A_1062, %gather3A_996 : vector<16xf32>
        %swap3A_1064 = arith.constant 1 : i32
        %swap3A_1065 = arith.index_cast %swap3A_1064 : i32 to index
        %swap3A_1066 = arith.index_cast %add3A_1000 : i32 to index
        %swap3A_1067 = arith.constant 64 : index
        %swap3A_1068 = tpu.vector_load %arg10[%swap3A_1065, %swap3A_1066, %swap3A_1067] {strides = array<i32>} : memref<2x128x128xf32, #tpu.memory_space<vmem>>, vector<1x1x16xf32>,
        %swap3A_1069 = vector.shape_cast %swap3A_1068 : vector<1x1x16xf32> to vector<16xf32>
        %swap3A_1070 = vector.shape_cast %mul3A_1063 : vector<16xf32> to vector<1x1x16xf32>
        tpu.vector_store %arg10[%swap3A_1065, %swap3A_1066, %swap3A_1067], %swap3A_1070 {strides = array<i32>} : memref<2x128x128xf32, #tpu.memory_space<vmem>>, vector<1x1x16xf32>,
        %get3A_1071 = arith.constant 1 : i32
        %get3A_1072 = arith.index_cast %get3A_1071 : i32 to index
        %get3A_1073 = arith.index_cast %add3A_1000 : i32 to index
        %get3A_1074 = arith.constant 80 : index
        %get3A_1075 = tpu.vector_load %arg10[%get3A_1072, %get3A_1073, %get3A_1074] {strides = array<i32>} : memref<2x128x128xf32, #tpu.memory_space<vmem>>, vector<1x1x16xf32>,
        %get3A_1076 = vector.shape_cast %get3A_1075 : vector<1x1x16xf32> to vector<16xf32>
        %mul3A_1077 = arith.mulf %get3A_1076, %gather3A_996 : vector<16xf32>
        %swap3A_1078 = arith.constant 1 : i32
        %swap3A_1079 = arith.index_cast %swap3A_1078 : i32 to index
        %swap3A_1080 = arith.index_cast %add3A_1000 : i32 to index
        %swap3A_1081 = arith.constant 80 : index
        %swap3A_1082 = tpu.vector_load %arg10[%swap3A_1079, %swap3A_1080, %swap3A_1081] {strides = array<i32>} : memref<2x128x128xf32, #tpu.memory_space<vmem>>, vector<1x1x16xf32>,
        %swap3A_1083 = vector.shape_cast %swap3A_1082 : vector<1x1x16xf32> to vector<16xf32>
        %swap3A_1084 = vector.shape_cast %mul3A_1077 : vector<16xf32> to vector<1x1x16xf32>
        tpu.vector_store %arg10[%swap3A_1079, %swap3A_1080, %swap3A_1081], %swap3A_1084 {strides = array<i32>} : memref<2x128x128xf32, #tpu.memory_space<vmem>>, vector<1x1x16xf32>,
        %get3A_1085 = arith.constant 1 : i32
        %get3A_1086 = arith.index_cast %get3A_1085 : i32 to index
        %get3A_1087 = arith.index_cast %add3A_1000 : i32 to index
        %get3A_1088 = arith.constant 96 : index
        %get3A_1089 = tpu.vector_load %arg10[%get3A_1086, %get3A_1087, %get3A_1088] {strides = array<i32>} : memref<2x128x128xf32, #tpu.memory_space<vmem>>, vector<1x1x16xf32>,
        %get3A_1090 = vector.shape_cast %get3A_1089 : vector<1x1x16xf32> to vector<16xf32>
        %mul3A_1091 = arith.mulf %get3A_1090, %gather3A_996 : vector<16xf32>
        %swap3A_1092 = arith.constant 1 : i32
        %swap3A_1093 = arith.index_cast %swap3A_1092 : i32 to index
        %swap3A_1094 = arith.index_cast %add3A_1000 : i32 to index
        %swap3A_1095 = arith.constant 96 : index
        %swap3A_1096 = tpu.vector_load %arg10[%swap3A_1093, %swap3A_1094, %swap3A_1095] {strides = array<i32>} : memref<2x128x128xf32, #tpu.memory_space<vmem>>, vector<1x1x16xf32>,
        %swap3A_1097 = vector.shape_cast %swap3A_1096 : vector<1x1x16xf32> to vector<16xf32>
        %swap3A_1098 = vector.shape_cast %mul3A_1091 : vector<16xf32> to vector<1x1x16xf32>
        tpu.vector_store %arg10[%swap3A_1093, %swap3A_1094, %swap3A_1095], %swap3A_1098 {strides = array<i32>} : memref<2x128x128xf32, #tpu.memory_space<vmem>>, vector<1x1x16xf32>,
        %get3A_1099 = arith.constant 1 : i32
        %get3A_1100 = arith.index_cast %get3A_1099 : i32 to index
        %get3A_1101 = arith.index_cast %add3A_1000 : i32 to index
        %get3A_1102 = arith.constant 112 : index
        %get3A_1103 = tpu.vector_load %arg10[%get3A_1100, %get3A_1101, %get3A_1102] {strides = array<i32>} : memref<2x128x128xf32, #tpu.memory_space<vmem>>, vector<1x1x16xf32>,
        %get3A_1104 = vector.shape_cast %get3A_1103 : vector<1x1x16xf32> to vector<16xf32>
        %mul3A_1105 = arith.mulf %get3A_1104, %gather3A_996 : vector<16xf32>
        %swap3A_1106 = arith.constant 1 : i32
        %swap3A_1107 = arith.index_cast %swap3A_1106 : i32 to index
        %swap3A_1108 = arith.index_cast %add3A_1000 : i32 to index
        %swap3A_1109 = arith.constant 112 : index
        %swap3A_1110 = tpu.vector_load %arg10[%swap3A_1107, %swap3A_1108, %swap3A_1109] {strides = array<i32>} : memref<2x128x128xf32, #tpu.memory_space<vmem>>, vector<1x1x16xf32>,
        %swap3A_1111 = vector.shape_cast %swap3A_1110 : vector<1x1x16xf32> to vector<16xf32>
        %swap3A_1112 = vector.shape_cast %mul3A_1105 : vector<16xf32> to vector<1x1x16xf32>
        tpu.vector_store %arg10[%swap3A_1107, %swap3A_1108, %swap3A_1109], %swap3A_1112 {strides = array<i32>} : memref<2x128x128xf32, #tpu.memory_space<vmem>>, vector<1x1x16xf32>,
        %broadcast_in_dim3A_1113 = arith.constant 8 : i32
        %broadcast_in_dim3A_1114 = vector.broadcast %broadcast_in_dim3A_1113 : i32 to vector<16x1xi32>
        %gather3A_1115 = vector.shape_cast %broadcast_in_dim3A_1114 : vector<16x1xi32> to vector<16xi32>
        %gather3A_1116 = tpu.dynamic_gather %get3A_155[%gather3A_1115] in [0] : vector<16xf32>, vector<16xi32> -> vector<16xf32>
        %mul3A_1117 = arith.constant 16 : i32
        %mul3A_1118 = arith.muli %scan3A_149, %mul3A_1117 : i32
        %add3A_1119 = arith.constant 8 : i32
        %add3A_1120 = arith.addi %mul3A_1118, %add3A_1119 : i32
        %get3A_1121 = arith.constant 1 : i32
        %get3A_1122 = arith.index_cast %get3A_1121 : i32 to index
        %get3A_1123 = arith.index_cast %add3A_1120 : i32 to index
        %get3A_1124 = arith.constant 0 : index
        %get3A_1125 = tpu.vector_load %arg10[%get3A_1122, %get3A_1123, %get3A_1124] {strides = array<i32>} : memref<2x128x128xf32, #tpu.memory_space<vmem>>, vector<1x1x16xf32>,
        %get3A_1126 = vector.shape_cast %get3A_1125 : vector<1x1x16xf32> to vector<16xf32>
        %mul3A_1127 = arith.mulf %get3A_1126, %gather3A_1116 : vector<16xf32>
        %swap3A_1128 = arith.constant 1 : i32
        %swap3A_1129 = arith.index_cast %swap3A_1128 : i32 to index
        %swap3A_1130 = arith.index_cast %add3A_1120 : i32 to index
        %swap3A_1131 = arith.constant 0 : index
        %swap3A_1132 = tpu.vector_load %arg10[%swap3A_1129, %swap3A_1130, %swap3A_1131] {strides = array<i32>} : memref<2x128x128xf32, #tpu.memory_space<vmem>>, vector<1x1x16xf32>,
        %swap3A_1133 = vector.shape_cast %swap3A_1132 : vector<1x1x16xf32> to vector<16xf32>
        %swap3A_1134 = vector.shape_cast %mul3A_1127 : vector<16xf32> to vector<1x1x16xf32>
        tpu.vector_store %arg10[%swap3A_1129, %swap3A_1130, %swap3A_1131], %swap3A_1134 {strides = array<i32>} : memref<2x128x128xf32, #tpu.memory_space<vmem>>, vector<1x1x16xf32>,
        %get3A_1135 = arith.constant 1 : i32
        %get3A_1136 = arith.index_cast %get3A_1135 : i32 to index
        %get3A_1137 = arith.index_cast %add3A_1120 : i32 to index
        %get3A_1138 = arith.constant 16 : index
        %get3A_1139 = tpu.vector_load %arg10[%get3A_1136, %get3A_1137, %get3A_1138] {strides = array<i32>} : memref<2x128x128xf32, #tpu.memory_space<vmem>>, vector<1x1x16xf32>,
        %get3A_1140 = vector.shape_cast %get3A_1139 : vector<1x1x16xf32> to vector<16xf32>
        %mul3A_1141 = arith.mulf %get3A_1140, %gather3A_1116 : vector<16xf32>
        %swap3A_1142 = arith.constant 1 : i32
        %swap3A_1143 = arith.index_cast %swap3A_1142 : i32 to index
        %swap3A_1144 = arith.index_cast %add3A_1120 : i32 to index
        %swap3A_1145 = arith.constant 16 : index
        %swap3A_1146 = tpu.vector_load %arg10[%swap3A_1143, %swap3A_1144, %swap3A_1145] {strides = array<i32>} : memref<2x128x128xf32, #tpu.memory_space<vmem>>, vector<1x1x16xf32>,
        %swap3A_1147 = vector.shape_cast %swap3A_1146 : vector<1x1x16xf32> to vector<16xf32>
        %swap3A_1148 = vector.shape_cast %mul3A_1141 : vector<16xf32> to vector<1x1x16xf32>
        tpu.vector_store %arg10[%swap3A_1143, %swap3A_1144, %swap3A_1145], %swap3A_1148 {strides = array<i32>} : memref<2x128x128xf32, #tpu.memory_space<vmem>>, vector<1x1x16xf32>,
        %get3A_1149 = arith.constant 1 : i32
        %get3A_1150 = arith.index_cast %get3A_1149 : i32 to index
        %get3A_1151 = arith.index_cast %add3A_1120 : i32 to index
        %get3A_1152 = arith.constant 32 : index
        %get3A_1153 = tpu.vector_load %arg10[%get3A_1150, %get3A_1151, %get3A_1152] {strides = array<i32>} : memref<2x128x128xf32, #tpu.memory_space<vmem>>, vector<1x1x16xf32>,
        %get3A_1154 = vector.shape_cast %get3A_1153 : vector<1x1x16xf32> to vector<16xf32>
        %mul3A_1155 = arith.mulf %get3A_1154, %gather3A_1116 : vector<16xf32>
        %swap3A_1156 = arith.constant 1 : i32
        %swap3A_1157 = arith.index_cast %swap3A_1156 : i32 to index
        %swap3A_1158 = arith.index_cast %add3A_1120 : i32 to index
        %swap3A_1159 = arith.constant 32 : index
        %swap3A_1160 = tpu.vector_load %arg10[%swap3A_1157, %swap3A_1158, %swap3A_1159] {strides = array<i32>} : memref<2x128x128xf32, #tpu.memory_space<vmem>>, vector<1x1x16xf32>,
        %swap3A_1161 = vector.shape_cast %swap3A_1160 : vector<1x1x16xf32> to vector<16xf32>
        %swap3A_1162 = vector.shape_cast %mul3A_1155 : vector<16xf32> to vector<1x1x16xf32>
        tpu.vector_store %arg10[%swap3A_1157, %swap3A_1158, %swap3A_1159], %swap3A_1162 {strides = array<i32>} : memref<2x128x128xf32, #tpu.memory_space<vmem>>, vector<1x1x16xf32>,
        %get3A_1163 = arith.constant 1 : i32
        %get3A_1164 = arith.index_cast %get3A_1163 : i32 to index
        %get3A_1165 = arith.index_cast %add3A_1120 : i32 to index
        %get3A_1166 = arith.constant 48 : index
        %get3A_1167 = tpu.vector_load %arg10[%get3A_1164, %get3A_1165, %get3A_1166] {strides = array<i32>} : memref<2x128x128xf32, #tpu.memory_space<vmem>>, vector<1x1x16xf32>,
        %get3A_1168 = vector.shape_cast %get3A_1167 : vector<1x1x16xf32> to vector<16xf32>
        %mul3A_1169 = arith.mulf %get3A_1168, %gather3A_1116 : vector<16xf32>
        %swap3A_1170 = arith.constant 1 : i32
        %swap3A_1171 = arith.index_cast %swap3A_1170 : i32 to index
        %swap3A_1172 = arith.index_cast %add3A_1120 : i32 to index
        %swap3A_1173 = arith.constant 48 : index
        %swap3A_1174 = tpu.vector_load %arg10[%swap3A_1171, %swap3A_1172, %swap3A_1173] {strides = array<i32>} : memref<2x128x128xf32, #tpu.memory_space<vmem>>, vector<1x1x16xf32>,
        %swap3A_1175 = vector.shape_cast %swap3A_1174 : vector<1x1x16xf32> to vector<16xf32>
        %swap3A_1176 = vector.shape_cast %mul3A_1169 : vector<16xf32> to vector<1x1x16xf32>
        tpu.vector_store %arg10[%swap3A_1171, %swap3A_1172, %swap3A_1173], %swap3A_1176 {strides = array<i32>} : memref<2x128x128xf32, #tpu.memory_space<vmem>>, vector<1x1x16xf32>,
        %get3A_1177 = arith.constant 1 : i32
        %get3A_1178 = arith.index_cast %get3A_1177 : i32 to index
        %get3A_1179 = arith.index_cast %add3A_1120 : i32 to index
        %get3A_1180 = arith.constant 64 : index
        %get3A_1181 = tpu.vector_load %arg10[%get3A_1178, %get3A_1179, %get3A_1180] {strides = array<i32>} : memref<2x128x128xf32, #tpu.memory_space<vmem>>, vector<1x1x16xf32>,
        %get3A_1182 = vector.shape_cast %get3A_1181 : vector<1x1x16xf32> to vector<16xf32>
        %mul3A_1183 = arith.mulf %get3A_1182, %gather3A_1116 : vector<16xf32>
        %swap3A_1184 = arith.constant 1 : i32
        %swap3A_1185 = arith.index_cast %swap3A_1184 : i32 to index
        %swap3A_1186 = arith.index_cast %add3A_1120 : i32 to index
        %swap3A_1187 = arith.constant 64 : index
        %swap3A_1188 = tpu.vector_load %arg10[%swap3A_1185, %swap3A_1186, %swap3A_1187] {strides = array<i32>} : memref<2x128x128xf32, #tpu.memory_space<vmem>>, vector<1x1x16xf32>,
        %swap3A_1189 = vector.shape_cast %swap3A_1188 : vector<1x1x16xf32> to vector<16xf32>
        %swap3A_1190 = vector.shape_cast %mul3A_1183 : vector<16xf32> to vector<1x1x16xf32>
        tpu.vector_store %arg10[%swap3A_1185, %swap3A_1186, %swap3A_1187], %swap3A_1190 {strides = array<i32>} : memref<2x128x128xf32, #tpu.memory_space<vmem>>, vector<1x1x16xf32>,
        %get3A_1191 = arith.constant 1 : i32
        %get3A_1192 = arith.index_cast %get3A_1191 : i32 to index
        %get3A_1193 = arith.index_cast %add3A_1120 : i32 to index
        %get3A_1194 = arith.constant 80 : index
        %get3A_1195 = tpu.vector_load %arg10[%get3A_1192, %get3A_1193, %get3A_1194] {strides = array<i32>} : memref<2x128x128xf32, #tpu.memory_space<vmem>>, vector<1x1x16xf32>,
        %get3A_1196 = vector.shape_cast %get3A_1195 : vector<1x1x16xf32> to vector<16xf32>
        %mul3A_1197 = arith.mulf %get3A_1196, %gather3A_1116 : vector<16xf32>
        %swap3A_1198 = arith.constant 1 : i32
        %swap3A_1199 = arith.index_cast %swap3A_1198 : i32 to index
        %swap3A_1200 = arith.index_cast %add3A_1120 : i32 to index
        %swap3A_1201 = arith.constant 80 : index
        %swap3A_1202 = tpu.vector_load %arg10[%swap3A_1199, %swap3A_1200, %swap3A_1201] {strides = array<i32>} : memref<2x128x128xf32, #tpu.memory_space<vmem>>, vector<1x1x16xf32>,
        %swap3A_1203 = vector.shape_cast %swap3A_1202 : vector<1x1x16xf32> to vector<16xf32>
        %swap3A_1204 = vector.shape_cast %mul3A_1197 : vector<16xf32> to vector<1x1x16xf32>
        tpu.vector_store %arg10[%swap3A_1199, %swap3A_1200, %swap3A_1201], %swap3A_1204 {strides = array<i32>} : memref<2x128x128xf32, #tpu.memory_space<vmem>>, vector<1x1x16xf32>,
        %get3A_1205 = arith.constant 1 : i32
        %get3A_1206 = arith.index_cast %get3A_1205 : i32 to index
        %get3A_1207 = arith.index_cast %add3A_1120 : i32 to index
        %get3A_1208 = arith.constant 96 : index
        %get3A_1209 = tpu.vector_load %arg10[%get3A_1206, %get3A_1207, %get3A_1208] {strides = array<i32>} : memref<2x128x128xf32, #tpu.memory_space<vmem>>, vector<1x1x16xf32>,
        %get3A_1210 = vector.shape_cast %get3A_1209 : vector<1x1x16xf32> to vector<16xf32>
        %mul3A_1211 = arith.mulf %get3A_1210, %gather3A_1116 : vector<16xf32>
        %swap3A_1212 = arith.constant 1 : i32
        %swap3A_1213 = arith.index_cast %swap3A_1212 : i32 to index
        %swap3A_1214 = arith.index_cast %add3A_1120 : i32 to index
        %swap3A_1215 = arith.constant 96 : index
        %swap3A_1216 = tpu.vector_load %arg10[%swap3A_1213, %swap3A_1214, %swap3A_1215] {strides = array<i32>} : memref<2x128x128xf32, #tpu.memory_space<vmem>>, vector<1x1x16xf32>,
        %swap3A_1217 = vector.shape_cast %swap3A_1216 : vector<1x1x16xf32> to vector<16xf32>
        %swap3A_1218 = vector.shape_cast %mul3A_1211 : vector<16xf32> to vector<1x1x16xf32>
        tpu.vector_store %arg10[%swap3A_1213, %swap3A_1214, %swap3A_1215], %swap3A_1218 {strides = array<i32>} : memref<2x128x128xf32, #tpu.memory_space<vmem>>, vector<1x1x16xf32>,
        %get3A_1219 = arith.constant 1 : i32
        %get3A_1220 = arith.index_cast %get3A_1219 : i32 to index
        %get3A_1221 = arith.index_cast %add3A_1120 : i32 to index
        %get3A_1222 = arith.constant 112 : index
        %get3A_1223 = tpu.vector_load %arg10[%get3A_1220, %get3A_1221, %get3A_1222] {strides = array<i32>} : memref<2x128x128xf32, #tpu.memory_space<vmem>>, vector<1x1x16xf32>,
        %get3A_1224 = vector.shape_cast %get3A_1223 : vector<1x1x16xf32> to vector<16xf32>
        %mul3A_1225 = arith.mulf %get3A_1224, %gather3A_1116 : vector<16xf32>
        %swap3A_1226 = arith.constant 1 : i32
        %swap3A_1227 = arith.index_cast %swap3A_1226 : i32 to index
        %swap3A_1228 = arith.index_cast %add3A_1120 : i32 to index
        %swap3A_1229 = arith.constant 112 : index
        %swap3A_1230 = tpu.vector_load %arg10[%swap3A_1227, %swap3A_1228, %swap3A_1229] {strides = array<i32>} : memref<2x128x128xf32, #tpu.memory_space<vmem>>, vector<1x1x16xf32>,
        %swap3A_1231 = vector.shape_cast %swap3A_1230 : vector<1x1x16xf32> to vector<16xf32>
        %swap3A_1232 = vector.shape_cast %mul3A_1225 : vector<16xf32> to vector<1x1x16xf32>
        tpu.vector_store %arg10[%swap3A_1227, %swap3A_1228, %swap3A_1229], %swap3A_1232 {strides = array<i32>} : memref<2x128x128xf32, #tpu.memory_space<vmem>>, vector<1x1x16xf32>,
        %broadcast_in_dim3A_1233 = arith.constant 9 : i32
        %broadcast_in_dim3A_1234 = vector.broadcast %broadcast_in_dim3A_1233 : i32 to vector<16x1xi32>
        %gather3A_1235 = vector.shape_cast %broadcast_in_dim3A_1234 : vector<16x1xi32> to vector<16xi32>
        %gather3A_1236 = tpu.dynamic_gather %get3A_155[%gather3A_1235] in [0] : vector<16xf32>, vector<16xi32> -> vector<16xf32>
        %mul3A_1237 = arith.constant 16 : i32
        %mul3A_1238 = arith.muli %scan3A_149, %mul3A_1237 : i32
        %add3A_1239 = arith.constant 9 : i32
        %add3A_1240 = arith.addi %mul3A_1238, %add3A_1239 : i32
        %get3A_1241 = arith.constant 1 : i32
        %get3A_1242 = arith.index_cast %get3A_1241 : i32 to index
        %get3A_1243 = arith.index_cast %add3A_1240 : i32 to index
        %get3A_1244 = arith.constant 0 : index
        %get3A_1245 = tpu.vector_load %arg10[%get3A_1242, %get3A_1243, %get3A_1244] {strides = array<i32>} : memref<2x128x128xf32, #tpu.memory_space<vmem>>, vector<1x1x16xf32>,
        %get3A_1246 = vector.shape_cast %get3A_1245 : vector<1x1x16xf32> to vector<16xf32>
        %mul3A_1247 = arith.mulf %get3A_1246, %gather3A_1236 : vector<16xf32>
        %swap3A_1248 = arith.constant 1 : i32
        %swap3A_1249 = arith.index_cast %swap3A_1248 : i32 to index
        %swap3A_1250 = arith.index_cast %add3A_1240 : i32 to index
        %swap3A_1251 = arith.constant 0 : index
        %swap3A_1252 = tpu.vector_load %arg10[%swap3A_1249, %swap3A_1250, %swap3A_1251] {strides = array<i32>} : memref<2x128x128xf32, #tpu.memory_space<vmem>>, vector<1x1x16xf32>,
        %swap3A_1253 = vector.shape_cast %swap3A_1252 : vector<1x1x16xf32> to vector<16xf32>
        %swap3A_1254 = vector.shape_cast %mul3A_1247 : vector<16xf32> to vector<1x1x16xf32>
        tpu.vector_store %arg10[%swap3A_1249, %swap3A_1250, %swap3A_1251], %swap3A_1254 {strides = array<i32>} : memref<2x128x128xf32, #tpu.memory_space<vmem>>, vector<1x1x16xf32>,
        %get3A_1255 = arith.constant 1 : i32
        %get3A_1256 = arith.index_cast %get3A_1255 : i32 to index
        %get3A_1257 = arith.index_cast %add3A_1240 : i32 to index
        %get3A_1258 = arith.constant 16 : index
        %get3A_1259 = tpu.vector_load %arg10[%get3A_1256, %get3A_1257, %get3A_1258] {strides = array<i32>} : memref<2x128x128xf32, #tpu.memory_space<vmem>>, vector<1x1x16xf32>,
        %get3A_1260 = vector.shape_cast %get3A_1259 : vector<1x1x16xf32> to vector<16xf32>
        %mul3A_1261 = arith.mulf %get3A_1260, %gather3A_1236 : vector<16xf32>
        %swap3A_1262 = arith.constant 1 : i32
        %swap3A_1263 = arith.index_cast %swap3A_1262 : i32 to index
        %swap3A_1264 = arith.index_cast %add3A_1240 : i32 to index
        %swap3A_1265 = arith.constant 16 : index
        %swap3A_1266 = tpu.vector_load %arg10[%swap3A_1263, %swap3A_1264, %swap3A_1265] {strides = array<i32>} : memref<2x128x128xf32, #tpu.memory_space<vmem>>, vector<1x1x16xf32>,
        %swap3A_1267 = vector.shape_cast %swap3A_1266 : vector<1x1x16xf32> to vector<16xf32>
        %swap3A_1268 = vector.shape_cast %mul3A_1261 : vector<16xf32> to vector<1x1x16xf32>
        tpu.vector_store %arg10[%swap3A_1263, %swap3A_1264, %swap3A_1265], %swap3A_1268 {strides = array<i32>} : memref<2x128x128xf32, #tpu.memory_space<vmem>>, vector<1x1x16xf32>,
        %get3A_1269 = arith.constant 1 : i32
        %get3A_1270 = arith.index_cast %get3A_1269 : i32 to index
        %get3A_1271 = arith.index_cast %add3A_1240 : i32 to index
        %get3A_1272 = arith.constant 32 : index
        %get3A_1273 = tpu.vector_load %arg10[%get3A_1270, %get3A_1271, %get3A_1272] {strides = array<i32>} : memref<2x128x128xf32, #tpu.memory_space<vmem>>, vector<1x1x16xf32>,
        %get3A_1274 = vector.shape_cast %get3A_1273 : vector<1x1x16xf32> to vector<16xf32>
        %mul3A_1275 = arith.mulf %get3A_1274, %gather3A_1236 : vector<16xf32>
        %swap3A_1276 = arith.constant 1 : i32
        %swap3A_1277 = arith.index_cast %swap3A_1276 : i32 to index
        %swap3A_1278 = arith.index_cast %add3A_1240 : i32 to index
        %swap3A_1279 = arith.constant 32 : index
        %swap3A_1280 = tpu.vector_load %arg10[%swap3A_1277, %swap3A_1278, %swap3A_1279] {strides = array<i32>} : memref<2x128x128xf32, #tpu.memory_space<vmem>>, vector<1x1x16xf32>,
        %swap3A_1281 = vector.shape_cast %swap3A_1280 : vector<1x1x16xf32> to vector<16xf32>
        %swap3A_1282 = vector.shape_cast %mul3A_1275 : vector<16xf32> to vector<1x1x16xf32>
        tpu.vector_store %arg10[%swap3A_1277, %swap3A_1278, %swap3A_1279], %swap3A_1282 {strides = array<i32>} : memref<2x128x128xf32, #tpu.memory_space<vmem>>, vector<1x1x16xf32>,
        %get3A_1283 = arith.constant 1 : i32
        %get3A_1284 = arith.index_cast %get3A_1283 : i32 to index
        %get3A_1285 = arith.index_cast %add3A_1240 : i32 to index
        %get3A_1286 = arith.constant 48 : index
        %get3A_1287 = tpu.vector_load %arg10[%get3A_1284, %get3A_1285, %get3A_1286] {strides = array<i32>} : memref<2x128x128xf32, #tpu.memory_space<vmem>>, vector<1x1x16xf32>,
        %get3A_1288 = vector.shape_cast %get3A_1287 : vector<1x1x16xf32> to vector<16xf32>
        %mul3A_1289 = arith.mulf %get3A_1288, %gather3A_1236 : vector<16xf32>
        %swap3A_1290 = arith.constant 1 : i32
        %swap3A_1291 = arith.index_cast %swap3A_1290 : i32 to index
        %swap3A_1292 = arith.index_cast %add3A_1240 : i32 to index
        %swap3A_1293 = arith.constant 48 : index
        %swap3A_1294 = tpu.vector_load %arg10[%swap3A_1291, %swap3A_1292, %swap3A_1293] {strides = array<i32>} : memref<2x128x128xf32, #tpu.memory_space<vmem>>, vector<1x1x16xf32>,
        %swap3A_1295 = vector.shape_cast %swap3A_1294 : vector<1x1x16xf32> to vector<16xf32>
        %swap3A_1296 = vector.shape_cast %mul3A_1289 : vector<16xf32> to vector<1x1x16xf32>
        tpu.vector_store %arg10[%swap3A_1291, %swap3A_1292, %swap3A_1293], %swap3A_1296 {strides = array<i32>} : memref<2x128x128xf32, #tpu.memory_space<vmem>>, vector<1x1x16xf32>,
        %get3A_1297 = arith.constant 1 : i32
        %get3A_1298 = arith.index_cast %get3A_1297 : i32 to index
        %get3A_1299 = arith.index_cast %add3A_1240 : i32 to index
        %get3A_1300 = arith.constant 64 : index
        %get3A_1301 = tpu.vector_load %arg10[%get3A_1298, %get3A_1299, %get3A_1300] {strides = array<i32>} : memref<2x128x128xf32, #tpu.memory_space<vmem>>, vector<1x1x16xf32>,
        %get3A_1302 = vector.shape_cast %get3A_1301 : vector<1x1x16xf32> to vector<16xf32>
        %mul3A_1303 = arith.mulf %get3A_1302, %gather3A_1236 : vector<16xf32>
        %swap3A_1304 = arith.constant 1 : i32
        %swap3A_1305 = arith.index_cast %swap3A_1304 : i32 to index
        %swap3A_1306 = arith.index_cast %add3A_1240 : i32 to index
        %swap3A_1307 = arith.constant 64 : index
        %swap3A_1308 = tpu.vector_load %arg10[%swap3A_1305, %swap3A_1306, %swap3A_1307] {strides = array<i32>} : memref<2x128x128xf32, #tpu.memory_space<vmem>>, vector<1x1x16xf32>,
        %swap3A_1309 = vector.shape_cast %swap3A_1308 : vector<1x1x16xf32> to vector<16xf32>
        %swap3A_1310 = vector.shape_cast %mul3A_1303 : vector<16xf32> to vector<1x1x16xf32>
        tpu.vector_store %arg10[%swap3A_1305, %swap3A_1306, %swap3A_1307], %swap3A_1310 {strides = array<i32>} : memref<2x128x128xf32, #tpu.memory_space<vmem>>, vector<1x1x16xf32>,
        %get3A_1311 = arith.constant 1 : i32
        %get3A_1312 = arith.index_cast %get3A_1311 : i32 to index
        %get3A_1313 = arith.index_cast %add3A_1240 : i32 to index
        %get3A_1314 = arith.constant 80 : index
        %get3A_1315 = tpu.vector_load %arg10[%get3A_1312, %get3A_1313, %get3A_1314] {strides = array<i32>} : memref<2x128x128xf32, #tpu.memory_space<vmem>>, vector<1x1x16xf32>,
        %get3A_1316 = vector.shape_cast %get3A_1315 : vector<1x1x16xf32> to vector<16xf32>
        %mul3A_1317 = arith.mulf %get3A_1316, %gather3A_1236 : vector<16xf32>
        %swap3A_1318 = arith.constant 1 : i32
        %swap3A_1319 = arith.index_cast %swap3A_1318 : i32 to index
        %swap3A_1320 = arith.index_cast %add3A_1240 : i32 to index
        %swap3A_1321 = arith.constant 80 : index
        %swap3A_1322 = tpu.vector_load %arg10[%swap3A_1319, %swap3A_1320, %swap3A_1321] {strides = array<i32>} : memref<2x128x128xf32, #tpu.memory_space<vmem>>, vector<1x1x16xf32>,
        %swap3A_1323 = vector.shape_cast %swap3A_1322 : vector<1x1x16xf32> to vector<16xf32>
        %swap3A_1324 = vector.shape_cast %mul3A_1317 : vector<16xf32> to vector<1x1x16xf32>
        tpu.vector_store %arg10[%swap3A_1319, %swap3A_1320, %swap3A_1321], %swap3A_1324 {strides = array<i32>} : memref<2x128x128xf32, #tpu.memory_space<vmem>>, vector<1x1x16xf32>,
        %get3A_1325 = arith.constant 1 : i32
        %get3A_1326 = arith.index_cast %get3A_1325 : i32 to index
        %get3A_1327 = arith.index_cast %add3A_1240 : i32 to index
        %get3A_1328 = arith.constant 96 : index
        %get3A_1329 = tpu.vector_load %arg10[%get3A_1326, %get3A_1327, %get3A_1328] {strides = array<i32>} : memref<2x128x128xf32, #tpu.memory_space<vmem>>, vector<1x1x16xf32>,
        %get3A_1330 = vector.shape_cast %get3A_1329 : vector<1x1x16xf32> to vector<16xf32>
        %mul3A_1331 = arith.mulf %get3A_1330, %gather3A_1236 : vector<16xf32>
        %swap3A_1332 = arith.constant 1 : i32
        %swap3A_1333 = arith.index_cast %swap3A_1332 : i32 to index
        %swap3A_1334 = arith.index_cast %add3A_1240 : i32 to index
        %swap3A_1335 = arith.constant 96 : index
        %swap3A_1336 = tpu.vector_load %arg10[%swap3A_1333, %swap3A_1334, %swap3A_1335] {strides = array<i32>} : memref<2x128x128xf32, #tpu.memory_space<vmem>>, vector<1x1x16xf32>,
        %swap3A_1337 = vector.shape_cast %swap3A_1336 : vector<1x1x16xf32> to vector<16xf32>
        %swap3A_1338 = vector.shape_cast %mul3A_1331 : vector<16xf32> to vector<1x1x16xf32>
        tpu.vector_store %arg10[%swap3A_1333, %swap3A_1334, %swap3A_1335], %swap3A_1338 {strides = array<i32>} : memref<2x128x128xf32, #tpu.memory_space<vmem>>, vector<1x1x16xf32>,
        %get3A_1339 = arith.constant 1 : i32
        %get3A_1340 = arith.index_cast %get3A_1339 : i32 to index
        %get3A_1341 = arith.index_cast %add3A_1240 : i32 to index
        %get3A_1342 = arith.constant 112 : index
        %get3A_1343 = tpu.vector_load %arg10[%get3A_1340, %get3A_1341, %get3A_1342] {strides = array<i32>} : memref<2x128x128xf32, #tpu.memory_space<vmem>>, vector<1x1x16xf32>,
        %get3A_1344 = vector.shape_cast %get3A_1343 : vector<1x1x16xf32> to vector<16xf32>
        %mul3A_1345 = arith.mulf %get3A_1344, %gather3A_1236 : vector<16xf32>
        %swap3A_1346 = arith.constant 1 : i32
        %swap3A_1347 = arith.index_cast %swap3A_1346 : i32 to index
        %swap3A_1348 = arith.index_cast %add3A_1240 : i32 to index
        %swap3A_1349 = arith.constant 112 : index
        %swap3A_1350 = tpu.vector_load %arg10[%swap3A_1347, %swap3A_1348, %swap3A_1349] {strides = array<i32>} : memref<2x128x128xf32, #tpu.memory_space<vmem>>, vector<1x1x16xf32>,
        %swap3A_1351 = vector.shape_cast %swap3A_1350 : vector<1x1x16xf32> to vector<16xf32>
        %swap3A_1352 = vector.shape_cast %mul3A_1345 : vector<16xf32> to vector<1x1x16xf32>
        tpu.vector_store %arg10[%swap3A_1347, %swap3A_1348, %swap3A_1349], %swap3A_1352 {strides = array<i32>} : memref<2x128x128xf32, #tpu.memory_space<vmem>>, vector<1x1x16xf32>,
        %broadcast_in_dim3A_1353 = arith.constant 10 : i32
        %broadcast_in_dim3A_1354 = vector.broadcast %broadcast_in_dim3A_1353 : i32 to vector<16x1xi32>
        %gather3A_1355 = vector.shape_cast %broadcast_in_dim3A_1354 : vector<16x1xi32> to vector<16xi32>
        %gather3A_1356 = tpu.dynamic_gather %get3A_155[%gather3A_1355] in [0] : vector<16xf32>, vector<16xi32> -> vector<16xf32>
        %mul3A_1357 = arith.constant 16 : i32
        %mul3A_1358 = arith.muli %scan3A_149, %mul3A_1357 : i32
        %add3A_1359 = arith.constant 10 : i32
        %add3A_1360 = arith.addi %mul3A_1358, %add3A_1359 : i32
        %get3A_1361 = arith.constant 1 : i32
        %get3A_1362 = arith.index_cast %get3A_1361 : i32 to index
        %get3A_1363 = arith.index_cast %add3A_1360 : i32 to index
        %get3A_1364 = arith.constant 0 : index
        %get3A_1365 = tpu.vector_load %arg10[%get3A_1362, %get3A_1363, %get3A_1364] {strides = array<i32>} : memref<2x128x128xf32, #tpu.memory_space<vmem>>, vector<1x1x16xf32>,
        %get3A_1366 = vector.shape_cast %get3A_1365 : vector<1x1x16xf32> to vector<16xf32>
        %mul3A_1367 = arith.mulf %get3A_1366, %gather3A_1356 : vector<16xf32>
        %swap3A_1368 = arith.constant 1 : i32
        %swap3A_1369 = arith.index_cast %swap3A_1368 : i32 to index
        %swap3A_1370 = arith.index_cast %add3A_1360 : i32 to index
        %swap3A_1371 = arith.constant 0 : index
        %swap3A_1372 = tpu.vector_load %arg10[%swap3A_1369, %swap3A_1370, %swap3A_1371] {strides = array<i32>} : memref<2x128x128xf32, #tpu.memory_space<vmem>>, vector<1x1x16xf32>,
        %swap3A_1373 = vector.shape_cast %swap3A_1372 : vector<1x1x16xf32> to vector<16xf32>
        %swap3A_1374 = vector.shape_cast %mul3A_1367 : vector<16xf32> to vector<1x1x16xf32>
        tpu.vector_store %arg10[%swap3A_1369, %swap3A_1370, %swap3A_1371], %swap3A_1374 {strides = array<i32>} : memref<2x128x128xf32, #tpu.memory_space<vmem>>, vector<1x1x16xf32>,
        %get3A_1375 = arith.constant 1 : i32
        %get3A_1376 = arith.index_cast %get3A_1375 : i32 to index
        %get3A_1377 = arith.index_cast %add3A_1360 : i32 to index
        %get3A_1378 = arith.constant 16 : index
        %get3A_1379 = tpu.vector_load %arg10[%get3A_1376, %get3A_1377, %get3A_1378] {strides = array<i32>} : memref<2x128x128xf32, #tpu.memory_space<vmem>>, vector<1x1x16xf32>,
        %get3A_1380 = vector.shape_cast %get3A_1379 : vector<1x1x16xf32> to vector<16xf32>
        %mul3A_1381 = arith.mulf %get3A_1380, %gather3A_1356 : vector<16xf32>
        %swap3A_1382 = arith.constant 1 : i32
        %swap3A_1383 = arith.index_cast %swap3A_1382 : i32 to index
        %swap3A_1384 = arith.index_cast %add3A_1360 : i32 to index
        %swap3A_1385 = arith.constant 16 : index
        %swap3A_1386 = tpu.vector_load %arg10[%swap3A_1383, %swap3A_1384, %swap3A_1385] {strides = array<i32>} : memref<2x128x128xf32, #tpu.memory_space<vmem>>, vector<1x1x16xf32>,
        %swap3A_1387 = vector.shape_cast %swap3A_1386 : vector<1x1x16xf32> to vector<16xf32>
        %swap3A_1388 = vector.shape_cast %mul3A_1381 : vector<16xf32> to vector<1x1x16xf32>
        tpu.vector_store %arg10[%swap3A_1383, %swap3A_1384, %swap3A_1385], %swap3A_1388 {strides = array<i32>} : memref<2x128x128xf32, #tpu.memory_space<vmem>>, vector<1x1x16xf32>,
        %get3A_1389 = arith.constant 1 : i32
        %get3A_1390 = arith.index_cast %get3A_1389 : i32 to index
        %get3A_1391 = arith.index_cast %add3A_1360 : i32 to index
        %get3A_1392 = arith.constant 32 : index
        %get3A_1393 = tpu.vector_load %arg10[%get3A_1390, %get3A_1391, %get3A_1392] {strides = array<i32>} : memref<2x128x128xf32, #tpu.memory_space<vmem>>, vector<1x1x16xf32>,
        %get3A_1394 = vector.shape_cast %get3A_1393 : vector<1x1x16xf32> to vector<16xf32>
        %mul3A_1395 = arith.mulf %get3A_1394, %gather3A_1356 : vector<16xf32>
        %swap3A_1396 = arith.constant 1 : i32
        %swap3A_1397 = arith.index_cast %swap3A_1396 : i32 to index
        %swap3A_1398 = arith.index_cast %add3A_1360 : i32 to index
        %swap3A_1399 = arith.constant 32 : index
        %swap3A_1400 = tpu.vector_load %arg10[%swap3A_1397, %swap3A_1398, %swap3A_1399] {strides = array<i32>} : memref<2x128x128xf32, #tpu.memory_space<vmem>>, vector<1x1x16xf32>,
        %swap3A_1401 = vector.shape_cast %swap3A_1400 : vector<1x1x16xf32> to vector<16xf32>
        %swap3A_1402 = vector.shape_cast %mul3A_1395 : vector<16xf32> to vector<1x1x16xf32>
        tpu.vector_store %arg10[%swap3A_1397, %swap3A_1398, %swap3A_1399], %swap3A_1402 {strides = array<i32>} : memref<2x128x128xf32, #tpu.memory_space<vmem>>, vector<1x1x16xf32>,
        %get3A_1403 = arith.constant 1 : i32
        %get3A_1404 = arith.index_cast %get3A_1403 : i32 to index
        %get3A_1405 = arith.index_cast %add3A_1360 : i32 to index
        %get3A_1406 = arith.constant 48 : index
        %get3A_1407 = tpu.vector_load %arg10[%get3A_1404, %get3A_1405, %get3A_1406] {strides = array<i32>} : memref<2x128x128xf32, #tpu.memory_space<vmem>>, vector<1x1x16xf32>,
        %get3A_1408 = vector.shape_cast %get3A_1407 : vector<1x1x16xf32> to vector<16xf32>
        %mul3A_1409 = arith.mulf %get3A_1408, %gather3A_1356 : vector<16xf32>
        %swap3A_1410 = arith.constant 1 : i32
        %swap3A_1411 = arith.index_cast %swap3A_1410 : i32 to index
        %swap3A_1412 = arith.index_cast %add3A_1360 : i32 to index
        %swap3A_1413 = arith.constant 48 : index
        %swap3A_1414 = tpu.vector_load %arg10[%swap3A_1411, %swap3A_1412, %swap3A_1413] {strides = array<i32>} : memref<2x128x128xf32, #tpu.memory_space<vmem>>, vector<1x1x16xf32>,
        %swap3A_1415 = vector.shape_cast %swap3A_1414 : vector<1x1x16xf32> to vector<16xf32>
        %swap3A_1416 = vector.shape_cast %mul3A_1409 : vector<16xf32> to vector<1x1x16xf32>
        tpu.vector_store %arg10[%swap3A_1411, %swap3A_1412, %swap3A_1413], %swap3A_1416 {strides = array<i32>} : memref<2x128x128xf32, #tpu.memory_space<vmem>>, vector<1x1x16xf32>,
        %get3A_1417 = arith.constant 1 : i32
        %get3A_1418 = arith.index_cast %get3A_1417 : i32 to index
        %get3A_1419 = arith.index_cast %add3A_1360 : i32 to index
        %get3A_1420 = arith.constant 64 : index
        %get3A_1421 = tpu.vector_load %arg10[%get3A_1418, %get3A_1419, %get3A_1420] {strides = array<i32>} : memref<2x128x128xf32, #tpu.memory_space<vmem>>, vector<1x1x16xf32>,
        %get3A_1422 = vector.shape_cast %get3A_1421 : vector<1x1x16xf32> to vector<16xf32>
        %mul3A_1423 = arith.mulf %get3A_1422, %gather3A_1356 : vector<16xf32>
        %swap3A_1424 = arith.constant 1 : i32
        %swap3A_1425 = arith.index_cast %swap3A_1424 : i32 to index
        %swap3A_1426 = arith.index_cast %add3A_1360 : i32 to index
        %swap3A_1427 = arith.constant 64 : index
        %swap3A_1428 = tpu.vector_load %arg10[%swap3A_1425, %swap3A_1426, %swap3A_1427] {strides = array<i32>} : memref<2x128x128xf32, #tpu.memory_space<vmem>>, vector<1x1x16xf32>,
        %swap3A_1429 = vector.shape_cast %swap3A_1428 : vector<1x1x16xf32> to vector<16xf32>
        %swap3A_1430 = vector.shape_cast %mul3A_1423 : vector<16xf32> to vector<1x1x16xf32>
        tpu.vector_store %arg10[%swap3A_1425, %swap3A_1426, %swap3A_1427], %swap3A_1430 {strides = array<i32>} : memref<2x128x128xf32, #tpu.memory_space<vmem>>, vector<1x1x16xf32>,
        %get3A_1431 = arith.constant 1 : i32
        %get3A_1432 = arith.index_cast %get3A_1431 : i32 to index
        %get3A_1433 = arith.index_cast %add3A_1360 : i32 to index
        %get3A_1434 = arith.constant 80 : index
        %get3A_1435 = tpu.vector_load %arg10[%get3A_1432, %get3A_1433, %get3A_1434] {strides = array<i32>} : memref<2x128x128xf32, #tpu.memory_space<vmem>>, vector<1x1x16xf32>,
        %get3A_1436 = vector.shape_cast %get3A_1435 : vector<1x1x16xf32> to vector<16xf32>
        %mul3A_1437 = arith.mulf %get3A_1436, %gather3A_1356 : vector<16xf32>
        %swap3A_1438 = arith.constant 1 : i32
        %swap3A_1439 = arith.index_cast %swap3A_1438 : i32 to index
        %swap3A_1440 = arith.index_cast %add3A_1360 : i32 to index
        %swap3A_1441 = arith.constant 80 : index
        %swap3A_1442 = tpu.vector_load %arg10[%swap3A_1439, %swap3A_1440, %swap3A_1441] {strides = array<i32>} : memref<2x128x128xf32, #tpu.memory_space<vmem>>, vector<1x1x16xf32>,
        %swap3A_1443 = vector.shape_cast %swap3A_1442 : vector<1x1x16xf32> to vector<16xf32>
        %swap3A_1444 = vector.shape_cast %mul3A_1437 : vector<16xf32> to vector<1x1x16xf32>
        tpu.vector_store %arg10[%swap3A_1439, %swap3A_1440, %swap3A_1441], %swap3A_1444 {strides = array<i32>} : memref<2x128x128xf32, #tpu.memory_space<vmem>>, vector<1x1x16xf32>,
        %get3A_1445 = arith.constant 1 : i32
        %get3A_1446 = arith.index_cast %get3A_1445 : i32 to index
        %get3A_1447 = arith.index_cast %add3A_1360 : i32 to index
        %get3A_1448 = arith.constant 96 : index
        %get3A_1449 = tpu.vector_load %arg10[%get3A_1446, %get3A_1447, %get3A_1448] {strides = array<i32>} : memref<2x128x128xf32, #tpu.memory_space<vmem>>, vector<1x1x16xf32>,
        %get3A_1450 = vector.shape_cast %get3A_1449 : vector<1x1x16xf32> to vector<16xf32>
        %mul3A_1451 = arith.mulf %get3A_1450, %gather3A_1356 : vector<16xf32>
        %swap3A_1452 = arith.constant 1 : i32
        %swap3A_1453 = arith.index_cast %swap3A_1452 : i32 to index
        %swap3A_1454 = arith.index_cast %add3A_1360 : i32 to index
        %swap3A_1455 = arith.constant 96 : index
        %swap3A_1456 = tpu.vector_load %arg10[%swap3A_1453, %swap3A_1454, %swap3A_1455] {strides = array<i32>} : memref<2x128x128xf32, #tpu.memory_space<vmem>>, vector<1x1x16xf32>,
        %swap3A_1457 = vector.shape_cast %swap3A_1456 : vector<1x1x16xf32> to vector<16xf32>
        %swap3A_1458 = vector.shape_cast %mul3A_1451 : vector<16xf32> to vector<1x1x16xf32>
        tpu.vector_store %arg10[%swap3A_1453, %swap3A_1454, %swap3A_1455], %swap3A_1458 {strides = array<i32>} : memref<2x128x128xf32, #tpu.memory_space<vmem>>, vector<1x1x16xf32>,
        %get3A_1459 = arith.constant 1 : i32
        %get3A_1460 = arith.index_cast %get3A_1459 : i32 to index
        %get3A_1461 = arith.index_cast %add3A_1360 : i32 to index
        %get3A_1462 = arith.constant 112 : index
        %get3A_1463 = tpu.vector_load %arg10[%get3A_1460, %get3A_1461, %get3A_1462] {strides = array<i32>} : memref<2x128x128xf32, #tpu.memory_space<vmem>>, vector<1x1x16xf32>,
        %get3A_1464 = vector.shape_cast %get3A_1463 : vector<1x1x16xf32> to vector<16xf32>
        %mul3A_1465 = arith.mulf %get3A_1464, %gather3A_1356 : vector<16xf32>
        %swap3A_1466 = arith.constant 1 : i32
        %swap3A_1467 = arith.index_cast %swap3A_1466 : i32 to index
        %swap3A_1468 = arith.index_cast %add3A_1360 : i32 to index
        %swap3A_1469 = arith.constant 112 : index
        %swap3A_1470 = tpu.vector_load %arg10[%swap3A_1467, %swap3A_1468, %swap3A_1469] {strides = array<i32>} : memref<2x128x128xf32, #tpu.memory_space<vmem>>, vector<1x1x16xf32>,
        %swap3A_1471 = vector.shape_cast %swap3A_1470 : vector<1x1x16xf32> to vector<16xf32>
        %swap3A_1472 = vector.shape_cast %mul3A_1465 : vector<16xf32> to vector<1x1x16xf32>
        tpu.vector_store %arg10[%swap3A_1467, %swap3A_1468, %swap3A_1469], %swap3A_1472 {strides = array<i32>} : memref<2x128x128xf32, #tpu.memory_space<vmem>>, vector<1x1x16xf32>,
        %broadcast_in_dim3A_1473 = arith.constant 11 : i32
        %broadcast_in_dim3A_1474 = vector.broadcast %broadcast_in_dim3A_1473 : i32 to vector<16x1xi32>
        %gather3A_1475 = vector.shape_cast %broadcast_in_dim3A_1474 : vector<16x1xi32> to vector<16xi32>
        %gather3A_1476 = tpu.dynamic_gather %get3A_155[%gather3A_1475] in [0] : vector<16xf32>, vector<16xi32> -> vector<16xf32>
        %mul3A_1477 = arith.constant 16 : i32
        %mul3A_1478 = arith.muli %scan3A_149, %mul3A_1477 : i32
        %add3A_1479 = arith.constant 11 : i32
        %add3A_1480 = arith.addi %mul3A_1478, %add3A_1479 : i32
        %get3A_1481 = arith.constant 1 : i32
        %get3A_1482 = arith.index_cast %get3A_1481 : i32 to index
        %get3A_1483 = arith.index_cast %add3A_1480 : i32 to index
        %get3A_1484 = arith.constant 0 : index
        %get3A_1485 = tpu.vector_load %arg10[%get3A_1482, %get3A_1483, %get3A_1484] {strides = array<i32>} : memref<2x128x128xf32, #tpu.memory_space<vmem>>, vector<1x1x16xf32>,
        %get3A_1486 = vector.shape_cast %get3A_1485 : vector<1x1x16xf32> to vector<16xf32>
        %mul3A_1487 = arith.mulf %get3A_1486, %gather3A_1476 : vector<16xf32>
        %swap3A_1488 = arith.constant 1 : i32
        %swap3A_1489 = arith.index_cast %swap3A_1488 : i32 to index
        %swap3A_1490 = arith.index_cast %add3A_1480 : i32 to index
        %swap3A_1491 = arith.constant 0 : index
        %swap3A_1492 = tpu.vector_load %arg10[%swap3A_1489, %swap3A_1490, %swap3A_1491] {strides = array<i32>} : memref<2x128x128xf32, #tpu.memory_space<vmem>>, vector<1x1x16xf32>,
        %swap3A_1493 = vector.shape_cast %swap3A_1492 : vector<1x1x16xf32> to vector<16xf32>
        %swap3A_1494 = vector.shape_cast %mul3A_1487 : vector<16xf32> to vector<1x1x16xf32>
        tpu.vector_store %arg10[%swap3A_1489, %swap3A_1490, %swap3A_1491], %swap3A_1494 {strides = array<i32>} : memref<2x128x128xf32, #tpu.memory_space<vmem>>, vector<1x1x16xf32>,
        %get3A_1495 = arith.constant 1 : i32
        %get3A_1496 = arith.index_cast %get3A_1495 : i32 to index
        %get3A_1497 = arith.index_cast %add3A_1480 : i32 to index
        %get3A_1498 = arith.constant 16 : index
        %get3A_1499 = tpu.vector_load %arg10[%get3A_1496, %get3A_1497, %get3A_1498] {strides = array<i32>} : memref<2x128x128xf32, #tpu.memory_space<vmem>>, vector<1x1x16xf32>,
        %get3A_1500 = vector.shape_cast %get3A_1499 : vector<1x1x16xf32> to vector<16xf32>
        %mul3A_1501 = arith.mulf %get3A_1500, %gather3A_1476 : vector<16xf32>
        %swap3A_1502 = arith.constant 1 : i32
        %swap3A_1503 = arith.index_cast %swap3A_1502 : i32 to index
        %swap3A_1504 = arith.index_cast %add3A_1480 : i32 to index
        %swap3A_1505 = arith.constant 16 : index
        %swap3A_1506 = tpu.vector_load %arg10[%swap3A_1503, %swap3A_1504, %swap3A_1505] {strides = array<i32>} : memref<2x128x128xf32, #tpu.memory_space<vmem>>, vector<1x1x16xf32>,
        %swap3A_1507 = vector.shape_cast %swap3A_1506 : vector<1x1x16xf32> to vector<16xf32>
        %swap3A_1508 = vector.shape_cast %mul3A_1501 : vector<16xf32> to vector<1x1x16xf32>
        tpu.vector_store %arg10[%swap3A_1503, %swap3A_1504, %swap3A_1505], %swap3A_1508 {strides = array<i32>} : memref<2x128x128xf32, #tpu.memory_space<vmem>>, vector<1x1x16xf32>,
        %get3A_1509 = arith.constant 1 : i32
        %get3A_1510 = arith.index_cast %get3A_1509 : i32 to index
        %get3A_1511 = arith.index_cast %add3A_1480 : i32 to index
        %get3A_1512 = arith.constant 32 : index
        %get3A_1513 = tpu.vector_load %arg10[%get3A_1510, %get3A_1511, %get3A_1512] {strides = array<i32>} : memref<2x128x128xf32, #tpu.memory_space<vmem>>, vector<1x1x16xf32>,
        %get3A_1514 = vector.shape_cast %get3A_1513 : vector<1x1x16xf32> to vector<16xf32>
        %mul3A_1515 = arith.mulf %get3A_1514, %gather3A_1476 : vector<16xf32>
        %swap3A_1516 = arith.constant 1 : i32
        %swap3A_1517 = arith.index_cast %swap3A_1516 : i32 to index
        %swap3A_1518 = arith.index_cast %add3A_1480 : i32 to index
        %swap3A_1519 = arith.constant 32 : index
        %swap3A_1520 = tpu.vector_load %arg10[%swap3A_1517, %swap3A_1518, %swap3A_1519] {strides = array<i32>} : memref<2x128x128xf32, #tpu.memory_space<vmem>>, vector<1x1x16xf32>,
        %swap3A_1521 = vector.shape_cast %swap3A_1520 : vector<1x1x16xf32> to vector<16xf32>
        %swap3A_1522 = vector.shape_cast %mul3A_1515 : vector<16xf32> to vector<1x1x16xf32>
        tpu.vector_store %arg10[%swap3A_1517, %swap3A_1518, %swap3A_1519], %swap3A_1522 {strides = array<i32>} : memref<2x128x128xf32, #tpu.memory_space<vmem>>, vector<1x1x16xf32>,
        %get3A_1523 = arith.constant 1 : i32
        %get3A_1524 = arith.index_cast %get3A_1523 : i32 to index
        %get3A_1525 = arith.index_cast %add3A_1480 : i32 to index
        %get3A_1526 = arith.constant 48 : index
        %get3A_1527 = tpu.vector_load %arg10[%get3A_1524, %get3A_1525, %get3A_1526] {strides = array<i32>} : memref<2x128x128xf32, #tpu.memory_space<vmem>>, vector<1x1x16xf32>,
        %get3A_1528 = vector.shape_cast %get3A_1527 : vector<1x1x16xf32> to vector<16xf32>
        %mul3A_1529 = arith.mulf %get3A_1528, %gather3A_1476 : vector<16xf32>
        %swap3A_1530 = arith.constant 1 : i32
        %swap3A_1531 = arith.index_cast %swap3A_1530 : i32 to index
        %swap3A_1532 = arith.index_cast %add3A_1480 : i32 to index
        %swap3A_1533 = arith.constant 48 : index
        %swap3A_1534 = tpu.vector_load %arg10[%swap3A_1531, %swap3A_1532, %swap3A_1533] {strides = array<i32>} : memref<2x128x128xf32, #tpu.memory_space<vmem>>, vector<1x1x16xf32>,
        %swap3A_1535 = vector.shape_cast %swap3A_1534 : vector<1x1x16xf32> to vector<16xf32>
        %swap3A_1536 = vector.shape_cast %mul3A_1529 : vector<16xf32> to vector<1x1x16xf32>
        tpu.vector_store %arg10[%swap3A_1531, %swap3A_1532, %swap3A_1533], %swap3A_1536 {strides = array<i32>} : memref<2x128x128xf32, #tpu.memory_space<vmem>>, vector<1x1x16xf32>,
        %get3A_1537 = arith.constant 1 : i32
        %get3A_1538 = arith.index_cast %get3A_1537 : i32 to index
        %get3A_1539 = arith.index_cast %add3A_1480 : i32 to index
        %get3A_1540 = arith.constant 64 : index
        %get3A_1541 = tpu.vector_load %arg10[%get3A_1538, %get3A_1539, %get3A_1540] {strides = array<i32>} : memref<2x128x128xf32, #tpu.memory_space<vmem>>, vector<1x1x16xf32>,
        %get3A_1542 = vector.shape_cast %get3A_1541 : vector<1x1x16xf32> to vector<16xf32>
        %mul3A_1543 = arith.mulf %get3A_1542, %gather3A_1476 : vector<16xf32>
        %swap3A_1544 = arith.constant 1 : i32
        %swap3A_1545 = arith.index_cast %swap3A_1544 : i32 to index
        %swap3A_1546 = arith.index_cast %add3A_1480 : i32 to index
        %swap3A_1547 = arith.constant 64 : index
        %swap3A_1548 = tpu.vector_load %arg10[%swap3A_1545, %swap3A_1546, %swap3A_1547] {strides = array<i32>} : memref<2x128x128xf32, #tpu.memory_space<vmem>>, vector<1x1x16xf32>,
        %swap3A_1549 = vector.shape_cast %swap3A_1548 : vector<1x1x16xf32> to vector<16xf32>
        %swap3A_1550 = vector.shape_cast %mul3A_1543 : vector<16xf32> to vector<1x1x16xf32>
        tpu.vector_store %arg10[%swap3A_1545, %swap3A_1546, %swap3A_1547], %swap3A_1550 {strides = array<i32>} : memref<2x128x128xf32, #tpu.memory_space<vmem>>, vector<1x1x16xf32>,
        %get3A_1551 = arith.constant 1 : i32
        %get3A_1552 = arith.index_cast %get3A_1551 : i32 to index
        %get3A_1553 = arith.index_cast %add3A_1480 : i32 to index
        %get3A_1554 = arith.constant 80 : index
        %get3A_1555 = tpu.vector_load %arg10[%get3A_1552, %get3A_1553, %get3A_1554] {strides = array<i32>} : memref<2x128x128xf32, #tpu.memory_space<vmem>>, vector<1x1x16xf32>,
        %get3A_1556 = vector.shape_cast %get3A_1555 : vector<1x1x16xf32> to vector<16xf32>
        %mul3A_1557 = arith.mulf %get3A_1556, %gather3A_1476 : vector<16xf32>
        %swap3A_1558 = arith.constant 1 : i32
        %swap3A_1559 = arith.index_cast %swap3A_1558 : i32 to index
        %swap3A_1560 = arith.index_cast %add3A_1480 : i32 to index
        %swap3A_1561 = arith.constant 80 : index
        %swap3A_1562 = tpu.vector_load %arg10[%swap3A_1559, %swap3A_1560, %swap3A_1561] {strides = array<i32>} : memref<2x128x128xf32, #tpu.memory_space<vmem>>, vector<1x1x16xf32>,
        %swap3A_1563 = vector.shape_cast %swap3A_1562 : vector<1x1x16xf32> to vector<16xf32>
        %swap3A_1564 = vector.shape_cast %mul3A_1557 : vector<16xf32> to vector<1x1x16xf32>
        tpu.vector_store %arg10[%swap3A_1559, %swap3A_1560, %swap3A_1561], %swap3A_1564 {strides = array<i32>} : memref<2x128x128xf32, #tpu.memory_space<vmem>>, vector<1x1x16xf32>,
        %get3A_1565 = arith.constant 1 : i32
        %get3A_1566 = arith.index_cast %get3A_1565 : i32 to index
        %get3A_1567 = arith.index_cast %add3A_1480 : i32 to index
        %get3A_1568 = arith.constant 96 : index
        %get3A_1569 = tpu.vector_load %arg10[%get3A_1566, %get3A_1567, %get3A_1568] {strides = array<i32>} : memref<2x128x128xf32, #tpu.memory_space<vmem>>, vector<1x1x16xf32>,
        %get3A_1570 = vector.shape_cast %get3A_1569 : vector<1x1x16xf32> to vector<16xf32>
        %mul3A_1571 = arith.mulf %get3A_1570, %gather3A_1476 : vector<16xf32>
        %swap3A_1572 = arith.constant 1 : i32
        %swap3A_1573 = arith.index_cast %swap3A_1572 : i32 to index
        %swap3A_1574 = arith.index_cast %add3A_1480 : i32 to index
        %swap3A_1575 = arith.constant 96 : index
        %swap3A_1576 = tpu.vector_load %arg10[%swap3A_1573, %swap3A_1574, %swap3A_1575] {strides = array<i32>} : memref<2x128x128xf32, #tpu.memory_space<vmem>>, vector<1x1x16xf32>,
        %swap3A_1577 = vector.shape_cast %swap3A_1576 : vector<1x1x16xf32> to vector<16xf32>
        %swap3A_1578 = vector.shape_cast %mul3A_1571 : vector<16xf32> to vector<1x1x16xf32>
        tpu.vector_store %arg10[%swap3A_1573, %swap3A_1574, %swap3A_1575], %swap3A_1578 {strides = array<i32>} : memref<2x128x128xf32, #tpu.memory_space<vmem>>, vector<1x1x16xf32>,
        %get3A_1579 = arith.constant 1 : i32
        %get3A_1580 = arith.index_cast %get3A_1579 : i32 to index
        %get3A_1581 = arith.index_cast %add3A_1480 : i32 to index
        %get3A_1582 = arith.constant 112 : index
        %get3A_1583 = tpu.vector_load %arg10[%get3A_1580, %get3A_1581, %get3A_1582] {strides = array<i32>} : memref<2x128x128xf32, #tpu.memory_space<vmem>>, vector<1x1x16xf32>,
        %get3A_1584 = vector.shape_cast %get3A_1583 : vector<1x1x16xf32> to vector<16xf32>
        %mul3A_1585 = arith.mulf %get3A_1584, %gather3A_1476 : vector<16xf32>
        %swap3A_1586 = arith.constant 1 : i32
        %swap3A_1587 = arith.index_cast %swap3A_1586 : i32 to index
        %swap3A_1588 = arith.index_cast %add3A_1480 : i32 to index
        %swap3A_1589 = arith.constant 112 : index
        %swap3A_1590 = tpu.vector_load %arg10[%swap3A_1587, %swap3A_1588, %swap3A_1589] {strides = array<i32>} : memref<2x128x128xf32, #tpu.memory_space<vmem>>, vector<1x1x16xf32>,
        %swap3A_1591 = vector.shape_cast %swap3A_1590 : vector<1x1x16xf32> to vector<16xf32>
        %swap3A_1592 = vector.shape_cast %mul3A_1585 : vector<16xf32> to vector<1x1x16xf32>
        tpu.vector_store %arg10[%swap3A_1587, %swap3A_1588, %swap3A_1589], %swap3A_1592 {strides = array<i32>} : memref<2x128x128xf32, #tpu.memory_space<vmem>>, vector<1x1x16xf32>,
        %broadcast_in_dim3A_1593 = arith.constant 12 : i32
        %broadcast_in_dim3A_1594 = vector.broadcast %broadcast_in_dim3A_1593 : i32 to vector<16x1xi32>
        %gather3A_1595 = vector.shape_cast %broadcast_in_dim3A_1594 : vector<16x1xi32> to vector<16xi32>
        %gather3A_1596 = tpu.dynamic_gather %get3A_155[%gather3A_1595] in [0] : vector<16xf32>, vector<16xi32> -> vector<16xf32>
        %mul3A_1597 = arith.constant 16 : i32
        %mul3A_1598 = arith.muli %scan3A_149, %mul3A_1597 : i32
        %add3A_1599 = arith.constant 12 : i32
        %add3A_1600 = arith.addi %mul3A_1598, %add3A_1599 : i32
        %get3A_1601 = arith.constant 1 : i32
        %get3A_1602 = arith.index_cast %get3A_1601 : i32 to index
        %get3A_1603 = arith.index_cast %add3A_1600 : i32 to index
        %get3A_1604 = arith.constant 0 : index
        %get3A_1605 = tpu.vector_load %arg10[%get3A_1602, %get3A_1603, %get3A_1604] {strides = array<i32>} : memref<2x128x128xf32, #tpu.memory_space<vmem>>, vector<1x1x16xf32>,
        %get3A_1606 = vector.shape_cast %get3A_1605 : vector<1x1x16xf32> to vector<16xf32>
        %mul3A_1607 = arith.mulf %get3A_1606, %gather3A_1596 : vector<16xf32>
        %swap3A_1608 = arith.constant 1 : i32
        %swap3A_1609 = arith.index_cast %swap3A_1608 : i32 to index
        %swap3A_1610 = arith.index_cast %add3A_1600 : i32 to index
        %swap3A_1611 = arith.constant 0 : index
        %swap3A_1612 = tpu.vector_load %arg10[%swap3A_1609, %swap3A_1610, %swap3A_1611] {strides = array<i32>} : memref<2x128x128xf32, #tpu.memory_space<vmem>>, vector<1x1x16xf32>,
        %swap3A_1613 = vector.shape_cast %swap3A_1612 : vector<1x1x16xf32> to vector<16xf32>
        %swap3A_1614 = vector.shape_cast %mul3A_1607 : vector<16xf32> to vector<1x1x16xf32>
        tpu.vector_store %arg10[%swap3A_1609, %swap3A_1610, %swap3A_1611], %swap3A_1614 {strides = array<i32>} : memref<2x128x128xf32, #tpu.memory_space<vmem>>, vector<1x1x16xf32>,
        %get3A_1615 = arith.constant 1 : i32
        %get3A_1616 = arith.index_cast %get3A_1615 : i32 to index
        %get3A_1617 = arith.index_cast %add3A_1600 : i32 to index
        %get3A_1618 = arith.constant 16 : index
        %get3A_1619 = tpu.vector_load %arg10[%get3A_1616, %get3A_1617, %get3A_1618] {strides = array<i32>} : memref<2x128x128xf32, #tpu.memory_space<vmem>>, vector<1x1x16xf32>,
        %get3A_1620 = vector.shape_cast %get3A_1619 : vector<1x1x16xf32> to vector<16xf32>
        %mul3A_1621 = arith.mulf %get3A_1620, %gather3A_1596 : vector<16xf32>
        %swap3A_1622 = arith.constant 1 : i32
        %swap3A_1623 = arith.index_cast %swap3A_1622 : i32 to index
        %swap3A_1624 = arith.index_cast %add3A_1600 : i32 to index
        %swap3A_1625 = arith.constant 16 : index
        %swap3A_1626 = tpu.vector_load %arg10[%swap3A_1623, %swap3A_1624, %swap3A_1625] {strides = array<i32>} : memref<2x128x128xf32, #tpu.memory_space<vmem>>, vector<1x1x16xf32>,
        %swap3A_1627 = vector.shape_cast %swap3A_1626 : vector<1x1x16xf32> to vector<16xf32>
        %swap3A_1628 = vector.shape_cast %mul3A_1621 : vector<16xf32> to vector<1x1x16xf32>
        tpu.vector_store %arg10[%swap3A_1623, %swap3A_1624, %swap3A_1625], %swap3A_1628 {strides = array<i32>} : memref<2x128x128xf32, #tpu.memory_space<vmem>>, vector<1x1x16xf32>,
        %get3A_1629 = arith.constant 1 : i32
        %get3A_1630 = arith.index_cast %get3A_1629 : i32 to index
        %get3A_1631 = arith.index_cast %add3A_1600 : i32 to index
        %get3A_1632 = arith.constant 32 : index
        %get3A_1633 = tpu.vector_load %arg10[%get3A_1630, %get3A_1631, %get3A_1632] {strides = array<i32>} : memref<2x128x128xf32, #tpu.memory_space<vmem>>, vector<1x1x16xf32>,
        %get3A_1634 = vector.shape_cast %get3A_1633 : vector<1x1x16xf32> to vector<16xf32>
        %mul3A_1635 = arith.mulf %get3A_1634, %gather3A_1596 : vector<16xf32>
        %swap3A_1636 = arith.constant 1 : i32
        %swap3A_1637 = arith.index_cast %swap3A_1636 : i32 to index
        %swap3A_1638 = arith.index_cast %add3A_1600 : i32 to index
        %swap3A_1639 = arith.constant 32 : index
        %swap3A_1640 = tpu.vector_load %arg10[%swap3A_1637, %swap3A_1638, %swap3A_1639] {strides = array<i32>} : memref<2x128x128xf32, #tpu.memory_space<vmem>>, vector<1x1x16xf32>,
        %swap3A_1641 = vector.shape_cast %swap3A_1640 : vector<1x1x16xf32> to vector<16xf32>
        %swap3A_1642 = vector.shape_cast %mul3A_1635 : vector<16xf32> to vector<1x1x16xf32>
        tpu.vector_store %arg10[%swap3A_1637, %swap3A_1638, %swap3A_1639], %swap3A_1642 {strides = array<i32>} : memref<2x128x128xf32, #tpu.memory_space<vmem>>, vector<1x1x16xf32>,
        %get3A_1643 = arith.constant 1 : i32
        %get3A_1644 = arith.index_cast %get3A_1643 : i32 to index
        %get3A_1645 = arith.index_cast %add3A_1600 : i32 to index
        %get3A_1646 = arith.constant 48 : index
        %get3A_1647 = tpu.vector_load %arg10[%get3A_1644, %get3A_1645, %get3A_1646] {strides = array<i32>} : memref<2x128x128xf32, #tpu.memory_space<vmem>>, vector<1x1x16xf32>,
        %get3A_1648 = vector.shape_cast %get3A_1647 : vector<1x1x16xf32> to vector<16xf32>
        %mul3A_1649 = arith.mulf %get3A_1648, %gather3A_1596 : vector<16xf32>
        %swap3A_1650 = arith.constant 1 : i32
        %swap3A_1651 = arith.index_cast %swap3A_1650 : i32 to index
        %swap3A_1652 = arith.index_cast %add3A_1600 : i32 to index
        %swap3A_1653 = arith.constant 48 : index
        %swap3A_1654 = tpu.vector_load %arg10[%swap3A_1651, %swap3A_1652, %swap3A_1653] {strides = array<i32>} : memref<2x128x128xf32, #tpu.memory_space<vmem>>, vector<1x1x16xf32>,
        %swap3A_1655 = vector.shape_cast %swap3A_1654 : vector<1x1x16xf32> to vector<16xf32>
        %swap3A_1656 = vector.shape_cast %mul3A_1649 : vector<16xf32> to vector<1x1x16xf32>
        tpu.vector_store %arg10[%swap3A_1651, %swap3A_1652, %swap3A_1653], %swap3A_1656 {strides = array<i32>} : memref<2x128x128xf32, #tpu.memory_space<vmem>>, vector<1x1x16xf32>,
        %get3A_1657 = arith.constant 1 : i32
        %get3A_1658 = arith.index_cast %get3A_1657 : i32 to index
        %get3A_1659 = arith.index_cast %add3A_1600 : i32 to index
        %get3A_1660 = arith.constant 64 : index
        %get3A_1661 = tpu.vector_load %arg10[%get3A_1658, %get3A_1659, %get3A_1660] {strides = array<i32>} : memref<2x128x128xf32, #tpu.memory_space<vmem>>, vector<1x1x16xf32>,
        %get3A_1662 = vector.shape_cast %get3A_1661 : vector<1x1x16xf32> to vector<16xf32>
        %mul3A_1663 = arith.mulf %get3A_1662, %gather3A_1596 : vector<16xf32>
        %swap3A_1664 = arith.constant 1 : i32
        %swap3A_1665 = arith.index_cast %swap3A_1664 : i32 to index
        %swap3A_1666 = arith.index_cast %add3A_1600 : i32 to index
        %swap3A_1667 = arith.constant 64 : index
        %swap3A_1668 = tpu.vector_load %arg10[%swap3A_1665, %swap3A_1666, %swap3A_1667] {strides = array<i32>} : memref<2x128x128xf32, #tpu.memory_space<vmem>>, vector<1x1x16xf32>,
        %swap3A_1669 = vector.shape_cast %swap3A_1668 : vector<1x1x16xf32> to vector<16xf32>
        %swap3A_1670 = vector.shape_cast %mul3A_1663 : vector<16xf32> to vector<1x1x16xf32>
        tpu.vector_store %arg10[%swap3A_1665, %swap3A_1666, %swap3A_1667], %swap3A_1670 {strides = array<i32>} : memref<2x128x128xf32, #tpu.memory_space<vmem>>, vector<1x1x16xf32>,
        %get3A_1671 = arith.constant 1 : i32
        %get3A_1672 = arith.index_cast %get3A_1671 : i32 to index
        %get3A_1673 = arith.index_cast %add3A_1600 : i32 to index
        %get3A_1674 = arith.constant 80 : index
        %get3A_1675 = tpu.vector_load %arg10[%get3A_1672, %get3A_1673, %get3A_1674] {strides = array<i32>} : memref<2x128x128xf32, #tpu.memory_space<vmem>>, vector<1x1x16xf32>,
        %get3A_1676 = vector.shape_cast %get3A_1675 : vector<1x1x16xf32> to vector<16xf32>
        %mul3A_1677 = arith.mulf %get3A_1676, %gather3A_1596 : vector<16xf32>
        %swap3A_1678 = arith.constant 1 : i32
        %swap3A_1679 = arith.index_cast %swap3A_1678 : i32 to index
        %swap3A_1680 = arith.index_cast %add3A_1600 : i32 to index
        %swap3A_1681 = arith.constant 80 : index
        %swap3A_1682 = tpu.vector_load %arg10[%swap3A_1679, %swap3A_1680, %swap3A_1681] {strides = array<i32>} : memref<2x128x128xf32, #tpu.memory_space<vmem>>, vector<1x1x16xf32>,
        %swap3A_1683 = vector.shape_cast %swap3A_1682 : vector<1x1x16xf32> to vector<16xf32>
        %swap3A_1684 = vector.shape_cast %mul3A_1677 : vector<16xf32> to vector<1x1x16xf32>
        tpu.vector_store %arg10[%swap3A_1679, %swap3A_1680, %swap3A_1681], %swap3A_1684 {strides = array<i32>} : memref<2x128x128xf32, #tpu.memory_space<vmem>>, vector<1x1x16xf32>,
        %get3A_1685 = arith.constant 1 : i32
        %get3A_1686 = arith.index_cast %get3A_1685 : i32 to index
        %get3A_1687 = arith.index_cast %add3A_1600 : i32 to index
        %get3A_1688 = arith.constant 96 : index
        %get3A_1689 = tpu.vector_load %arg10[%get3A_1686, %get3A_1687, %get3A_1688] {strides = array<i32>} : memref<2x128x128xf32, #tpu.memory_space<vmem>>, vector<1x1x16xf32>,
        %get3A_1690 = vector.shape_cast %get3A_1689 : vector<1x1x16xf32> to vector<16xf32>
        %mul3A_1691 = arith.mulf %get3A_1690, %gather3A_1596 : vector<16xf32>
        %swap3A_1692 = arith.constant 1 : i32
        %swap3A_1693 = arith.index_cast %swap3A_1692 : i32 to index
        %swap3A_1694 = arith.index_cast %add3A_1600 : i32 to index
        %swap3A_1695 = arith.constant 96 : index
        %swap3A_1696 = tpu.vector_load %arg10[%swap3A_1693, %swap3A_1694, %swap3A_1695] {strides = array<i32>} : memref<2x128x128xf32, #tpu.memory_space<vmem>>, vector<1x1x16xf32>,
        %swap3A_1697 = vector.shape_cast %swap3A_1696 : vector<1x1x16xf32> to vector<16xf32>
        %swap3A_1698 = vector.shape_cast %mul3A_1691 : vector<16xf32> to vector<1x1x16xf32>
        tpu.vector_store %arg10[%swap3A_1693, %swap3A_1694, %swap3A_1695], %swap3A_1698 {strides = array<i32>} : memref<2x128x128xf32, #tpu.memory_space<vmem>>, vector<1x1x16xf32>,
        %get3A_1699 = arith.constant 1 : i32
        %get3A_1700 = arith.index_cast %get3A_1699 : i32 to index
        %get3A_1701 = arith.index_cast %add3A_1600 : i32 to index
        %get3A_1702 = arith.constant 112 : index
        %get3A_1703 = tpu.vector_load %arg10[%get3A_1700, %get3A_1701, %get3A_1702] {strides = array<i32>} : memref<2x128x128xf32, #tpu.memory_space<vmem>>, vector<1x1x16xf32>,
        %get3A_1704 = vector.shape_cast %get3A_1703 : vector<1x1x16xf32> to vector<16xf32>
        %mul3A_1705 = arith.mulf %get3A_1704, %gather3A_1596 : vector<16xf32>
        %swap3A_1706 = arith.constant 1 : i32
        %swap3A_1707 = arith.index_cast %swap3A_1706 : i32 to index
        %swap3A_1708 = arith.index_cast %add3A_1600 : i32 to index
        %swap3A_1709 = arith.constant 112 : index
        %swap3A_1710 = tpu.vector_load %arg10[%swap3A_1707, %swap3A_1708, %swap3A_1709] {strides = array<i32>} : memref<2x128x128xf32, #tpu.memory_space<vmem>>, vector<1x1x16xf32>,
        %swap3A_1711 = vector.shape_cast %swap3A_1710 : vector<1x1x16xf32> to vector<16xf32>
        %swap3A_1712 = vector.shape_cast %mul3A_1705 : vector<16xf32> to vector<1x1x16xf32>
        tpu.vector_store %arg10[%swap3A_1707, %swap3A_1708, %swap3A_1709], %swap3A_1712 {strides = array<i32>} : memref<2x128x128xf32, #tpu.memory_space<vmem>>, vector<1x1x16xf32>,
        %broadcast_in_dim3A_1713 = arith.constant 13 : i32
        %broadcast_in_dim3A_1714 = vector.broadcast %broadcast_in_dim3A_1713 : i32 to vector<16x1xi32>
        %gather3A_1715 = vector.shape_cast %broadcast_in_dim3A_1714 : vector<16x1xi32> to vector<16xi32>
        %gather3A_1716 = tpu.dynamic_gather %get3A_155[%gather3A_1715] in [0] : vector<16xf32>, vector<16xi32> -> vector<16xf32>
        %mul3A_1717 = arith.constant 16 : i32
        %mul3A_1718 = arith.muli %scan3A_149, %mul3A_1717 : i32
        %add3A_1719 = arith.constant 13 : i32
        %add3A_1720 = arith.addi %mul3A_1718, %add3A_1719 : i32
        %get3A_1721 = arith.constant 1 : i32
        %get3A_1722 = arith.index_cast %get3A_1721 : i32 to index
        %get3A_1723 = arith.index_cast %add3A_1720 : i32 to index
        %get3A_1724 = arith.constant 0 : index
        %get3A_1725 = tpu.vector_load %arg10[%get3A_1722, %get3A_1723, %get3A_1724] {strides = array<i32>} : memref<2x128x128xf32, #tpu.memory_space<vmem>>, vector<1x1x16xf32>,
        %get3A_1726 = vector.shape_cast %get3A_1725 : vector<1x1x16xf32> to vector<16xf32>
        %mul3A_1727 = arith.mulf %get3A_1726, %gather3A_1716 : vector<16xf32>
        %swap3A_1728 = arith.constant 1 : i32
        %swap3A_1729 = arith.index_cast %swap3A_1728 : i32 to index
        %swap3A_1730 = arith.index_cast %add3A_1720 : i32 to index
        %swap3A_1731 = arith.constant 0 : index
        %swap3A_1732 = tpu.vector_load %arg10[%swap3A_1729, %swap3A_1730, %swap3A_1731] {strides = array<i32>} : memref<2x128x128xf32, #tpu.memory_space<vmem>>, vector<1x1x16xf32>,
        %swap3A_1733 = vector.shape_cast %swap3A_1732 : vector<1x1x16xf32> to vector<16xf32>
        %swap3A_1734 = vector.shape_cast %mul3A_1727 : vector<16xf32> to vector<1x1x16xf32>
        tpu.vector_store %arg10[%swap3A_1729, %swap3A_1730, %swap3A_1731], %swap3A_1734 {strides = array<i32>} : memref<2x128x128xf32, #tpu.memory_space<vmem>>, vector<1x1x16xf32>,
        %get3A_1735 = arith.constant 1 : i32
        %get3A_1736 = arith.index_cast %get3A_1735 : i32 to index
        %get3A_1737 = arith.index_cast %add3A_1720 : i32 to index
        %get3A_1738 = arith.constant 16 : index
        %get3A_1739 = tpu.vector_load %arg10[%get3A_1736, %get3A_1737, %get3A_1738] {strides = array<i32>} : memref<2x128x128xf32, #tpu.memory_space<vmem>>, vector<1x1x16xf32>,
        %get3A_1740 = vector.shape_cast %get3A_1739 : vector<1x1x16xf32> to vector<16xf32>
        %mul3A_1741 = arith.mulf %get3A_1740, %gather3A_1716 : vector<16xf32>
        %swap3A_1742 = arith.constant 1 : i32
        %swap3A_1743 = arith.index_cast %swap3A_1742 : i32 to index
        %swap3A_1744 = arith.index_cast %add3A_1720 : i32 to index
        %swap3A_1745 = arith.constant 16 : index
        %swap3A_1746 = tpu.vector_load %arg10[%swap3A_1743, %swap3A_1744, %swap3A_1745] {strides = array<i32>} : memref<2x128x128xf32, #tpu.memory_space<vmem>>, vector<1x1x16xf32>,
        %swap3A_1747 = vector.shape_cast %swap3A_1746 : vector<1x1x16xf32> to vector<16xf32>
        %swap3A_1748 = vector.shape_cast %mul3A_1741 : vector<16xf32> to vector<1x1x16xf32>
        tpu.vector_store %arg10[%swap3A_1743, %swap3A_1744, %swap3A_1745], %swap3A_1748 {strides = array<i32>} : memref<2x128x128xf32, #tpu.memory_space<vmem>>, vector<1x1x16xf32>,
        %get3A_1749 = arith.constant 1 : i32
        %get3A_1750 = arith.index_cast %get3A_1749 : i32 to index
        %get3A_1751 = arith.index_cast %add3A_1720 : i32 to index
        %get3A_1752 = arith.constant 32 : index
        %get3A_1753 = tpu.vector_load %arg10[%get3A_1750, %get3A_1751, %get3A_1752] {strides = array<i32>} : memref<2x128x128xf32, #tpu.memory_space<vmem>>, vector<1x1x16xf32>,
        %get3A_1754 = vector.shape_cast %get3A_1753 : vector<1x1x16xf32> to vector<16xf32>
        %mul3A_1755 = arith.mulf %get3A_1754, %gather3A_1716 : vector<16xf32>
        %swap3A_1756 = arith.constant 1 : i32
        %swap3A_1757 = arith.index_cast %swap3A_1756 : i32 to index
        %swap3A_1758 = arith.index_cast %add3A_1720 : i32 to index
        %swap3A_1759 = arith.constant 32 : index
        %swap3A_1760 = tpu.vector_load %arg10[%swap3A_1757, %swap3A_1758, %swap3A_1759] {strides = array<i32>} : memref<2x128x128xf32, #tpu.memory_space<vmem>>, vector<1x1x16xf32>,
        %swap3A_1761 = vector.shape_cast %swap3A_1760 : vector<1x1x16xf32> to vector<16xf32>
        %swap3A_1762 = vector.shape_cast %mul3A_1755 : vector<16xf32> to vector<1x1x16xf32>
        tpu.vector_store %arg10[%swap3A_1757, %swap3A_1758, %swap3A_1759], %swap3A_1762 {strides = array<i32>} : memref<2x128x128xf32, #tpu.memory_space<vmem>>, vector<1x1x16xf32>,
        %get3A_1763 = arith.constant 1 : i32
        %get3A_1764 = arith.index_cast %get3A_1763 : i32 to index
        %get3A_1765 = arith.index_cast %add3A_1720 : i32 to index
        %get3A_1766 = arith.constant 48 : index
        %get3A_1767 = tpu.vector_load %arg10[%get3A_1764, %get3A_1765, %get3A_1766] {strides = array<i32>} : memref<2x128x128xf32, #tpu.memory_space<vmem>>, vector<1x1x16xf32>,
        %get3A_1768 = vector.shape_cast %get3A_1767 : vector<1x1x16xf32> to vector<16xf32>
        %mul3A_1769 = arith.mulf %get3A_1768, %gather3A_1716 : vector<16xf32>
        %swap3A_1770 = arith.constant 1 : i32
        %swap3A_1771 = arith.index_cast %swap3A_1770 : i32 to index
        %swap3A_1772 = arith.index_cast %add3A_1720 : i32 to index
        %swap3A_1773 = arith.constant 48 : index
        %swap3A_1774 = tpu.vector_load %arg10[%swap3A_1771, %swap3A_1772, %swap3A_1773] {strides = array<i32>} : memref<2x128x128xf32, #tpu.memory_space<vmem>>, vector<1x1x16xf32>,
        %swap3A_1775 = vector.shape_cast %swap3A_1774 : vector<1x1x16xf32> to vector<16xf32>
        %swap3A_1776 = vector.shape_cast %mul3A_1769 : vector<16xf32> to vector<1x1x16xf32>
        tpu.vector_store %arg10[%swap3A_1771, %swap3A_1772, %swap3A_1773], %swap3A_1776 {strides = array<i32>} : memref<2x128x128xf32, #tpu.memory_space<vmem>>, vector<1x1x16xf32>,
        %get3A_1777 = arith.constant 1 : i32
        %get3A_1778 = arith.index_cast %get3A_1777 : i32 to index
        %get3A_1779 = arith.index_cast %add3A_1720 : i32 to index
        %get3A_1780 = arith.constant 64 : index
        %get3A_1781 = tpu.vector_load %arg10[%get3A_1778, %get3A_1779, %get3A_1780] {strides = array<i32>} : memref<2x128x128xf32, #tpu.memory_space<vmem>>, vector<1x1x16xf32>,
        %get3A_1782 = vector.shape_cast %get3A_1781 : vector<1x1x16xf32> to vector<16xf32>
        %mul3A_1783 = arith.mulf %get3A_1782, %gather3A_1716 : vector<16xf32>
        %swap3A_1784 = arith.constant 1 : i32
        %swap3A_1785 = arith.index_cast %swap3A_1784 : i32 to index
        %swap3A_1786 = arith.index_cast %add3A_1720 : i32 to index
        %swap3A_1787 = arith.constant 64 : index
        %swap3A_1788 = tpu.vector_load %arg10[%swap3A_1785, %swap3A_1786, %swap3A_1787] {strides = array<i32>} : memref<2x128x128xf32, #tpu.memory_space<vmem>>, vector<1x1x16xf32>,
        %swap3A_1789 = vector.shape_cast %swap3A_1788 : vector<1x1x16xf32> to vector<16xf32>
        %swap3A_1790 = vector.shape_cast %mul3A_1783 : vector<16xf32> to vector<1x1x16xf32>
        tpu.vector_store %arg10[%swap3A_1785, %swap3A_1786, %swap3A_1787], %swap3A_1790 {strides = array<i32>} : memref<2x128x128xf32, #tpu.memory_space<vmem>>, vector<1x1x16xf32>,
        %get3A_1791 = arith.constant 1 : i32
        %get3A_1792 = arith.index_cast %get3A_1791 : i32 to index
        %get3A_1793 = arith.index_cast %add3A_1720 : i32 to index
        %get3A_1794 = arith.constant 80 : index
        %get3A_1795 = tpu.vector_load %arg10[%get3A_1792, %get3A_1793, %get3A_1794] {strides = array<i32>} : memref<2x128x128xf32, #tpu.memory_space<vmem>>, vector<1x1x16xf32>,
        %get3A_1796 = vector.shape_cast %get3A_1795 : vector<1x1x16xf32> to vector<16xf32>
        %mul3A_1797 = arith.mulf %get3A_1796, %gather3A_1716 : vector<16xf32>
        %swap3A_1798 = arith.constant 1 : i32
        %swap3A_1799 = arith.index_cast %swap3A_1798 : i32 to index
        %swap3A_1800 = arith.index_cast %add3A_1720 : i32 to index
        %swap3A_1801 = arith.constant 80 : index
        %swap3A_1802 = tpu.vector_load %arg10[%swap3A_1799, %swap3A_1800, %swap3A_1801] {strides = array<i32>} : memref<2x128x128xf32, #tpu.memory_space<vmem>>, vector<1x1x16xf32>,
        %swap3A_1803 = vector.shape_cast %swap3A_1802 : vector<1x1x16xf32> to vector<16xf32>
        %swap3A_1804 = vector.shape_cast %mul3A_1797 : vector<16xf32> to vector<1x1x16xf32>
        tpu.vector_store %arg10[%swap3A_1799, %swap3A_1800, %swap3A_1801], %swap3A_1804 {strides = array<i32>} : memref<2x128x128xf32, #tpu.memory_space<vmem>>, vector<1x1x16xf32>,
        %get3A_1805 = arith.constant 1 : i32
        %get3A_1806 = arith.index_cast %get3A_1805 : i32 to index
        %get3A_1807 = arith.index_cast %add3A_1720 : i32 to index
        %get3A_1808 = arith.constant 96 : index
        %get3A_1809 = tpu.vector_load %arg10[%get3A_1806, %get3A_1807, %get3A_1808] {strides = array<i32>} : memref<2x128x128xf32, #tpu.memory_space<vmem>>, vector<1x1x16xf32>,
        %get3A_1810 = vector.shape_cast %get3A_1809 : vector<1x1x16xf32> to vector<16xf32>
        %mul3A_1811 = arith.mulf %get3A_1810, %gather3A_1716 : vector<16xf32>
        %swap3A_1812 = arith.constant 1 : i32
        %swap3A_1813 = arith.index_cast %swap3A_1812 : i32 to index
        %swap3A_1814 = arith.index_cast %add3A_1720 : i32 to index
        %swap3A_1815 = arith.constant 96 : index
        %swap3A_1816 = tpu.vector_load %arg10[%swap3A_1813, %swap3A_1814, %swap3A_1815] {strides = array<i32>} : memref<2x128x128xf32, #tpu.memory_space<vmem>>, vector<1x1x16xf32>,
        %swap3A_1817 = vector.shape_cast %swap3A_1816 : vector<1x1x16xf32> to vector<16xf32>
        %swap3A_1818 = vector.shape_cast %mul3A_1811 : vector<16xf32> to vector<1x1x16xf32>
        tpu.vector_store %arg10[%swap3A_1813, %swap3A_1814, %swap3A_1815], %swap3A_1818 {strides = array<i32>} : memref<2x128x128xf32, #tpu.memory_space<vmem>>, vector<1x1x16xf32>,
        %get3A_1819 = arith.constant 1 : i32
        %get3A_1820 = arith.index_cast %get3A_1819 : i32 to index
        %get3A_1821 = arith.index_cast %add3A_1720 : i32 to index
        %get3A_1822 = arith.constant 112 : index
        %get3A_1823 = tpu.vector_load %arg10[%get3A_1820, %get3A_1821, %get3A_1822] {strides = array<i32>} : memref<2x128x128xf32, #tpu.memory_space<vmem>>, vector<1x1x16xf32>,
        %get3A_1824 = vector.shape_cast %get3A_1823 : vector<1x1x16xf32> to vector<16xf32>
        %mul3A_1825 = arith.mulf %get3A_1824, %gather3A_1716 : vector<16xf32>
        %swap3A_1826 = arith.constant 1 : i32
        %swap3A_1827 = arith.index_cast %swap3A_1826 : i32 to index
        %swap3A_1828 = arith.index_cast %add3A_1720 : i32 to index
        %swap3A_1829 = arith.constant 112 : index
        %swap3A_1830 = tpu.vector_load %arg10[%swap3A_1827, %swap3A_1828, %swap3A_1829] {strides = array<i32>} : memref<2x128x128xf32, #tpu.memory_space<vmem>>, vector<1x1x16xf32>,
        %swap3A_1831 = vector.shape_cast %swap3A_1830 : vector<1x1x16xf32> to vector<16xf32>
        %swap3A_1832 = vector.shape_cast %mul3A_1825 : vector<16xf32> to vector<1x1x16xf32>
        tpu.vector_store %arg10[%swap3A_1827, %swap3A_1828, %swap3A_1829], %swap3A_1832 {strides = array<i32>} : memref<2x128x128xf32, #tpu.memory_space<vmem>>, vector<1x1x16xf32>,
        %broadcast_in_dim3A_1833 = arith.constant 14 : i32
        %broadcast_in_dim3A_1834 = vector.broadcast %broadcast_in_dim3A_1833 : i32 to vector<16x1xi32>
        %gather3A_1835 = vector.shape_cast %broadcast_in_dim3A_1834 : vector<16x1xi32> to vector<16xi32>
        %gather3A_1836 = tpu.dynamic_gather %get3A_155[%gather3A_1835] in [0] : vector<16xf32>, vector<16xi32> -> vector<16xf32>
        %mul3A_1837 = arith.constant 16 : i32
        %mul3A_1838 = arith.muli %scan3A_149, %mul3A_1837 : i32
        %add3A_1839 = arith.constant 14 : i32
        %add3A_1840 = arith.addi %mul3A_1838, %add3A_1839 : i32
        %get3A_1841 = arith.constant 1 : i32
        %get3A_1842 = arith.index_cast %get3A_1841 : i32 to index
        %get3A_1843 = arith.index_cast %add3A_1840 : i32 to index
        %get3A_1844 = arith.constant 0 : index
        %get3A_1845 = tpu.vector_load %arg10[%get3A_1842, %get3A_1843, %get3A_1844] {strides = array<i32>} : memref<2x128x128xf32, #tpu.memory_space<vmem>>, vector<1x1x16xf32>,
        %get3A_1846 = vector.shape_cast %get3A_1845 : vector<1x1x16xf32> to vector<16xf32>
        %mul3A_1847 = arith.mulf %get3A_1846, %gather3A_1836 : vector<16xf32>
        %swap3A_1848 = arith.constant 1 : i32
        %swap3A_1849 = arith.index_cast %swap3A_1848 : i32 to index
        %swap3A_1850 = arith.index_cast %add3A_1840 : i32 to index
        %swap3A_1851 = arith.constant 0 : index
        %swap3A_1852 = tpu.vector_load %arg10[%swap3A_1849, %swap3A_1850, %swap3A_1851] {strides = array<i32>} : memref<2x128x128xf32, #tpu.memory_space<vmem>>, vector<1x1x16xf32>,
        %swap3A_1853 = vector.shape_cast %swap3A_1852 : vector<1x1x16xf32> to vector<16xf32>
        %swap3A_1854 = vector.shape_cast %mul3A_1847 : vector<16xf32> to vector<1x1x16xf32>
        tpu.vector_store %arg10[%swap3A_1849, %swap3A_1850, %swap3A_1851], %swap3A_1854 {strides = array<i32>} : memref<2x128x128xf32, #tpu.memory_space<vmem>>, vector<1x1x16xf32>,
        %get3A_1855 = arith.constant 1 : i32
        %get3A_1856 = arith.index_cast %get3A_1855 : i32 to index
        %get3A_1857 = arith.index_cast %add3A_1840 : i32 to index
        %get3A_1858 = arith.constant 16 : index
        %get3A_1859 = tpu.vector_load %arg10[%get3A_1856, %get3A_1857, %get3A_1858] {strides = array<i32>} : memref<2x128x128xf32, #tpu.memory_space<vmem>>, vector<1x1x16xf32>,
        %get3A_1860 = vector.shape_cast %get3A_1859 : vector<1x1x16xf32> to vector<16xf32>
        %mul3A_1861 = arith.mulf %get3A_1860, %gather3A_1836 : vector<16xf32>
        %swap3A_1862 = arith.constant 1 : i32
        %swap3A_1863 = arith.index_cast %swap3A_1862 : i32 to index
        %swap3A_1864 = arith.index_cast %add3A_1840 : i32 to index
        %swap3A_1865 = arith.constant 16 : index
        %swap3A_1866 = tpu.vector_load %arg10[%swap3A_1863, %swap3A_1864, %swap3A_1865] {strides = array<i32>} : memref<2x128x128xf32, #tpu.memory_space<vmem>>, vector<1x1x16xf32>,
        %swap3A_1867 = vector.shape_cast %swap3A_1866 : vector<1x1x16xf32> to vector<16xf32>
        %swap3A_1868 = vector.shape_cast %mul3A_1861 : vector<16xf32> to vector<1x1x16xf32>
        tpu.vector_store %arg10[%swap3A_1863, %swap3A_1864, %swap3A_1865], %swap3A_1868 {strides = array<i32>} : memref<2x128x128xf32, #tpu.memory_space<vmem>>, vector<1x1x16xf32>,
        %get3A_1869 = arith.constant 1 : i32
        %get3A_1870 = arith.index_cast %get3A_1869 : i32 to index
        %get3A_1871 = arith.index_cast %add3A_1840 : i32 to index
        %get3A_1872 = arith.constant 32 : index
        %get3A_1873 = tpu.vector_load %arg10[%get3A_1870, %get3A_1871, %get3A_1872] {strides = array<i32>} : memref<2x128x128xf32, #tpu.memory_space<vmem>>, vector<1x1x16xf32>,
        %get3A_1874 = vector.shape_cast %get3A_1873 : vector<1x1x16xf32> to vector<16xf32>
        %mul3A_1875 = arith.mulf %get3A_1874, %gather3A_1836 : vector<16xf32>
        %swap3A_1876 = arith.constant 1 : i32
        %swap3A_1877 = arith.index_cast %swap3A_1876 : i32 to index
        %swap3A_1878 = arith.index_cast %add3A_1840 : i32 to index
        %swap3A_1879 = arith.constant 32 : index
        %swap3A_1880 = tpu.vector_load %arg10[%swap3A_1877, %swap3A_1878, %swap3A_1879] {strides = array<i32>} : memref<2x128x128xf32, #tpu.memory_space<vmem>>, vector<1x1x16xf32>,
        %swap3A_1881 = vector.shape_cast %swap3A_1880 : vector<1x1x16xf32> to vector<16xf32>
        %swap3A_1882 = vector.shape_cast %mul3A_1875 : vector<16xf32> to vector<1x1x16xf32>
        tpu.vector_store %arg10[%swap3A_1877, %swap3A_1878, %swap3A_1879], %swap3A_1882 {strides = array<i32>} : memref<2x128x128xf32, #tpu.memory_space<vmem>>, vector<1x1x16xf32>,
        %get3A_1883 = arith.constant 1 : i32
        %get3A_1884 = arith.index_cast %get3A_1883 : i32 to index
        %get3A_1885 = arith.index_cast %add3A_1840 : i32 to index
        %get3A_1886 = arith.constant 48 : index
        %get3A_1887 = tpu.vector_load %arg10[%get3A_1884, %get3A_1885, %get3A_1886] {strides = array<i32>} : memref<2x128x128xf32, #tpu.memory_space<vmem>>, vector<1x1x16xf32>,
        %get3A_1888 = vector.shape_cast %get3A_1887 : vector<1x1x16xf32> to vector<16xf32>
        %mul3A_1889 = arith.mulf %get3A_1888, %gather3A_1836 : vector<16xf32>
        %swap3A_1890 = arith.constant 1 : i32
        %swap3A_1891 = arith.index_cast %swap3A_1890 : i32 to index
        %swap3A_1892 = arith.index_cast %add3A_1840 : i32 to index
        %swap3A_1893 = arith.constant 48 : index
        %swap3A_1894 = tpu.vector_load %arg10[%swap3A_1891, %swap3A_1892, %swap3A_1893] {strides = array<i32>} : memref<2x128x128xf32, #tpu.memory_space<vmem>>, vector<1x1x16xf32>,
        %swap3A_1895 = vector.shape_cast %swap3A_1894 : vector<1x1x16xf32> to vector<16xf32>
        %swap3A_1896 = vector.shape_cast %mul3A_1889 : vector<16xf32> to vector<1x1x16xf32>
        tpu.vector_store %arg10[%swap3A_1891, %swap3A_1892, %swap3A_1893], %swap3A_1896 {strides = array<i32>} : memref<2x128x128xf32, #tpu.memory_space<vmem>>, vector<1x1x16xf32>,
        %get3A_1897 = arith.constant 1 : i32
        %get3A_1898 = arith.index_cast %get3A_1897 : i32 to index
        %get3A_1899 = arith.index_cast %add3A_1840 : i32 to index
        %get3A_1900 = arith.constant 64 : index
        %get3A_1901 = tpu.vector_load %arg10[%get3A_1898, %get3A_1899, %get3A_1900] {strides = array<i32>} : memref<2x128x128xf32, #tpu.memory_space<vmem>>, vector<1x1x16xf32>,
        %get3A_1902 = vector.shape_cast %get3A_1901 : vector<1x1x16xf32> to vector<16xf32>
        %mul3A_1903 = arith.mulf %get3A_1902, %gather3A_1836 : vector<16xf32>
        %swap3A_1904 = arith.constant 1 : i32
        %swap3A_1905 = arith.index_cast %swap3A_1904 : i32 to index
        %swap3A_1906 = arith.index_cast %add3A_1840 : i32 to index
        %swap3A_1907 = arith.constant 64 : index
        %swap3A_1908 = tpu.vector_load %arg10[%swap3A_1905, %swap3A_1906, %swap3A_1907] {strides = array<i32>} : memref<2x128x128xf32, #tpu.memory_space<vmem>>, vector<1x1x16xf32>,
        %swap3A_1909 = vector.shape_cast %swap3A_1908 : vector<1x1x16xf32> to vector<16xf32>
        %swap3A_1910 = vector.shape_cast %mul3A_1903 : vector<16xf32> to vector<1x1x16xf32>
        tpu.vector_store %arg10[%swap3A_1905, %swap3A_1906, %swap3A_1907], %swap3A_1910 {strides = array<i32>} : memref<2x128x128xf32, #tpu.memory_space<vmem>>, vector<1x1x16xf32>,
        %get3A_1911 = arith.constant 1 : i32
        %get3A_1912 = arith.index_cast %get3A_1911 : i32 to index
        %get3A_1913 = arith.index_cast %add3A_1840 : i32 to index
        %get3A_1914 = arith.constant 80 : index
        %get3A_1915 = tpu.vector_load %arg10[%get3A_1912, %get3A_1913, %get3A_1914] {strides = array<i32>} : memref<2x128x128xf32, #tpu.memory_space<vmem>>, vector<1x1x16xf32>,
        %get3A_1916 = vector.shape_cast %get3A_1915 : vector<1x1x16xf32> to vector<16xf32>
        %mul3A_1917 = arith.mulf %get3A_1916, %gather3A_1836 : vector<16xf32>
        %swap3A_1918 = arith.constant 1 : i32
        %swap3A_1919 = arith.index_cast %swap3A_1918 : i32 to index
        %swap3A_1920 = arith.index_cast %add3A_1840 : i32 to index
        %swap3A_1921 = arith.constant 80 : index
        %swap3A_1922 = tpu.vector_load %arg10[%swap3A_1919, %swap3A_1920, %swap3A_1921] {strides = array<i32>} : memref<2x128x128xf32, #tpu.memory_space<vmem>>, vector<1x1x16xf32>,
        %swap3A_1923 = vector.shape_cast %swap3A_1922 : vector<1x1x16xf32> to vector<16xf32>
        %swap3A_1924 = vector.shape_cast %mul3A_1917 : vector<16xf32> to vector<1x1x16xf32>
        tpu.vector_store %arg10[%swap3A_1919, %swap3A_1920, %swap3A_1921], %swap3A_1924 {strides = array<i32>} : memref<2x128x128xf32, #tpu.memory_space<vmem>>, vector<1x1x16xf32>,
        %get3A_1925 = arith.constant 1 : i32
        %get3A_1926 = arith.index_cast %get3A_1925 : i32 to index
        %get3A_1927 = arith.index_cast %add3A_1840 : i32 to index
        %get3A_1928 = arith.constant 96 : index
        %get3A_1929 = tpu.vector_load %arg10[%get3A_1926, %get3A_1927, %get3A_1928] {strides = array<i32>} : memref<2x128x128xf32, #tpu.memory_space<vmem>>, vector<1x1x16xf32>,
        %get3A_1930 = vector.shape_cast %get3A_1929 : vector<1x1x16xf32> to vector<16xf32>
        %mul3A_1931 = arith.mulf %get3A_1930, %gather3A_1836 : vector<16xf32>
        %swap3A_1932 = arith.constant 1 : i32
        %swap3A_1933 = arith.index_cast %swap3A_1932 : i32 to index
        %swap3A_1934 = arith.index_cast %add3A_1840 : i32 to index
        %swap3A_1935 = arith.constant 96 : index
        %swap3A_1936 = tpu.vector_load %arg10[%swap3A_1933, %swap3A_1934, %swap3A_1935] {strides = array<i32>} : memref<2x128x128xf32, #tpu.memory_space<vmem>>, vector<1x1x16xf32>,
        %swap3A_1937 = vector.shape_cast %swap3A_1936 : vector<1x1x16xf32> to vector<16xf32>
        %swap3A_1938 = vector.shape_cast %mul3A_1931 : vector<16xf32> to vector<1x1x16xf32>
        tpu.vector_store %arg10[%swap3A_1933, %swap3A_1934, %swap3A_1935], %swap3A_1938 {strides = array<i32>} : memref<2x128x128xf32, #tpu.memory_space<vmem>>, vector<1x1x16xf32>,
        %get3A_1939 = arith.constant 1 : i32
        %get3A_1940 = arith.index_cast %get3A_1939 : i32 to index
        %get3A_1941 = arith.index_cast %add3A_1840 : i32 to index
        %get3A_1942 = arith.constant 112 : index
        %get3A_1943 = tpu.vector_load %arg10[%get3A_1940, %get3A_1941, %get3A_1942] {strides = array<i32>} : memref<2x128x128xf32, #tpu.memory_space<vmem>>, vector<1x1x16xf32>,
        %get3A_1944 = vector.shape_cast %get3A_1943 : vector<1x1x16xf32> to vector<16xf32>
        %mul3A_1945 = arith.mulf %get3A_1944, %gather3A_1836 : vector<16xf32>
        %swap3A_1946 = arith.constant 1 : i32
        %swap3A_1947 = arith.index_cast %swap3A_1946 : i32 to index
        %swap3A_1948 = arith.index_cast %add3A_1840 : i32 to index
        %swap3A_1949 = arith.constant 112 : index
        %swap3A_1950 = tpu.vector_load %arg10[%swap3A_1947, %swap3A_1948, %swap3A_1949] {strides = array<i32>} : memref<2x128x128xf32, #tpu.memory_space<vmem>>, vector<1x1x16xf32>,
        %swap3A_1951 = vector.shape_cast %swap3A_1950 : vector<1x1x16xf32> to vector<16xf32>
        %swap3A_1952 = vector.shape_cast %mul3A_1945 : vector<16xf32> to vector<1x1x16xf32>
        tpu.vector_store %arg10[%swap3A_1947, %swap3A_1948, %swap3A_1949], %swap3A_1952 {strides = array<i32>} : memref<2x128x128xf32, #tpu.memory_space<vmem>>, vector<1x1x16xf32>,
        %broadcast_in_dim3A_1953 = arith.constant 15 : i32
        %broadcast_in_dim3A_1954 = vector.broadcast %broadcast_in_dim3A_1953 : i32 to vector<16x1xi32>
        %gather3A_1955 = vector.shape_cast %broadcast_in_dim3A_1954 : vector<16x1xi32> to vector<16xi32>
        %gather3A_1956 = tpu.dynamic_gather %get3A_155[%gather3A_1955] in [0] : vector<16xf32>, vector<16xi32> -> vector<16xf32>
        %mul3A_1957 = arith.constant 16 : i32
        %mul3A_1958 = arith.muli %scan3A_149, %mul3A_1957 : i32
        %add3A_1959 = arith.constant 15 : i32
        %add3A_1960 = arith.addi %mul3A_1958, %add3A_1959 : i32
        %get3A_1961 = arith.constant 1 : i32
        %get3A_1962 = arith.index_cast %get3A_1961 : i32 to index
        %get3A_1963 = arith.index_cast %add3A_1960 : i32 to index
        %get3A_1964 = arith.constant 0 : index
        %get3A_1965 = tpu.vector_load %arg10[%get3A_1962, %get3A_1963, %get3A_1964] {strides = array<i32>} : memref<2x128x128xf32, #tpu.memory_space<vmem>>, vector<1x1x16xf32>,
        %get3A_1966 = vector.shape_cast %get3A_1965 : vector<1x1x16xf32> to vector<16xf32>
        %mul3A_1967 = arith.mulf %get3A_1966, %gather3A_1956 : vector<16xf32>
        %swap3A_1968 = arith.constant 1 : i32
        %swap3A_1969 = arith.index_cast %swap3A_1968 : i32 to index
        %swap3A_1970 = arith.index_cast %add3A_1960 : i32 to index
        %swap3A_1971 = arith.constant 0 : index
        %swap3A_1972 = tpu.vector_load %arg10[%swap3A_1969, %swap3A_1970, %swap3A_1971] {strides = array<i32>} : memref<2x128x128xf32, #tpu.memory_space<vmem>>, vector<1x1x16xf32>,
        %swap3A_1973 = vector.shape_cast %swap3A_1972 : vector<1x1x16xf32> to vector<16xf32>
        %swap3A_1974 = vector.shape_cast %mul3A_1967 : vector<16xf32> to vector<1x1x16xf32>
        tpu.vector_store %arg10[%swap3A_1969, %swap3A_1970, %swap3A_1971], %swap3A_1974 {strides = array<i32>} : memref<2x128x128xf32, #tpu.memory_space<vmem>>, vector<1x1x16xf32>,
        %get3A_1975 = arith.constant 1 : i32
        %get3A_1976 = arith.index_cast %get3A_1975 : i32 to index
        %get3A_1977 = arith.index_cast %add3A_1960 : i32 to index
        %get3A_1978 = arith.constant 16 : index
        %get3A_1979 = tpu.vector_load %arg10[%get3A_1976, %get3A_1977, %get3A_1978] {strides = array<i32>} : memref<2x128x128xf32, #tpu.memory_space<vmem>>, vector<1x1x16xf32>,
        %get3A_1980 = vector.shape_cast %get3A_1979 : vector<1x1x16xf32> to vector<16xf32>
        %mul3A_1981 = arith.mulf %get3A_1980, %gather3A_1956 : vector<16xf32>
        %swap3A_1982 = arith.constant 1 : i32
        %swap3A_1983 = arith.index_cast %swap3A_1982 : i32 to index
        %swap3A_1984 = arith.index_cast %add3A_1960 : i32 to index
        %swap3A_1985 = arith.constant 16 : index
        %swap3A_1986 = tpu.vector_load %arg10[%swap3A_1983, %swap3A_1984, %swap3A_1985] {strides = array<i32>} : memref<2x128x128xf32, #tpu.memory_space<vmem>>, vector<1x1x16xf32>,
        %swap3A_1987 = vector.shape_cast %swap3A_1986 : vector<1x1x16xf32> to vector<16xf32>
        %swap3A_1988 = vector.shape_cast %mul3A_1981 : vector<16xf32> to vector<1x1x16xf32>
        tpu.vector_store %arg10[%swap3A_1983, %swap3A_1984, %swap3A_1985], %swap3A_1988 {strides = array<i32>} : memref<2x128x128xf32, #tpu.memory_space<vmem>>, vector<1x1x16xf32>,
        %get3A_1989 = arith.constant 1 : i32
        %get3A_1990 = arith.index_cast %get3A_1989 : i32 to index
        %get3A_1991 = arith.index_cast %add3A_1960 : i32 to index
        %get3A_1992 = arith.constant 32 : index
        %get3A_1993 = tpu.vector_load %arg10[%get3A_1990, %get3A_1991, %get3A_1992] {strides = array<i32>} : memref<2x128x128xf32, #tpu.memory_space<vmem>>, vector<1x1x16xf32>,
        %get3A_1994 = vector.shape_cast %get3A_1993 : vector<1x1x16xf32> to vector<16xf32>
        %mul3A_1995 = arith.mulf %get3A_1994, %gather3A_1956 : vector<16xf32>
        %swap3A_1996 = arith.constant 1 : i32
        %swap3A_1997 = arith.index_cast %swap3A_1996 : i32 to index
        %swap3A_1998 = arith.index_cast %add3A_1960 : i32 to index
        %swap3A_1999 = arith.constant 32 : index
        %swap3A_2000 = tpu.vector_load %arg10[%swap3A_1997, %swap3A_1998, %swap3A_1999] {strides = array<i32>} : memref<2x128x128xf32, #tpu.memory_space<vmem>>, vector<1x1x16xf32>,
        %swap3A_2001 = vector.shape_cast %swap3A_2000 : vector<1x1x16xf32> to vector<16xf32>
        %swap3A_2002 = vector.shape_cast %mul3A_1995 : vector<16xf32> to vector<1x1x16xf32>
        tpu.vector_store %arg10[%swap3A_1997, %swap3A_1998, %swap3A_1999], %swap3A_2002 {strides = array<i32>} : memref<2x128x128xf32, #tpu.memory_space<vmem>>, vector<1x1x16xf32>,
        %get3A_2003 = arith.constant 1 : i32
        %get3A_2004 = arith.index_cast %get3A_2003 : i32 to index
        %get3A_2005 = arith.index_cast %add3A_1960 : i32 to index
        %get3A_2006 = arith.constant 48 : index
        %get3A_2007 = tpu.vector_load %arg10[%get3A_2004, %get3A_2005, %get3A_2006] {strides = array<i32>} : memref<2x128x128xf32, #tpu.memory_space<vmem>>, vector<1x1x16xf32>,
        %get3A_2008 = vector.shape_cast %get3A_2007 : vector<1x1x16xf32> to vector<16xf32>
        %mul3A_2009 = arith.mulf %get3A_2008, %gather3A_1956 : vector<16xf32>
        %swap3A_2010 = arith.constant 1 : i32
        %swap3A_2011 = arith.index_cast %swap3A_2010 : i32 to index
        %swap3A_2012 = arith.index_cast %add3A_1960 : i32 to index
        %swap3A_2013 = arith.constant 48 : index
        %swap3A_2014 = tpu.vector_load %arg10[%swap3A_2011, %swap3A_2012, %swap3A_2013] {strides = array<i32>} : memref<2x128x128xf32, #tpu.memory_space<vmem>>, vector<1x1x16xf32>,
        %swap3A_2015 = vector.shape_cast %swap3A_2014 : vector<1x1x16xf32> to vector<16xf32>
        %swap3A_2016 = vector.shape_cast %mul3A_2009 : vector<16xf32> to vector<1x1x16xf32>
        tpu.vector_store %arg10[%swap3A_2011, %swap3A_2012, %swap3A_2013], %swap3A_2016 {strides = array<i32>} : memref<2x128x128xf32, #tpu.memory_space<vmem>>, vector<1x1x16xf32>,
        %get3A_2017 = arith.constant 1 : i32
        %get3A_2018 = arith.index_cast %get3A_2017 : i32 to index
        %get3A_2019 = arith.index_cast %add3A_1960 : i32 to index
        %get3A_2020 = arith.constant 64 : index
        %get3A_2021 = tpu.vector_load %arg10[%get3A_2018, %get3A_2019, %get3A_2020] {strides = array<i32>} : memref<2x128x128xf32, #tpu.memory_space<vmem>>, vector<1x1x16xf32>,
        %get3A_2022 = vector.shape_cast %get3A_2021 : vector<1x1x16xf32> to vector<16xf32>
        %mul3A_2023 = arith.mulf %get3A_2022, %gather3A_1956 : vector<16xf32>
        %swap3A_2024 = arith.constant 1 : i32
        %swap3A_2025 = arith.index_cast %swap3A_2024 : i32 to index
        %swap3A_2026 = arith.index_cast %add3A_1960 : i32 to index
        %swap3A_2027 = arith.constant 64 : index
        %swap3A_2028 = tpu.vector_load %arg10[%swap3A_2025, %swap3A_2026, %swap3A_2027] {strides = array<i32>} : memref<2x128x128xf32, #tpu.memory_space<vmem>>, vector<1x1x16xf32>,
        %swap3A_2029 = vector.shape_cast %swap3A_2028 : vector<1x1x16xf32> to vector<16xf32>
        %swap3A_2030 = vector.shape_cast %mul3A_2023 : vector<16xf32> to vector<1x1x16xf32>
        tpu.vector_store %arg10[%swap3A_2025, %swap3A_2026, %swap3A_2027], %swap3A_2030 {strides = array<i32>} : memref<2x128x128xf32, #tpu.memory_space<vmem>>, vector<1x1x16xf32>,
        %get3A_2031 = arith.constant 1 : i32
        %get3A_2032 = arith.index_cast %get3A_2031 : i32 to index
        %get3A_2033 = arith.index_cast %add3A_1960 : i32 to index
        %get3A_2034 = arith.constant 80 : index
        %get3A_2035 = tpu.vector_load %arg10[%get3A_2032, %get3A_2033, %get3A_2034] {strides = array<i32>} : memref<2x128x128xf32, #tpu.memory_space<vmem>>, vector<1x1x16xf32>,
        %get3A_2036 = vector.shape_cast %get3A_2035 : vector<1x1x16xf32> to vector<16xf32>
        %mul3A_2037 = arith.mulf %get3A_2036, %gather3A_1956 : vector<16xf32>
        %swap3A_2038 = arith.constant 1 : i32
        %swap3A_2039 = arith.index_cast %swap3A_2038 : i32 to index
        %swap3A_2040 = arith.index_cast %add3A_1960 : i32 to index
        %swap3A_2041 = arith.constant 80 : index
        %swap3A_2042 = tpu.vector_load %arg10[%swap3A_2039, %swap3A_2040, %swap3A_2041] {strides = array<i32>} : memref<2x128x128xf32, #tpu.memory_space<vmem>>, vector<1x1x16xf32>,
        %swap3A_2043 = vector.shape_cast %swap3A_2042 : vector<1x1x16xf32> to vector<16xf32>
        %swap3A_2044 = vector.shape_cast %mul3A_2037 : vector<16xf32> to vector<1x1x16xf32>
        tpu.vector_store %arg10[%swap3A_2039, %swap3A_2040, %swap3A_2041], %swap3A_2044 {strides = array<i32>} : memref<2x128x128xf32, #tpu.memory_space<vmem>>, vector<1x1x16xf32>,
        %get3A_2045 = arith.constant 1 : i32
        %get3A_2046 = arith.index_cast %get3A_2045 : i32 to index
        %get3A_2047 = arith.index_cast %add3A_1960 : i32 to index
        %get3A_2048 = arith.constant 96 : index
        %get3A_2049 = tpu.vector_load %arg10[%get3A_2046, %get3A_2047, %get3A_2048] {strides = array<i32>} : memref<2x128x128xf32, #tpu.memory_space<vmem>>, vector<1x1x16xf32>,
        %get3A_2050 = vector.shape_cast %get3A_2049 : vector<1x1x16xf32> to vector<16xf32>
        %mul3A_2051 = arith.mulf %get3A_2050, %gather3A_1956 : vector<16xf32>
        %swap3A_2052 = arith.constant 1 : i32
        %swap3A_2053 = arith.index_cast %swap3A_2052 : i32 to index
        %swap3A_2054 = arith.index_cast %add3A_1960 : i32 to index
        %swap3A_2055 = arith.constant 96 : index
        %swap3A_2056 = tpu.vector_load %arg10[%swap3A_2053, %swap3A_2054, %swap3A_2055] {strides = array<i32>} : memref<2x128x128xf32, #tpu.memory_space<vmem>>, vector<1x1x16xf32>,
        %swap3A_2057 = vector.shape_cast %swap3A_2056 : vector<1x1x16xf32> to vector<16xf32>
        %swap3A_2058 = vector.shape_cast %mul3A_2051 : vector<16xf32> to vector<1x1x16xf32>
        tpu.vector_store %arg10[%swap3A_2053, %swap3A_2054, %swap3A_2055], %swap3A_2058 {strides = array<i32>} : memref<2x128x128xf32, #tpu.memory_space<vmem>>, vector<1x1x16xf32>,
        %get3A_2059 = arith.constant 1 : i32
        %get3A_2060 = arith.index_cast %get3A_2059 : i32 to index
        %get3A_2061 = arith.index_cast %add3A_1960 : i32 to index
        %get3A_2062 = arith.constant 112 : index
        %get3A_2063 = tpu.vector_load %arg10[%get3A_2060, %get3A_2061, %get3A_2062] {strides = array<i32>} : memref<2x128x128xf32, #tpu.memory_space<vmem>>, vector<1x1x16xf32>,
        %get3A_2064 = vector.shape_cast %get3A_2063 : vector<1x1x16xf32> to vector<16xf32>
        %mul3A_2065 = arith.mulf %get3A_2064, %gather3A_1956 : vector<16xf32>
        %swap3A_2066 = arith.constant 1 : i32
        %swap3A_2067 = arith.index_cast %swap3A_2066 : i32 to index
        %swap3A_2068 = arith.index_cast %add3A_1960 : i32 to index
        %swap3A_2069 = arith.constant 112 : index
        %swap3A_2070 = tpu.vector_load %arg10[%swap3A_2067, %swap3A_2068, %swap3A_2069] {strides = array<i32>} : memref<2x128x128xf32, #tpu.memory_space<vmem>>, vector<1x1x16xf32>,
        %swap3A_2071 = vector.shape_cast %swap3A_2070 : vector<1x1x16xf32> to vector<16xf32>
        %swap3A_2072 = vector.shape_cast %mul3A_2065 : vector<16xf32> to vector<1x1x16xf32>
        tpu.vector_store %arg10[%swap3A_2067, %swap3A_2068, %swap3A_2069], %swap3A_2072 {strides = array<i32>} : memref<2x128x128xf32, #tpu.memory_space<vmem>>, vector<1x1x16xf32>,
      }
      %scan3A_145 = arith.constant 8 : i32
      %run_scoped3A_146 = arith.constant 1 : i32
      %run_scoped3A_147 = arith.constant 1 : i32
      %run_scoped3A_148 = arith.constant 1 : i32
      "tpu.region"() ({
        %run_scoped3A_149 = tpu.sem_alloc : memref<!tpu.dma_semaphore, #tpu.memory_space<semaphore_mem>>
        %dma_start3A_150 = arith.constant 0 : i32
        %dma_start3A_151 = arith.constant 0 : i32
        %dma_start3A_152 = tpu.memref_slice %arg10[%run_scoped3A_146, %dma_start3A_150, %dma_start3A_151] : memref<2x128x128xf32, #tpu.memory_space<vmem>> -> memref<1x128x128xf32, #tpu.memory_space<vmem>>
        %dma_start3A_153 = tpu.memref_squeeze %dma_start3A_152 : memref<1x128x128xf32, #tpu.memory_space<vmem>> -> memref<128x128xf32, #tpu.memory_space<vmem>>
        %dma_start3A_154 = arith.constant 0 : i32
        %dma_start3A_155 = tpu.memref_slice %arg8[%run_scoped3A_147, %run_scoped3A_148, %dma_start3A_154] : memref<2x2x128xi32, #tpu.memory_space<vmem>> -> memref<1x1x128xi32, #tpu.memory_space<vmem>>
        %dma_start3A_156 = tpu.memref_squeeze %dma_start3A_155 : memref<1x1x128xi32, #tpu.memory_space<vmem>> -> memref<128xi32, #tpu.memory_space<vmem>>
        %dma_start3A_157 = arith.constant 0 : i32
        %dma_start3A_158 = arith.constant 0 : i32
        %dma_start3A_159 = tpu.memref_slice %arg7[%dma_start3A_157, %dma_start3A_158] : memref<10240x128xf32, #tpu.memory_space<vmem_shared>> -> memref<10240x128xf32, #tpu.memory_space<vmem_shared>>
        tpu.enqueue_indirect_dma source(%dma_start3A_153 : memref<128x128xf32, #tpu.memory_space<vmem>>) target(%dma_start3A_159 : memref<10240x128xf32, #tpu.memory_space<vmem_shared>>) offsets(%dma_start3A_156 : memref<128xi32, #tpu.memory_space<vmem>>) semaphore(%run_scoped3A_149 : memref<!tpu.dma_semaphore, #tpu.memory_space<semaphore_mem>>) {add = true}
        %dma_wait3A_160 = arith.constant 0 : i32
        %dma_wait3A_161 = arith.constant 0 : i32
        %dma_wait3A_162 = tpu.memref_slice %arg10[%run_scoped3A_146, %dma_wait3A_160, %dma_wait3A_161] : memref<2x128x128xf32, #tpu.memory_space<vmem>> -> memref<1x128x128xf32, #tpu.memory_space<vmem>>
        %dma_wait3A_163 = tpu.memref_squeeze %dma_wait3A_162 : memref<1x128x128xf32, #tpu.memory_space<vmem>> -> memref<128x128xf32, #tpu.memory_space<vmem>>
        %dma_wait3A_164 = arith.constant 0 : i32
        %dma_wait3A_165 = tpu.memref_slice %arg8[%run_scoped3A_147, %run_scoped3A_148, %dma_wait3A_164] : memref<2x2x128xi32, #tpu.memory_space<vmem>> -> memref<1x1x128xi32, #tpu.memory_space<vmem>>
        %dma_wait3A_166 = tpu.memref_squeeze %dma_wait3A_165 : memref<1x1x128xi32, #tpu.memory_space<vmem>> -> memref<128xi32, #tpu.memory_space<vmem>>
        %dma_wait3A_167 = arith.constant 0 : i32
        %dma_wait3A_168 = arith.constant 0 : i32
        %dma_wait3A_169 = tpu.memref_slice %arg7[%dma_wait3A_167, %dma_wait3A_168] : memref<10240x128xf32, #tpu.memory_space<vmem_shared>> -> memref<10240x128xf32, #tpu.memory_space<vmem_shared>>
        tpu.wait_indirect_dma semaphore(%run_scoped3A_149 : memref<!tpu.dma_semaphore, #tpu.memory_space<semaphore_mem>>) src(%dma_wait3A_163 : memref<128x128xf32, #tpu.memory_space<vmem>>) dst(%dma_wait3A_169 : memref<10240x128xf32, #tpu.memory_space<vmem_shared>>)
        tpu.yield
      }) : () -> ()
    }
    %scan3A_22 = arith.constant 40 : i32
    %dma_wait3A = arith.constant 0 : i32
    %dma_wait3A_23 = arith.constant 0 : i32
    %dma_wait3A_24 = arith.constant 0 : i32
    %dma_wait3A_25 = arith.constant 0 : i32
    %dma_wait3A_26 = arith.constant 0 : i32
    %dma_wait3A_27 = tpu.memref_slice %arg10[%dma_wait3A_24, %dma_wait3A_25, %dma_wait3A_26] : memref<2x128x128xf32, #tpu.memory_space<vmem>> -> memref<1x128x128xf32, #tpu.memory_space<vmem>>
    %dma_wait3A_28 = tpu.memref_squeeze %dma_wait3A_27 : memref<1x128x128xf32, #tpu.memory_space<vmem>> -> memref<128x128xf32, #tpu.memory_space<vmem>>
    %dma_wait3A_29 = arith.constant 0 : i32
    %dma_wait3A_30 = tpu.memref_slice %arg8[%dma_wait3A, %dma_wait3A_23, %dma_wait3A_29] : memref<2x2x128xi32, #tpu.memory_space<vmem>> -> memref<1x1x128xi32, #tpu.memory_space<vmem>>
    %dma_wait3A_31 = tpu.memref_squeeze %dma_wait3A_30 : memref<1x1x128xi32, #tpu.memory_space<vmem>> -> memref<128xi32, #tpu.memory_space<vmem>>
    %dma_wait3A_32 = arith.constant 0 : i32
    %dma_wait3A_33 = arith.constant 0 : i32
    %dma_wait3A_34 = tpu.memref_slice %arg2[%dma_wait3A_32, %dma_wait3A_33] : memref<10000x128xf32, #tpu.memory_space<hbm>> -> memref<10000x128xf32, #tpu.memory_space<hbm>>
    tpu.wait_indirect_dma semaphore(%arg11 : memref<!tpu.dma_semaphore, #tpu.memory_space<semaphore_mem>>) src(%dma_wait3A_34 : memref<10000x128xf32, #tpu.memory_space<hbm>>) dst(%dma_wait3A_28 : memref<128x128xf32, #tpu.memory_space<vmem>>)
    %barrier3A_35 = arith.constant 0 : index
    tpu.barrier barrier_id(%barrier3A_35)
    %mul3A_36 = arith.constant 640 : i32
    %mul3A_37 = arith.muli %arg1, %mul3A_36 : i32
    %add3A_38 = arith.constant 0 : i32
    %add3A_39 = arith.addi %mul3A_37, %add3A_38 : i32
    %run_scoped3A_40 = arith.constant 0 : i32
    "tpu.region"() ({
      %run_scoped3A_66 = tpu.sem_alloc : memref<!tpu.dma_semaphore, #tpu.memory_space<semaphore_mem>>
      %dma_start3A_67 = arith.constant 0 : i32
      %dma_start3A_68 = arith.constant 0 : i32
      %dma_start3A_69 = tpu.memref_slice %arg10[%run_scoped3A_40, %dma_start3A_67, %dma_start3A_68] : memref<2x128x128xf32, #tpu.memory_space<vmem>> -> memref<1x128x128xf32, #tpu.memory_space<vmem>>
      %dma_start3A_70 = tpu.memref_squeeze %dma_start3A_69 : memref<1x128x128xf32, #tpu.memory_space<vmem>> -> memref<128x128xf32, #tpu.memory_space<vmem>>
      %dma_start3A_71 = arith.constant 0 : i32
      %dma_start3A_72 = tpu.memref_slice %arg7[%add3A_39, %dma_start3A_71] : memref<10240x128xf32, #tpu.memory_space<vmem_shared>> -> memref<128x128xf32, #tpu.memory_space<vmem_shared>>
      %dma_start3A_73 = arith.constant 0 : i32
      %dma_start3A_74 = arith.constant 0 : i32
      %dma_start3A_75 = tpu.memref_slice %arg10[%run_scoped3A_40, %dma_start3A_73, %dma_start3A_74] : memref<2x128x128xf32, #tpu.memory_space<vmem>> -> memref<1x128x128xf32, #tpu.memory_space<vmem>>
      %dma_start3A_76 = tpu.memref_squeeze %dma_start3A_75 : memref<1x128x128xf32, #tpu.memory_space<vmem>> -> memref<128x128xf32, #tpu.memory_space<vmem>>
      %dma_start3A_77 = arith.constant 0 : i32
      %dma_start3A_78 = tpu.memref_slice %arg7[%add3A_39, %dma_start3A_77] : memref<10240x128xf32, #tpu.memory_space<vmem_shared>> -> memref<128x128xf32, #tpu.memory_space<vmem_shared>>
      tpu.enqueue_dma source(%dma_start3A_78 : memref<128x128xf32, #tpu.memory_space<vmem_shared>>) target(%dma_start3A_76 : memref<128x128xf32, #tpu.memory_space<vmem>>) target_semaphore(%run_scoped3A_66 : memref<!tpu.dma_semaphore, #tpu.memory_space<semaphore_mem>>)
      %dma_wait3A_79 = arith.constant 0 : i32
      %dma_wait3A_80 = arith.constant 0 : i32
      %dma_wait3A_81 = tpu.memref_slice %arg10[%run_scoped3A_40, %dma_wait3A_79, %dma_wait3A_80] : memref<2x128x128xf32, #tpu.memory_space<vmem>> -> memref<1x128x128xf32, #tpu.memory_space<vmem>>
      %dma_wait3A_82 = tpu.memref_squeeze %dma_wait3A_81 : memref<1x128x128xf32, #tpu.memory_space<vmem>> -> memref<128x128xf32, #tpu.memory_space<vmem>>
      %dma_wait3A_83 = arith.constant 0 : i32
      %dma_wait3A_84 = tpu.memref_slice %arg7[%add3A_39, %dma_wait3A_83] : memref<10240x128xf32, #tpu.memory_space<vmem_shared>> -> memref<128x128xf32, #tpu.memory_space<vmem_shared>>
      %dma_wait3A_85 = arith.constant 0 : i32
      %dma_wait3A_86 = arith.constant 0 : i32
      %dma_wait3A_87 = tpu.memref_slice %arg10[%run_scoped3A_40, %dma_wait3A_85, %dma_wait3A_86] : memref<2x128x128xf32, #tpu.memory_space<vmem>> -> memref<1x128x128xf32, #tpu.memory_space<vmem>>
      %dma_wait3A_88 = tpu.memref_squeeze %dma_wait3A_87 : memref<1x128x128xf32, #tpu.memory_space<vmem>> -> memref<128x128xf32, #tpu.memory_space<vmem>>
      %dma_wait3A_89 = arith.constant 0 : i32
      %dma_wait3A_90 = tpu.memref_slice %arg7[%add3A_39, %dma_wait3A_89] : memref<10240x128xf32, #tpu.memory_space<vmem_shared>> -> memref<128x128xf32, #tpu.memory_space<vmem_shared>>
      tpu.wait_dma2 semaphore(%run_scoped3A_66 : memref<!tpu.dma_semaphore, #tpu.memory_space<semaphore_mem>>) src(%dma_wait3A_90 : memref<128x128xf32, #tpu.memory_space<vmem_shared>>) dst(%dma_wait3A_88 : memref<128x128xf32, #tpu.memory_space<vmem>>)
      tpu.yield
    }) : () -> ()
    %run_scoped3A_41 = arith.constant 0 : i32
    "tpu.region"() ({
      %run_scoped3A_66 = tpu.sem_alloc : memref<!tpu.dma_semaphore, #tpu.memory_space<semaphore_mem>>
      %dma_start3A_67 = arith.constant 0 : i32
      %dma_start3A_68 = arith.constant 0 : i32
      %dma_start3A_69 = tpu.memref_slice %arg10[%run_scoped3A_41, %dma_start3A_67, %dma_start3A_68] : memref<2x128x128xf32, #tpu.memory_space<vmem>> -> memref<1x128x128xf32, #tpu.memory_space<vmem>>
      %dma_start3A_70 = tpu.memref_squeeze %dma_start3A_69 : memref<1x128x128xf32, #tpu.memory_space<vmem>> -> memref<128x128xf32, #tpu.memory_space<vmem>>
      %dma_start3A_71 = arith.constant 0 : i32
      %dma_start3A_72 = tpu.memref_slice %arg6[%arg0, %add3A_39, %dma_start3A_71] : memref<2x10240x128xf32, #tpu.memory_space<hbm>> -> memref<1x128x128xf32, #tpu.memory_space<hbm>>
      %dma_start3A_73 = tpu.memref_squeeze %dma_start3A_72 : memref<1x128x128xf32, #tpu.memory_space<hbm>> -> memref<128x128xf32, #tpu.memory_space<hbm>>
      %dma_start3A_74 = arith.constant 0 : i32
      %dma_start3A_75 = tpu.memref_slice %arg6[%arg0, %add3A_39, %dma_start3A_74] : memref<2x10240x128xf32, #tpu.memory_space<hbm>> -> memref<1x128x128xf32, #tpu.memory_space<hbm>>
      %dma_start3A_76 = tpu.memref_squeeze %dma_start3A_75 : memref<1x128x128xf32, #tpu.memory_space<hbm>> -> memref<128x128xf32, #tpu.memory_space<hbm>>
      %dma_start3A_77 = arith.constant 0 : i32
      %dma_start3A_78 = arith.constant 0 : i32
      %dma_start3A_79 = tpu.memref_slice %arg10[%run_scoped3A_41, %dma_start3A_77, %dma_start3A_78] : memref<2x128x128xf32, #tpu.memory_space<vmem>> -> memref<1x128x128xf32, #tpu.memory_space<vmem>>
      %dma_start3A_80 = tpu.memref_squeeze %dma_start3A_79 : memref<1x128x128xf32, #tpu.memory_space<vmem>> -> memref<128x128xf32, #tpu.memory_space<vmem>>
      tpu.enqueue_dma source(%dma_start3A_80 : memref<128x128xf32, #tpu.memory_space<vmem>>) target(%dma_start3A_76 : memref<128x128xf32, #tpu.memory_space<hbm>>) target_semaphore(%run_scoped3A_66 : memref<!tpu.dma_semaphore, #tpu.memory_space<semaphore_mem>>)
      %dma_wait3A_81 = arith.constant 0 : i32
      %dma_wait3A_82 = arith.constant 0 : i32
      %dma_wait3A_83 = tpu.memref_slice %arg10[%run_scoped3A_41, %dma_wait3A_81, %dma_wait3A_82] : memref<2x128x128xf32, #tpu.memory_space<vmem>> -> memref<1x128x128xf32, #tpu.memory_space<vmem>>
      %dma_wait3A_84 = tpu.memref_squeeze %dma_wait3A_83 : memref<1x128x128xf32, #tpu.memory_space<vmem>> -> memref<128x128xf32, #tpu.memory_space<vmem>>
      %dma_wait3A_85 = arith.constant 0 : i32
      %dma_wait3A_86 = tpu.memref_slice %arg6[%arg0, %add3A_39, %dma_wait3A_85] : memref<2x10240x128xf32, #tpu.memory_space<hbm>> -> memref<1x128x128xf32, #tpu.memory_space<hbm>>
      %dma_wait3A_87 = tpu.memref_squeeze %dma_wait3A_86 : memref<1x128x128xf32, #tpu.memory_space<hbm>> -> memref<128x128xf32, #tpu.memory_space<hbm>>
      %dma_wait3A_88 = arith.constant 0 : i32
      %dma_wait3A_89 = tpu.memref_slice %arg6[%arg0, %add3A_39, %dma_wait3A_88] : memref<2x10240x128xf32, #tpu.memory_space<hbm>> -> memref<1x128x128xf32, #tpu.memory_space<hbm>>
      %dma_wait3A_90 = tpu.memref_squeeze %dma_wait3A_89 : memref<1x128x128xf32, #tpu.memory_space<hbm>> -> memref<128x128xf32, #tpu.memory_space<hbm>>
      %dma_wait3A_91 = arith.constant 0 : i32
      %dma_wait3A_92 = arith.constant 0 : i32
      %dma_wait3A_93 = tpu.memref_slice %arg10[%run_scoped3A_41, %dma_wait3A_91, %dma_wait3A_92] : memref<2x128x128xf32, #tpu.memory_space<vmem>> -> memref<1x128x128xf32, #tpu.memory_space<vmem>>
      %dma_wait3A_94 = tpu.memref_squeeze %dma_wait3A_93 : memref<1x128x128xf32, #tpu.memory_space<vmem>> -> memref<128x128xf32, #tpu.memory_space<vmem>>
      tpu.wait_dma2 semaphore(%run_scoped3A_66 : memref<!tpu.dma_semaphore, #tpu.memory_space<semaphore_mem>>) src(%dma_wait3A_94 : memref<128x128xf32, #tpu.memory_space<vmem>>) dst(%dma_wait3A_90 : memref<128x128xf32, #tpu.memory_space<hbm>>)
      tpu.yield
    }) : () -> ()
    %mul3A_42 = arith.constant 640 : i32
    %mul3A_43 = arith.muli %arg1, %mul3A_42 : i32
    %add3A_44 = arith.constant 128 : i32
    %add3A_45 = arith.addi %mul3A_43, %add3A_44 : i32
    %run_scoped3A_46 = arith.constant 0 : i32
    "tpu.region"() ({
      %run_scoped3A_66 = tpu.sem_alloc : memref<!tpu.dma_semaphore, #tpu.memory_space<semaphore_mem>>
      %dma_start3A_67 = arith.constant 0 : i32
      %dma_start3A_68 = arith.constant 0 : i32
      %dma_start3A_69 = tpu.memref_slice %arg10[%run_scoped3A_46, %dma_start3A_67, %dma_start3A_68] : memref<2x128x128xf32, #tpu.memory_space<vmem>> -> memref<1x128x128xf32, #tpu.memory_space<vmem>>
      %dma_start3A_70 = tpu.memref_squeeze %dma_start3A_69 : memref<1x128x128xf32, #tpu.memory_space<vmem>> -> memref<128x128xf32, #tpu.memory_space<vmem>>
      %dma_start3A_71 = arith.constant 0 : i32
      %dma_start3A_72 = tpu.memref_slice %arg7[%add3A_45, %dma_start3A_71] : memref<10240x128xf32, #tpu.memory_space<vmem_shared>> -> memref<128x128xf32, #tpu.memory_space<vmem_shared>>
      %dma_start3A_73 = arith.constant 0 : i32
      %dma_start3A_74 = arith.constant 0 : i32
      %dma_start3A_75 = tpu.memref_slice %arg10[%run_scoped3A_46, %dma_start3A_73, %dma_start3A_74] : memref<2x128x128xf32, #tpu.memory_space<vmem>> -> memref<1x128x128xf32, #tpu.memory_space<vmem>>
      %dma_start3A_76 = tpu.memref_squeeze %dma_start3A_75 : memref<1x128x128xf32, #tpu.memory_space<vmem>> -> memref<128x128xf32, #tpu.memory_space<vmem>>
      %dma_start3A_77 = arith.constant 0 : i32
      %dma_start3A_78 = tpu.memref_slice %arg7[%add3A_45, %dma_start3A_77] : memref<10240x128xf32, #tpu.memory_space<vmem_shared>> -> memref<128x128xf32, #tpu.memory_space<vmem_shared>>
      tpu.enqueue_dma source(%dma_start3A_78 : memref<128x128xf32, #tpu.memory_space<vmem_shared>>) target(%dma_start3A_76 : memref<128x128xf32, #tpu.memory_space<vmem>>) target_semaphore(%run_scoped3A_66 : memref<!tpu.dma_semaphore, #tpu.memory_space<semaphore_mem>>)
      %dma_wait3A_79 = arith.constant 0 : i32
      %dma_wait3A_80 = arith.constant 0 : i32
      %dma_wait3A_81 = tpu.memref_slice %arg10[%run_scoped3A_46, %dma_wait3A_79, %dma_wait3A_80] : memref<2x128x128xf32, #tpu.memory_space<vmem>> -> memref<1x128x128xf32, #tpu.memory_space<vmem>>
      %dma_wait3A_82 = tpu.memref_squeeze %dma_wait3A_81 : memref<1x128x128xf32, #tpu.memory_space<vmem>> -> memref<128x128xf32, #tpu.memory_space<vmem>>
      %dma_wait3A_83 = arith.constant 0 : i32
      %dma_wait3A_84 = tpu.memref_slice %arg7[%add3A_45, %dma_wait3A_83] : memref<10240x128xf32, #tpu.memory_space<vmem_shared>> -> memref<128x128xf32, #tpu.memory_space<vmem_shared>>
      %dma_wait3A_85 = arith.constant 0 : i32
      %dma_wait3A_86 = arith.constant 0 : i32
      %dma_wait3A_87 = tpu.memref_slice %arg10[%run_scoped3A_46, %dma_wait3A_85, %dma_wait3A_86] : memref<2x128x128xf32, #tpu.memory_space<vmem>> -> memref<1x128x128xf32, #tpu.memory_space<vmem>>
      %dma_wait3A_88 = tpu.memref_squeeze %dma_wait3A_87 : memref<1x128x128xf32, #tpu.memory_space<vmem>> -> memref<128x128xf32, #tpu.memory_space<vmem>>
      %dma_wait3A_89 = arith.constant 0 : i32
      %dma_wait3A_90 = tpu.memref_slice %arg7[%add3A_45, %dma_wait3A_89] : memref<10240x128xf32, #tpu.memory_space<vmem_shared>> -> memref<128x128xf32, #tpu.memory_space<vmem_shared>>
      tpu.wait_dma2 semaphore(%run_scoped3A_66 : memref<!tpu.dma_semaphore, #tpu.memory_space<semaphore_mem>>) src(%dma_wait3A_90 : memref<128x128xf32, #tpu.memory_space<vmem_shared>>) dst(%dma_wait3A_88 : memref<128x128xf32, #tpu.memory_space<vmem>>)
      tpu.yield
    }) : () -> ()
    %run_scoped3A_47 = arith.constant 0 : i32
    "tpu.region"() ({
      %run_scoped3A_66 = tpu.sem_alloc : memref<!tpu.dma_semaphore, #tpu.memory_space<semaphore_mem>>
      %dma_start3A_67 = arith.constant 0 : i32
      %dma_start3A_68 = arith.constant 0 : i32
      %dma_start3A_69 = tpu.memref_slice %arg10[%run_scoped3A_47, %dma_start3A_67, %dma_start3A_68] : memref<2x128x128xf32, #tpu.memory_space<vmem>> -> memref<1x128x128xf32, #tpu.memory_space<vmem>>
      %dma_start3A_70 = tpu.memref_squeeze %dma_start3A_69 : memref<1x128x128xf32, #tpu.memory_space<vmem>> -> memref<128x128xf32, #tpu.memory_space<vmem>>
      %dma_start3A_71 = arith.constant 0 : i32
      %dma_start3A_72 = tpu.memref_slice %arg6[%arg0, %add3A_45, %dma_start3A_71] : memref<2x10240x128xf32, #tpu.memory_space<hbm>> -> memref<1x128x128xf32, #tpu.memory_space<hbm>>
      %dma_start3A_73 = tpu.memref_squeeze %dma_start3A_72 : memref<1x128x128xf32, #tpu.memory_space<hbm>> -> memref<128x128xf32, #tpu.memory_space<hbm>>
      %dma_start3A_74 = arith.constant 0 : i32
      %dma_start3A_75 = tpu.memref_slice %arg6[%arg0, %add3A_45, %dma_start3A_74] : memref<2x10240x128xf32, #tpu.memory_space<hbm>> -> memref<1x128x128xf32, #tpu.memory_space<hbm>>
      %dma_start3A_76 = tpu.memref_squeeze %dma_start3A_75 : memref<1x128x128xf32, #tpu.memory_space<hbm>> -> memref<128x128xf32, #tpu.memory_space<hbm>>
      %dma_start3A_77 = arith.constant 0 : i32
      %dma_start3A_78 = arith.constant 0 : i32
      %dma_start3A_79 = tpu.memref_slice %arg10[%run_scoped3A_47, %dma_start3A_77, %dma_start3A_78] : memref<2x128x128xf32, #tpu.memory_space<vmem>> -> memref<1x128x128xf32, #tpu.memory_space<vmem>>
      %dma_start3A_80 = tpu.memref_squeeze %dma_start3A_79 : memref<1x128x128xf32, #tpu.memory_space<vmem>> -> memref<128x128xf32, #tpu.memory_space<vmem>>
      tpu.enqueue_dma source(%dma_start3A_80 : memref<128x128xf32, #tpu.memory_space<vmem>>) target(%dma_start3A_76 : memref<128x128xf32, #tpu.memory_space<hbm>>) target_semaphore(%run_scoped3A_66 : memref<!tpu.dma_semaphore, #tpu.memory_space<semaphore_mem>>)
      %dma_wait3A_81 = arith.constant 0 : i32
      %dma_wait3A_82 = arith.constant 0 : i32
      %dma_wait3A_83 = tpu.memref_slice %arg10[%run_scoped3A_47, %dma_wait3A_81, %dma_wait3A_82] : memref<2x128x128xf32, #tpu.memory_space<vmem>> -> memref<1x128x128xf32, #tpu.memory_space<vmem>>
      %dma_wait3A_84 = tpu.memref_squeeze %dma_wait3A_83 : memref<1x128x128xf32, #tpu.memory_space<vmem>> -> memref<128x128xf32, #tpu.memory_space<vmem>>
      %dma_wait3A_85 = arith.constant 0 : i32
      %dma_wait3A_86 = tpu.memref_slice %arg6[%arg0, %add3A_45, %dma_wait3A_85] : memref<2x10240x128xf32, #tpu.memory_space<hbm>> -> memref<1x128x128xf32, #tpu.memory_space<hbm>>
      %dma_wait3A_87 = tpu.memref_squeeze %dma_wait3A_86 : memref<1x128x128xf32, #tpu.memory_space<hbm>> -> memref<128x128xf32, #tpu.memory_space<hbm>>
      %dma_wait3A_88 = arith.constant 0 : i32
      %dma_wait3A_89 = tpu.memref_slice %arg6[%arg0, %add3A_45, %dma_wait3A_88] : memref<2x10240x128xf32, #tpu.memory_space<hbm>> -> memref<1x128x128xf32, #tpu.memory_space<hbm>>
      %dma_wait3A_90 = tpu.memref_squeeze %dma_wait3A_89 : memref<1x128x128xf32, #tpu.memory_space<hbm>> -> memref<128x128xf32, #tpu.memory_space<hbm>>
      %dma_wait3A_91 = arith.constant 0 : i32
      %dma_wait3A_92 = arith.constant 0 : i32
      %dma_wait3A_93 = tpu.memref_slice %arg10[%run_scoped3A_47, %dma_wait3A_91, %dma_wait3A_92] : memref<2x128x128xf32, #tpu.memory_space<vmem>> -> memref<1x128x128xf32, #tpu.memory_space<vmem>>
      %dma_wait3A_94 = tpu.memref_squeeze %dma_wait3A_93 : memref<1x128x128xf32, #tpu.memory_space<vmem>> -> memref<128x128xf32, #tpu.memory_space<vmem>>
      tpu.wait_dma2 semaphore(%run_scoped3A_66 : memref<!tpu.dma_semaphore, #tpu.memory_space<semaphore_mem>>) src(%dma_wait3A_94 : memref<128x128xf32, #tpu.memory_space<vmem>>) dst(%dma_wait3A_90 : memref<128x128xf32, #tpu.memory_space<hbm>>)
      tpu.yield
    }) : () -> ()
    %mul3A_48 = arith.constant 640 : i32
    %mul3A_49 = arith.muli %arg1, %mul3A_48 : i32
    %add3A_50 = arith.constant 256 : i32
    %add3A_51 = arith.addi %mul3A_49, %add3A_50 : i32
    %run_scoped3A_52 = arith.constant 0 : i32
    "tpu.region"() ({
      %run_scoped3A_66 = tpu.sem_alloc : memref<!tpu.dma_semaphore, #tpu.memory_space<semaphore_mem>>
      %dma_start3A_67 = arith.constant 0 : i32
      %dma_start3A_68 = arith.constant 0 : i32
      %dma_start3A_69 = tpu.memref_slice %arg10[%run_scoped3A_52, %dma_start3A_67, %dma_start3A_68] : memref<2x128x128xf32, #tpu.memory_space<vmem>> -> memref<1x128x128xf32, #tpu.memory_space<vmem>>
      %dma_start3A_70 = tpu.memref_squeeze %dma_start3A_69 : memref<1x128x128xf32, #tpu.memory_space<vmem>> -> memref<128x128xf32, #tpu.memory_space<vmem>>
      %dma_start3A_71 = arith.constant 0 : i32
      %dma_start3A_72 = tpu.memref_slice %arg7[%add3A_51, %dma_start3A_71] : memref<10240x128xf32, #tpu.memory_space<vmem_shared>> -> memref<128x128xf32, #tpu.memory_space<vmem_shared>>
      %dma_start3A_73 = arith.constant 0 : i32
      %dma_start3A_74 = arith.constant 0 : i32
      %dma_start3A_75 = tpu.memref_slice %arg10[%run_scoped3A_52, %dma_start3A_73, %dma_start3A_74] : memref<2x128x128xf32, #tpu.memory_space<vmem>> -> memref<1x128x128xf32, #tpu.memory_space<vmem>>
      %dma_start3A_76 = tpu.memref_squeeze %dma_start3A_75 : memref<1x128x128xf32, #tpu.memory_space<vmem>> -> memref<128x128xf32, #tpu.memory_space<vmem>>
      %dma_start3A_77 = arith.constant 0 : i32
      %dma_start3A_78 = tpu.memref_slice %arg7[%add3A_51, %dma_start3A_77] : memref<10240x128xf32, #tpu.memory_space<vmem_shared>> -> memref<128x128xf32, #tpu.memory_space<vmem_shared>>
      tpu.enqueue_dma source(%dma_start3A_78 : memref<128x128xf32, #tpu.memory_space<vmem_shared>>) target(%dma_start3A_76 : memref<128x128xf32, #tpu.memory_space<vmem>>) target_semaphore(%run_scoped3A_66 : memref<!tpu.dma_semaphore, #tpu.memory_space<semaphore_mem>>)
      %dma_wait3A_79 = arith.constant 0 : i32
      %dma_wait3A_80 = arith.constant 0 : i32
      %dma_wait3A_81 = tpu.memref_slice %arg10[%run_scoped3A_52, %dma_wait3A_79, %dma_wait3A_80] : memref<2x128x128xf32, #tpu.memory_space<vmem>> -> memref<1x128x128xf32, #tpu.memory_space<vmem>>
      %dma_wait3A_82 = tpu.memref_squeeze %dma_wait3A_81 : memref<1x128x128xf32, #tpu.memory_space<vmem>> -> memref<128x128xf32, #tpu.memory_space<vmem>>
      %dma_wait3A_83 = arith.constant 0 : i32
      %dma_wait3A_84 = tpu.memref_slice %arg7[%add3A_51, %dma_wait3A_83] : memref<10240x128xf32, #tpu.memory_space<vmem_shared>> -> memref<128x128xf32, #tpu.memory_space<vmem_shared>>
      %dma_wait3A_85 = arith.constant 0 : i32
      %dma_wait3A_86 = arith.constant 0 : i32
      %dma_wait3A_87 = tpu.memref_slice %arg10[%run_scoped3A_52, %dma_wait3A_85, %dma_wait3A_86] : memref<2x128x128xf32, #tpu.memory_space<vmem>> -> memref<1x128x128xf32, #tpu.memory_space<vmem>>
      %dma_wait3A_88 = tpu.memref_squeeze %dma_wait3A_87 : memref<1x128x128xf32, #tpu.memory_space<vmem>> -> memref<128x128xf32, #tpu.memory_space<vmem>>
      %dma_wait3A_89 = arith.constant 0 : i32
      %dma_wait3A_90 = tpu.memref_slice %arg7[%add3A_51, %dma_wait3A_89] : memref<10240x128xf32, #tpu.memory_space<vmem_shared>> -> memref<128x128xf32, #tpu.memory_space<vmem_shared>>
      tpu.wait_dma2 semaphore(%run_scoped3A_66 : memref<!tpu.dma_semaphore, #tpu.memory_space<semaphore_mem>>) src(%dma_wait3A_90 : memref<128x128xf32, #tpu.memory_space<vmem_shared>>) dst(%dma_wait3A_88 : memref<128x128xf32, #tpu.memory_space<vmem>>)
      tpu.yield
    }) : () -> ()
    %run_scoped3A_53 = arith.constant 0 : i32
    "tpu.region"() ({
      %run_scoped3A_66 = tpu.sem_alloc : memref<!tpu.dma_semaphore, #tpu.memory_space<semaphore_mem>>
      %dma_start3A_67 = arith.constant 0 : i32
      %dma_start3A_68 = arith.constant 0 : i32
      %dma_start3A_69 = tpu.memref_slice %arg10[%run_scoped3A_53, %dma_start3A_67, %dma_start3A_68] : memref<2x128x128xf32, #tpu.memory_space<vmem>> -> memref<1x128x128xf32, #tpu.memory_space<vmem>>
      %dma_start3A_70 = tpu.memref_squeeze %dma_start3A_69 : memref<1x128x128xf32, #tpu.memory_space<vmem>> -> memref<128x128xf32, #tpu.memory_space<vmem>>
      %dma_start3A_71 = arith.constant 0 : i32
      %dma_start3A_72 = tpu.memref_slice %arg6[%arg0, %add3A_51, %dma_start3A_71] : memref<2x10240x128xf32, #tpu.memory_space<hbm>> -> memref<1x128x128xf32, #tpu.memory_space<hbm>>
      %dma_start3A_73 = tpu.memref_squeeze %dma_start3A_72 : memref<1x128x128xf32, #tpu.memory_space<hbm>> -> memref<128x128xf32, #tpu.memory_space<hbm>>
      %dma_start3A_74 = arith.constant 0 : i32
      %dma_start3A_75 = tpu.memref_slice %arg6[%arg0, %add3A_51, %dma_start3A_74] : memref<2x10240x128xf32, #tpu.memory_space<hbm>> -> memref<1x128x128xf32, #tpu.memory_space<hbm>>
      %dma_start3A_76 = tpu.memref_squeeze %dma_start3A_75 : memref<1x128x128xf32, #tpu.memory_space<hbm>> -> memref<128x128xf32, #tpu.memory_space<hbm>>
      %dma_start3A_77 = arith.constant 0 : i32
      %dma_start3A_78 = arith.constant 0 : i32
      %dma_start3A_79 = tpu.memref_slice %arg10[%run_scoped3A_53, %dma_start3A_77, %dma_start3A_78] : memref<2x128x128xf32, #tpu.memory_space<vmem>> -> memref<1x128x128xf32, #tpu.memory_space<vmem>>
      %dma_start3A_80 = tpu.memref_squeeze %dma_start3A_79 : memref<1x128x128xf32, #tpu.memory_space<vmem>> -> memref<128x128xf32, #tpu.memory_space<vmem>>
      tpu.enqueue_dma source(%dma_start3A_80 : memref<128x128xf32, #tpu.memory_space<vmem>>) target(%dma_start3A_76 : memref<128x128xf32, #tpu.memory_space<hbm>>) target_semaphore(%run_scoped3A_66 : memref<!tpu.dma_semaphore, #tpu.memory_space<semaphore_mem>>)
      %dma_wait3A_81 = arith.constant 0 : i32
      %dma_wait3A_82 = arith.constant 0 : i32
      %dma_wait3A_83 = tpu.memref_slice %arg10[%run_scoped3A_53, %dma_wait3A_81, %dma_wait3A_82] : memref<2x128x128xf32, #tpu.memory_space<vmem>> -> memref<1x128x128xf32, #tpu.memory_space<vmem>>
      %dma_wait3A_84 = tpu.memref_squeeze %dma_wait3A_83 : memref<1x128x128xf32, #tpu.memory_space<vmem>> -> memref<128x128xf32, #tpu.memory_space<vmem>>
      %dma_wait3A_85 = arith.constant 0 : i32
      %dma_wait3A_86 = tpu.memref_slice %arg6[%arg0, %add3A_51, %dma_wait3A_85] : memref<2x10240x128xf32, #tpu.memory_space<hbm>> -> memref<1x128x128xf32, #tpu.memory_space<hbm>>
      %dma_wait3A_87 = tpu.memref_squeeze %dma_wait3A_86 : memref<1x128x128xf32, #tpu.memory_space<hbm>> -> memref<128x128xf32, #tpu.memory_space<hbm>>
      %dma_wait3A_88 = arith.constant 0 : i32
      %dma_wait3A_89 = tpu.memref_slice %arg6[%arg0, %add3A_51, %dma_wait3A_88] : memref<2x10240x128xf32, #tpu.memory_space<hbm>> -> memref<1x128x128xf32, #tpu.memory_space<hbm>>
      %dma_wait3A_90 = tpu.memref_squeeze %dma_wait3A_89 : memref<1x128x128xf32, #tpu.memory_space<hbm>> -> memref<128x128xf32, #tpu.memory_space<hbm>>
      %dma_wait3A_91 = arith.constant 0 : i32
      %dma_wait3A_92 = arith.constant 0 : i32
      %dma_wait3A_93 = tpu.memref_slice %arg10[%run_scoped3A_53, %dma_wait3A_91, %dma_wait3A_92] : memref<2x128x128xf32, #tpu.memory_space<vmem>> -> memref<1x128x128xf32, #tpu.memory_space<vmem>>
      %dma_wait3A_94 = tpu.memref_squeeze %dma_wait3A_93 : memref<1x128x128xf32, #tpu.memory_space<vmem>> -> memref<128x128xf32, #tpu.memory_space<vmem>>
      tpu.wait_dma2 semaphore(%run_scoped3A_66 : memref<!tpu.dma_semaphore, #tpu.memory_space<semaphore_mem>>) src(%dma_wait3A_94 : memref<128x128xf32, #tpu.memory_space<vmem>>) dst(%dma_wait3A_90 : memref<128x128xf32, #tpu.memory_space<hbm>>)
      tpu.yield
    }) : () -> ()
    %mul3A_54 = arith.constant 640 : i32
    %mul3A_55 = arith.muli %arg1, %mul3A_54 : i32
    %add3A_56 = arith.constant 384 : i32
    %add3A_57 = arith.addi %mul3A_55, %add3A_56 : i32
    %run_scoped3A_58 = arith.constant 0 : i32
    "tpu.region"() ({
      %run_scoped3A_66 = tpu.sem_alloc : memref<!tpu.dma_semaphore, #tpu.memory_space<semaphore_mem>>
      %dma_start3A_67 = arith.constant 0 : i32
      %dma_start3A_68 = arith.constant 0 : i32
      %dma_start3A_69 = tpu.memref_slice %arg10[%run_scoped3A_58, %dma_start3A_67, %dma_start3A_68] : memref<2x128x128xf32, #tpu.memory_space<vmem>> -> memref<1x128x128xf32, #tpu.memory_space<vmem>>
      %dma_start3A_70 = tpu.memref_squeeze %dma_start3A_69 : memref<1x128x128xf32, #tpu.memory_space<vmem>> -> memref<128x128xf32, #tpu.memory_space<vmem>>
      %dma_start3A_71 = arith.constant 0 : i32
      %dma_start3A_72 = tpu.memref_slice %arg7[%add3A_57, %dma_start3A_71] : memref<10240x128xf32, #tpu.memory_space<vmem_shared>> -> memref<128x128xf32, #tpu.memory_space<vmem_shared>>
      %dma_start3A_73 = arith.constant 0 : i32
      %dma_start3A_74 = arith.constant 0 : i32
      %dma_start3A_75 = tpu.memref_slice %arg10[%run_scoped3A_58, %dma_start3A_73, %dma_start3A_74] : memref<2x128x128xf32, #tpu.memory_space<vmem>> -> memref<1x128x128xf32, #tpu.memory_space<vmem>>
      %dma_start3A_76 = tpu.memref_squeeze %dma_start3A_75 : memref<1x128x128xf32, #tpu.memory_space<vmem>> -> memref<128x128xf32, #tpu.memory_space<vmem>>
      %dma_start3A_77 = arith.constant 0 : i32
      %dma_start3A_78 = tpu.memref_slice %arg7[%add3A_57, %dma_start3A_77] : memref<10240x128xf32, #tpu.memory_space<vmem_shared>> -> memref<128x128xf32, #tpu.memory_space<vmem_shared>>
      tpu.enqueue_dma source(%dma_start3A_78 : memref<128x128xf32, #tpu.memory_space<vmem_shared>>) target(%dma_start3A_76 : memref<128x128xf32, #tpu.memory_space<vmem>>) target_semaphore(%run_scoped3A_66 : memref<!tpu.dma_semaphore, #tpu.memory_space<semaphore_mem>>)
      %dma_wait3A_79 = arith.constant 0 : i32
      %dma_wait3A_80 = arith.constant 0 : i32
      %dma_wait3A_81 = tpu.memref_slice %arg10[%run_scoped3A_58, %dma_wait3A_79, %dma_wait3A_80] : memref<2x128x128xf32, #tpu.memory_space<vmem>> -> memref<1x128x128xf32, #tpu.memory_space<vmem>>
      %dma_wait3A_82 = tpu.memref_squeeze %dma_wait3A_81 : memref<1x128x128xf32, #tpu.memory_space<vmem>> -> memref<128x128xf32, #tpu.memory_space<vmem>>
      %dma_wait3A_83 = arith.constant 0 : i32
      %dma_wait3A_84 = tpu.memref_slice %arg7[%add3A_57, %dma_wait3A_83] : memref<10240x128xf32, #tpu.memory_space<vmem_shared>> -> memref<128x128xf32, #tpu.memory_space<vmem_shared>>
      %dma_wait3A_85 = arith.constant 0 : i32
      %dma_wait3A_86 = arith.constant 0 : i32
      %dma_wait3A_87 = tpu.memref_slice %arg10[%run_scoped3A_58, %dma_wait3A_85, %dma_wait3A_86] : memref<2x128x128xf32, #tpu.memory_space<vmem>> -> memref<1x128x128xf32, #tpu.memory_space<vmem>>
      %dma_wait3A_88 = tpu.memref_squeeze %dma_wait3A_87 : memref<1x128x128xf32, #tpu.memory_space<vmem>> -> memref<128x128xf32, #tpu.memory_space<vmem>>
      %dma_wait3A_89 = arith.constant 0 : i32
      %dma_wait3A_90 = tpu.memref_slice %arg7[%add3A_57, %dma_wait3A_89] : memref<10240x128xf32, #tpu.memory_space<vmem_shared>> -> memref<128x128xf32, #tpu.memory_space<vmem_shared>>
      tpu.wait_dma2 semaphore(%run_scoped3A_66 : memref<!tpu.dma_semaphore, #tpu.memory_space<semaphore_mem>>) src(%dma_wait3A_90 : memref<128x128xf32, #tpu.memory_space<vmem_shared>>) dst(%dma_wait3A_88 : memref<128x128xf32, #tpu.memory_space<vmem>>)
      tpu.yield
    }) : () -> ()
    %run_scoped3A_59 = arith.constant 0 : i32
    "tpu.region"() ({
      %run_scoped3A_66 = tpu.sem_alloc : memref<!tpu.dma_semaphore, #tpu.memory_space<semaphore_mem>>
      %dma_start3A_67 = arith.constant 0 : i32
      %dma_start3A_68 = arith.constant 0 : i32
      %dma_start3A_69 = tpu.memref_slice %arg10[%run_scoped3A_59, %dma_start3A_67, %dma_start3A_68] : memref<2x128x128xf32, #tpu.memory_space<vmem>> -> memref<1x128x128xf32, #tpu.memory_space<vmem>>
      %dma_start3A_70 = tpu.memref_squeeze %dma_start3A_69 : memref<1x128x128xf32, #tpu.memory_space<vmem>> -> memref<128x128xf32, #tpu.memory_space<vmem>>
      %dma_start3A_71 = arith.constant 0 : i32
      %dma_start3A_72 = tpu.memref_slice %arg6[%arg0, %add3A_57, %dma_start3A_71] : memref<2x10240x128xf32, #tpu.memory_space<hbm>> -> memref<1x128x128xf32, #tpu.memory_space<hbm>>
      %dma_start3A_73 = tpu.memref_squeeze %dma_start3A_72 : memref<1x128x128xf32, #tpu.memory_space<hbm>> -> memref<128x128xf32, #tpu.memory_space<hbm>>
      %dma_start3A_74 = arith.constant 0 : i32
      %dma_start3A_75 = tpu.memref_slice %arg6[%arg0, %add3A_57, %dma_start3A_74] : memref<2x10240x128xf32, #tpu.memory_space<hbm>> -> memref<1x128x128xf32, #tpu.memory_space<hbm>>
      %dma_start3A_76 = tpu.memref_squeeze %dma_start3A_75 : memref<1x128x128xf32, #tpu.memory_space<hbm>> -> memref<128x128xf32, #tpu.memory_space<hbm>>
      %dma_start3A_77 = arith.constant 0 : i32
      %dma_start3A_78 = arith.constant 0 : i32
      %dma_start3A_79 = tpu.memref_slice %arg10[%run_scoped3A_59, %dma_start3A_77, %dma_start3A_78] : memref<2x128x128xf32, #tpu.memory_space<vmem>> -> memref<1x128x128xf32, #tpu.memory_space<vmem>>
      %dma_start3A_80 = tpu.memref_squeeze %dma_start3A_79 : memref<1x128x128xf32, #tpu.memory_space<vmem>> -> memref<128x128xf32, #tpu.memory_space<vmem>>
      tpu.enqueue_dma source(%dma_start3A_80 : memref<128x128xf32, #tpu.memory_space<vmem>>) target(%dma_start3A_76 : memref<128x128xf32, #tpu.memory_space<hbm>>) target_semaphore(%run_scoped3A_66 : memref<!tpu.dma_semaphore, #tpu.memory_space<semaphore_mem>>)
      %dma_wait3A_81 = arith.constant 0 : i32
      %dma_wait3A_82 = arith.constant 0 : i32
      %dma_wait3A_83 = tpu.memref_slice %arg10[%run_scoped3A_59, %dma_wait3A_81, %dma_wait3A_82] : memref<2x128x128xf32, #tpu.memory_space<vmem>> -> memref<1x128x128xf32, #tpu.memory_space<vmem>>
      %dma_wait3A_84 = tpu.memref_squeeze %dma_wait3A_83 : memref<1x128x128xf32, #tpu.memory_space<vmem>> -> memref<128x128xf32, #tpu.memory_space<vmem>>
      %dma_wait3A_85 = arith.constant 0 : i32
      %dma_wait3A_86 = tpu.memref_slice %arg6[%arg0, %add3A_57, %dma_wait3A_85] : memref<2x10240x128xf32, #tpu.memory_space<hbm>> -> memref<1x128x128xf32, #tpu.memory_space<hbm>>
      %dma_wait3A_87 = tpu.memref_squeeze %dma_wait3A_86 : memref<1x128x128xf32, #tpu.memory_space<hbm>> -> memref<128x128xf32, #tpu.memory_space<hbm>>
      %dma_wait3A_88 = arith.constant 0 : i32
      %dma_wait3A_89 = tpu.memref_slice %arg6[%arg0, %add3A_57, %dma_wait3A_88] : memref<2x10240x128xf32, #tpu.memory_space<hbm>> -> memref<1x128x128xf32, #tpu.memory_space<hbm>>
      %dma_wait3A_90 = tpu.memref_squeeze %dma_wait3A_89 : memref<1x128x128xf32, #tpu.memory_space<hbm>> -> memref<128x128xf32, #tpu.memory_space<hbm>>
      %dma_wait3A_91 = arith.constant 0 : i32
      %dma_wait3A_92 = arith.constant 0 : i32
      %dma_wait3A_93 = tpu.memref_slice %arg10[%run_scoped3A_59, %dma_wait3A_91, %dma_wait3A_92] : memref<2x128x128xf32, #tpu.memory_space<vmem>> -> memref<1x128x128xf32, #tpu.memory_space<vmem>>
      %dma_wait3A_94 = tpu.memref_squeeze %dma_wait3A_93 : memref<1x128x128xf32, #tpu.memory_space<vmem>> -> memref<128x128xf32, #tpu.memory_space<vmem>>
      tpu.wait_dma2 semaphore(%run_scoped3A_66 : memref<!tpu.dma_semaphore, #tpu.memory_space<semaphore_mem>>) src(%dma_wait3A_94 : memref<128x128xf32, #tpu.memory_space<vmem>>) dst(%dma_wait3A_90 : memref<128x128xf32, #tpu.memory_space<hbm>>)
      tpu.yield
    }) : () -> ()
    %mul3A_60 = arith.constant 640 : i32
    %mul3A_61 = arith.muli %arg1, %mul3A_60 : i32
    %add3A_62 = arith.constant 512 : i32
    %add3A_63 = arith.addi %mul3A_61, %add3A_62 : i32
    %run_scoped3A_64 = arith.constant 0 : i32
    "tpu.region"() ({
      %run_scoped3A_66 = tpu.sem_alloc : memref<!tpu.dma_semaphore, #tpu.memory_space<semaphore_mem>>
      %dma_start3A_67 = arith.constant 0 : i32
      %dma_start3A_68 = arith.constant 0 : i32
      %dma_start3A_69 = tpu.memref_slice %arg10[%run_scoped3A_64, %dma_start3A_67, %dma_start3A_68] : memref<2x128x128xf32, #tpu.memory_space<vmem>> -> memref<1x128x128xf32, #tpu.memory_space<vmem>>
      %dma_start3A_70 = tpu.memref_squeeze %dma_start3A_69 : memref<1x128x128xf32, #tpu.memory_space<vmem>> -> memref<128x128xf32, #tpu.memory_space<vmem>>
      %dma_start3A_71 = arith.constant 0 : i32
      %dma_start3A_72 = tpu.memref_slice %arg7[%add3A_63, %dma_start3A_71] : memref<10240x128xf32, #tpu.memory_space<vmem_shared>> -> memref<128x128xf32, #tpu.memory_space<vmem_shared>>
      %dma_start3A_73 = arith.constant 0 : i32
      %dma_start3A_74 = arith.constant 0 : i32
      %dma_start3A_75 = tpu.memref_slice %arg10[%run_scoped3A_64, %dma_start3A_73, %dma_start3A_74] : memref<2x128x128xf32, #tpu.memory_space<vmem>> -> memref<1x128x128xf32, #tpu.memory_space<vmem>>
      %dma_start3A_76 = tpu.memref_squeeze %dma_start3A_75 : memref<1x128x128xf32, #tpu.memory_space<vmem>> -> memref<128x128xf32, #tpu.memory_space<vmem>>
      %dma_start3A_77 = arith.constant 0 : i32
      %dma_start3A_78 = tpu.memref_slice %arg7[%add3A_63, %dma_start3A_77] : memref<10240x128xf32, #tpu.memory_space<vmem_shared>> -> memref<128x128xf32, #tpu.memory_space<vmem_shared>>
      tpu.enqueue_dma source(%dma_start3A_78 : memref<128x128xf32, #tpu.memory_space<vmem_shared>>) target(%dma_start3A_76 : memref<128x128xf32, #tpu.memory_space<vmem>>) target_semaphore(%run_scoped3A_66 : memref<!tpu.dma_semaphore, #tpu.memory_space<semaphore_mem>>)
      %dma_wait3A_79 = arith.constant 0 : i32
      %dma_wait3A_80 = arith.constant 0 : i32
      %dma_wait3A_81 = tpu.memref_slice %arg10[%run_scoped3A_64, %dma_wait3A_79, %dma_wait3A_80] : memref<2x128x128xf32, #tpu.memory_space<vmem>> -> memref<1x128x128xf32, #tpu.memory_space<vmem>>
      %dma_wait3A_82 = tpu.memref_squeeze %dma_wait3A_81 : memref<1x128x128xf32, #tpu.memory_space<vmem>> -> memref<128x128xf32, #tpu.memory_space<vmem>>
      %dma_wait3A_83 = arith.constant 0 : i32
      %dma_wait3A_84 = tpu.memref_slice %arg7[%add3A_63, %dma_wait3A_83] : memref<10240x128xf32, #tpu.memory_space<vmem_shared>> -> memref<128x128xf32, #tpu.memory_space<vmem_shared>>
      %dma_wait3A_85 = arith.constant 0 : i32
      %dma_wait3A_86 = arith.constant 0 : i32
      %dma_wait3A_87 = tpu.memref_slice %arg10[%run_scoped3A_64, %dma_wait3A_85, %dma_wait3A_86] : memref<2x128x128xf32, #tpu.memory_space<vmem>> -> memref<1x128x128xf32, #tpu.memory_space<vmem>>
      %dma_wait3A_88 = tpu.memref_squeeze %dma_wait3A_87 : memref<1x128x128xf32, #tpu.memory_space<vmem>> -> memref<128x128xf32, #tpu.memory_space<vmem>>
      %dma_wait3A_89 = arith.constant 0 : i32
      %dma_wait3A_90 = tpu.memref_slice %arg7[%add3A_63, %dma_wait3A_89] : memref<10240x128xf32, #tpu.memory_space<vmem_shared>> -> memref<128x128xf32, #tpu.memory_space<vmem_shared>>
      tpu.wait_dma2 semaphore(%run_scoped3A_66 : memref<!tpu.dma_semaphore, #tpu.memory_space<semaphore_mem>>) src(%dma_wait3A_90 : memref<128x128xf32, #tpu.memory_space<vmem_shared>>) dst(%dma_wait3A_88 : memref<128x128xf32, #tpu.memory_space<vmem>>)
      tpu.yield
    }) : () -> ()
    %run_scoped3A_65 = arith.constant 0 : i32
    "tpu.region"() ({
      %run_scoped3A_66 = tpu.sem_alloc : memref<!tpu.dma_semaphore, #tpu.memory_space<semaphore_mem>>
      %dma_start3A_67 = arith.constant 0 : i32
      %dma_start3A_68 = arith.constant 0 : i32
      %dma_start3A_69 = tpu.memref_slice %arg10[%run_scoped3A_65, %dma_start3A_67, %dma_start3A_68] : memref<2x128x128xf32, #tpu.memory_space<vmem>> -> memref<1x128x128xf32, #tpu.memory_space<vmem>>
      %dma_start3A_70 = tpu.memref_squeeze %dma_start3A_69 : memref<1x128x128xf32, #tpu.memory_space<vmem>> -> memref<128x128xf32, #tpu.memory_space<vmem>>
      %dma_start3A_71 = arith.constant 0 : i32
      %dma_start3A_72 = tpu.memref_slice %arg6[%arg0, %add3A_63, %dma_start3A_71] : memref<2x10240x128xf32, #tpu.memory_space<hbm>> -> memref<1x128x128xf32, #tpu.memory_space<hbm>>
      %dma_start3A_73 = tpu.memref_squeeze %dma_start3A_72 : memref<1x128x128xf32, #tpu.memory_space<hbm>> -> memref<128x128xf32, #tpu.memory_space<hbm>>
      %dma_start3A_74 = arith.constant 0 : i32
      %dma_start3A_75 = tpu.memref_slice %arg6[%arg0, %add3A_63, %dma_start3A_74] : memref<2x10240x128xf32, #tpu.memory_space<hbm>> -> memref<1x128x128xf32, #tpu.memory_space<hbm>>
      %dma_start3A_76 = tpu.memref_squeeze %dma_start3A_75 : memref<1x128x128xf32, #tpu.memory_space<hbm>> -> memref<128x128xf32, #tpu.memory_space<hbm>>
      %dma_start3A_77 = arith.constant 0 : i32
      %dma_start3A_78 = arith.constant 0 : i32
      %dma_start3A_79 = tpu.memref_slice %arg10[%run_scoped3A_65, %dma_start3A_77, %dma_start3A_78] : memref<2x128x128xf32, #tpu.memory_space<vmem>> -> memref<1x128x128xf32, #tpu.memory_space<vmem>>
      %dma_start3A_80 = tpu.memref_squeeze %dma_start3A_79 : memref<1x128x128xf32, #tpu.memory_space<vmem>> -> memref<128x128xf32, #tpu.memory_space<vmem>>
      tpu.enqueue_dma source(%dma_start3A_80 : memref<128x128xf32, #tpu.memory_space<vmem>>) target(%dma_start3A_76 : memref<128x128xf32, #tpu.memory_space<hbm>>) target_semaphore(%run_scoped3A_66 : memref<!tpu.dma_semaphore, #tpu.memory_space<semaphore_mem>>)
      %dma_wait3A_81 = arith.constant 0 : i32
      %dma_wait3A_82 = arith.constant 0 : i32
      %dma_wait3A_83 = tpu.memref_slice %arg10[%run_scoped3A_65, %dma_wait3A_81, %dma_wait3A_82] : memref<2x128x128xf32, #tpu.memory_space<vmem>> -> memref<1x128x128xf32, #tpu.memory_space<vmem>>
      %dma_wait3A_84 = tpu.memref_squeeze %dma_wait3A_83 : memref<1x128x128xf32, #tpu.memory_space<vmem>> -> memref<128x128xf32, #tpu.memory_space<vmem>>
      %dma_wait3A_85 = arith.constant 0 : i32
      %dma_wait3A_86 = tpu.memref_slice %arg6[%arg0, %add3A_63, %dma_wait3A_85] : memref<2x10240x128xf32, #tpu.memory_space<hbm>> -> memref<1x128x128xf32, #tpu.memory_space<hbm>>
      %dma_wait3A_87 = tpu.memref_squeeze %dma_wait3A_86 : memref<1x128x128xf32, #tpu.memory_space<hbm>> -> memref<128x128xf32, #tpu.memory_space<hbm>>
      %dma_wait3A_88 = arith.constant 0 : i32
      %dma_wait3A_89 = tpu.memref_slice %arg6[%arg0, %add3A_63, %dma_wait3A_88] : memref<2x10240x128xf32, #tpu.memory_space<hbm>> -> memref<1x128x128xf32, #tpu.memory_space<hbm>>
      %dma_wait3A_90 = tpu.memref_squeeze %dma_wait3A_89 : memref<1x128x128xf32, #tpu.memory_space<hbm>> -> memref<128x128xf32, #tpu.memory_space<hbm>>
      %dma_wait3A_91 = arith.constant 0 : i32
      %dma_wait3A_92 = arith.constant 0 : i32
      %dma_wait3A_93 = tpu.memref_slice %arg10[%run_scoped3A_65, %dma_wait3A_91, %dma_wait3A_92] : memref<2x128x128xf32, #tpu.memory_space<vmem>> -> memref<1x128x128xf32, #tpu.memory_space<vmem>>
      %dma_wait3A_94 = tpu.memref_squeeze %dma_wait3A_93 : memref<1x128x128xf32, #tpu.memory_space<vmem>> -> memref<128x128xf32, #tpu.memory_space<vmem>>
      tpu.wait_dma2 semaphore(%run_scoped3A_66 : memref<!tpu.dma_semaphore, #tpu.memory_space<semaphore_mem>>) src(%dma_wait3A_94 : memref<128x128xf32, #tpu.memory_space<vmem>>) dst(%dma_wait3A_90 : memref<128x128xf32, #tpu.memory_space<hbm>>)
      tpu.yield
    }) : () -> ()
    return
  }
}

module attributes {stable_mosaic.version = 14 : i64} {
  func.func @_proj_body(%arg0: i32, %arg1: memref<2000x128xf32, #tpu.memory_space<vmem>>, %arg2: memref<128x128xf32, #tpu.memory_space<vmem>>, %arg3: memref<1x128xf32, #tpu.memory_space<vmem>>, %arg4: memref<2000x128xf32, #tpu.memory_space<vmem>>) attributes {dimension_semantics = [#tpu.dimension_semantics<arbitrary>], iteration_bounds = array<i64: 5>, scalar_prefetch = 0 : i64, scratch_operands = 0 : i64, tpu.core_type = #tpu.core_type<tc>, window_params = [{transform_indices = @transform_0, window_bounds = array<i64: 2000, 128>}, {pipeline_mode = #tpu.pipeline_mode<synchronous>, transform_indices = @transform_1, window_bounds = array<i64: 128, 128>}, {pipeline_mode = #tpu.pipeline_mode<synchronous>, transform_indices = @transform_2, window_bounds = array<i64: 1, 128>}, {transform_indices = @transform_3, window_bounds = array<i64: 2000, 128>}]} {
    %get3A = arith.constant 0 : index
    %get3A_0 = arith.constant 0 : index
    %get3A_1 = vector.load %arg1[%get3A, %get3A_0] : memref<2000x128xf32, #tpu.memory_space<vmem>>, vector<2000x128xf32>
    %get3A_2 = arith.constant 0 : index
    %get3A_3 = arith.constant 0 : index
    %get3A_4 = vector.load %arg2[%get3A_2, %get3A_3] : memref<128x128xf32, #tpu.memory_space<vmem>>, vector<128x128xf32>
    %dot_general3A = arith.constant dense<0.000000e+00> : vector<2000x128xf32>
    %dot_general3A_5 = tpu.matmul %get3A_1, %get3A_4, %dot_general3A {dimension_numbers = #tpu.dot_dimension_numbers<[1], [1], [0], [0], [0, 0, 1, 0], [], []>, transpose_lhs_hint = false} : vector<2000x128xf32>, vector<128x128xf32>, vector<2000x128xf32> -> vector<2000x128xf32>
    %get3A_6 = arith.constant 0 : index
    %get3A_7 = arith.constant 0 : index
    %get3A_8 = vector.load %arg3[%get3A_6, %get3A_7] : memref<1x128xf32, #tpu.memory_space<vmem>>, vector<1x128xf32>
    %add3A = vector.broadcast %get3A_8 : vector<1x128xf32> to vector<2000x128xf32>
    %add3A_9 = arith.addf %dot_general3A_5, %add3A : vector<2000x128xf32>
    %swap3A = arith.constant 0 : index
    %swap3A_10 = arith.constant 0 : index
    %swap3A_11 = vector.load %arg4[%swap3A, %swap3A_10] : memref<2000x128xf32, #tpu.memory_space<vmem>>, vector<2000x128xf32>
    tpu.vector_store %arg4[%swap3A, %swap3A_10], %add3A_9 {strides = array<i32>} : memref<2000x128xf32, #tpu.memory_space<vmem>>, vector<2000x128xf32>,
    return
  }
  func.func @transform_0(%arg0: i32) -> (i32, i32) {
    %c0_i32 = arith.constant 0 : i32
    %c0_i32_0 = arith.constant 0 : i32
    return %arg0, %c0_i32 : i32, i32
  }
  func.func @transform_1(%arg0: i32) -> (i32, i32) {
    %c0_i32 = arith.constant 0 : i32
    %c0_i32_0 = arith.constant 0 : i32
    %c0_i32_1 = arith.constant 0 : i32
    return %c0_i32, %c0_i32_0 : i32, i32
  }
  func.func @transform_2(%arg0: i32) -> (i32, i32) {
    %c0_i32 = arith.constant 0 : i32
    %c0_i32_0 = arith.constant 0 : i32
    %c0_i32_1 = arith.constant 0 : i32
    return %c0_i32, %c0_i32_0 : i32, i32
  }
  func.func @transform_3(%arg0: i32) -> (i32, i32) {
    %c0_i32 = arith.constant 0 : i32
    %c0_i32_0 = arith.constant 0 : i32
    return %arg0, %c0_i32 : i32, i32
  }
}

module attributes {stable_mosaic.version = 14 : i64} {
  func.func @_combine_body(%arg0: i32, %arg1: memref<2x2000x128xf32, #tpu.memory_space<vmem>>, %arg2: memref<1x1xf32, #tpu.memory_space<vmem>>, %arg3: memref<2000x128xf32, #tpu.memory_space<vmem>>) attributes {dimension_semantics = [#tpu.dimension_semantics<arbitrary>], iteration_bounds = array<i64: 5>, scalar_prefetch = 0 : i64, scratch_operands = 0 : i64, tpu.core_type = #tpu.core_type<tc>, window_params = [{transform_indices = @transform_0, window_bounds = array<i64: 2, 2000, 128>}, {pipeline_mode = #tpu.pipeline_mode<synchronous>, transform_indices = @transform_1, window_bounds = array<i64: 1, 1>}, {transform_indices = @transform_2, window_bounds = array<i64: 2000, 128>}]} {
    %get3A = arith.constant 0 : index
    %get3A_0 = arith.constant 0 : index
    %get3A_1 = arith.constant 0 : index
    %get3A_2 = vector.load %arg1[%get3A, %get3A_0, %get3A_1] : memref<2x2000x128xf32, #tpu.memory_space<vmem>>, vector<1x2000x128xf32>
    %get3A_3 = vector.shape_cast %get3A_2 : vector<1x2000x128xf32> to vector<2000x128xf32>
    %get3A_4 = arith.constant 1 : index
    %get3A_5 = arith.constant 0 : index
    %get3A_6 = arith.constant 0 : index
    %get3A_7 = vector.load %arg1[%get3A_4, %get3A_5, %get3A_6] : memref<2x2000x128xf32, #tpu.memory_space<vmem>>, vector<1x2000x128xf32>
    %get3A_8 = vector.shape_cast %get3A_7 : vector<1x2000x128xf32> to vector<2000x128xf32>
    %add3A = arith.addf %get3A_3, %get3A_8 : vector<2000x128xf32>
    %get3A_9 = arith.constant 0 : index
    %get3A_10 = arith.constant 0 : index
    %get3A_11 = vector.load %arg2[%get3A_9, %get3A_10] : memref<1x1xf32, #tpu.memory_space<vmem>>, vector<1x1xf32>
    %get3A_12 = vector.extract %get3A_11[0, 0] : f32 from vector<1x1xf32>
    %max3A = arith.constant 0.000000e+00 : f32
    %max3A_13 = vector.broadcast %max3A : f32 to vector<2000x128xf32>
    %max3A_14 = arith.maximumf %add3A, %max3A_13 : vector<2000x128xf32>
    %min3A = arith.constant 0.000000e+00 : f32
    %min3A_15 = vector.broadcast %min3A : f32 to vector<2000x128xf32>
    %min3A_16 = arith.minimumf %add3A, %min3A_15 : vector<2000x128xf32>
    %mul3A = vector.broadcast %get3A_12 : f32 to vector<2000x128xf32>
    %mul3A_17 = arith.mulf %mul3A, %min3A_16 : vector<2000x128xf32>
    %add3A_18 = arith.addf %max3A_14, %mul3A_17 : vector<2000x128xf32>
    %swap3A = arith.constant 0 : index
    %swap3A_19 = arith.constant 0 : index
    %swap3A_20 = vector.load %arg3[%swap3A, %swap3A_19] : memref<2000x128xf32, #tpu.memory_space<vmem>>, vector<2000x128xf32>
    tpu.vector_store %arg3[%swap3A, %swap3A_19], %add3A_18 {strides = array<i32>} : memref<2000x128xf32, #tpu.memory_space<vmem>>, vector<2000x128xf32>,
    return
  }
  func.func @transform_0(%arg0: i32) -> (i32, i32, i32) {
    %c0_i32 = arith.constant 0 : i32
    %c0_i32_0 = arith.constant 0 : i32
    %c0_i32_1 = arith.constant 0 : i32
    return %c0_i32, %arg0, %c0_i32_0 : i32, i32, i32
  }
  func.func @transform_1(%arg0: i32) -> (i32, i32) {
    %c0_i32 = arith.constant 0 : i32
    %c0_i32_0 = arith.constant 0 : i32
    %c0_i32_1 = arith.constant 0 : i32
    return %c0_i32, %c0_i32_0 : i32, i32
  }
  func.func @transform_2(%arg0: i32) -> (i32, i32) {
    %c0_i32 = arith.constant 0 : i32
    %c0_i32_0 = arith.constant 0 : i32
    return %arg0, %c0_i32 : i32, i32
  }
}

</mosaic_0001>

<sc_bundles>
// kernel: kernel.5.cloned.1.call-start
scs
__scs_entry_jumppad:
0x0: {  	(pc) =	sbr.rel $0x88, $3  }
0x1: {  	(tag) =	ssettag $0x0;
	lr =	simm.s32 $0x1  }
0x2: {  	[smem:$0x3F9B] =	sst lr;
	_ =	strace $0xD0000000  }
0x3: {  	_ = 	snop  }
0x4: {  	_ = 	snop  }
0x5: {  	_ = 	snop  }
0x6: {  	_ = 	snop  }
0x7: {  	_ = 	snop  }
__scs_overlays_trampoline_lowered:
0x8: {  	[smem:$0x3FAA] =	sst s0  }
0x9: {  	[smem:$0x3FAB] =	sst s1  }
0xa: {  	[smem:$0x3FAC] =	sst s2  }
0xb: {  	[smem:$0x3FAD] =	sst s3  }
0xc: {  	[smem:$0x3FAE] =	sst s4  }
0xd: {  	[smem:$0x3FAF] =	sst s5  }
0xe: {  	[smem:$0x3FB0] =	sst s6  }
0xf: {  	[smem:$0x3FB1] =	sst s7  }
0x10: {  	[smem:$0x3FB2] =	sst s8  }
0x11: {  	[smem:$0x3FB3] =	sst s9;
	s0 =	simm.s32 @!p0 $0x0  }
0x12: {  	s1 =	sld [smem:$0x3F99];
	s0 =	simm.s32 @p0 $0x1  }
0x13: {  	[smem:$0x3FB4] =	sst s0;
	s0 =	simm.s32 @!p1 $0x0  }
0x14: {  	s2 =	sld [smem:$0x3F98];
	s0 =	simm.s32 @p1 $0x1  }
0x15: {  	[smem:$0x3FB5] =	sst s0;
	s0 =	simm.s32 @!p2 $0x0  }
0x16: {  	s3 =	sld [smem:$0x3FDB];
	s0 =	simm.s32 @p2 $0x1  }
0x17: {  	s4 =	simm.s32 $0x1BF5;
	[smem:$0x3FB7] =	sst s0  }
0x18: {  	s0 =	sld [smem:$0x3F9A];
	_ =	swait.ge [sflag:s4], $0x0  }
0x19: {  	s7 =	sld [smem:$0x3F9B]  }
0x1a: {  	s8 =	sadd.s32 $0xFFFFE003, lr  }
0x1b: {  	s9 =	sadd.s32 $0xFFFFFEF7, lr;
	s5 =	simm.s32 $0xFFFFFFFF;
	p2 =	slt.u32 s8, $0xFFFFF086  }
0x1c: {  	p1 =	slt.u32 s9, $0xF7A;
	s5 =	simm.s32 @!p2 $0x0  }
0x1d: {  	s5 =	simm.s32 @p1 $0x1;
	p0 =	seq.s32 s7, s2  }
0x1e: {  	s7 =	smul.u32 @!p0 $0xF7A, s2;
	p2 =	seq.s32 @!p0 s5, $0x0  }
0x1f: {  	s9 =	smul.u32 $0xF7A, s1;
	s8 =	simm.s32 @!p0 $0x1BF5;
	p2 =	por !p2, p0  }
0x20: {  	[sflag:s8] =	ssyncset.s32 @!p0 $0xFFFFF086;
	s6 =	sadd.s32 @!p0 s3, s7;
	s7 =	simm.s32 @!p0 $0x108  }
0x21: {  	s3 =	sadd.s32 s3, s9;
	s6 =	sadd.s32 @!p0 $0x88, s6;
	s7 =	simm.s32 @p2 $0x1082  }
0x22: {  	[simem:s7], [sflag:s8] =	dma.local @!p0 [hbm:s6], $0xF7A  }
0x23: {  	s9 =	sor.u32 $0xD0000000, s2;
	s6 =	simm.s32 $0x108;
	_ =	swait.ge @!p0 [sflag:s8], $0x0  }
0x24: {  	s3 =	sadd.s32 $0x88, s3;
	s6 =	simm.s32 @!p1 $0x1082;
	[sflag:s4] =	ssyncset.s32 $0xFFFFF086  }
0x25: {  	[simem:s6], [sflag:s4] =	dma.local [hbm:s3], $0xF7A  }
0x26: {  	[smem:$0x3F9B] =	sst s1;
	(tag) =	ssettag s2;
	_ =	strace s9  }
0x27: {  	s1 =	sld [smem:$0x3FAB]  }
0x28: {  	s2 =	sld [smem:$0x3FAC]  }
0x29: {  	s4 =	sld [smem:$0x3FAE]  }
0x2a: {  	p0 =	seq.s32 s5, $0x0;
	s5 =	sld [smem:$0x3FAF]  }
0x2b: {  	s6 =	sld [smem:$0x3FB0]  }
0x2c: {  	s7 =	sld [smem:$0x3FB1]  }
0x2d: {  	s3 =	simm.s32 $0x108;
	s8 =	sld [smem:$0x3FB2]  }
0x2e: {  	s3 =	simm.s32 @!p0 $0x1082;
	s9 =	sld [smem:$0x3FB3]  }
0x2f: {  	lr =	sadd.s32 s0, s3;
	s0 =	sld [smem:$0x3FAA]  }
0x30: {  	s3 =	sld [smem:$0x3FAD]  }
0x31: {  	[smem:$0x3FB6] =	sst s10  }
0x32: {  	s10 =	sld [smem:$0x3FB4];
	_ =	sdelay $0x3  }
0x33: {  	p0 =	seq.s32 s10, $0x1;
	s10 =	sld [smem:$0x3FB6];
	_ =	sdelay $0x3  }
0x34: {  	[smem:$0x3FB6] =	sst s10  }
0x35: {  	s10 =	sld [smem:$0x3FB5];
	_ =	sdelay $0x3  }
0x36: {  	p1 =	seq.s32 s10, $0x1;
	s10 =	sld [smem:$0x3FB6];
	_ =	sdelay $0x3  }
0x37: {  	[smem:$0x3FB6] =	sst s10  }
0x38: {  	s10 =	sld [smem:$0x3FB7]  }
0x39: {  	_ = 	snop;
	(pc) =	sbr.ind lr, $3  }
0x3a: {  	_ = 	snop  }
0x3b: {  	_ = 	snop  }
0x3c: {  	p2 =	seq.s32 s10, $0x1;
	s10 =	sld [smem:$0x3FB6]  }
0x3d: {  	_ =	shalt  }
0x3e: {  	_ =	shalt  }
0x3f: {  	_ =	shalt  }
0x40: {  	_ =	shalt  }
0x41: {  	_ =	shalt  }
0x42: {  	_ =	shalt  }
0x43: {  	_ =	shalt  }
0x44: {  	_ =	shalt  }
0x45: {  	_ =	shalt  }
0x46: {  	_ =	shalt  }
0x47: {  	_ =	shalt  }
0x48: {  	_ =	shalt  }
0x49: {  	_ =	shalt  }
0x4a: {  	_ =	shalt  }
0x4b: {  	_ =	shalt  }
0x4c: {  	_ =	shalt  }
0x4d: {  	_ =	shalt  }
0x4e: {  	_ =	shalt  }
0x4f: {  	_ =	shalt  }
0x50: {  	_ =	shalt  }
0x51: {  	_ =	shalt  }
0x52: {  	_ =	shalt  }
0x53: {  	_ =	shalt  }
0x54: {  	_ =	shalt  }
0x55: {  	_ =	shalt  }
0x56: {  	_ =	shalt  }
0x57: {  	_ =	shalt  }
0x58: {  	_ =	shalt  }
0x59: {  	_ =	shalt  }
0x5a: {  	_ =	shalt  }
0x5b: {  	_ =	shalt  }
0x5c: {  	_ =	shalt  }
0x5d: {  	_ =	shalt  }
0x5e: {  	_ =	shalt  }
0x5f: {  	_ =	shalt  }
0x60: {  	_ =	shalt  }
0x61: {  	_ =	shalt  }
0x62: {  	_ =	shalt  }
0x63: {  	_ =	shalt  }
0x64: {  	_ =	shalt  }
0x65: {  	_ =	shalt  }
0x66: {  	_ =	shalt  }
0x67: {  	_ =	shalt  }
0x68: {  	_ =	shalt  }
0x69: {  	_ =	shalt  }
0x6a: {  	_ =	shalt  }
0x6b: {  	_ =	shalt  }
0x6c: {  	_ =	shalt  }
0x6d: {  	_ =	shalt  }
0x6e: {  	_ =	shalt  }
0x6f: {  	_ =	shalt  }
0x70: {  	_ =	shalt  }
0x71: {  	_ =	shalt  }
0x72: {  	_ =	shalt  }
0x73: {  	_ =	shalt  }
0x74: {  	_ =	shalt  }
0x75: {  	_ =	shalt  }
0x76: {  	_ =	shalt  }
0x77: {  	_ =	shalt  }
0x78: {  	_ =	shalt  }
0x79: {  	_ =	shalt  }
0x7a: {  	_ =	shalt  }
0x7b: {  	_ =	shalt  }
0x7c: {  	_ =	shalt  }
0x7d: {  	_ =	shalt  }
0x7e: {  	_ =	shalt  }
0x7f: {  	_ =	shalt  }
0x80: {  	_ =	shalt  }
0x81: {  	_ =	shalt  }
0x82: {  	_ =	shalt  }
0x83: {  	_ =	shalt  }
0x84: {  	_ =	shalt  }
0x85: {  	_ =	shalt  }
0x86: {  	_ =	shalt  }
0x87: {  	_ =	shalt  }
.Lfunc_end0:
.L_simem_size_0:
called_computation_lowered:
.L_overlay_start_0:
0x88: {  	s2 =	sld [smem:$0x3FD9]  }
0x89: {  	s3 =	sld [smem:$0x3FFE];
	_ =	sdelay $0x1  }
0x8a: {  	s1 =	srdreg.scid  }
0x8b: {  	s0 =	sand.u32 $0x1, s1  }
0x8c: {  	s17 =	sshll.u32 s0, $0xA;
	s2 =	sadd.s32 s3, s2  }
0x8d: {  	s2 =	sadd.s32 s2, s17  }
0x8e: {  	[smem:$0x3FC2] =	sst s2  }
0x8f: {  	_ = 	snop  }
0x90: {  	s2 =	sld [smem:$0x3FD0];
	(tm) =	ssettm $0x1  }
0x91: {  	s18 =	sld [smem:$0x3FFB];
	_ =	sdelay $0x3  }
0x92: {  	_ =	strace s18  }
0x93: {  	s3 =	sld [smem:$0x3FFC];
	_ =	sdelay $0x3  }
0x94: {  	_ =	strace s3  }
0x95: {  	s3 =	sld [smem:$0x3FFD];
	_ =	sdelay $0x3  }
0x96: {  	_ =	strace s3  }
0x97: {  	_ =	strace $0x8FFFFFFF  }
0x98: {  	s19 =	sld [smem:$0x3FDB];
	_ =	sdelay $0x1  }
0x99: {  	s4 =	simm.s32 $_scs_section_size  }
0x9a: {  	s5 =	simm.s32 $_size__tile_overlayer_lowered;
	s6 =	simm.s32 $_tile_overlayer_lowered  }
0x9b: {  	s22 =	simm.s32 $0x1BFF;
	s21 =	sshll.u32 s6, $0x1;
	s3 =	sadd.s32 s4, s19  }
0x9c: {  	s7 =	simm.s32 $0x0;
	s20 =	sshll.u32 s5, $0x1;
	s5 =	sadd.s32 s21, s3  }
0x9d: {  	[timem:s7], [sflag:s22] =	dma.local [hbm:s5], s20  }
0x9e: {  	_ =	swait.ge [sflag:s22], s20  }
0x9f: {  	s4 =	ssub.s32 $0x0, s20;
	[sflag:s22] =	ssyncset.done $0x0  }
0xa0: {  	[sflag:s22] =	ssyncadd.s32 s4;
	_ =	sdelay $0x1  }
0xa1: {  	s23 =	simm.s32 $0x1B8B  }
0xa2: {  	_ =	swait.ge [sflag:s23], $0x1  }
0xa3: {  	[sflag:s23] =	ssyncset.done $0x0  }
0xa4: {  	s25 =	simm.s32 $0x1B8E;
	s24 =	sld [smem:$0x3FFE];
	[sflag:s23] =	ssyncadd.s32 $0xFFFFFFFF  }
0xa5: {  	s26 =	simm.s32 $execute0_lowered;
	[smem:$0x3FD2] =	sst s25  }
0xa6: {  	s5 =	sshll.u32 s26, $0x1;
	_ =	strace $0x80000046;
	[dreg:$0x1] =	wrdreg $0xFFFFFFFF  }
0xa7: {  	s28 =	simm.s32 $_size_execute0_lowered;
	s3 =	sadd.s32 s3, s5;
	[dreg:$0x0] =	wrdreg $0x0  }
0xa8: {  	s5 =	sshll.u32 s28, $0x1;
	[dreg:$0x2] =	wrdreg s3  }
0xa9: {  	[dreg:$0x3] =	wrdreg s5  }
0xaa: {  	[dreg:$0x4] =	wrdreg $0xC0  }
0xab: {  	_ =	task [dreg:s7], $0x5FFFF  }
0xac: {  	[dreg:$0x1] =	wrdreg $0xFFFFFFFF  }
0xad: {  	[dreg:$0x0] =	wrdreg $0x60  }
0xae: {  	[dreg:$0x2] =	wrdreg s2  }
0xaf: {  	[dreg:$0x3] =	wrdreg s24  }
0xb0: {  	[dreg:$0x4] =	wrdreg $0x0  }
0xb1: {  	[dreg:$0x5] =	wrdreg $0x9  }
0xb2: {  	_ =	task.clear_ibuf [dreg:s7], $0x6FFFF;
	_ =	strace $0x90000046  }
0xb3: {  	s29 =	simm.s32 $0x9;
	_ =	strace $0x80000048  }
0xb4: {  	_ =	swait.ge [sflag:s29], $0x1  }
0xb5: {  	[sflag:s29] =	ssyncadd.s32 $0xFFFFFFFF  }
0xb6: {  	_ =	strace $0x90000048  }
0xb7: {  	_ =	sfence  }
0xb8: {  	s30 =	sld [smem:$0x0];
	_ =	sdelay $0x2  }
0xb9: {  	s31 =	sshll.u32 s1, $0xD;
	s1 =	sshrl.u32 s1, $0x2  }
0xba: {  	s3 =	sand.u32 $0x4000, s31;
	s1 =	sadd.s32 s1, s30  }
0xbb: {  	s0 =	sor.u32 s3, s0;
	s1 =	sshll.u32 s1, $0x11  }
0xbc: {  	s0 =	sor.u32 s1, s0  }
0xbd: {  	s0 =	sadd.s32 $0x8F2B, s0  }
0xbe: {  	[sflag:s0] =	ssyncadd.remote.s32 $0x1  }
0xbf: {  	_ =	sfence.sel $0xFFFF  }
0xc0: {  	[dreg:$0x0] =	wrdreg $0xFFFFFFFF;
	(pc) =	sbr.abs _section_cstart, $3  }
0xc1: {  	[dreg:$0x1] =	wrdreg $0xFFFFFFFF  }
0xc2: {  	_ =	task.clear_ibuf [dreg:s7], $0x2FFFF;
	_ =	strace $0x9FFFFFFF  }
0xc3: {  	(tm) =	ssettm $0x7FFFFFFF  }
tec
execute0_lowered:
.L_overlay_start_1:
0x0: {  	(tag) =	ssettag $0x1  }
0x1: {  	s1 =	rddreg [dreg:$0x0]  }
0x2: {  	s0 =	rddreg [dreg:$0x1]  }
0x3: {  	s2 =	rddreg [dreg:$0x2]  }
0x4: {  	s3 =	srdreg.scid;
	s4 =	simm.s32 $0x0;
	s13 =	stileid.u32  }
0x5: {  	s28 =	simm.s32 $0x14300;
	s29 =	simm.s32 $0x14100;
	s30 =	simm.s32 $0x14280  }
0x6: {  	s31 =	simm.s32 $0x18300;
	s3 =	sand.u32 $0x1, s3;
	[smem:$0x7FF] =	sst s4  }
0x7: {  	s7 =	sadd.s32 $0xE00, s0;
	s10 =	smul.u32 $0x50000, s13;
	s11 =	sadd.s32 $0x1EE00, s0  }
0x8: {  	s15 =	sshll.u32 s13, $0x6;
	s5 =	sshll.u32 s3, $0x4;
	_ =	strace $0x80000047  }
0x9: {  	s9 =	ssub.s32 $0x2, s3;
	[dreg:$0x4] =	wrdreg s11;
	s3 =	smul.u32 $0x140000, s3  }
0xa: {  	s8 =	sor.u32 s13, s5;
	s5 =	sadd.s32 $0xAE00, s0;
	s13 =	smul.u32 $0x14000, s13  }
0xb: {  	s26 =	sshrl.u32 s9, $0x1;
	s0 =	sadd.s32 $0x21600, s0;
	s6 =	smul.u32 $0x50, s8  }
0xc: {  	s14 =	sshrl.u32 s10, $0x2;
	s10 =	sor.u32 $0x1C03, s15;
	s12 =	smul.u32 $0xA00, s8  }
0xd: {  	s11 =	ssub.s32 s9, s26;
	s9 =	sadd.s32 s14, s2;
	[dreg:$0x5] =	wrdreg s10  }
0xe: {  	s8 =	smul.u32 $0x500, s8;
	s17 =	sadd.s32 s13, s3;
	s18 =	sadd.s32 $0x4000, s13  }
0xf: {  	s22 =	sadd.s32 $0x8000, s13;
	s24 =	sadd.s32 $0xC000, s13;
	s26 =	sadd.s32 $0x10000, s13  }
0x10: {  	s16 =	sadd.s32 s5, s12;
	s8 =	sadd.s32 s7, s8;
	s19 =	sshrl.u32 s17, $0x3  }
0x11: {  	s20 =	sadd.s32 s3, s18;
	s12 =	sadd.s32 s18, s2;
	s23 =	sadd.s32 s3, s22  }
0x12: {  	s10 =	sadd.s32 s22, s2;
	s25 =	sadd.s32 s3, s24;
	s18 =	sadd.s32 s24, s2  }
0x13: {  	s3 =	sadd.s32 s3, s26;
	s22 =	smax.u32 s11, $0x1;
	[dreg:$0x6] =	wrdreg s16  }
0x14: {  	s24 =	simm.s32 $0x14000;
	s11 =	simm.s32 $0x0;
	[dreg:$0x7] =	wrdreg s8  }
0x15: {  	s8 =	sadd.s32 s0, s19;
	s21 =	sshrl.u32 s20, $0x3;
	[dreg:$0x9] =	wrdreg s12  }
0x16: {  	v0 =	vimm.s32 $0x0;
	[dreg:$0xb] =	wrdreg s10;
	s20 =	sadd.s32 s26, s2;
	s3 =	sshrl.u32 s3, $0x3  }
0x17: {  	v1 =	vimm.s32 $0x1;
	v2 =	vimm.s32 $0x2;
	v3 =	vimm.s32 $0x3;
	s26 =	simm.s32 $0x80;
	s10 =	simm.s32 $0x14180;
	[dreg:$0x8] =	wrdreg s8  }
0x18: {  	v4 =	vimm.s32 $0x4;
	v5 =	vimm.s32 $0x5;
	v6 =	vimm.s32 $0x6;
	s8 =	sadd.s32 s0, s21;
	s21 =	sadd.s32 s0, s3;
	s3 =	simm.s32 $0x14080  }
0x19: {  	v7 =	vimm.s32 $0x7;
	v8 =	vimm.s32 $0x8;
	v9 =	vimm.s32 $0x9;
	[dreg:$0xa] =	wrdreg s8;
	s8 =	sshrl.u32 s23, $0x3;
	s23 =	simm.s32 $0x3  }
0x1a: {  	v10 =	vimm.s32 $0xA;
	v11 =	vimm.s32 $0xB;
	v12 =	vimm.s32 $0xC;
	s17 =	sadd.s32 s0, s8;
	s8 =	sshrl.u32 s25, $0x3;
	s25 =	simm.s32 $0x14200  }
0x1b: {  	v13 =	vimm.s32 $0xD;
	v14 =	vimm.s32 $0xE;
	v15 =	vimm.s32 $0xF;
	s19 =	sadd.s32 s0, s8;
	s0 =	simm.s32 $0x1;
	s8 =	simm.s32 $0x2  }
.LBB2_1:
0x1c: {  	s13 =	rddreg [dreg:$0x4]  }
0x1d: {  	s12 =	sshrl.u32 s9, $0x3;
	s14 =	rddreg [dreg:$0x5]  }
0x1e: {  	[spmem:s12], [sflag:s14] =	dma.local [hbm:s13], $0x2800  }
0x1f: {  	_ =	swait.ge [sflag:s23], $0x2800  }
0x20: {  	[sflag:s23] =	ssyncset.done $0x0  }
0x21: {  	[sflag:s23] =	ssyncadd.s32 $0xFFFFD800  }
0x22: {  	[bflag:$0x0] =	sbarrier.arrive $0xFFFF  }
0x23: {  	s15 =	rddreg [dreg:$0x6]  }
0x24: {  	[tilespmem:s24], [sflag:$0x3] =	stream.linear.gather [hbm4b:s15+s4], $0x100, $0x38;
	[tilespmem:$0x1C300] =	vst v63  }
0x25: {  	_ =	swait.ge [sflag:s23], $0x100  }
0x26: {  	[sflag:s23] =	ssyncset.done $0x0  }
0x27: {  	s16 =	rddreg [dreg:$0x7];
	[sflag:s23] =	ssyncadd.s32 $0xFFFFFF00  }
0x28: {  	[tilespmem:s25], [sflag:$0x3] =	stream.linear.gather [hbm4b:s16+s4], $0x80, $0x38;
	[tilespmem:$0x1C300] =	vst v63  }
0x29: {  	_ =	swait.ge [sflag:s23], $0x80  }
0x2a: {  	[sflag:s23] =	ssyncset.done $0x0  }
0x2b: {  	s12 =	simm.s32 $0x0;
	[sflag:s23] =	ssyncadd.s32 $0xFFFFFF80  }
0x2c: {  	[tilespmem:s28], [sflag:$0x1] =	stream.indirect.gather [hbm4b:s1+s26], $0x80, s24, s26, $0xb8;
	[tilespmem:$0x1C300] =	vst v63  }
.LBB2_2:
0x2d: {  	s13 =	sshll.u32 s12, $0x1  }
0x2e: {  	s13 =	sadd.s32 s6, s13  }
0x2f: {  	s15 =	sor.u32 $0x1, s13  }
0x30: {  	s14 =	sshll.u32 s15, $0x5  }
0x31: {  	s14 =	sand.u32 $0x1FFFFFE0, s14  }
0x32: {  	s16 =	sadd.s32 s5, s14;
	s14 =	simm.s32 $0x0  }
0x33: {  	[tilespmem:s29], [sflag:$0x3] =	stream.linear.gather [hbm4b:s16+s14], $0x100, $0x38;
	[tilespmem:$0x1C300] =	vst v63  }
0x34: {  	s16 =	sshll.u32 s13, $0x4  }
0x35: {  	s15 =	sshll.u32 s15, $0x4;
	_ =	swait.ge [sflag:s23], $0x100;
	s16 =	sand.u32 $0xFFFFF80, s16  }
0x36: {  	s15 =	sand.u32 $0x70, s15;
	[sflag:s23] =	ssyncset.done $0x0;
	s16 =	sadd.s32 s7, s16  }
0x37: {  	[sflag:s23] =	ssyncadd.s32 $0xFFFFFF00;
	s15 =	sadd.s32 s15, s16  }
0x38: {  	[tilespmem:s30], [sflag:$0x3] =	stream.linear.gather [hbm4b:s15+s14], $0x80, $0x38;
	[tilespmem:$0x1C300] =	vst v63  }
0x39: {  	_ =	swait.ge [sflag:s23], $0x80  }
0x3a: {  	[sflag:s23] =	ssyncset.done $0x0  }
0x3b: {  	[sflag:s23] =	ssyncadd.s32 $0xFFFFFF80  }
0x3c: {  	[tilespmem:s31], [sflag:$0x2] =	stream.indirect.gather [hbm4b:s1+s26], $0x80, s29, s26, $0xb8;
	[tilespmem:$0x1C300] =	vst v63  }
0x3d: {  	_ =	swait.ge [sflag:s0], $0x4000  }
0x3e: {  	[sflag:s0] =	ssyncset.done $0x0  }
0x3f: {  	[sflag:s0] =	ssyncadd.s32 $0xFFFFC000  }
.LBB2_3:
0x40: {  	s15 =	sshll.u32 s14, $0x4  }
0x41: {  	s15 =	sand.u32 $0x3FFFFFF0, s15  }
0x42: {  	s16 =	sshll.u32 s14, $0xB;
	v16 =	vld [tilespmem:s15+$0x14200]  }
0x43: {  	s15 =	sand.u32 $0x3FFFF800, s16  }
0x44: {  	v17 =	vld [tilespmem:s15+$0x14300]  }
0x45: {  	v18 =	vld [tilespmem:s15+$0x14310]  }
0x46: {  	v19 =	vld [tilespmem:s15+$0x14320]  }
0x47: {  	v21 =	vld [tilespmem:s15+$0x14330];
	v20 =	vperm.xlane v16, v0  }
0x48: {  	v22 =	vld [tilespmem:s15+$0x14340]  }
0x49: {  	v23 =	vld [tilespmem:s15+$0x14350];
	v17 =	vmul.f32 v17, v20  }
0x4a: {  	v24 =	vld [tilespmem:s15+$0x14360];
	v18 =	vmul.f32 v18, v20  }
0x4b: {  	v48 =	vld [tilespmem:s15+$0x14370];
	[tilespmem:s15+$0x14300] =	vst v17;
	v17 =	vmul.f32 v19, v20  }
0x4c: {  	v50 =	vld [tilespmem:s15+$0x14380];
	v49 =	vmul.f32 v21, v20;
	[tilespmem:s15+$0x14310] =	vst v18  }
0x4d: {  	v51 =	vld [tilespmem:s15+$0x14390];
	[tilespmem:s15+$0x14320] =	vst v17;
	v17 =	vmul.f32 v22, v20  }
0x4e: {  	v53 =	vld [tilespmem:s15+$0x143A0];
	v52 =	vmul.f32 v23, v20;
	[tilespmem:s15+$0x14330] =	vst v49  }
0x4f: {  	v25 =	vld [tilespmem:s15+$0x143B0];
	v54 =	vperm.xlane v16, v1;
	[tilespmem:s15+$0x14340] =	vst v17;
	v17 =	vmul.f32 v24, v20  }
0x50: {  	v56 =	vld [tilespmem:s15+$0x143C0];
	v55 =	vmul.f32 v48, v20;
	[tilespmem:s15+$0x14350] =	vst v52  }
0x51: {  	v57 =	vld [tilespmem:s15+$0x143D0];
	[tilespmem:s15+$0x14360] =	vst v17;
	v17 =	vmul.f32 v50, v54  }
0x52: {  	v59 =	vld [tilespmem:s15+$0x143E0];
	v58 =	vmul.f32 v51, v54;
	[tilespmem:s15+$0x14370] =	vst v55  }
0x53: {  	v60 =	vld [tilespmem:s15+$0x143F0];
	[tilespmem:s15+$0x14380] =	vst v17;
	v17 =	vmul.f32 v53, v54  }
0x54: {  	v62 =	vld [tilespmem:s15+$0x14400];
	v61 =	vmul.f32 v25, v54;
	[tilespmem:s15+$0x14390] =	vst v58  }
0x55: {  	v63 =	vld [tilespmem:s15+$0x14410];
	[tilespmem:s15+$0x143A0] =	vst v17;
	v17 =	vmul.f32 v56, v54  }
0x56: {  	v29 =	vld [tilespmem:s15+$0x14420];
	v28 =	vmul.f32 v57, v54;
	[tilespmem:s15+$0x143B0] =	vst v61  }
0x57: {  	v31 =	vld [tilespmem:s15+$0x14430];
	v30 =	vperm.xlane v16, v2;
	[tilespmem:s15+$0x143C0] =	vst v17;
	v17 =	vmul.f32 v59, v54  }
0x58: {  	v33 =	vld [tilespmem:s15+$0x14440];
	v32 =	vmul.f32 v60, v54;
	[tilespmem:s15+$0x143D0] =	vst v28  }
0x59: {  	v34 =	vld [tilespmem:s15+$0x14450];
	[tilespmem:s15+$0x143E0] =	vst v17;
	v17 =	vmul.f32 v62, v30  }
0x5a: {  	v36 =	vld [tilespmem:s15+$0x14460];
	v35 =	vmul.f32 v63, v30;
	[tilespmem:s15+$0x143F0] =	vst v32  }
0x5b: {  	v37 =	vld [tilespmem:s15+$0x14470];
	[tilespmem:s15+$0x14400] =	vst v17;
	v17 =	vmul.f32 v29, v30  }
0x5c: {  	v39 =	vld [tilespmem:s15+$0x14480];
	v38 =	vmul.f32 v31, v30;
	[tilespmem:s15+$0x14410] =	vst v35  }
0x5d: {  	v40 =	vld [tilespmem:s15+$0x14490];
	[tilespmem:s15+$0x14420] =	vst v17;
	v17 =	vmul.f32 v33, v30  }
0x5e: {  	v42 =	vld [tilespmem:s15+$0x144A0];
	v41 =	vmul.f32 v34, v30;
	[tilespmem:s15+$0x14430] =	vst v38  }
0x5f: {  	v44 =	vld [tilespmem:s15+$0x144B0];
	v43 =	vperm.xlane v16, v3;
	[tilespmem:s15+$0x14440] =	vst v17;
	v17 =	vmul.f32 v36, v30  }
0x60: {  	v46 =	vld [tilespmem:s15+$0x144C0];
	v45 =	vmul.f32 v37, v30;
	[tilespmem:s15+$0x14450] =	vst v41  }
0x61: {  	v50 =	vld [tilespmem:s15+$0x144F0];
	[tilespmem:s15+$0x14460] =	vst v17;
	v17 =	vmul.f32 v39, v43  }
0x62: {  	v48 =	vmul.f32 v40, v43;
	[tilespmem:s15+$0x14470] =	vst v45;
	v49 =	vld [tilespmem:s15+$0x144E0]  }
0x63: {  	v47 =	vld [tilespmem:s15+$0x144D0];
	[tilespmem:s15+$0x14480] =	vst v17;
	v17 =	vmul.f32 v42, v43  }
0x64: {  	v51 =	vmul.f32 v44, v43;
	[tilespmem:s15+$0x14490] =	vst v48;
	v52 =	vld [tilespmem:s15+$0x14500]  }
0x65: {  	v57 =	vld [tilespmem:s15+$0x14530];
	[tilespmem:s15+$0x144A0] =	vst v17;
	v17 =	vmul.f32 v46, v43  }
0x66: {  	[tilespmem:s15+$0x144B0] =	vst v51;
	v55 =	vld [tilespmem:s15+$0x14520];
	v58 =	vmul.f32 v50, v43  }
0x67: {  	v60 =	vld [tilespmem:s15+$0x14550];
	v56 =	vperm.xlane v16, v4;
	[tilespmem:s15+$0x144C0] =	vst v17;
	v17 =	vmul.f32 v49, v43  }
0x68: {  	v54 =	vmul.f32 v47, v43;
	v59 =	vld [tilespmem:s15+$0x14540];
	[tilespmem:s15+$0x144F0] =	vst v58  }
0x69: {  	v63 =	vld [tilespmem:s15+$0x14570];
	[tilespmem:s15+$0x144E0] =	vst v17;
	v17 =	vmul.f32 v52, v56  }
0x6a: {  	v28 =	vmul.f32 v57, v56;
	[tilespmem:s15+$0x144D0] =	vst v54;
	v62 =	vld [tilespmem:s15+$0x14560]  }
0x6b: {  	v53 =	vld [tilespmem:s15+$0x14510];
	[tilespmem:s15+$0x14500] =	vst v17;
	v17 =	vmul.f32 v55, v56  }
0x6c: {  	v31 =	vmul.f32 v60, v56;
	[tilespmem:s15+$0x14530] =	vst v28;
	v29 =	vld [tilespmem:s15+$0x14580]  }
0x6d: {  	v34 =	vld [tilespmem:s15+$0x145B0];
	[tilespmem:s15+$0x14520] =	vst v17;
	v17 =	vmul.f32 v59, v56  }
0x6e: {  	v32 =	vld [tilespmem:s15+$0x145A0];
	v35 =	vmul.f32 v63, v56;
	[tilespmem:s15+$0x14550] =	vst v31  }
0x6f: {  	v37 =	vld [tilespmem:s15+$0x145D0];
	v33 =	vperm.xlane v16, v5;
	[tilespmem:s15+$0x14540] =	vst v17;
	v17 =	vmul.f32 v62, v56  }
0x70: {  	v61 =	vmul.f32 v53, v56;
	[tilespmem:s15+$0x14570] =	vst v35;
	v36 =	vld [tilespmem:s15+$0x145C0]  }
0x71: {  	v40 =	vld [tilespmem:s15+$0x145F0];
	[tilespmem:s15+$0x14560] =	vst v17;
	v17 =	vmul.f32 v29, v33  }
0x72: {  	[tilespmem:s15+$0x14510] =	vst v61;
	v41 =	vmul.f32 v34, v33;
	v39 =	vld [tilespmem:s15+$0x145E0]  }
0x73: {  	v30 =	vld [tilespmem:s15+$0x14590];
	[tilespmem:s15+$0x14580] =	vst v17;
	v17 =	vmul.f32 v32, v33  }
0x74: {  	v44 =	vmul.f32 v37, v33;
	[tilespmem:s15+$0x145B0] =	vst v41;
	v42 =	vld [tilespmem:s15+$0x14600]  }
0x75: {  	v47 =	vld [tilespmem:s15+$0x14630];
	[tilespmem:s15+$0x145A0] =	vst v17;
	v17 =	vmul.f32 v36, v33  }
0x76: {  	v45 =	vld [tilespmem:s15+$0x14620];
	v48 =	vmul.f32 v40, v33;
	[tilespmem:s15+$0x145D0] =	vst v44  }
0x77: {  	v50 =	vld [tilespmem:s15+$0x14650];
	v46 =	vperm.xlane v16, v6;
	[tilespmem:s15+$0x145C0] =	vst v17;
	v17 =	vmul.f32 v39, v33  }
0x78: {  	[tilespmem:s15+$0x145F0] =	vst v48;
	v38 =	vmul.f32 v30, v33;
	v49 =	vld [tilespmem:s15+$0x14640]  }
0x79: {  	v53 =	vld [tilespmem:s15+$0x14670];
	[tilespmem:s15+$0x145E0] =	vst v17;
	v17 =	vmul.f32 v42, v46  }
0x7a: {  	[tilespmem:s15+$0x14590] =	vst v38;
	v54 =	vmul.f32 v47, v46;
	v52 =	vld [tilespmem:s15+$0x14660]  }
0x7b: {  	v43 =	vld [tilespmem:s15+$0x14610];
	[tilespmem:s15+$0x14600] =	vst v17;
	v17 =	vmul.f32 v45, v46  }
0x7c: {  	v57 =	vmul.f32 v50, v46;
	[tilespmem:s15+$0x14630] =	vst v54;
	v55 =	vld [tilespmem:s15+$0x14680]  }
0x7d: {  	v60 =	vld [tilespmem:s15+$0x146B0];
	[tilespmem:s15+$0x14620] =	vst v17;
	v17 =	vmul.f32 v49, v46  }
0x7e: {  	v58 =	vld [tilespmem:s15+$0x146A0];
	v61 =	vmul.f32 v53, v46;
	[tilespmem:s15+$0x14650] =	vst v57  }
0x7f: {  	v63 =	vld [tilespmem:s15+$0x146D0];
	v59 =	vperm.xlane v16, v7;
	[tilespmem:s15+$0x14640] =	vst v17;
	v17 =	vmul.f32 v52, v46  }
0x80: {  	[tilespmem:s15+$0x14670] =	vst v61;
	v51 =	vmul.f32 v43, v46;
	v62 =	vld [tilespmem:s15+$0x146C0]  }
0x81: {  	v30 =	vld [tilespmem:s15+$0x146F0];
	[tilespmem:s15+$0x14660] =	vst v17;
	v17 =	vmul.f32 v55, v59  }
0x82: {  	[tilespmem:s15+$0x14610] =	vst v51;
	v31 =	vmul.f32 v60, v59;
	v29 =	vld [tilespmem:s15+$0x146E0]  }
0x83: {  	v56 =	vld [tilespmem:s15+$0x14690];
	[tilespmem:s15+$0x14680] =	vst v17;
	v17 =	vmul.f32 v58, v59  }
0x84: {  	v34 =	vmul.f32 v63, v59;
	[tilespmem:s15+$0x146B0] =	vst v31;
	v32 =	vld [tilespmem:s15+$0x14700]  }
0x85: {  	v37 =	vld [tilespmem:s15+$0x14730];
	[tilespmem:s15+$0x146A0] =	vst v17;
	v17 =	vmul.f32 v62, v59  }
0x86: {  	v35 =	vld [tilespmem:s15+$0x14720];
	v38 =	vmul.f32 v30, v59;
	[tilespmem:s15+$0x146D0] =	vst v34  }
0x87: {  	v40 =	vld [tilespmem:s15+$0x14750];
	v36 =	vperm.xlane v16, v8;
	[tilespmem:s15+$0x146C0] =	vst v17;
	v17 =	vmul.f32 v29, v59  }
0x88: {  	[tilespmem:s15+$0x146F0] =	vst v38;
	v28 =	vmul.f32 v56, v59;
	v39 =	vld [tilespmem:s15+$0x14740]  }
0x89: {  	v43 =	vld [tilespmem:s15+$0x14770];
	[tilespmem:s15+$0x146E0] =	vst v17;
	v17 =	vmul.f32 v32, v36  }
0x8a: {  	[tilespmem:s15+$0x14690] =	vst v28;
	v44 =	vmul.f32 v37, v36;
	v42 =	vld [tilespmem:s15+$0x14760]  }
0x8b: {  	v33 =	vld [tilespmem:s15+$0x14710];
	[tilespmem:s15+$0x14700] =	vst v17;
	v17 =	vmul.f32 v35, v36  }
0x8c: {  	v47 =	vmul.f32 v40, v36;
	[tilespmem:s15+$0x14730] =	vst v44;
	v45 =	vld [tilespmem:s15+$0x14780]  }
0x8d: {  	v50 =	vld [tilespmem:s15+$0x147B0];
	[tilespmem:s15+$0x14720] =	vst v17;
	v17 =	vmul.f32 v39, v36  }
0x8e: {  	v48 =	vld [tilespmem:s15+$0x147A0];
	v51 =	vmul.f32 v43, v36;
	[tilespmem:s15+$0x14750] =	vst v47  }
0x8f: {  	v53 =	vld [tilespmem:s15+$0x147D0];
	v49 =	vperm.xlane v16, v9;
	[tilespmem:s15+$0x14740] =	vst v17;
	v17 =	vmul.f32 v42, v36  }
0x90: {  	[tilespmem:s15+$0x14770] =	vst v51;
	v41 =	vmul.f32 v33, v36;
	v52 =	vld [tilespmem:s15+$0x147C0]  }
0x91: {  	v56 =	vld [tilespmem:s15+$0x147F0];
	[tilespmem:s15+$0x14760] =	vst v17;
	v17 =	vmul.f32 v45, v49  }
0x92: {  	[tilespmem:s15+$0x14710] =	vst v41;
	v57 =	vmul.f32 v50, v49;
	v55 =	vld [tilespmem:s15+$0x147E0]  }
0x93: {  	v46 =	vld [tilespmem:s15+$0x14790];
	[tilespmem:s15+$0x14780] =	vst v17;
	v17 =	vmul.f32 v48, v49  }
0x94: {  	v60 =	vmul.f32 v53, v49;
	[tilespmem:s15+$0x147B0] =	vst v57;
	v58 =	vld [tilespmem:s15+$0x14800]  }
0x95: {  	v63 =	vld [tilespmem:s15+$0x14830];
	[tilespmem:s15+$0x147A0] =	vst v17;
	v17 =	vmul.f32 v52, v49  }
0x96: {  	v61 =	vld [tilespmem:s15+$0x14820];
	v28 =	vmul.f32 v56, v49;
	[tilespmem:s15+$0x147D0] =	vst v60  }
0x97: {  	v30 =	vld [tilespmem:s15+$0x14850];
	v62 =	vperm.xlane v16, v10;
	[tilespmem:s15+$0x147C0] =	vst v17;
	v17 =	vmul.f32 v55, v49  }
0x98: {  	[tilespmem:s15+$0x147F0] =	vst v28;
	v54 =	vmul.f32 v46, v49;
	v29 =	vld [tilespmem:s15+$0x14840]  }
0x99: {  	v33 =	vld [tilespmem:s15+$0x14870];
	[tilespmem:s15+$0x147E0] =	vst v17;
	v17 =	vmul.f32 v58, v62  }
0x9a: {  	[tilespmem:s15+$0x14790] =	vst v54;
	v34 =	vmul.f32 v63, v62;
	v32 =	vld [tilespmem:s15+$0x14860]  }
0x9b: {  	v59 =	vld [tilespmem:s15+$0x14810];
	[tilespmem:s15+$0x14800] =	vst v17;
	v17 =	vmul.f32 v61, v62  }
0x9c: {  	v37 =	vmul.f32 v30, v62;
	[tilespmem:s15+$0x14830] =	vst v34;
	v35 =	vld [tilespmem:s15+$0x14880]  }
0x9d: {  	v40 =	vld [tilespmem:s15+$0x148B0];
	[tilespmem:s15+$0x14820] =	vst v17;
	v17 =	vmul.f32 v29, v62  }
0x9e: {  	v38 =	vld [tilespmem:s15+$0x148A0];
	v41 =	vmul.f32 v33, v62;
	[tilespmem:s15+$0x14850] =	vst v37  }
0x9f: {  	v43 =	vld [tilespmem:s15+$0x148D0];
	v39 =	vperm.xlane v16, v11;
	[tilespmem:s15+$0x14840] =	vst v17;
	v17 =	vmul.f32 v32, v62  }
0xa0: {  	[tilespmem:s15+$0x14870] =	vst v41;
	v31 =	vmul.f32 v59, v62;
	v42 =	vld [tilespmem:s15+$0x148C0]  }
0xa1: {  	v46 =	vld [tilespmem:s15+$0x148F0];
	[tilespmem:s15+$0x14860] =	vst v17;
	v17 =	vmul.f32 v35, v39  }
0xa2: {  	[tilespmem:s15+$0x14810] =	vst v31;
	v47 =	vmul.f32 v40, v39;
	v45 =	vld [tilespmem:s15+$0x148E0]  }
0xa3: {  	v36 =	vld [tilespmem:s15+$0x14890];
	[tilespmem:s15+$0x14880] =	vst v17;
	v17 =	vmul.f32 v38, v39  }
0xa4: {  	v50 =	vmul.f32 v43, v39;
	[tilespmem:s15+$0x148B0] =	vst v47;
	v48 =	vld [tilespmem:s15+$0x14900]  }
0xa5: {  	v53 =	vld [tilespmem:s15+$0x14930];
	[tilespmem:s15+$0x148A0] =	vst v17;
	v17 =	vmul.f32 v42, v39  }
0xa6: {  	v51 =	vld [tilespmem:s15+$0x14920];
	v54 =	vmul.f32 v46, v39;
	[tilespmem:s15+$0x148D0] =	vst v50  }
0xa7: {  	v56 =	vld [tilespmem:s15+$0x14950];
	v52 =	vperm.xlane v16, v12;
	[tilespmem:s15+$0x148C0] =	vst v17;
	v17 =	vmul.f32 v45, v39  }
0xa8: {  	[tilespmem:s15+$0x148F0] =	vst v54;
	v44 =	vmul.f32 v36, v39;
	v55 =	vld [tilespmem:s15+$0x14940]  }
0xa9: {  	v59 =	vld [tilespmem:s15+$0x14970];
	[tilespmem:s15+$0x148E0] =	vst v17;
	v17 =	vmul.f32 v48, v52  }
0xaa: {  	[tilespmem:s15+$0x14890] =	vst v44;
	v60 =	vmul.f32 v53, v52;
	v58 =	vld [tilespmem:s15+$0x14960]  }
0xab: {  	v49 =	vld [tilespmem:s15+$0x14910];
	[tilespmem:s15+$0x14900] =	vst v17;
	v17 =	vmul.f32 v51, v52  }
0xac: {  	v63 =	vmul.f32 v56, v52;
	[tilespmem:s15+$0x14930] =	vst v60;
	v61 =	vld [tilespmem:s15+$0x14980]  }
0xad: {  	v30 =	vld [tilespmem:s15+$0x149B0];
	[tilespmem:s15+$0x14920] =	vst v17;
	v17 =	vmul.f32 v55, v52  }
0xae: {  	v28 =	vld [tilespmem:s15+$0x149A0];
	v31 =	vmul.f32 v59, v52;
	[tilespmem:s15+$0x14950] =	vst v63  }
0xaf: {  	v33 =	vld [tilespmem:s15+$0x149D0];
	v29 =	vperm.xlane v16, v13;
	[tilespmem:s15+$0x14940] =	vst v17;
	v17 =	vmul.f32 v58, v52  }
0xb0: {  	[tilespmem:s15+$0x14970] =	vst v31;
	v57 =	vmul.f32 v49, v52;
	v32 =	vld [tilespmem:s15+$0x149C0]  }
0xb1: {  	v36 =	vld [tilespmem:s15+$0x149F0];
	[tilespmem:s15+$0x14960] =	vst v17;
	v17 =	vmul.f32 v61, v29  }
0xb2: {  	[tilespmem:s15+$0x14910] =	vst v57;
	v37 =	vmul.f32 v30, v29;
	v35 =	vld [tilespmem:s15+$0x149E0]  }
0xb3: {  	v62 =	vld [tilespmem:s15+$0x14990];
	[tilespmem:s15+$0x14980] =	vst v17;
	v17 =	vmul.f32 v28, v29  }
0xb4: {  	v40 =	vmul.f32 v33, v29;
	[tilespmem:s15+$0x149B0] =	vst v37;
	v38 =	vld [tilespmem:s15+$0x14A00]  }
0xb5: {  	v43 =	vld [tilespmem:s15+$0x14A30];
	[tilespmem:s15+$0x149A0] =	vst v17;
	v17 =	vmul.f32 v32, v29  }
0xb6: {  	v41 =	vld [tilespmem:s15+$0x14A20];
	v44 =	vmul.f32 v36, v29;
	[tilespmem:s15+$0x149D0] =	vst v40  }
0xb7: {  	v46 =	vld [tilespmem:s15+$0x14A50];
	v42 =	vperm.xlane v16, v14;
	[tilespmem:s15+$0x149C0] =	vst v17;
	v17 =	vmul.f32 v35, v29  }
0xb8: {  	[tilespmem:s15+$0x149F0] =	vst v44;
	v34 =	vmul.f32 v62, v29;
	v45 =	vld [tilespmem:s15+$0x14A40]  }
0xb9: {  	v49 =	vld [tilespmem:s15+$0x14A70];
	[tilespmem:s15+$0x149E0] =	vst v17;
	v17 =	vmul.f32 v38, v42  }
0xba: {  	[tilespmem:s15+$0x14990] =	vst v34;
	v50 =	vmul.f32 v43, v42;
	v48 =	vld [tilespmem:s15+$0x14A60]  }
0xbb: {  	v39 =	vld [tilespmem:s15+$0x14A10];
	[tilespmem:s15+$0x14A00] =	vst v17;
	v17 =	vmul.f32 v41, v42  }
0xbc: {  	v53 =	vmul.f32 v46, v42;
	[tilespmem:s15+$0x14A30] =	vst v50;
	v51 =	vld [tilespmem:s15+$0x14A80]  }
0xbd: {  	v55 =	vld [tilespmem:s15+$0x14AB0];
	[tilespmem:s15+$0x14A20] =	vst v17;
	v17 =	vmul.f32 v45, v42  }
0xbe: {  	v54 =	vld [tilespmem:s15+$0x14AA0];
	v56 =	vmul.f32 v49, v42;
	[tilespmem:s15+$0x14A50] =	vst v53  }
0xbf: {  	v16 =	vperm.xlane v16, v15;
	v52 =	vld [tilespmem:s15+$0x14A90];
	[tilespmem:s15+$0x14A40] =	vst v17;
	v17 =	vmul.f32 v48, v42  }
0xc0: {  	v57 =	vld [tilespmem:s15+$0x14AC0];
	[tilespmem:s15+$0x14A70] =	vst v56;
	v47 =	vmul.f32 v39, v42  }
0xc1: {  	v58 =	vld [tilespmem:s15+$0x14AD0];
	[tilespmem:s15+$0x14A60] =	vst v17;
	v17 =	vmul.f32 v51, v16  }
0xc2: {  	v60 =	vld [tilespmem:s15+$0x14AE0];
	[tilespmem:s15+$0x14A10] =	vst v47;
	v62 =	vmul.f32 v55, v16  }
0xc3: {  	v61 =	vld [tilespmem:s15+$0x14AF0];
	[tilespmem:s15+$0x14A80] =	vst v17;
	v17 =	vmul.f32 v54, v16  }
0xc4: {  	v59 =	vmul.f32 v52, v16;
	[tilespmem:s15+$0x14AB0] =	vst v62  }
0xc5: {  	p0 =	sne.s32 s14, $0x7;
	[tilespmem:s15+$0x14AA0] =	vst v17;
	v17 =	vmul.f32 v57, v16  }
.Ltmp0:
0xc6: {  	v63 =	vmul.f32 v58, v16;
	[tilespmem:s15+$0x14A90] =	vst v59;
	(pc) =	sbr.rel @p0 .LBB2_3-.Ltmp0, $4  }
0xc7: {  	[tilespmem:s15+$0x14AC0] =	vst v17;
	v17 =	vmul.f32 v60, v16  }
0xc8: {  	[tilespmem:s15+$0x14AD0] =	vst v63;
	v16 =	vmul.f32 v61, v16  }
0xc9: {  	[tilespmem:s15+$0x14AE0] =	vst v17  }
0xca: {  	s14 =	sadd.s32 $0x1, s14;
	[tilespmem:s15+$0x14AF0] =	vst v16  }
0xcb: {  	[spmem:s2] =	stream.indirect.scatter.add.f32 [tilespmem:s28], [sflag:$0x3], $0x80, s3, s26, $0xb8;
	[tilespmem:$0x1C300] =	vst v63  }
0xcc: {  	s14 =	sadd.s32 $0x2, s13  }
0xcd: {  	p0 =	seq.s32 s14, $0xA00  }
0xce: {  	_ =	swait.ge [sflag:s23], $0x4000;
	s14 =	simm.s32 @p0 $0x0  }
0xcf: {  	[sflag:s23] =	ssyncset.done $0x0;
	s16 =	sshll.u32 s14, $0x5  }
0xd0: {  	s13 =	simm.s32 $0x0;
	[sflag:s23] =	ssyncadd.s32 $0xFFFFC000;
	s15 =	sadd.s32 s5, s16  }
0xd1: {  	[tilespmem:s24], [sflag:$0x3] =	stream.linear.gather [hbm4b:s15+s13], $0x100, $0x38;
	[tilespmem:$0x1C300] =	vst v63  }
0xd2: {  	_ =	swait.ge [sflag:s23], $0x100  }
0xd3: {  	s14 =	sshll.u32 s14, $0x4;
	[sflag:s23] =	ssyncset.done $0x0  }
0xd4: {  	s14 =	sadd.s32 s7, s14;
	[sflag:s23] =	ssyncadd.s32 $0xFFFFFF00  }
0xd5: {  	[tilespmem:s25], [sflag:$0x3] =	stream.linear.gather [hbm4b:s14+s13], $0x80, $0x38;
	[tilespmem:$0x1C300] =	vst v63  }
0xd6: {  	_ =	swait.ge [sflag:s23], $0x80  }
0xd7: {  	[sflag:s23] =	ssyncset.done $0x0  }
0xd8: {  	[sflag:s23] =	ssyncadd.s32 $0xFFFFFF80  }
0xd9: {  	[tilespmem:s28], [sflag:$0x1] =	stream.indirect.gather [hbm4b:s1+s26], $0x80, s24, s26, $0xb8;
	[tilespmem:$0x1C300] =	vst v63  }
0xda: {  	_ =	swait.ge [sflag:s8], $0x4000  }
0xdb: {  	[sflag:s8] =	ssyncset.done $0x0  }
0xdc: {  	[sflag:s8] =	ssyncadd.s32 $0xFFFFC000  }
.LBB2_5:
0xdd: {  	s14 =	sshll.u32 s13, $0x4  }
0xde: {  	s14 =	sand.u32 $0x3FFFFFF0, s14  }
0xdf: {  	s16 =	sshll.u32 s13, $0xB;
	v16 =	vld [tilespmem:s14+$0x14280]  }
0xe0: {  	s14 =	sand.u32 $0x3FFFF800, s16  }
0xe1: {  	v17 =	vld [tilespmem:s14+$0x18300]  }
0xe2: {  	v18 =	vld [tilespmem:s14+$0x18310]  }
0xe3: {  	v19 =	vld [tilespmem:s14+$0x18320]  }
0xe4: {  	v21 =	vld [tilespmem:s14+$0x18330];
	v20 =	vperm.xlane v16, v0  }
0xe5: {  	v22 =	vld [tilespmem:s14+$0x18340]  }
0xe6: {  	v23 =	vld [tilespmem:s14+$0x18350];
	v17 =	vmul.f32 v17, v20  }
0xe7: {  	v24 =	vld [tilespmem:s14+$0x18360];
	v18 =	vmul.f32 v18, v20  }
0xe8: {  	v48 =	vld [tilespmem:s14+$0x18370];
	[tilespmem:s14+$0x18300] =	vst v17;
	v17 =	vmul.f32 v19, v20  }
0xe9: {  	v50 =	vld [tilespmem:s14+$0x18380];
	v49 =	vmul.f32 v21, v20;
	[tilespmem:s14+$0x18310] =	vst v18  }
0xea: {  	v51 =	vld [tilespmem:s14+$0x18390];
	[tilespmem:s14+$0x18320] =	vst v17;
	v17 =	vmul.f32 v22, v20  }
0xeb: {  	v53 =	vld [tilespmem:s14+$0x183A0];
	v52 =	vmul.f32 v23, v20;
	[tilespmem:s14+$0x18330] =	vst v49  }
0xec: {  	v25 =	vld [tilespmem:s14+$0x183B0];
	v54 =	vperm.xlane v16, v1;
	[tilespmem:s14+$0x18340] =	vst v17;
	v17 =	vmul.f32 v24, v20  }
0xed: {  	v56 =	vld [tilespmem:s14+$0x183C0];
	v55 =	vmul.f32 v48, v20;
	[tilespmem:s14+$0x18350] =	vst v52  }
0xee: {  	v57 =	vld [tilespmem:s14+$0x183D0];
	[tilespmem:s14+$0x18360] =	vst v17;
	v17 =	vmul.f32 v50, v54  }
0xef: {  	v59 =	vld [tilespmem:s14+$0x183E0];
	v58 =	vmul.f32 v51, v54;
	[tilespmem:s14+$0x18370] =	vst v55  }
0xf0: {  	v60 =	vld [tilespmem:s14+$0x183F0];
	[tilespmem:s14+$0x18380] =	vst v17;
	v17 =	vmul.f32 v53, v54  }
0xf1: {  	v62 =	vld [tilespmem:s14+$0x18400];
	v61 =	vmul.f32 v25, v54;
	[tilespmem:s14+$0x18390] =	vst v58  }
0xf2: {  	v63 =	vld [tilespmem:s14+$0x18410];
	[tilespmem:s14+$0x183A0] =	vst v17;
	v17 =	vmul.f32 v56, v54  }
0xf3: {  	v29 =	vld [tilespmem:s14+$0x18420];
	v28 =	vmul.f32 v57, v54;
	[tilespmem:s14+$0x183B0] =	vst v61  }
0xf4: {  	v31 =	vld [tilespmem:s14+$0x18430];
	v30 =	vperm.xlane v16, v2;
	[tilespmem:s14+$0x183C0] =	vst v17;
	v17 =	vmul.f32 v59, v54  }
0xf5: {  	v33 =	vld [tilespmem:s14+$0x18440];
	v32 =	vmul.f32 v60, v54;
	[tilespmem:s14+$0x183D0] =	vst v28  }
0xf6: {  	v34 =	vld [tilespmem:s14+$0x18450];
	[tilespmem:s14+$0x183E0] =	vst v17;
	v17 =	vmul.f32 v62, v30  }
0xf7: {  	v36 =	vld [tilespmem:s14+$0x18460];
	v35 =	vmul.f32 v63, v30;
	[tilespmem:s14+$0x183F0] =	vst v32  }
0xf8: {  	v37 =	vld [tilespmem:s14+$0x18470];
	[tilespmem:s14+$0x18400] =	vst v17;
	v17 =	vmul.f32 v29, v30  }
0xf9: {  	v39 =	vld [tilespmem:s14+$0x18480];
	v38 =	vmul.f32 v31, v30;
	[tilespmem:s14+$0x18410] =	vst v35  }
0xfa: {  	v40 =	vld [tilespmem:s14+$0x18490];
	[tilespmem:s14+$0x18420] =	vst v17;
	v17 =	vmul.f32 v33, v30  }
0xfb: {  	v42 =	vld [tilespmem:s14+$0x184A0];
	v41 =	vmul.f32 v34, v30;
	[tilespmem:s14+$0x18430] =	vst v38  }
0xfc: {  	v44 =	vld [tilespmem:s14+$0x184B0];
	v43 =	vperm.xlane v16, v3;
	[tilespmem:s14+$0x18440] =	vst v17;
	v17 =	vmul.f32 v36, v30  }
0xfd: {  	v46 =	vld [tilespmem:s14+$0x184C0];
	v45 =	vmul.f32 v37, v30;
	[tilespmem:s14+$0x18450] =	vst v41  }
0xfe: {  	v50 =	vld [tilespmem:s14+$0x184F0];
	[tilespmem:s14+$0x18460] =	vst v17;
	v17 =	vmul.f32 v39, v43  }
0xff: {  	v48 =	vmul.f32 v40, v43;
	[tilespmem:s14+$0x18470] =	vst v45;
	v49 =	vld [tilespmem:s14+$0x184E0]  }
0x100: {  	v47 =	vld [tilespmem:s14+$0x184D0];
	[tilespmem:s14+$0x18480] =	vst v17;
	v17 =	vmul.f32 v42, v43  }
0x101: {  	v51 =	vmul.f32 v44, v43;
	[tilespmem:s14+$0x18490] =	vst v48;
	v52 =	vld [tilespmem:s14+$0x18500]  }
0x102: {  	v57 =	vld [tilespmem:s14+$0x18530];
	[tilespmem:s14+$0x184A0] =	vst v17;
	v17 =	vmul.f32 v46, v43  }
0x103: {  	[tilespmem:s14+$0x184B0] =	vst v51;
	v55 =	vld [tilespmem:s14+$0x18520];
	v58 =	vmul.f32 v50, v43  }
0x104: {  	v60 =	vld [tilespmem:s14+$0x18550];
	v56 =	vperm.xlane v16, v4;
	[tilespmem:s14+$0x184C0] =	vst v17;
	v17 =	vmul.f32 v49, v43  }
0x105: {  	v54 =	vmul.f32 v47, v43;
	v59 =	vld [tilespmem:s14+$0x18540];
	[tilespmem:s14+$0x184F0] =	vst v58  }
0x106: {  	v63 =	vld [tilespmem:s14+$0x18570];
	[tilespmem:s14+$0x184E0] =	vst v17;
	v17 =	vmul.f32 v52, v56  }
0x107: {  	v28 =	vmul.f32 v57, v56;
	[tilespmem:s14+$0x184D0] =	vst v54;
	v62 =	vld [tilespmem:s14+$0x18560]  }
0x108: {  	v53 =	vld [tilespmem:s14+$0x18510];
	[tilespmem:s14+$0x18500] =	vst v17;
	v17 =	vmul.f32 v55, v56  }
0x109: {  	v31 =	vmul.f32 v60, v56;
	[tilespmem:s14+$0x18530] =	vst v28;
	v29 =	vld [tilespmem:s14+$0x18580]  }
0x10a: {  	v34 =	vld [tilespmem:s14+$0x185B0];
	[tilespmem:s14+$0x18520] =	vst v17;
	v17 =	vmul.f32 v59, v56  }
0x10b: {  	v32 =	vld [tilespmem:s14+$0x185A0];
	v35 =	vmul.f32 v63, v56;
	[tilespmem:s14+$0x18550] =	vst v31  }
0x10c: {  	v37 =	vld [tilespmem:s14+$0x185D0];
	v33 =	vperm.xlane v16, v5;
	[tilespmem:s14+$0x18540] =	vst v17;
	v17 =	vmul.f32 v62, v56  }
0x10d: {  	v61 =	vmul.f32 v53, v56;
	[tilespmem:s14+$0x18570] =	vst v35;
	v36 =	vld [tilespmem:s14+$0x185C0]  }
0x10e: {  	v40 =	vld [tilespmem:s14+$0x185F0];
	[tilespmem:s14+$0x18560] =	vst v17;
	v17 =	vmul.f32 v29, v33  }
0x10f: {  	[tilespmem:s14+$0x18510] =	vst v61;
	v41 =	vmul.f32 v34, v33;
	v39 =	vld [tilespmem:s14+$0x185E0]  }
0x110: {  	v30 =	vld [tilespmem:s14+$0x18590];
	[tilespmem:s14+$0x18580] =	vst v17;
	v17 =	vmul.f32 v32, v33  }
0x111: {  	v44 =	vmul.f32 v37, v33;
	[tilespmem:s14+$0x185B0] =	vst v41;
	v42 =	vld [tilespmem:s14+$0x18600]  }
0x112: {  	v47 =	vld [tilespmem:s14+$0x18630];
	[tilespmem:s14+$0x185A0] =	vst v17;
	v17 =	vmul.f32 v36, v33  }
0x113: {  	v45 =	vld [tilespmem:s14+$0x18620];
	v48 =	vmul.f32 v40, v33;
	[tilespmem:s14+$0x185D0] =	vst v44  }
0x114: {  	v50 =	vld [tilespmem:s14+$0x18650];
	v46 =	vperm.xlane v16, v6;
	[tilespmem:s14+$0x185C0] =	vst v17;
	v17 =	vmul.f32 v39, v33  }
0x115: {  	[tilespmem:s14+$0x185F0] =	vst v48;
	v38 =	vmul.f32 v30, v33;
	v49 =	vld [tilespmem:s14+$0x18640]  }
0x116: {  	v53 =	vld [tilespmem:s14+$0x18670];
	[tilespmem:s14+$0x185E0] =	vst v17;
	v17 =	vmul.f32 v42, v46  }
0x117: {  	[tilespmem:s14+$0x18590] =	vst v38;
	v54 =	vmul.f32 v47, v46;
	v52 =	vld [tilespmem:s14+$0x18660]  }
0x118: {  	v43 =	vld [tilespmem:s14+$0x18610];
	[tilespmem:s14+$0x18600] =	vst v17;
	v17 =	vmul.f32 v45, v46  }
0x119: {  	v57 =	vmul.f32 v50, v46;
	[tilespmem:s14+$0x18630] =	vst v54;
	v55 =	vld [tilespmem:s14+$0x18680]  }
0x11a: {  	v60 =	vld [tilespmem:s14+$0x186B0];
	[tilespmem:s14+$0x18620] =	vst v17;
	v17 =	vmul.f32 v49, v46  }
0x11b: {  	v58 =	vld [tilespmem:s14+$0x186A0];
	v61 =	vmul.f32 v53, v46;
	[tilespmem:s14+$0x18650] =	vst v57  }
0x11c: {  	v63 =	vld [tilespmem:s14+$0x186D0];
	v59 =	vperm.xlane v16, v7;
	[tilespmem:s14+$0x18640] =	vst v17;
	v17 =	vmul.f32 v52, v46  }
0x11d: {  	[tilespmem:s14+$0x18670] =	vst v61;
	v51 =	vmul.f32 v43, v46;
	v62 =	vld [tilespmem:s14+$0x186C0]  }
0x11e: {  	v30 =	vld [tilespmem:s14+$0x186F0];
	[tilespmem:s14+$0x18660] =	vst v17;
	v17 =	vmul.f32 v55, v59  }
0x11f: {  	[tilespmem:s14+$0x18610] =	vst v51;
	v31 =	vmul.f32 v60, v59;
	v29 =	vld [tilespmem:s14+$0x186E0]  }
0x120: {  	v56 =	vld [tilespmem:s14+$0x18690];
	[tilespmem:s14+$0x18680] =	vst v17;
	v17 =	vmul.f32 v58, v59  }
0x121: {  	v34 =	vmul.f32 v63, v59;
	[tilespmem:s14+$0x186B0] =	vst v31;
	v32 =	vld [tilespmem:s14+$0x18700]  }
0x122: {  	v37 =	vld [tilespmem:s14+$0x18730];
	[tilespmem:s14+$0x186A0] =	vst v17;
	v17 =	vmul.f32 v62, v59  }
0x123: {  	v35 =	vld [tilespmem:s14+$0x18720];
	v38 =	vmul.f32 v30, v59;
	[tilespmem:s14+$0x186D0] =	vst v34  }
0x124: {  	v40 =	vld [tilespmem:s14+$0x18750];
	v36 =	vperm.xlane v16, v8;
	[tilespmem:s14+$0x186C0] =	vst v17;
	v17 =	vmul.f32 v29, v59  }
0x125: {  	[tilespmem:s14+$0x186F0] =	vst v38;
	v28 =	vmul.f32 v56, v59;
	v39 =	vld [tilespmem:s14+$0x18740]  }
0x126: {  	v43 =	vld [tilespmem:s14+$0x18770];
	[tilespmem:s14+$0x186E0] =	vst v17;
	v17 =	vmul.f32 v32, v36  }
0x127: {  	[tilespmem:s14+$0x18690] =	vst v28;
	v44 =	vmul.f32 v37, v36;
	v42 =	vld [tilespmem:s14+$0x18760]  }
0x128: {  	v33 =	vld [tilespmem:s14+$0x18710];
	[tilespmem:s14+$0x18700] =	vst v17;
	v17 =	vmul.f32 v35, v36  }
0x129: {  	v47 =	vmul.f32 v40, v36;
	[tilespmem:s14+$0x18730] =	vst v44;
	v45 =	vld [tilespmem:s14+$0x18780]  }
0x12a: {  	v50 =	vld [tilespmem:s14+$0x187B0];
	[tilespmem:s14+$0x18720] =	vst v17;
	v17 =	vmul.f32 v39, v36  }
0x12b: {  	v48 =	vld [tilespmem:s14+$0x187A0];
	v51 =	vmul.f32 v43, v36;
	[tilespmem:s14+$0x18750] =	vst v47  }
0x12c: {  	v53 =	vld [tilespmem:s14+$0x187D0];
	v49 =	vperm.xlane v16, v9;
	[tilespmem:s14+$0x18740] =	vst v17;
	v17 =	vmul.f32 v42, v36  }
0x12d: {  	[tilespmem:s14+$0x18770] =	vst v51;
	v41 =	vmul.f32 v33, v36;
	v52 =	vld [tilespmem:s14+$0x187C0]  }
0x12e: {  	v56 =	vld [tilespmem:s14+$0x187F0];
	[tilespmem:s14+$0x18760] =	vst v17;
	v17 =	vmul.f32 v45, v49  }
0x12f: {  	[tilespmem:s14+$0x18710] =	vst v41;
	v57 =	vmul.f32 v50, v49;
	v55 =	vld [tilespmem:s14+$0x187E0]  }
0x130: {  	v46 =	vld [tilespmem:s14+$0x18790];
	[tilespmem:s14+$0x18780] =	vst v17;
	v17 =	vmul.f32 v48, v49  }
0x131: {  	v60 =	vmul.f32 v53, v49;
	[tilespmem:s14+$0x187B0] =	vst v57;
	v58 =	vld [tilespmem:s14+$0x18800]  }
0x132: {  	v63 =	vld [tilespmem:s14+$0x18830];
	[tilespmem:s14+$0x187A0] =	vst v17;
	v17 =	vmul.f32 v52, v49  }
0x133: {  	v61 =	vld [tilespmem:s14+$0x18820];
	v28 =	vmul.f32 v56, v49;
	[tilespmem:s14+$0x187D0] =	vst v60  }
0x134: {  	v30 =	vld [tilespmem:s14+$0x18850];
	v62 =	vperm.xlane v16, v10;
	[tilespmem:s14+$0x187C0] =	vst v17;
	v17 =	vmul.f32 v55, v49  }
0x135: {  	[tilespmem:s14+$0x187F0] =	vst v28;
	v54 =	vmul.f32 v46, v49;
	v29 =	vld [tilespmem:s14+$0x18840]  }
0x136: {  	v33 =	vld [tilespmem:s14+$0x18870];
	[tilespmem:s14+$0x187E0] =	vst v17;
	v17 =	vmul.f32 v58, v62  }
0x137: {  	[tilespmem:s14+$0x18790] =	vst v54;
	v34 =	vmul.f32 v63, v62;
	v32 =	vld [tilespmem:s14+$0x18860]  }
0x138: {  	v59 =	vld [tilespmem:s14+$0x18810];
	[tilespmem:s14+$0x18800] =	vst v17;
	v17 =	vmul.f32 v61, v62  }
0x139: {  	v37 =	vmul.f32 v30, v62;
	[tilespmem:s14+$0x18830] =	vst v34;
	v35 =	vld [tilespmem:s14+$0x18880]  }
0x13a: {  	v40 =	vld [tilespmem:s14+$0x188B0];
	[tilespmem:s14+$0x18820] =	vst v17;
	v17 =	vmul.f32 v29, v62  }
0x13b: {  	v38 =	vld [tilespmem:s14+$0x188A0];
	v41 =	vmul.f32 v33, v62;
	[tilespmem:s14+$0x18850] =	vst v37  }
0x13c: {  	v43 =	vld [tilespmem:s14+$0x188D0];
	v39 =	vperm.xlane v16, v11;
	[tilespmem:s14+$0x18840] =	vst v17;
	v17 =	vmul.f32 v32, v62  }
0x13d: {  	[tilespmem:s14+$0x18870] =	vst v41;
	v31 =	vmul.f32 v59, v62;
	v42 =	vld [tilespmem:s14+$0x188C0]  }
0x13e: {  	v46 =	vld [tilespmem:s14+$0x188F0];
	[tilespmem:s14+$0x18860] =	vst v17;
	v17 =	vmul.f32 v35, v39  }
0x13f: {  	[tilespmem:s14+$0x18810] =	vst v31;
	v47 =	vmul.f32 v40, v39;
	v45 =	vld [tilespmem:s14+$0x188E0]  }
0x140: {  	v36 =	vld [tilespmem:s14+$0x18890];
	[tilespmem:s14+$0x18880] =	vst v17;
	v17 =	vmul.f32 v38, v39  }
0x141: {  	v50 =	vmul.f32 v43, v39;
	[tilespmem:s14+$0x188B0] =	vst v47;
	v48 =	vld [tilespmem:s14+$0x18900]  }
0x142: {  	v53 =	vld [tilespmem:s14+$0x18930];
	[tilespmem:s14+$0x188A0] =	vst v17;
	v17 =	vmul.f32 v42, v39  }
0x143: {  	v51 =	vld [tilespmem:s14+$0x18920];
	v54 =	vmul.f32 v46, v39;
	[tilespmem:s14+$0x188D0] =	vst v50  }
0x144: {  	v56 =	vld [tilespmem:s14+$0x18950];
	v52 =	vperm.xlane v16, v12;
	[tilespmem:s14+$0x188C0] =	vst v17;
	v17 =	vmul.f32 v45, v39  }
0x145: {  	[tilespmem:s14+$0x188F0] =	vst v54;
	v44 =	vmul.f32 v36, v39;
	v55 =	vld [tilespmem:s14+$0x18940]  }
0x146: {  	v59 =	vld [tilespmem:s14+$0x18970];
	[tilespmem:s14+$0x188E0] =	vst v17;
	v17 =	vmul.f32 v48, v52  }
0x147: {  	[tilespmem:s14+$0x18890] =	vst v44;
	v60 =	vmul.f32 v53, v52;
	v58 =	vld [tilespmem:s14+$0x18960]  }
0x148: {  	v49 =	vld [tilespmem:s14+$0x18910];
	[tilespmem:s14+$0x18900] =	vst v17;
	v17 =	vmul.f32 v51, v52  }
0x149: {  	v63 =	vmul.f32 v56, v52;
	[tilespmem:s14+$0x18930] =	vst v60;
	v61 =	vld [tilespmem:s14+$0x18980]  }
0x14a: {  	v30 =	vld [tilespmem:s14+$0x189B0];
	[tilespmem:s14+$0x18920] =	vst v17;
	v17 =	vmul.f32 v55, v52  }
0x14b: {  	v28 =	vld [tilespmem:s14+$0x189A0];
	v31 =	vmul.f32 v59, v52;
	[tilespmem:s14+$0x18950] =	vst v63  }
0x14c: {  	v33 =	vld [tilespmem:s14+$0x189D0];
	v29 =	vperm.xlane v16, v13;
	[tilespmem:s14+$0x18940] =	vst v17;
	v17 =	vmul.f32 v58, v52  }
0x14d: {  	[tilespmem:s14+$0x18970] =	vst v31;
	v57 =	vmul.f32 v49, v52;
	v32 =	vld [tilespmem:s14+$0x189C0]  }
0x14e: {  	v36 =	vld [tilespmem:s14+$0x189F0];
	[tilespmem:s14+$0x18960] =	vst v17;
	v17 =	vmul.f32 v61, v29  }
0x14f: {  	[tilespmem:s14+$0x18910] =	vst v57;
	v37 =	vmul.f32 v30, v29;
	v35 =	vld [tilespmem:s14+$0x189E0]  }
0x150: {  	v62 =	vld [tilespmem:s14+$0x18990];
	[tilespmem:s14+$0x18980] =	vst v17;
	v17 =	vmul.f32 v28, v29  }
0x151: {  	v40 =	vmul.f32 v33, v29;
	[tilespmem:s14+$0x189B0] =	vst v37;
	v38 =	vld [tilespmem:s14+$0x18A00]  }
0x152: {  	v43 =	vld [tilespmem:s14+$0x18A30];
	[tilespmem:s14+$0x189A0] =	vst v17;
	v17 =	vmul.f32 v32, v29  }
0x153: {  	v41 =	vld [tilespmem:s14+$0x18A20];
	v44 =	vmul.f32 v36, v29;
	[tilespmem:s14+$0x189D0] =	vst v40  }
0x154: {  	v46 =	vld [tilespmem:s14+$0x18A50];
	v42 =	vperm.xlane v16, v14;
	[tilespmem:s14+$0x189C0] =	vst v17;
	v17 =	vmul.f32 v35, v29  }
0x155: {  	[tilespmem:s14+$0x189F0] =	vst v44;
	v34 =	vmul.f32 v62, v29;
	v45 =	vld [tilespmem:s14+$0x18A40]  }
0x156: {  	v49 =	vld [tilespmem:s14+$0x18A70];
	[tilespmem:s14+$0x189E0] =	vst v17;
	v17 =	vmul.f32 v38, v42  }
0x157: {  	[tilespmem:s14+$0x18990] =	vst v34;
	v50 =	vmul.f32 v43, v42;
	v48 =	vld [tilespmem:s14+$0x18A60]  }
0x158: {  	v39 =	vld [tilespmem:s14+$0x18A10];
	[tilespmem:s14+$0x18A00] =	vst v17;
	v17 =	vmul.f32 v41, v42  }
0x159: {  	v53 =	vmul.f32 v46, v42;
	[tilespmem:s14+$0x18A30] =	vst v50;
	v51 =	vld [tilespmem:s14+$0x18A80]  }
0x15a: {  	v55 =	vld [tilespmem:s14+$0x18AB0];
	[tilespmem:s14+$0x18A20] =	vst v17;
	v17 =	vmul.f32 v45, v42  }
0x15b: {  	v54 =	vld [tilespmem:s14+$0x18AA0];
	v56 =	vmul.f32 v49, v42;
	[tilespmem:s14+$0x18A50] =	vst v53  }
0x15c: {  	v16 =	vperm.xlane v16, v15;
	v52 =	vld [tilespmem:s14+$0x18A90];
	[tilespmem:s14+$0x18A40] =	vst v17;
	v17 =	vmul.f32 v48, v42  }
0x15d: {  	v57 =	vld [tilespmem:s14+$0x18AC0];
	[tilespmem:s14+$0x18A70] =	vst v56;
	v47 =	vmul.f32 v39, v42  }
0x15e: {  	v58 =	vld [tilespmem:s14+$0x18AD0];
	[tilespmem:s14+$0x18A60] =	vst v17;
	v17 =	vmul.f32 v51, v16  }
0x15f: {  	v60 =	vld [tilespmem:s14+$0x18AE0];
	[tilespmem:s14+$0x18A10] =	vst v47;
	v62 =	vmul.f32 v55, v16  }
0x160: {  	v61 =	vld [tilespmem:s14+$0x18AF0];
	[tilespmem:s14+$0x18A80] =	vst v17;
	v17 =	vmul.f32 v54, v16  }
0x161: {  	v59 =	vmul.f32 v52, v16;
	[tilespmem:s14+$0x18AB0] =	vst v62  }
0x162: {  	p0 =	sne.s32 s13, $0x7;
	[tilespmem:s14+$0x18AA0] =	vst v17;
	v17 =	vmul.f32 v57, v16  }
.Ltmp1:
0x163: {  	v63 =	vmul.f32 v58, v16;
	[tilespmem:s14+$0x18A90] =	vst v59;
	(pc) =	sbr.rel @p0 .LBB2_5-.Ltmp1, $4  }
0x164: {  	[tilespmem:s14+$0x18AC0] =	vst v17;
	v17 =	vmul.f32 v60, v16  }
0x165: {  	[tilespmem:s14+$0x18AD0] =	vst v63;
	v16 =	vmul.f32 v61, v16  }
0x166: {  	[tilespmem:s14+$0x18AE0] =	vst v17  }
0x167: {  	s13 =	sadd.s32 $0x1, s13;
	[tilespmem:s14+$0x18AF0] =	vst v16  }
0x168: {  	s12 =	sadd.s32 $0x1, s12  }
0x169: {  	p0 =	sne.s32 s12, $0x28  }
.Ltmp2:
0x16a: {  	_ = 	snop;
	(pc) =	sbr.rel @p0 .LBB2_2-.Ltmp2, $4  }
0x16b: {  	[spmem:s2] =	stream.indirect.scatter.add.f32 [tilespmem:s31], [sflag:$0x3], $0x80, s10, s26, $0xb8;
	[tilespmem:$0x1C300] =	vst v63  }
0x16c: {  	_ =	swait.ge [sflag:s23], $0x4000  }
0x16d: {  	[sflag:s23] =	ssyncset.done $0x0  }
0x16e: {  	[sflag:s23] =	ssyncadd.s32 $0xFFFFC000  }
0x16f: {  	_ =	swait.ge [sflag:s0], $0x4000  }
0x170: {  	[sflag:s0] =	ssyncset.done $0x0  }
0x171: {  	[sflag:s0] =	ssyncadd.s32 $0xFFFFC000  }
0x172: {  	[bflag:$0x0] =	sbarrier.arrive $0xFFFF  }
0x173: {  	[tilespmem:s28], [sflag:$0x3] =	stream.linear.gather [spmem:s9], $0x4000, $0x38;
	[tilespmem:$0x1C300] =	vst v63  }
0x174: {  	_ =	swait.ge [sflag:s23], $0x4000  }
0x175: {  	[sflag:s23] =	ssyncset.done $0x0  }
0x176: {  	s12 =	rddreg [dreg:$0x8];
	[sflag:s23] =	ssyncadd.s32 $0xFFFFC000  }
0x177: {  	[hbm4b:s12+s4] =	stream.linear.scatter [tilespmem:s28], [sflag:$0x3], $0x4000, $0x38;
	[tilespmem:$0x1C300] =	vst v63  }
0x178: {  	_ =	swait.ge [sflag:s23], $0x4000  }
0x179: {  	[sflag:s23] =	ssyncset.done $0x0  }
0x17a: {  	s14 =	rddreg [dreg:$0x9];
	[sflag:s23] =	ssyncadd.s32 $0xFFFFC000  }
0x17b: {  	[tilespmem:s28], [sflag:$0x3] =	stream.linear.gather [spmem:s14], $0x4000, $0x38;
	[tilespmem:$0x1C300] =	vst v63  }
0x17c: {  	_ =	swait.ge [sflag:s23], $0x4000  }
0x17d: {  	[sflag:s23] =	ssyncset.done $0x0  }
0x17e: {  	s15 =	rddreg [dreg:$0xa];
	[sflag:s23] =	ssyncadd.s32 $0xFFFFC000  }
0x17f: {  	[hbm4b:s15+s4] =	stream.linear.scatter [tilespmem:s28], [sflag:$0x3], $0x4000, $0x38;
	[tilespmem:$0x1C300] =	vst v63  }
0x180: {  	_ =	swait.ge [sflag:s23], $0x4000  }
0x181: {  	[sflag:s23] =	ssyncset.done $0x0  }
0x182: {  	s16 =	rddreg [dreg:$0xb];
	[sflag:s23] =	ssyncadd.s32 $0xFFFFC000  }
0x183: {  	[tilespmem:s28], [sflag:$0x3] =	stream.linear.gather [spmem:s16], $0x4000, $0x38;
	[tilespmem:$0x1C300] =	vst v63  }
0x184: {  	_ =	swait.ge [sflag:s23], $0x4000  }
0x185: {  	[sflag:s23] =	ssyncset.done $0x0  }
0x186: {  	[sflag:s23] =	ssyncadd.s32 $0xFFFFC000  }
0x187: {  	[hbm4b:s17+s4] =	stream.linear.scatter [tilespmem:s28], [sflag:$0x3], $0x4000, $0x38;
	[tilespmem:$0x1C300] =	vst v63  }
0x188: {  	_ =	swait.ge [sflag:s23], $0x4000  }
0x189: {  	[sflag:s23] =	ssyncset.done $0x0  }
0x18a: {  	[sflag:s23] =	ssyncadd.s32 $0xFFFFC000  }
0x18b: {  	[tilespmem:s28], [sflag:$0x3] =	stream.linear.gather [spmem:s18], $0x4000, $0x38;
	[tilespmem:$0x1C300] =	vst v63  }
0x18c: {  	_ =	swait.ge [sflag:s23], $0x4000  }
0x18d: {  	[sflag:s23] =	ssyncset.done $0x0  }
0x18e: {  	[sflag:s23] =	ssyncadd.s32 $0xFFFFC000  }
0x18f: {  	[hbm4b:s19+s4] =	stream.linear.scatter [tilespmem:s28], [sflag:$0x3], $0x4000, $0x38;
	[tilespmem:$0x1C300] =	vst v63  }
0x190: {  	_ =	swait.ge [sflag:s23], $0x4000  }
0x191: {  	[sflag:s23] =	ssyncset.done $0x0  }
0x192: {  	[sflag:s23] =	ssyncadd.s32 $0xFFFFC000  }
0x193: {  	[tilespmem:s28], [sflag:$0x3] =	stream.linear.gather [spmem:s20], $0x4000, $0x38;
	[tilespmem:$0x1C300] =	vst v63  }
0x194: {  	s11 =	sadd.s32 $0x1, s11;
	_ =	swait.ge [sflag:s23], $0x4000  }
0x195: {  	p0 =	sne.s32 s11, s22;
	[sflag:s23] =	ssyncset.done $0x0  }
.Ltmp3:
0x196: {  	[sflag:s23] =	ssyncadd.s32 $0xFFFFC000;
	(pc) =	sbr.rel @p0 .LBB2_1-.Ltmp3, $4  }
0x197: {  	[hbm4b:s21+s4] =	stream.linear.scatter [tilespmem:s28], [sflag:$0x3], $0x4000, $0x38;
	[tilespmem:$0x1C300] =	vst v63  }
0x198: {  	_ =	swait.ge [sflag:s23], $0x4000  }
0x199: {  	[sflag:s23] =	ssyncset.done $0x0  }
0x19a: {  	[sflag:s23] =	ssyncadd.s32 $0xFFFFC000  }
0x19b: {  	_ =	sfence.sel $0x180000  }
0x19c: {  	[bflag:$0x0] =	sbarrier.arrive $0xFFFF  }
0x19d: {  	_ =	strace $0x90000047  }
0x19e: {  	s0 =	stileid.u32;
	[bflag:$0x2] =	sbarrier.arrive $0xFFFF  }
0x19f: {  	p0 =	sne.s32 s0, $0x0;
	s0 =	rddreg [dreg:$0x3]  }
0x1a0: {  	s0 =	sadd.s32 @!p0 $0x100000, s0  }
0x1a1: {  	[sflag:s0] =	ssyncadd.tile.s32 @!p0 $0x1;
	_ =	shalt  }
.Lfunc_end2:
_tile_overlayer_lowered:
.L_overlay_start_2:
0x1a2: {  	(tag) =	ssettag $0x2  }
0x1a3: {  	s0 =	rddreg [dreg:$0x0];
	s2 =	stileid.u32  }
0x1a4: {  	s1 =	rddreg [dreg:$0x1];
	p0 =	sne.s32 s2, $0x0  }
0x1a5: {  	s3 =	rddreg [dreg:$0x2];
	[bflag:$0x3] =	sbarrier.arrive $0xFFFF;
	s2 =	simm.s32 @!p0 $0x1C03  }
0x1a6: {  	[timem:s3], [sflag:s2] =	dma.local @!p0 [hbm:s0], s1  }
0x1a7: {  	s0 =	simm.s32 @!p0 $0x3  }
0x1a8: {  	_ =	swait.ge @!p0 [sflag:s0], s1  }
0x1a9: {  	s1 =	ssub.s32 @!p0 $0x0, s1;
	[sflag:s0] =	ssyncset.done @!p0 $0x0  }
0x1aa: {  	[sflag:s0] =	ssyncadd.s32 @!p0 s1  }
0x1ab: {  	[bflag:$0x3] =	sbarrier.arrive $0xFFFF  }
0x1ac: {  	_ =	shalt  }

</sc_bundles>
